<compile_context>
chip_gen: v7x
topology: tpu7x:2x2x1
jax: 0.10.2.dev20260603
libtpu: 0.0.44.dev20260713+nightly
codegen_flags: <defaults>
</compile_context>

<pallas_src>
import functools

import jax
import jax.numpy as jnp
from jax import lax
from jax.experimental import pallas as pl
from jax.experimental.pallas import tpu as pltpu
from jax.experimental.pallas import tpu_sc as plsc

T = 2048
H = 768
E = 8
TOPK = 2
DFF = 384
NG = 4
TG = 2
RSF = 2.5

RB = 128
NBTOT = 40
CAPTOT = NBTOT * RB

NC = 2
NS = 16
NW = NC * NS
TPW = T // NW
NAUX = 8
AUXW = 16



def _router_body(x_ref, gw_ref, bias_ref, aux_ref, be_ref):
    x = x_ref[...]
    logits = lax.dot_general(
        x, gw_ref[...], (((1,), (1,)), ((), ())),
        preferred_element_type=jnp.float32)
    scores = jax.nn.sigmoid(logits)
    s = scores + bias_ref[...]
    gsum = jnp.concatenate(
        [s[:, 2 * g:2 * g + 1] + s[:, 2 * g + 1:2 * g + 2] for g in range(NG)],
        axis=1)
    grank = jnp.zeros_like(gsum)
    giota = lax.broadcasted_iota(jnp.int32, gsum.shape, 1)
    for j in range(NG):
        cj = gsum[:, j:j + 1]
        grank += ((cj > gsum) | ((cj == gsum) & (j < giota))).astype(jnp.float32)
    gmask = (grank < TG).astype(jnp.float32)
    mask8 = jnp.concatenate(
        [gmask[:, g:g + 1] for g in range(NG) for _ in range(E // NG)], axis=1)
    tmp = jnp.where(mask8 > 0, s, 0.0)
    eiota = lax.broadcasted_iota(jnp.int32, tmp.shape, 1)
    erank = jnp.zeros_like(tmp)
    for j in range(E):
        cj = tmp[:, j:j + 1]
        erank += ((cj > tmp) | ((cj == tmp) & (j < eiota))).astype(jnp.float32)
    h0 = (erank == 0).astype(jnp.float32)
    h1 = (erank == 1).astype(jnp.float32)
    msel = h0 + h1
    wun = msel * scores
    denom = jnp.sum(wun, axis=1, keepdims=True)
    wfull = wun / denom * RSF
    w0 = jnp.sum(h0 * wfull, axis=1, keepdims=True)
    w1 = jnp.sum(h1 * wfull, axis=1, keepdims=True)

    CH = 256
    NCH = T // CH
    ar = lax.broadcasted_iota(jnp.int32, (CH, CH), 0)
    ac = lax.broadcasted_iota(jnp.int32, (CH, CH), 1)
    ltri = (ac < ar).astype(jnp.bfloat16)
    c = msel
    cs_parts = []
    off = jnp.zeros((1, E), jnp.float32)
    for i in range(NCH):
        ci = c[CH * i:CH * (i + 1), :]
        within = lax.dot_general(
            ltri, ci.astype(jnp.bfloat16), (((1,), (0,)), ((), ())),
            preferred_element_type=jnp.float32)
        cs_parts.append(within + off)
        off = off + jnp.sum(ci, axis=0, keepdims=True)
    cs = jnp.concatenate(cs_parts, axis=0)
    cnt = off
    nb = jnp.ceil(cnt / RB)
    erow = lax.broadcasted_iota(jnp.int32, (1, E), 1)
    blk_start = jnp.zeros((1, E), jnp.float32)
    for j in range(E):
        blk_start += jnp.where(erow > j, nb[:, j:j + 1], 0.0)
    startrow = blk_start * RB
    pos_all = startrow + cs
    pos0 = jnp.sum(h0 * pos_all, axis=1, keepdims=True)
    pos1 = jnp.sum(h1 * pos_all, axis=1, keepdims=True)
    aux = jnp.concatenate(
        [pos0, pos1, w0, w1, jnp.zeros((T, NAUX - 4), jnp.float32)], axis=1)
    aux_ref[...] = jnp.transpose(aux)

    biota = lax.broadcasted_iota(jnp.int32, (1, NBTOT), 1)
    bev = jnp.zeros((1, NBTOT), jnp.int32)
    for e in range(1, E):
        bev += (biota >= blk_start[:, e:e + 1].astype(jnp.int32)).astype(jnp.int32)
    be_ref[...] = bev


def _router_call(x, gate_w, bias2d):
    return pl.pallas_call(
        _router_body,
        grid=(1,),
        in_specs=[
            pl.BlockSpec((T, H), lambda i: (0, 0)),
            pl.BlockSpec((E, H), lambda i: (0, 0)),
            pl.BlockSpec((1, E), lambda i: (0, 0)),
        ],
        out_specs=[
            pl.BlockSpec((NAUX, T), lambda i: (0, 0)),
            pl.BlockSpec((1, NBTOT), lambda i: (0, 0)),
        ],
        out_shape=[
            jax.ShapeDtypeStruct((NAUX, T), jnp.float32),
            jax.ShapeDtypeStruct((1, NBTOT), jnp.int32),
        ],
    )(x, gate_w, bias2d)



def _sc_worker_id():
    return lax.axis_index("s") * NC + lax.axis_index("c")


def _f32_to_i32(src_v, dst_v, n, scale=1.0):
    for c4 in range(n // 16):
        sl = pl.ds(c4 * 16, 16)
        dst_v[sl] = (src_v[sl] * scale).astype(jnp.int32)


def _dispatch_sc(x_hbm, p0_hbm, p1_hbm, w0_hbm, w1_hbm, xbig_hbm, wrep_hbm,
                 pf_v, idx0_v, idx1_v, idx16_v, w_v, xbuf, sem0, sem1):
    wid = _sc_worker_id()
    base = wid * TPW
    pltpu.sync_copy(x_hbm.at[pl.ds(base, TPW), :], xbuf)
    pltpu.sync_copy(p0_hbm.at[pl.ds(base, TPW)], pf_v)
    _f32_to_i32(pf_v, idx0_v, TPW)
    _f32_to_i32(pf_v, idx16_v, TPW, scale=float(AUXW))
    cp0 = pltpu.async_copy(xbuf, xbig_hbm.at[idx0_v], sem0)
    pltpu.sync_copy(w0_hbm.at[pl.ds(base, TPW)], w_v)
    cw0 = pltpu.async_copy(w_v, wrep_hbm.at[idx16_v], sem1)
    pltpu.sync_copy(p1_hbm.at[pl.ds(base, TPW)], pf_v)
    _f32_to_i32(pf_v, idx1_v, TPW)
    cp1 = pltpu.async_copy(xbuf, xbig_hbm.at[idx1_v], sem0)
    cw0.wait()
    _f32_to_i32(pf_v, idx16_v, TPW, scale=float(AUXW))
    pltpu.sync_copy(w1_hbm.at[pl.ds(base, TPW)], w_v)
    cw1 = pltpu.async_copy(w_v, wrep_hbm.at[idx16_v], sem1)
    cp0.wait()
    cp1.wait()
    cw1.wait()


def _dispatch_call(x, p0, p1, w0, w1):
    kfn = pl.kernel(
        _dispatch_sc,
        out_type=[
            jax.ShapeDtypeStruct((CAPTOT, H), jnp.float32),
            jax.ShapeDtypeStruct((CAPTOT * AUXW,), jnp.float32),
        ],
        mesh=plsc.VectorSubcoreMesh(core_axis_name="c", subcore_axis_name="s"),
        scratch_types=[
            pltpu.VMEM((TPW,), jnp.float32),
            pltpu.VMEM((TPW,), jnp.int32),
            pltpu.VMEM((TPW,), jnp.int32),
            pltpu.VMEM((TPW,), jnp.int32),
            pltpu.VMEM((TPW,), jnp.float32),
            pltpu.VMEM((TPW, H), jnp.float32),
            pltpu.SemaphoreType.DMA,
            pltpu.SemaphoreType.DMA,
        ],
    )
    return kfn(x, p0, p1, w0, w1)



def _gemm_body(be_ref, xg_ref, wgu_ref, wd_ref, wrep_ref, out_ref):
    b = pl.program_id(0)
    e = be_ref[b]
    xb = xg_ref[...].astype(jnp.bfloat16)
    gu = lax.dot_general(
        xb, wgu_ref[e], (((1,), (1,)), ((), ())),
        preferred_element_type=jnp.float32)
    g = gu[:, :DFF]
    u = gu[:, DFF:]
    h = (g * jax.nn.sigmoid(g) * u).astype(jnp.bfloat16)
    d = lax.dot_general(
        h, wd_ref[e], (((1,), (1,)), ((), ())),
        preferred_element_type=jnp.float32)
    wcol = wrep_ref[:, 0:1]
    out_ref[...] = d * wcol


def _gemm_call(be1d, xbig, wgu_all, wd_all, wrep):
    grid_spec = pltpu.PrefetchScalarGridSpec(
        num_scalar_prefetch=1,
        grid=(NBTOT,),
        in_specs=[
            pl.BlockSpec((RB, H), lambda b, be: (b, 0)),
            pl.BlockSpec((E, 2 * DFF, H), lambda b, be: (0, 0, 0)),
            pl.BlockSpec((E, H, DFF), lambda b, be: (0, 0, 0)),
            pl.BlockSpec((RB, AUXW), lambda b, be: (b, 0)),
        ],
        out_specs=pl.BlockSpec((RB, H), lambda b, be: (b, 0)),
    )
    return pl.pallas_call(
        _gemm_body,
        grid_spec=grid_spec,
        out_shape=jax.ShapeDtypeStruct((CAPTOT, H), jnp.float32),
        compiler_params=pltpu.CompilerParams(
            dimension_semantics=("parallel",),
        ),
    )(be1d, xbig, wgu_all, wd_all, wrep)



def _shared_body(x_ref, wgu_ref, wd_ref, out_ref):
    xb = x_ref[...].astype(jnp.bfloat16)
    gu = lax.dot_general(
        xb, wgu_ref[...], (((1,), (1,)), ((), ())),
        preferred_element_type=jnp.float32)
    g = gu[:, :DFF]
    u = gu[:, DFF:]
    h = (g * jax.nn.sigmoid(g) * u).astype(jnp.bfloat16)
    out_ref[...] = lax.dot_general(
        h, wd_ref[...], (((1,), (1,)), ((), ())),
        preferred_element_type=jnp.float32)


def _shared_call(x, ws_gu, ws_d):
    return pl.pallas_call(
        _shared_body,
        grid=(1,),
        in_specs=[
            pl.BlockSpec((T, H), lambda i: (0, 0)),
            pl.BlockSpec((2 * DFF, H), lambda i: (0, 0)),
            pl.BlockSpec((H, DFF), lambda i: (0, 0)),
        ],
        out_specs=pl.BlockSpec((T, H), lambda i: (0, 0)),
        out_shape=jax.ShapeDtypeStruct((T, H), jnp.float32),
    )(x, ws_gu, ws_d)



HC = 32


def _acc(dst, src):
    def _add(r, _):
        for o in range(H // 16):
            sl = pl.ds(o * 16, 16)
            dst[r, sl] = dst[r, sl] + src[r, sl]
        return 0
    lax.fori_loop(0, HC, _add, 0)


def _combine_sc(xout_hbm, sh_hbm, p0_hbm, p1_hbm, out_hbm,
                pf_v, idx0_v, idx1_v, bufa, bufb, bufc, sem0, sem1, sem2):
    wid = _sc_worker_id()
    for half in range(TPW // HC):
        base = wid * TPW + half * HC
        pltpu.sync_copy(p0_hbm.at[pl.ds(base, HC)], pf_v)
        _f32_to_i32(pf_v, idx0_v, HC)
        pltpu.sync_copy(p1_hbm.at[pl.ds(base, HC)], pf_v)
        _f32_to_i32(pf_v, idx1_v, HC)
        ca = pltpu.async_copy(xout_hbm.at[idx0_v], bufa, sem0)
        cb = pltpu.async_copy(xout_hbm.at[idx1_v], bufb, sem1)
        cc = pltpu.async_copy(sh_hbm.at[pl.ds(base, HC), :], bufc, sem2)
        ca.wait()
        cb.wait()
        _acc(bufa, bufb)
        cc.wait()
        _acc(bufa, bufc)
        pltpu.sync_copy(bufa, out_hbm.at[pl.ds(base, HC), :])


def _combine_call(xout, shared, p0, p1):
    kfn = pl.kernel(
        _combine_sc,
        out_type=jax.ShapeDtypeStruct((T, H), jnp.float32),
        mesh=plsc.VectorSubcoreMesh(core_axis_name="c", subcore_axis_name="s"),
        scratch_types=[
            pltpu.VMEM((HC,), jnp.float32),
            pltpu.VMEM((HC,), jnp.int32),
            pltpu.VMEM((HC,), jnp.int32),
            pltpu.VMEM((HC, H), jnp.float32),
            pltpu.VMEM((HC, H), jnp.float32),
            pltpu.VMEM((HC, H), jnp.float32),
            pltpu.SemaphoreType.DMA,
            pltpu.SemaphoreType.DMA,
            pltpu.SemaphoreType.DMA,
        ],
    )
    return kfn(xout, shared, p0, p1)



def kernel(hidden_states, gate_W, e_score_correction_bias, We_gate_up, We_down,
           Ws_gate_up, Ws_down):
    wgu_all = We_gate_up.astype(jnp.bfloat16)
    wd_all = We_down.astype(jnp.bfloat16)
    bias2d = e_score_correction_bias.reshape(1, E)

    aux, be = _router_call(hidden_states, gate_W, bias2d)
    p0, p1, w0, w1 = aux[0], aux[1], aux[2], aux[3]
    shared = _shared_call(hidden_states, Ws_gate_up.astype(jnp.bfloat16),
                          Ws_down.astype(jnp.bfloat16))
    xbig, wrep = _dispatch_call(hidden_states, p0, p1, w0, w1)
    xout = _gemm_call(be.reshape(NBTOT), xbig, wgu_all, wd_all,
                      wrep.reshape(CAPTOT, AUXW))
    return _combine_call(xout, shared, p0, p1)

# --- scband reference (transcript-rebuilt; emitter-appended) ---
"""Pipeline reference for scband-param2-mo-emo-eblock-29076928594669 (READ-ONLY COPY).

The authoritative reference and input builder live on the scoring server;
editing this copy changes nothing except your own understanding.
"""

import jax, jax.numpy as jnp
import numpy as np

T = 2048
H = 768
E = 8
TOPK = 2
DFF = 384
NG = 4
TG = 2
RSF = 2.5


def _silu(v):
    return v * jax.nn.sigmoid(v)


def setup_inputs(seed: int = 0) -> dict:
    key = jax.random.key(seed)
    ks = jax.random.split(key, 8)
    hidden_states = jax.random.normal(ks[0], (T, H), dtype=jnp.float32)
    gate_W = jax.random.normal(ks[1], (E, H), dtype=jnp.float32) * 0.02
    e_score_correction_bias = jnp.zeros((E,), dtype=jnp.float32)
    # routed experts: merged gate_up [E, 2*DFF, H], down [E, H, DFF]
    We_gate_up = jax.random.normal(ks[2], (E, 2 * DFF, H), dtype=jnp.float32) * 0.02
    We_down = jax.random.normal(ks[3], (E, H, DFF), dtype=jnp.float32) * 0.02
    # shared expert (num_shared_experts=1, intermediate = moe_intermediate_size * 1)
    Ws_gate_up = jax.random.normal(ks[4], (2 * DFF, H), dtype=jnp.float32) * 0.02
    Ws_down = jax.random.normal(ks[5], (H, DFF), dtype=jnp.float32) * 0.02
    return {
        'hidden_states': hidden_states,
        'gate_W': gate_W,
        'e_score_correction_bias': e_score_correction_bias,
        'We_gate_up': We_gate_up,
        'We_down': We_down,
        'Ws_gate_up': Ws_gate_up,
        'Ws_down': Ws_down,
    }


def reference(hidden_states, gate_W, e_score_correction_bias, We_gate_up, We_down, Ws_gate_up, Ws_down):
    x = hidden_states
    # router logits computed in float32 (F.linear on .float())
    logits = x.astype(jnp.float32) @ gate_W.astype(jnp.float32).T
    # sigmoid scoring
    scores = jax.nn.sigmoid(logits)
    original_scores = scores
    # per-expert bias correction (affects selection only, not combine weights)
    s = scores + e_score_correction_bias[None, :]
    # grouped top-k: group score = sum of top-2 biased scores within group
    gs = s.reshape(T, NG, E // NG)
    group_scores = jax.lax.top_k(gs, 2)[0].sum(axis=-1)
    _, group_idx = jax.lax.top_k(group_scores, TG)
    group_mask = jnp.sum(jax.nn.one_hot(group_idx, NG, dtype=s.dtype), axis=1)
    score_mask = jnp.repeat(group_mask, E // NG, axis=1)  # [T, E]
    tmp_scores = jnp.where(score_mask > 0, s, 0.0)
    _, topk_ids = jax.lax.top_k(tmp_scores, TOPK)
    # combine weights come from the UNbiased scores
    topk_w = jnp.take_along_axis(original_scores, topk_ids, axis=1)
    # renormalize (norm_topk_prob=True)
    topk_w = topk_w / jnp.sum(topk_w, axis=1, keepdims=True)
    # dense combine weights [T, E]
    w_full = jnp.sum(jax.nn.one_hot(topk_ids, E, dtype=topk_w.dtype) * topk_w[..., None], axis=1)
    # routed experts (SwiGLU) computed densely, combined by w_full
    gu = jnp.einsum('td,efd->tef', x, We_gate_up)  # [T, E, 2*DFF]
    g, u = jnp.split(gu, 2, axis=-1)
    h = _silu(g) * u  # SiluAndMul
    d_out = jnp.einsum('tef,edf->ted', h, We_down)  # [T, E, H]
    routed = jnp.einsum('ted,te->td', d_out, w_full) * RSF
    # shared expert (always active)
    sgu = x @ Ws_gate_up.T
    sg, su = jnp.split(sgu, 2, axis=-1)
    sh = _silu(sg) * su
    shared = sh @ Ws_down.T
    return routed + shared

if __name__ == "__main__":
    import jax
    _d = setup_inputs()
    print(jax.jit(kernel)(*tuple(_d.values())))

</pallas_src>

<mosaic_0001>
#map = affine_map<(d0, d1) -> (0, 0)>
#map1 = affine_map<(d0, d1) -> (0)>
module attributes {stable_mosaic.version = 14 : i64} {
  func.func @_combine_sc(%arg0: i32, %arg1: i32, %arg2: memref<5120x768xf32, #tpu.memory_space<hbm>>, %arg3: memref<2048x768xf32, #tpu.memory_space<hbm>>, %arg4: memref<2048xf32, #tpu.memory_space<hbm>>, %arg5: memref<2048xf32, #tpu.memory_space<hbm>>, %arg6: memref<2048x768xf32, #tpu.memory_space<hbm>>, %arg7: memref<32xf32, #tpu.memory_space<vmem>>, %arg8: memref<32xi32, #tpu.memory_space<vmem>>, %arg9: memref<32xi32, #tpu.memory_space<vmem>>, %arg10: memref<32x768xf32, #tpu.memory_space<vmem>>, %arg11: memref<32x768xf32, #tpu.memory_space<vmem>>, %arg12: memref<32x768xf32, #tpu.memory_space<vmem>>, %arg13: memref<!tpu.dma_semaphore, #tpu.memory_space<semaphore_mem>>, %arg14: memref<!tpu.dma_semaphore, #tpu.memory_space<semaphore_mem>>, %arg15: memref<!tpu.dma_semaphore, #tpu.memory_space<semaphore_mem>>) attributes {dimension_semantics = [#tpu.dimension_semantics<core_parallel>, #tpu.dimension_semantics<subcore_parallel>], iteration_bounds = array<i64: 2, 16>, scalar_prefetch = 0 : i64, scratch_operands = 9 : i64, tpu.core_type = #tpu.core_type<sc_vector_subcore>, window_params = [{transform_indices = #map}, {transform_indices = #map}, {transform_indices = #map1}, {transform_indices = #map1}, {transform_indices = #map}]} {
    %mul3A = arith.constant 2 : i32
    %mul3A_0 = arith.muli %arg1, %mul3A : i32
    %add3A = arith.addi %mul3A_0, %arg0 : i32
    %mul3A_1 = arith.constant 64 : i32
    %mul3A_2 = arith.muli %add3A, %mul3A_1 : i32
    %add3A_3 = arith.constant 0 : i32
    %add3A_4 = arith.addi %mul3A_2, %add3A_3 : i32
    "tpu.region"() ({
      %run_scoped3A = tpu.sem_alloc : memref<!tpu.dma_semaphore, #tpu.memory_space<semaphore_mem>>
      %dma_start3A_159 = tpu.memref_slice %arg4[%add3A_4] : memref<2048xf32, #tpu.memory_space<hbm>> -> memref<32xf32, #tpu.memory_space<hbm>>
      %dma_start3A_160 = tpu.memref_slice %arg4[%add3A_4] : memref<2048xf32, #tpu.memory_space<hbm>> -> memref<32xf32, #tpu.memory_space<hbm>>
      tpu.enqueue_dma source(%dma_start3A_160 : memref<32xf32, #tpu.memory_space<hbm>>) target(%arg7 : memref<32xf32, #tpu.memory_space<vmem>>) target_semaphore(%run_scoped3A : memref<!tpu.dma_semaphore, #tpu.memory_space<semaphore_mem>>)
      %dma_wait3A_161 = tpu.memref_slice %arg4[%add3A_4] : memref<2048xf32, #tpu.memory_space<hbm>> -> memref<32xf32, #tpu.memory_space<hbm>>
      %dma_wait3A_162 = tpu.memref_slice %arg4[%add3A_4] : memref<2048xf32, #tpu.memory_space<hbm>> -> memref<32xf32, #tpu.memory_space<hbm>>
      tpu.wait_dma2 semaphore(%run_scoped3A : memref<!tpu.dma_semaphore, #tpu.memory_space<semaphore_mem>>) src(%dma_wait3A_162 : memref<32xf32, #tpu.memory_space<hbm>>) dst(%arg7 : memref<32xf32, #tpu.memory_space<vmem>>)
      tpu.yield
    }) : () -> ()
    %get3A = arith.constant 0 : index
    %get3A_5 = tpu.vector_load %arg7[%get3A] {strides = array<i32>} : memref<32xf32, #tpu.memory_space<vmem>>, vector<16xf32>,
    %get3A_6 = vector.shape_cast %get3A_5 : vector<16xf32> to vector<16xf32>
    %mul3A_7 = arith.constant 1.000000e+00 : f32
    %mul3A_8 = vector.broadcast %mul3A_7 : f32 to vector<16xf32>
    %mul3A_9 = arith.mulf %get3A_6, %mul3A_8 : vector<16xf32>
    %convert_element_type3A = arith.fptosi %mul3A_9 : vector<16xf32> to vector<16xi32>
    %swap3A = arith.constant 0 : index
    %swap3A_10 = tpu.vector_load %arg8[%swap3A] {strides = array<i32>} : memref<32xi32, #tpu.memory_space<vmem>>, vector<16xi32>,
    %swap3A_11 = vector.shape_cast %swap3A_10 : vector<16xi32> to vector<16xi32>
    %swap3A_12 = vector.shape_cast %convert_element_type3A : vector<16xi32> to vector<16xi32>
    tpu.vector_store %arg8[%swap3A], %swap3A_12 {strides = array<i32>} : memref<32xi32, #tpu.memory_space<vmem>>, vector<16xi32>,
    %get3A_13 = arith.constant 16 : index
    %get3A_14 = tpu.vector_load %arg7[%get3A_13] {strides = array<i32>} : memref<32xf32, #tpu.memory_space<vmem>>, vector<16xf32>,
    %get3A_15 = vector.shape_cast %get3A_14 : vector<16xf32> to vector<16xf32>
    %mul3A_16 = arith.constant 1.000000e+00 : f32
    %mul3A_17 = vector.broadcast %mul3A_16 : f32 to vector<16xf32>
    %mul3A_18 = arith.mulf %get3A_15, %mul3A_17 : vector<16xf32>
    %convert_element_type3A_19 = arith.fptosi %mul3A_18 : vector<16xf32> to vector<16xi32>
    %swap3A_20 = arith.constant 16 : index
    %swap3A_21 = tpu.vector_load %arg8[%swap3A_20] {strides = array<i32>} : memref<32xi32, #tpu.memory_space<vmem>>, vector<16xi32>,
    %swap3A_22 = vector.shape_cast %swap3A_21 : vector<16xi32> to vector<16xi32>
    %swap3A_23 = vector.shape_cast %convert_element_type3A_19 : vector<16xi32> to vector<16xi32>
    tpu.vector_store %arg8[%swap3A_20], %swap3A_23 {strides = array<i32>} : memref<32xi32, #tpu.memory_space<vmem>>, vector<16xi32>,
    "tpu.region"() ({
      %run_scoped3A = tpu.sem_alloc : memref<!tpu.dma_semaphore, #tpu.memory_space<semaphore_mem>>
      %dma_start3A_159 = tpu.memref_slice %arg5[%add3A_4] : memref<2048xf32, #tpu.memory_space<hbm>> -> memref<32xf32, #tpu.memory_space<hbm>>
      %dma_start3A_160 = tpu.memref_slice %arg5[%add3A_4] : memref<2048xf32, #tpu.memory_space<hbm>> -> memref<32xf32, #tpu.memory_space<hbm>>
      tpu.enqueue_dma source(%dma_start3A_160 : memref<32xf32, #tpu.memory_space<hbm>>) target(%arg7 : memref<32xf32, #tpu.memory_space<vmem>>) target_semaphore(%run_scoped3A : memref<!tpu.dma_semaphore, #tpu.memory_space<semaphore_mem>>)
      %dma_wait3A_161 = tpu.memref_slice %arg5[%add3A_4] : memref<2048xf32, #tpu.memory_space<hbm>> -> memref<32xf32, #tpu.memory_space<hbm>>
      %dma_wait3A_162 = tpu.memref_slice %arg5[%add3A_4] : memref<2048xf32, #tpu.memory_space<hbm>> -> memref<32xf32, #tpu.memory_space<hbm>>
      tpu.wait_dma2 semaphore(%run_scoped3A : memref<!tpu.dma_semaphore, #tpu.memory_space<semaphore_mem>>) src(%dma_wait3A_162 : memref<32xf32, #tpu.memory_space<hbm>>) dst(%arg7 : memref<32xf32, #tpu.memory_space<vmem>>)
      tpu.yield
    }) : () -> ()
    %get3A_24 = arith.constant 0 : index
    %get3A_25 = tpu.vector_load %arg7[%get3A_24] {strides = array<i32>} : memref<32xf32, #tpu.memory_space<vmem>>, vector<16xf32>,
    %get3A_26 = vector.shape_cast %get3A_25 : vector<16xf32> to vector<16xf32>
    %mul3A_27 = arith.constant 1.000000e+00 : f32
    %mul3A_28 = vector.broadcast %mul3A_27 : f32 to vector<16xf32>
    %mul3A_29 = arith.mulf %get3A_26, %mul3A_28 : vector<16xf32>
    %convert_element_type3A_30 = arith.fptosi %mul3A_29 : vector<16xf32> to vector<16xi32>
    %swap3A_31 = arith.constant 0 : index
    %swap3A_32 = tpu.vector_load %arg9[%swap3A_31] {strides = array<i32>} : memref<32xi32, #tpu.memory_space<vmem>>, vector<16xi32>,
    %swap3A_33 = vector.shape_cast %swap3A_32 : vector<16xi32> to vector<16xi32>
    %swap3A_34 = vector.shape_cast %convert_element_type3A_30 : vector<16xi32> to vector<16xi32>
    tpu.vector_store %arg9[%swap3A_31], %swap3A_34 {strides = array<i32>} : memref<32xi32, #tpu.memory_space<vmem>>, vector<16xi32>,
    %get3A_35 = arith.constant 16 : index
    %get3A_36 = tpu.vector_load %arg7[%get3A_35] {strides = array<i32>} : memref<32xf32, #tpu.memory_space<vmem>>, vector<16xf32>,
    %get3A_37 = vector.shape_cast %get3A_36 : vector<16xf32> to vector<16xf32>
    %mul3A_38 = arith.constant 1.000000e+00 : f32
    %mul3A_39 = vector.broadcast %mul3A_38 : f32 to vector<16xf32>
    %mul3A_40 = arith.mulf %get3A_37, %mul3A_39 : vector<16xf32>
    %convert_element_type3A_41 = arith.fptosi %mul3A_40 : vector<16xf32> to vector<16xi32>
    %swap3A_42 = arith.constant 16 : index
    %swap3A_43 = tpu.vector_load %arg9[%swap3A_42] {strides = array<i32>} : memref<32xi32, #tpu.memory_space<vmem>>, vector<16xi32>,
    %swap3A_44 = vector.shape_cast %swap3A_43 : vector<16xi32> to vector<16xi32>
    %swap3A_45 = vector.shape_cast %convert_element_type3A_41 : vector<16xi32> to vector<16xi32>
    tpu.vector_store %arg9[%swap3A_42], %swap3A_45 {strides = array<i32>} : memref<32xi32, #tpu.memory_space<vmem>>, vector<16xi32>,
    %dma_start3A = arith.constant 0 : i32
    %dma_start3A_46 = arith.constant 0 : i32
    %dma_start3A_47 = tpu.memref_slice %arg2[%dma_start3A, %dma_start3A_46] : memref<5120x768xf32, #tpu.memory_space<hbm>> -> memref<5120x768xf32, #tpu.memory_space<hbm>>
    tpu.enqueue_indirect_dma source(%dma_start3A_47 : memref<5120x768xf32, #tpu.memory_space<hbm>>) target(%arg10 : memref<32x768xf32, #tpu.memory_space<vmem>>) offsets(%arg8 : memref<32xi32, #tpu.memory_space<vmem>>) semaphore(%arg13 : memref<!tpu.dma_semaphore, #tpu.memory_space<semaphore_mem>>)
    %dma_start3A_48 = arith.constant 0 : i32
    %dma_start3A_49 = arith.constant 0 : i32
    %dma_start3A_50 = tpu.memref_slice %arg2[%dma_start3A_48, %dma_start3A_49] : memref<5120x768xf32, #tpu.memory_space<hbm>> -> memref<5120x768xf32, #tpu.memory_space<hbm>>
    tpu.enqueue_indirect_dma source(%dma_start3A_50 : memref<5120x768xf32, #tpu.memory_space<hbm>>) target(%arg11 : memref<32x768xf32, #tpu.memory_space<vmem>>) offsets(%arg9 : memref<32xi32, #tpu.memory_space<vmem>>) semaphore(%arg14 : memref<!tpu.dma_semaphore, #tpu.memory_space<semaphore_mem>>)
    %dma_start3A_51 = arith.constant 0 : i32
    %dma_start3A_52 = tpu.memref_slice %arg3[%add3A_4, %dma_start3A_51] : memref<2048x768xf32, #tpu.memory_space<hbm>> -> memref<32x768xf32, #tpu.memory_space<hbm>>
    %dma_start3A_53 = arith.constant 0 : i32
    %dma_start3A_54 = tpu.memref_slice %arg3[%add3A_4, %dma_start3A_53] : memref<2048x768xf32, #tpu.memory_space<hbm>> -> memref<32x768xf32, #tpu.memory_space<hbm>>
    tpu.enqueue_dma source(%dma_start3A_54 : memref<32x768xf32, #tpu.memory_space<hbm>>) target(%arg12 : memref<32x768xf32, #tpu.memory_space<vmem>>) target_semaphore(%arg15 : memref<!tpu.dma_semaphore, #tpu.memory_space<semaphore_mem>>)
    %dma_wait3A = arith.constant 0 : i32
    %dma_wait3A_55 = arith.constant 0 : i32
    %dma_wait3A_56 = tpu.memref_slice %arg2[%dma_wait3A, %dma_wait3A_55] : memref<5120x768xf32, #tpu.memory_space<hbm>> -> memref<5120x768xf32, #tpu.memory_space<hbm>>
    tpu.wait_indirect_dma semaphore(%arg13 : memref<!tpu.dma_semaphore, #tpu.memory_space<semaphore_mem>>) src(%dma_wait3A_56 : memref<5120x768xf32, #tpu.memory_space<hbm>>) dst(%arg10 : memref<32x768xf32, #tpu.memory_space<vmem>>)
    %dma_wait3A_57 = arith.constant 0 : i32
    %dma_wait3A_58 = arith.constant 0 : i32
    %dma_wait3A_59 = tpu.memref_slice %arg2[%dma_wait3A_57, %dma_wait3A_58] : memref<5120x768xf32, #tpu.memory_space<hbm>> -> memref<5120x768xf32, #tpu.memory_space<hbm>>
    tpu.wait_indirect_dma semaphore(%arg14 : memref<!tpu.dma_semaphore, #tpu.memory_space<semaphore_mem>>) src(%dma_wait3A_59 : memref<5120x768xf32, #tpu.memory_space<hbm>>) dst(%arg11 : memref<32x768xf32, #tpu.memory_space<vmem>>)
    %scan3A = arith.constant 0 : i32
    %scan3A_60 = arith.constant 0 : i32
    %scan3A_61 = arith.constant 32 : i32
    %scan3A_62 = arith.addi %scan3A_60, %scan3A_61 : i32
    %scan3A_63 = arith.constant 1 : i32
    %scan3A_64 = scf.for %scan3A_159 = %scan3A_60 to %scan3A_62 step %scan3A_63 iter_args(%scan3A_160 = %scan3A) -> (i32)  : i32 {
      %get3A_161 = arith.index_cast %scan3A_159 : i32 to index
      %get3A_162 = arith.constant 0 : index
      %get3A_163 = tpu.vector_load %arg10[%get3A_161, %get3A_162] {strides = array<i32>} : memref<32x768xf32, #tpu.memory_space<vmem>>, vector<1x16xf32>,
      %get3A_164 = vector.shape_cast %get3A_163 : vector<1x16xf32> to vector<16xf32>
      %get3A_165 = arith.index_cast %scan3A_159 : i32 to index
      %get3A_166 = arith.constant 0 : index
      %get3A_167 = tpu.vector_load %arg11[%get3A_165, %get3A_166] {strides = array<i32>} : memref<32x768xf32, #tpu.memory_space<vmem>>, vector<1x16xf32>,
      %get3A_168 = vector.shape_cast %get3A_167 : vector<1x16xf32> to vector<16xf32>
      %add3A_169 = arith.addf %get3A_164, %get3A_168 : vector<16xf32>
      %swap3A_170 = arith.index_cast %scan3A_159 : i32 to index
      %swap3A_171 = arith.constant 0 : index
      %swap3A_172 = tpu.vector_load %arg10[%swap3A_170, %swap3A_171] {strides = array<i32>} : memref<32x768xf32, #tpu.memory_space<vmem>>, vector<1x16xf32>,
      %swap3A_173 = vector.shape_cast %swap3A_172 : vector<1x16xf32> to vector<16xf32>
      %swap3A_174 = vector.shape_cast %add3A_169 : vector<16xf32> to vector<1x16xf32>
      tpu.vector_store %arg10[%swap3A_170, %swap3A_171], %swap3A_174 {strides = array<i32>} : memref<32x768xf32, #tpu.memory_space<vmem>>, vector<1x16xf32>,
      %get3A_175 = arith.index_cast %scan3A_159 : i32 to index
      %get3A_176 = arith.constant 16 : index
      %get3A_177 = tpu.vector_load %arg10[%get3A_175, %get3A_176] {strides = array<i32>} : memref<32x768xf32, #tpu.memory_space<vmem>>, vector<1x16xf32>,
      %get3A_178 = vector.shape_cast %get3A_177 : vector<1x16xf32> to vector<16xf32>
      %get3A_179 = arith.index_cast %scan3A_159 : i32 to index
      %get3A_180 = arith.constant 16 : index
      %get3A_181 = tpu.vector_load %arg11[%get3A_179, %get3A_180] {strides = array<i32>} : memref<32x768xf32, #tpu.memory_space<vmem>>, vector<1x16xf32>,
      %get3A_182 = vector.shape_cast %get3A_181 : vector<1x16xf32> to vector<16xf32>
      %add3A_183 = arith.addf %get3A_178, %get3A_182 : vector<16xf32>
      %swap3A_184 = arith.index_cast %scan3A_159 : i32 to index
      %swap3A_185 = arith.constant 16 : index
      %swap3A_186 = tpu.vector_load %arg10[%swap3A_184, %swap3A_185] {strides = array<i32>} : memref<32x768xf32, #tpu.memory_space<vmem>>, vector<1x16xf32>,
      %swap3A_187 = vector.shape_cast %swap3A_186 : vector<1x16xf32> to vector<16xf32>
      %swap3A_188 = vector.shape_cast %add3A_183 : vector<16xf32> to vector<1x16xf32>
      tpu.vector_store %arg10[%swap3A_184, %swap3A_185], %swap3A_188 {strides = array<i32>} : memref<32x768xf32, #tpu.memory_space<vmem>>, vector<1x16xf32>,
      %get3A_189 = arith.index_cast %scan3A_159 : i32 to index
      %get3A_190 = arith.constant 32 : index
      %get3A_191 = tpu.vector_load %arg10[%get3A_189, %get3A_190] {strides = array<i32>} : memref<32x768xf32, #tpu.memory_space<vmem>>, vector<1x16xf32>,
      %get3A_192 = vector.shape_cast %get3A_191 : vector<1x16xf32> to vector<16xf32>
      %get3A_193 = arith.index_cast %scan3A_159 : i32 to index
      %get3A_194 = arith.constant 32 : index
      %get3A_195 = tpu.vector_load %arg11[%get3A_193, %get3A_194] {strides = array<i32>} : memref<32x768xf32, #tpu.memory_space<vmem>>, vector<1x16xf32>,
      %get3A_196 = vector.shape_cast %get3A_195 : vector<1x16xf32> to vector<16xf32>
      %add3A_197 = arith.addf %get3A_192, %get3A_196 : vector<16xf32>
      %swap3A_198 = arith.index_cast %scan3A_159 : i32 to index
      %swap3A_199 = arith.constant 32 : index
      %swap3A_200 = tpu.vector_load %arg10[%swap3A_198, %swap3A_199] {strides = array<i32>} : memref<32x768xf32, #tpu.memory_space<vmem>>, vector<1x16xf32>,
      %swap3A_201 = vector.shape_cast %swap3A_200 : vector<1x16xf32> to vector<16xf32>
      %swap3A_202 = vector.shape_cast %add3A_197 : vector<16xf32> to vector<1x16xf32>
      tpu.vector_store %arg10[%swap3A_198, %swap3A_199], %swap3A_202 {strides = array<i32>} : memref<32x768xf32, #tpu.memory_space<vmem>>, vector<1x16xf32>,
      %get3A_203 = arith.index_cast %scan3A_159 : i32 to index
      %get3A_204 = arith.constant 48 : index
      %get3A_205 = tpu.vector_load %arg10[%get3A_203, %get3A_204] {strides = array<i32>} : memref<32x768xf32, #tpu.memory_space<vmem>>, vector<1x16xf32>,
      %get3A_206 = vector.shape_cast %get3A_205 : vector<1x16xf32> to vector<16xf32>
      %get3A_207 = arith.index_cast %scan3A_159 : i32 to index
      %get3A_208 = arith.constant 48 : index
      %get3A_209 = tpu.vector_load %arg11[%get3A_207, %get3A_208] {strides = array<i32>} : memref<32x768xf32, #tpu.memory_space<vmem>>, vector<1x16xf32>,
      %get3A_210 = vector.shape_cast %get3A_209 : vector<1x16xf32> to vector<16xf32>
      %add3A_211 = arith.addf %get3A_206, %get3A_210 : vector<16xf32>
      %swap3A_212 = arith.index_cast %scan3A_159 : i32 to index
      %swap3A_213 = arith.constant 48 : index
      %swap3A_214 = tpu.vector_load %arg10[%swap3A_212, %swap3A_213] {strides = array<i32>} : memref<32x768xf32, #tpu.memory_space<vmem>>, vector<1x16xf32>,
      %swap3A_215 = vector.shape_cast %swap3A_214 : vector<1x16xf32> to vector<16xf32>
      %swap3A_216 = vector.shape_cast %add3A_211 : vector<16xf32> to vector<1x16xf32>
      tpu.vector_store %arg10[%swap3A_212, %swap3A_213], %swap3A_216 {strides = array<i32>} : memref<32x768xf32, #tpu.memory_space<vmem>>, vector<1x16xf32>,
      %get3A_217 = arith.index_cast %scan3A_159 : i32 to index
      %get3A_218 = arith.constant 64 : index
      %get3A_219 = tpu.vector_load %arg10[%get3A_217, %get3A_218] {strides = array<i32>} : memref<32x768xf32, #tpu.memory_space<vmem>>, vector<1x16xf32>,
      %get3A_220 = vector.shape_cast %get3A_219 : vector<1x16xf32> to vector<16xf32>
      %get3A_221 = arith.index_cast %scan3A_159 : i32 to index
      %get3A_222 = arith.constant 64 : index
      %get3A_223 = tpu.vector_load %arg11[%get3A_221, %get3A_222] {strides = array<i32>} : memref<32x768xf32, #tpu.memory_space<vmem>>, vector<1x16xf32>,
      %get3A_224 = vector.shape_cast %get3A_223 : vector<1x16xf32> to vector<16xf32>
      %add3A_225 = arith.addf %get3A_220, %get3A_224 : vector<16xf32>
      %swap3A_226 = arith.index_cast %scan3A_159 : i32 to index
      %swap3A_227 = arith.constant 64 : index
      %swap3A_228 = tpu.vector_load %arg10[%swap3A_226, %swap3A_227] {strides = array<i32>} : memref<32x768xf32, #tpu.memory_space<vmem>>, vector<1x16xf32>,
      %swap3A_229 = vector.shape_cast %swap3A_228 : vector<1x16xf32> to vector<16xf32>
      %swap3A_230 = vector.shape_cast %add3A_225 : vector<16xf32> to vector<1x16xf32>
      tpu.vector_store %arg10[%swap3A_226, %swap3A_227], %swap3A_230 {strides = array<i32>} : memref<32x768xf32, #tpu.memory_space<vmem>>, vector<1x16xf32>,
      %get3A_231 = arith.index_cast %scan3A_159 : i32 to index
      %get3A_232 = arith.constant 80 : index
      %get3A_233 = tpu.vector_load %arg10[%get3A_231, %get3A_232] {strides = array<i32>} : memref<32x768xf32, #tpu.memory_space<vmem>>, vector<1x16xf32>,
      %get3A_234 = vector.shape_cast %get3A_233 : vector<1x16xf32> to vector<16xf32>
      %get3A_235 = arith.index_cast %scan3A_159 : i32 to index
      %get3A_236 = arith.constant 80 : index
      %get3A_237 = tpu.vector_load %arg11[%get3A_235, %get3A_236] {strides = array<i32>} : memref<32x768xf32, #tpu.memory_space<vmem>>, vector<1x16xf32>,
      %get3A_238 = vector.shape_cast %get3A_237 : vector<1x16xf32> to vector<16xf32>
      %add3A_239 = arith.addf %get3A_234, %get3A_238 : vector<16xf32>
      %swap3A_240 = arith.index_cast %scan3A_159 : i32 to index
      %swap3A_241 = arith.constant 80 : index
      %swap3A_242 = tpu.vector_load %arg10[%swap3A_240, %swap3A_241] {strides = array<i32>} : memref<32x768xf32, #tpu.memory_space<vmem>>, vector<1x16xf32>,
      %swap3A_243 = vector.shape_cast %swap3A_242 : vector<1x16xf32> to vector<16xf32>
      %swap3A_244 = vector.shape_cast %add3A_239 : vector<16xf32> to vector<1x16xf32>
      tpu.vector_store %arg10[%swap3A_240, %swap3A_241], %swap3A_244 {strides = array<i32>} : memref<32x768xf32, #tpu.memory_space<vmem>>, vector<1x16xf32>,
      %get3A_245 = arith.index_cast %scan3A_159 : i32 to index
      %get3A_246 = arith.constant 96 : index
      %get3A_247 = tpu.vector_load %arg10[%get3A_245, %get3A_246] {strides = array<i32>} : memref<32x768xf32, #tpu.memory_space<vmem>>, vector<1x16xf32>,
      %get3A_248 = vector.shape_cast %get3A_247 : vector<1x16xf32> to vector<16xf32>
      %get3A_249 = arith.index_cast %scan3A_159 : i32 to index
      %get3A_250 = arith.constant 96 : index
      %get3A_251 = tpu.vector_load %arg11[%get3A_249, %get3A_250] {strides = array<i32>} : memref<32x768xf32, #tpu.memory_space<vmem>>, vector<1x16xf32>,
      %get3A_252 = vector.shape_cast %get3A_251 : vector<1x16xf32> to vector<16xf32>
      %add3A_253 = arith.addf %get3A_248, %get3A_252 : vector<16xf32>
      %swap3A_254 = arith.index_cast %scan3A_159 : i32 to index
      %swap3A_255 = arith.constant 96 : index
      %swap3A_256 = tpu.vector_load %arg10[%swap3A_254, %swap3A_255] {strides = array<i32>} : memref<32x768xf32, #tpu.memory_space<vmem>>, vector<1x16xf32>,
      %swap3A_257 = vector.shape_cast %swap3A_256 : vector<1x16xf32> to vector<16xf32>
      %swap3A_258 = vector.shape_cast %add3A_253 : vector<16xf32> to vector<1x16xf32>
      tpu.vector_store %arg10[%swap3A_254, %swap3A_255], %swap3A_258 {strides = array<i32>} : memref<32x768xf32, #tpu.memory_space<vmem>>, vector<1x16xf32>,
      %get3A_259 = arith.index_cast %scan3A_159 : i32 to index
      %get3A_260 = arith.constant 112 : index
      %get3A_261 = tpu.vector_load %arg10[%get3A_259, %get3A_260] {strides = array<i32>} : memref<32x768xf32, #tpu.memory_space<vmem>>, vector<1x16xf32>,
      %get3A_262 = vector.shape_cast %get3A_261 : vector<1x16xf32> to vector<16xf32>
      %get3A_263 = arith.index_cast %scan3A_159 : i32 to index
      %get3A_264 = arith.constant 112 : index
      %get3A_265 = tpu.vector_load %arg11[%get3A_263, %get3A_264] {strides = array<i32>} : memref<32x768xf32, #tpu.memory_space<vmem>>, vector<1x16xf32>,
      %get3A_266 = vector.shape_cast %get3A_265 : vector<1x16xf32> to vector<16xf32>
      %add3A_267 = arith.addf %get3A_262, %get3A_266 : vector<16xf32>
      %swap3A_268 = arith.index_cast %scan3A_159 : i32 to index
      %swap3A_269 = arith.constant 112 : index
      %swap3A_270 = tpu.vector_load %arg10[%swap3A_268, %swap3A_269] {strides = array<i32>} : memref<32x768xf32, #tpu.memory_space<vmem>>, vector<1x16xf32>,
      %swap3A_271 = vector.shape_cast %swap3A_270 : vector<1x16xf32> to vector<16xf32>
      %swap3A_272 = vector.shape_cast %add3A_267 : vector<16xf32> to vector<1x16xf32>
      tpu.vector_store %arg10[%swap3A_268, %swap3A_269], %swap3A_272 {strides = array<i32>} : memref<32x768xf32, #tpu.memory_space<vmem>>, vector<1x16xf32>,
      %get3A_273 = arith.index_cast %scan3A_159 : i32 to index
      %get3A_274 = arith.constant 128 : index
      %get3A_275 = tpu.vector_load %arg10[%get3A_273, %get3A_274] {strides = array<i32>} : memref<32x768xf32, #tpu.memory_space<vmem>>, vector<1x16xf32>,
      %get3A_276 = vector.shape_cast %get3A_275 : vector<1x16xf32> to vector<16xf32>
      %get3A_277 = arith.index_cast %scan3A_159 : i32 to index
      %get3A_278 = arith.constant 128 : index
      %get3A_279 = tpu.vector_load %arg11[%get3A_277, %get3A_278] {strides = array<i32>} : memref<32x768xf32, #tpu.memory_space<vmem>>, vector<1x16xf32>,
      %get3A_280 = vector.shape_cast %get3A_279 : vector<1x16xf32> to vector<16xf32>
      %add3A_281 = arith.addf %get3A_276, %get3A_280 : vector<16xf32>
      %swap3A_282 = arith.index_cast %scan3A_159 : i32 to index
      %swap3A_283 = arith.constant 128 : index
      %swap3A_284 = tpu.vector_load %arg10[%swap3A_282, %swap3A_283] {strides = array<i32>} : memref<32x768xf32, #tpu.memory_space<vmem>>, vector<1x16xf32>,
      %swap3A_285 = vector.shape_cast %swap3A_284 : vector<1x16xf32> to vector<16xf32>
      %swap3A_286 = vector.shape_cast %add3A_281 : vector<16xf32> to vector<1x16xf32>
      tpu.vector_store %arg10[%swap3A_282, %swap3A_283], %swap3A_286 {strides = array<i32>} : memref<32x768xf32, #tpu.memory_space<vmem>>, vector<1x16xf32>,
      %get3A_287 = arith.index_cast %scan3A_159 : i32 to index
      %get3A_288 = arith.constant 144 : index
      %get3A_289 = tpu.vector_load %arg10[%get3A_287, %get3A_288] {strides = array<i32>} : memref<32x768xf32, #tpu.memory_space<vmem>>, vector<1x16xf32>,
      %get3A_290 = vector.shape_cast %get3A_289 : vector<1x16xf32> to vector<16xf32>
      %get3A_291 = arith.index_cast %scan3A_159 : i32 to index
      %get3A_292 = arith.constant 144 : index
      %get3A_293 = tpu.vector_load %arg11[%get3A_291, %get3A_292] {strides = array<i32>} : memref<32x768xf32, #tpu.memory_space<vmem>>, vector<1x16xf32>,
      %get3A_294 = vector.shape_cast %get3A_293 : vector<1x16xf32> to vector<16xf32>
      %add3A_295 = arith.addf %get3A_290, %get3A_294 : vector<16xf32>
      %swap3A_296 = arith.index_cast %scan3A_159 : i32 to index
      %swap3A_297 = arith.constant 144 : index
      %swap3A_298 = tpu.vector_load %arg10[%swap3A_296, %swap3A_297] {strides = array<i32>} : memref<32x768xf32, #tpu.memory_space<vmem>>, vector<1x16xf32>,
      %swap3A_299 = vector.shape_cast %swap3A_298 : vector<1x16xf32> to vector<16xf32>
      %swap3A_300 = vector.shape_cast %add3A_295 : vector<16xf32> to vector<1x16xf32>
      tpu.vector_store %arg10[%swap3A_296, %swap3A_297], %swap3A_300 {strides = array<i32>} : memref<32x768xf32, #tpu.memory_space<vmem>>, vector<1x16xf32>,
      %get3A_301 = arith.index_cast %scan3A_159 : i32 to index
      %get3A_302 = arith.constant 160 : index
      %get3A_303 = tpu.vector_load %arg10[%get3A_301, %get3A_302] {strides = array<i32>} : memref<32x768xf32, #tpu.memory_space<vmem>>, vector<1x16xf32>,
      %get3A_304 = vector.shape_cast %get3A_303 : vector<1x16xf32> to vector<16xf32>
      %get3A_305 = arith.index_cast %scan3A_159 : i32 to index
      %get3A_306 = arith.constant 160 : index
      %get3A_307 = tpu.vector_load %arg11[%get3A_305, %get3A_306] {strides = array<i32>} : memref<32x768xf32, #tpu.memory_space<vmem>>, vector<1x16xf32>,
      %get3A_308 = vector.shape_cast %get3A_307 : vector<1x16xf32> to vector<16xf32>
      %add3A_309 = arith.addf %get3A_304, %get3A_308 : vector<16xf32>
      %swap3A_310 = arith.index_cast %scan3A_159 : i32 to index
      %swap3A_311 = arith.constant 160 : index
      %swap3A_312 = tpu.vector_load %arg10[%swap3A_310, %swap3A_311] {strides = array<i32>} : memref<32x768xf32, #tpu.memory_space<vmem>>, vector<1x16xf32>,
      %swap3A_313 = vector.shape_cast %swap3A_312 : vector<1x16xf32> to vector<16xf32>
      %swap3A_314 = vector.shape_cast %add3A_309 : vector<16xf32> to vector<1x16xf32>
      tpu.vector_store %arg10[%swap3A_310, %swap3A_311], %swap3A_314 {strides = array<i32>} : memref<32x768xf32, #tpu.memory_space<vmem>>, vector<1x16xf32>,
      %get3A_315 = arith.index_cast %scan3A_159 : i32 to index
      %get3A_316 = arith.constant 176 : index
      %get3A_317 = tpu.vector_load %arg10[%get3A_315, %get3A_316] {strides = array<i32>} : memref<32x768xf32, #tpu.memory_space<vmem>>, vector<1x16xf32>,
      %get3A_318 = vector.shape_cast %get3A_317 : vector<1x16xf32> to vector<16xf32>
      %get3A_319 = arith.index_cast %scan3A_159 : i32 to index
      %get3A_320 = arith.constant 176 : index
      %get3A_321 = tpu.vector_load %arg11[%get3A_319, %get3A_320] {strides = array<i32>} : memref<32x768xf32, #tpu.memory_space<vmem>>, vector<1x16xf32>,
      %get3A_322 = vector.shape_cast %get3A_321 : vector<1x16xf32> to vector<16xf32>
      %add3A_323 = arith.addf %get3A_318, %get3A_322 : vector<16xf32>
      %swap3A_324 = arith.index_cast %scan3A_159 : i32 to index
      %swap3A_325 = arith.constant 176 : index
      %swap3A_326 = tpu.vector_load %arg10[%swap3A_324, %swap3A_325] {strides = array<i32>} : memref<32x768xf32, #tpu.memory_space<vmem>>, vector<1x16xf32>,
      %swap3A_327 = vector.shape_cast %swap3A_326 : vector<1x16xf32> to vector<16xf32>
      %swap3A_328 = vector.shape_cast %add3A_323 : vector<16xf32> to vector<1x16xf32>
      tpu.vector_store %arg10[%swap3A_324, %swap3A_325], %swap3A_328 {strides = array<i32>} : memref<32x768xf32, #tpu.memory_space<vmem>>, vector<1x16xf32>,
      %get3A_329 = arith.index_cast %scan3A_159 : i32 to index
      %get3A_330 = arith.constant 192 : index
      %get3A_331 = tpu.vector_load %arg10[%get3A_329, %get3A_330] {strides = array<i32>} : memref<32x768xf32, #tpu.memory_space<vmem>>, vector<1x16xf32>,
      %get3A_332 = vector.shape_cast %get3A_331 : vector<1x16xf32> to vector<16xf32>
      %get3A_333 = arith.index_cast %scan3A_159 : i32 to index
      %get3A_334 = arith.constant 192 : index
      %get3A_335 = tpu.vector_load %arg11[%get3A_333, %get3A_334] {strides = array<i32>} : memref<32x768xf32, #tpu.memory_space<vmem>>, vector<1x16xf32>,
      %get3A_336 = vector.shape_cast %get3A_335 : vector<1x16xf32> to vector<16xf32>
      %add3A_337 = arith.addf %get3A_332, %get3A_336 : vector<16xf32>
      %swap3A_338 = arith.index_cast %scan3A_159 : i32 to index
      %swap3A_339 = arith.constant 192 : index
      %swap3A_340 = tpu.vector_load %arg10[%swap3A_338, %swap3A_339] {strides = array<i32>} : memref<32x768xf32, #tpu.memory_space<vmem>>, vector<1x16xf32>,
      %swap3A_341 = vector.shape_cast %swap3A_340 : vector<1x16xf32> to vector<16xf32>
      %swap3A_342 = vector.shape_cast %add3A_337 : vector<16xf32> to vector<1x16xf32>
      tpu.vector_store %arg10[%swap3A_338, %swap3A_339], %swap3A_342 {strides = array<i32>} : memref<32x768xf32, #tpu.memory_space<vmem>>, vector<1x16xf32>,
      %get3A_343 = arith.index_cast %scan3A_159 : i32 to index
      %get3A_344 = arith.constant 208 : index
      %get3A_345 = tpu.vector_load %arg10[%get3A_343, %get3A_344] {strides = array<i32>} : memref<32x768xf32, #tpu.memory_space<vmem>>, vector<1x16xf32>,
      %get3A_346 = vector.shape_cast %get3A_345 : vector<1x16xf32> to vector<16xf32>
      %get3A_347 = arith.index_cast %scan3A_159 : i32 to index
      %get3A_348 = arith.constant 208 : index
      %get3A_349 = tpu.vector_load %arg11[%get3A_347, %get3A_348] {strides = array<i32>} : memref<32x768xf32, #tpu.memory_space<vmem>>, vector<1x16xf32>,
      %get3A_350 = vector.shape_cast %get3A_349 : vector<1x16xf32> to vector<16xf32>
      %add3A_351 = arith.addf %get3A_346, %get3A_350 : vector<16xf32>
      %swap3A_352 = arith.index_cast %scan3A_159 : i32 to index
      %swap3A_353 = arith.constant 208 : index
      %swap3A_354 = tpu.vector_load %arg10[%swap3A_352, %swap3A_353] {strides = array<i32>} : memref<32x768xf32, #tpu.memory_space<vmem>>, vector<1x16xf32>,
      %swap3A_355 = vector.shape_cast %swap3A_354 : vector<1x16xf32> to vector<16xf32>
      %swap3A_356 = vector.shape_cast %add3A_351 : vector<16xf32> to vector<1x16xf32>
      tpu.vector_store %arg10[%swap3A_352, %swap3A_353], %swap3A_356 {strides = array<i32>} : memref<32x768xf32, #tpu.memory_space<vmem>>, vector<1x16xf32>,
      %get3A_357 = arith.index_cast %scan3A_159 : i32 to index
      %get3A_358 = arith.constant 224 : index
      %get3A_359 = tpu.vector_load %arg10[%get3A_357, %get3A_358] {strides = array<i32>} : memref<32x768xf32, #tpu.memory_space<vmem>>, vector<1x16xf32>,
      %get3A_360 = vector.shape_cast %get3A_359 : vector<1x16xf32> to vector<16xf32>
      %get3A_361 = arith.index_cast %scan3A_159 : i32 to index
      %get3A_362 = arith.constant 224 : index
      %get3A_363 = tpu.vector_load %arg11[%get3A_361, %get3A_362] {strides = array<i32>} : memref<32x768xf32, #tpu.memory_space<vmem>>, vector<1x16xf32>,
      %get3A_364 = vector.shape_cast %get3A_363 : vector<1x16xf32> to vector<16xf32>
      %add3A_365 = arith.addf %get3A_360, %get3A_364 : vector<16xf32>
      %swap3A_366 = arith.index_cast %scan3A_159 : i32 to index
      %swap3A_367 = arith.constant 224 : index
      %swap3A_368 = tpu.vector_load %arg10[%swap3A_366, %swap3A_367] {strides = array<i32>} : memref<32x768xf32, #tpu.memory_space<vmem>>, vector<1x16xf32>,
      %swap3A_369 = vector.shape_cast %swap3A_368 : vector<1x16xf32> to vector<16xf32>
      %swap3A_370 = vector.shape_cast %add3A_365 : vector<16xf32> to vector<1x16xf32>
      tpu.vector_store %arg10[%swap3A_366, %swap3A_367], %swap3A_370 {strides = array<i32>} : memref<32x768xf32, #tpu.memory_space<vmem>>, vector<1x16xf32>,
      %get3A_371 = arith.index_cast %scan3A_159 : i32 to index
      %get3A_372 = arith.constant 240 : index
      %get3A_373 = tpu.vector_load %arg10[%get3A_371, %get3A_372] {strides = array<i32>} : memref<32x768xf32, #tpu.memory_space<vmem>>, vector<1x16xf32>,
      %get3A_374 = vector.shape_cast %get3A_373 : vector<1x16xf32> to vector<16xf32>
      %get3A_375 = arith.index_cast %scan3A_159 : i32 to index
      %get3A_376 = arith.constant 240 : index
      %get3A_377 = tpu.vector_load %arg11[%get3A_375, %get3A_376] {strides = array<i32>} : memref<32x768xf32, #tpu.memory_space<vmem>>, vector<1x16xf32>,
      %get3A_378 = vector.shape_cast %get3A_377 : vector<1x16xf32> to vector<16xf32>
      %add3A_379 = arith.addf %get3A_374, %get3A_378 : vector<16xf32>
      %swap3A_380 = arith.index_cast %scan3A_159 : i32 to index
      %swap3A_381 = arith.constant 240 : index
      %swap3A_382 = tpu.vector_load %arg10[%swap3A_380, %swap3A_381] {strides = array<i32>} : memref<32x768xf32, #tpu.memory_space<vmem>>, vector<1x16xf32>,
      %swap3A_383 = vector.shape_cast %swap3A_382 : vector<1x16xf32> to vector<16xf32>
      %swap3A_384 = vector.shape_cast %add3A_379 : vector<16xf32> to vector<1x16xf32>
      tpu.vector_store %arg10[%swap3A_380, %swap3A_381], %swap3A_384 {strides = array<i32>} : memref<32x768xf32, #tpu.memory_space<vmem>>, vector<1x16xf32>,
      %get3A_385 = arith.index_cast %scan3A_159 : i32 to index
      %get3A_386 = arith.constant 256 : index
      %get3A_387 = tpu.vector_load %arg10[%get3A_385, %get3A_386] {strides = array<i32>} : memref<32x768xf32, #tpu.memory_space<vmem>>, vector<1x16xf32>,
      %get3A_388 = vector.shape_cast %get3A_387 : vector<1x16xf32> to vector<16xf32>
      %get3A_389 = arith.index_cast %scan3A_159 : i32 to index
      %get3A_390 = arith.constant 256 : index
      %get3A_391 = tpu.vector_load %arg11[%get3A_389, %get3A_390] {strides = array<i32>} : memref<32x768xf32, #tpu.memory_space<vmem>>, vector<1x16xf32>,
      %get3A_392 = vector.shape_cast %get3A_391 : vector<1x16xf32> to vector<16xf32>
      %add3A_393 = arith.addf %get3A_388, %get3A_392 : vector<16xf32>
      %swap3A_394 = arith.index_cast %scan3A_159 : i32 to index
      %swap3A_395 = arith.constant 256 : index
      %swap3A_396 = tpu.vector_load %arg10[%swap3A_394, %swap3A_395] {strides = array<i32>} : memref<32x768xf32, #tpu.memory_space<vmem>>, vector<1x16xf32>,
      %swap3A_397 = vector.shape_cast %swap3A_396 : vector<1x16xf32> to vector<16xf32>
      %swap3A_398 = vector.shape_cast %add3A_393 : vector<16xf32> to vector<1x16xf32>
      tpu.vector_store %arg10[%swap3A_394, %swap3A_395], %swap3A_398 {strides = array<i32>} : memref<32x768xf32, #tpu.memory_space<vmem>>, vector<1x16xf32>,
      %get3A_399 = arith.index_cast %scan3A_159 : i32 to index
      %get3A_400 = arith.constant 272 : index
      %get3A_401 = tpu.vector_load %arg10[%get3A_399, %get3A_400] {strides = array<i32>} : memref<32x768xf32, #tpu.memory_space<vmem>>, vector<1x16xf32>,
      %get3A_402 = vector.shape_cast %get3A_401 : vector<1x16xf32> to vector<16xf32>
      %get3A_403 = arith.index_cast %scan3A_159 : i32 to index
      %get3A_404 = arith.constant 272 : index
      %get3A_405 = tpu.vector_load %arg11[%get3A_403, %get3A_404] {strides = array<i32>} : memref<32x768xf32, #tpu.memory_space<vmem>>, vector<1x16xf32>,
      %get3A_406 = vector.shape_cast %get3A_405 : vector<1x16xf32> to vector<16xf32>
      %add3A_407 = arith.addf %get3A_402, %get3A_406 : vector<16xf32>
      %swap3A_408 = arith.index_cast %scan3A_159 : i32 to index
      %swap3A_409 = arith.constant 272 : index
      %swap3A_410 = tpu.vector_load %arg10[%swap3A_408, %swap3A_409] {strides = array<i32>} : memref<32x768xf32, #tpu.memory_space<vmem>>, vector<1x16xf32>,
      %swap3A_411 = vector.shape_cast %swap3A_410 : vector<1x16xf32> to vector<16xf32>
      %swap3A_412 = vector.shape_cast %add3A_407 : vector<16xf32> to vector<1x16xf32>
      tpu.vector_store %arg10[%swap3A_408, %swap3A_409], %swap3A_412 {strides = array<i32>} : memref<32x768xf32, #tpu.memory_space<vmem>>, vector<1x16xf32>,
      %get3A_413 = arith.index_cast %scan3A_159 : i32 to index
      %get3A_414 = arith.constant 288 : index
      %get3A_415 = tpu.vector_load %arg10[%get3A_413, %get3A_414] {strides = array<i32>} : memref<32x768xf32, #tpu.memory_space<vmem>>, vector<1x16xf32>,
      %get3A_416 = vector.shape_cast %get3A_415 : vector<1x16xf32> to vector<16xf32>
      %get3A_417 = arith.index_cast %scan3A_159 : i32 to index
      %get3A_418 = arith.constant 288 : index
      %get3A_419 = tpu.vector_load %arg11[%get3A_417, %get3A_418] {strides = array<i32>} : memref<32x768xf32, #tpu.memory_space<vmem>>, vector<1x16xf32>,
      %get3A_420 = vector.shape_cast %get3A_419 : vector<1x16xf32> to vector<16xf32>
      %add3A_421 = arith.addf %get3A_416, %get3A_420 : vector<16xf32>
      %swap3A_422 = arith.index_cast %scan3A_159 : i32 to index
      %swap3A_423 = arith.constant 288 : index
      %swap3A_424 = tpu.vector_load %arg10[%swap3A_422, %swap3A_423] {strides = array<i32>} : memref<32x768xf32, #tpu.memory_space<vmem>>, vector<1x16xf32>,
      %swap3A_425 = vector.shape_cast %swap3A_424 : vector<1x16xf32> to vector<16xf32>
      %swap3A_426 = vector.shape_cast %add3A_421 : vector<16xf32> to vector<1x16xf32>
      tpu.vector_store %arg10[%swap3A_422, %swap3A_423], %swap3A_426 {strides = array<i32>} : memref<32x768xf32, #tpu.memory_space<vmem>>, vector<1x16xf32>,
      %get3A_427 = arith.index_cast %scan3A_159 : i32 to index
      %get3A_428 = arith.constant 304 : index
      %get3A_429 = tpu.vector_load %arg10[%get3A_427, %get3A_428] {strides = array<i32>} : memref<32x768xf32, #tpu.memory_space<vmem>>, vector<1x16xf32>,
      %get3A_430 = vector.shape_cast %get3A_429 : vector<1x16xf32> to vector<16xf32>
      %get3A_431 = arith.index_cast %scan3A_159 : i32 to index
      %get3A_432 = arith.constant 304 : index
      %get3A_433 = tpu.vector_load %arg11[%get3A_431, %get3A_432] {strides = array<i32>} : memref<32x768xf32, #tpu.memory_space<vmem>>, vector<1x16xf32>,
      %get3A_434 = vector.shape_cast %get3A_433 : vector<1x16xf32> to vector<16xf32>
      %add3A_435 = arith.addf %get3A_430, %get3A_434 : vector<16xf32>
      %swap3A_436 = arith.index_cast %scan3A_159 : i32 to index
      %swap3A_437 = arith.constant 304 : index
      %swap3A_438 = tpu.vector_load %arg10[%swap3A_436, %swap3A_437] {strides = array<i32>} : memref<32x768xf32, #tpu.memory_space<vmem>>, vector<1x16xf32>,
      %swap3A_439 = vector.shape_cast %swap3A_438 : vector<1x16xf32> to vector<16xf32>
      %swap3A_440 = vector.shape_cast %add3A_435 : vector<16xf32> to vector<1x16xf32>
      tpu.vector_store %arg10[%swap3A_436, %swap3A_437], %swap3A_440 {strides = array<i32>} : memref<32x768xf32, #tpu.memory_space<vmem>>, vector<1x16xf32>,
      %get3A_441 = arith.index_cast %scan3A_159 : i32 to index
      %get3A_442 = arith.constant 320 : index
      %get3A_443 = tpu.vector_load %arg10[%get3A_441, %get3A_442] {strides = array<i32>} : memref<32x768xf32, #tpu.memory_space<vmem>>, vector<1x16xf32>,
      %get3A_444 = vector.shape_cast %get3A_443 : vector<1x16xf32> to vector<16xf32>
      %get3A_445 = arith.index_cast %scan3A_159 : i32 to index
      %get3A_446 = arith.constant 320 : index
      %get3A_447 = tpu.vector_load %arg11[%get3A_445, %get3A_446] {strides = array<i32>} : memref<32x768xf32, #tpu.memory_space<vmem>>, vector<1x16xf32>,
      %get3A_448 = vector.shape_cast %get3A_447 : vector<1x16xf32> to vector<16xf32>
      %add3A_449 = arith.addf %get3A_444, %get3A_448 : vector<16xf32>
      %swap3A_450 = arith.index_cast %scan3A_159 : i32 to index
      %swap3A_451 = arith.constant 320 : index
      %swap3A_452 = tpu.vector_load %arg10[%swap3A_450, %swap3A_451] {strides = array<i32>} : memref<32x768xf32, #tpu.memory_space<vmem>>, vector<1x16xf32>,
      %swap3A_453 = vector.shape_cast %swap3A_452 : vector<1x16xf32> to vector<16xf32>
      %swap3A_454 = vector.shape_cast %add3A_449 : vector<16xf32> to vector<1x16xf32>
      tpu.vector_store %arg10[%swap3A_450, %swap3A_451], %swap3A_454 {strides = array<i32>} : memref<32x768xf32, #tpu.memory_space<vmem>>, vector<1x16xf32>,
      %get3A_455 = arith.index_cast %scan3A_159 : i32 to index
      %get3A_456 = arith.constant 336 : index
      %get3A_457 = tpu.vector_load %arg10[%get3A_455, %get3A_456] {strides = array<i32>} : memref<32x768xf32, #tpu.memory_space<vmem>>, vector<1x16xf32>,
      %get3A_458 = vector.shape_cast %get3A_457 : vector<1x16xf32> to vector<16xf32>
      %get3A_459 = arith.index_cast %scan3A_159 : i32 to index
      %get3A_460 = arith.constant 336 : index
      %get3A_461 = tpu.vector_load %arg11[%get3A_459, %get3A_460] {strides = array<i32>} : memref<32x768xf32, #tpu.memory_space<vmem>>, vector<1x16xf32>,
      %get3A_462 = vector.shape_cast %get3A_461 : vector<1x16xf32> to vector<16xf32>
      %add3A_463 = arith.addf %get3A_458, %get3A_462 : vector<16xf32>
      %swap3A_464 = arith.index_cast %scan3A_159 : i32 to index
      %swap3A_465 = arith.constant 336 : index
      %swap3A_466 = tpu.vector_load %arg10[%swap3A_464, %swap3A_465] {strides = array<i32>} : memref<32x768xf32, #tpu.memory_space<vmem>>, vector<1x16xf32>,
      %swap3A_467 = vector.shape_cast %swap3A_466 : vector<1x16xf32> to vector<16xf32>
      %swap3A_468 = vector.shape_cast %add3A_463 : vector<16xf32> to vector<1x16xf32>
      tpu.vector_store %arg10[%swap3A_464, %swap3A_465], %swap3A_468 {strides = array<i32>} : memref<32x768xf32, #tpu.memory_space<vmem>>, vector<1x16xf32>,
      %get3A_469 = arith.index_cast %scan3A_159 : i32 to index
      %get3A_470 = arith.constant 352 : index
      %get3A_471 = tpu.vector_load %arg10[%get3A_469, %get3A_470] {strides = array<i32>} : memref<32x768xf32, #tpu.memory_space<vmem>>, vector<1x16xf32>,
      %get3A_472 = vector.shape_cast %get3A_471 : vector<1x16xf32> to vector<16xf32>
      %get3A_473 = arith.index_cast %scan3A_159 : i32 to index
      %get3A_474 = arith.constant 352 : index
      %get3A_475 = tpu.vector_load %arg11[%get3A_473, %get3A_474] {strides = array<i32>} : memref<32x768xf32, #tpu.memory_space<vmem>>, vector<1x16xf32>,
      %get3A_476 = vector.shape_cast %get3A_475 : vector<1x16xf32> to vector<16xf32>
      %add3A_477 = arith.addf %get3A_472, %get3A_476 : vector<16xf32>
      %swap3A_478 = arith.index_cast %scan3A_159 : i32 to index
      %swap3A_479 = arith.constant 352 : index
      %swap3A_480 = tpu.vector_load %arg10[%swap3A_478, %swap3A_479] {strides = array<i32>} : memref<32x768xf32, #tpu.memory_space<vmem>>, vector<1x16xf32>,
      %swap3A_481 = vector.shape_cast %swap3A_480 : vector<1x16xf32> to vector<16xf32>
      %swap3A_482 = vector.shape_cast %add3A_477 : vector<16xf32> to vector<1x16xf32>
      tpu.vector_store %arg10[%swap3A_478, %swap3A_479], %swap3A_482 {strides = array<i32>} : memref<32x768xf32, #tpu.memory_space<vmem>>, vector<1x16xf32>,
      %get3A_483 = arith.index_cast %scan3A_159 : i32 to index
      %get3A_484 = arith.constant 368 : index
      %get3A_485 = tpu.vector_load %arg10[%get3A_483, %get3A_484] {strides = array<i32>} : memref<32x768xf32, #tpu.memory_space<vmem>>, vector<1x16xf32>,
      %get3A_486 = vector.shape_cast %get3A_485 : vector<1x16xf32> to vector<16xf32>
      %get3A_487 = arith.index_cast %scan3A_159 : i32 to index
      %get3A_488 = arith.constant 368 : index
      %get3A_489 = tpu.vector_load %arg11[%get3A_487, %get3A_488] {strides = array<i32>} : memref<32x768xf32, #tpu.memory_space<vmem>>, vector<1x16xf32>,
      %get3A_490 = vector.shape_cast %get3A_489 : vector<1x16xf32> to vector<16xf32>
      %add3A_491 = arith.addf %get3A_486, %get3A_490 : vector<16xf32>
      %swap3A_492 = arith.index_cast %scan3A_159 : i32 to index
      %swap3A_493 = arith.constant 368 : index
      %swap3A_494 = tpu.vector_load %arg10[%swap3A_492, %swap3A_493] {strides = array<i32>} : memref<32x768xf32, #tpu.memory_space<vmem>>, vector<1x16xf32>,
      %swap3A_495 = vector.shape_cast %swap3A_494 : vector<1x16xf32> to vector<16xf32>
      %swap3A_496 = vector.shape_cast %add3A_491 : vector<16xf32> to vector<1x16xf32>
      tpu.vector_store %arg10[%swap3A_492, %swap3A_493], %swap3A_496 {strides = array<i32>} : memref<32x768xf32, #tpu.memory_space<vmem>>, vector<1x16xf32>,
      %get3A_497 = arith.index_cast %scan3A_159 : i32 to index
      %get3A_498 = arith.constant 384 : index
      %get3A_499 = tpu.vector_load %arg10[%get3A_497, %get3A_498] {strides = array<i32>} : memref<32x768xf32, #tpu.memory_space<vmem>>, vector<1x16xf32>,
      %get3A_500 = vector.shape_cast %get3A_499 : vector<1x16xf32> to vector<16xf32>
      %get3A_501 = arith.index_cast %scan3A_159 : i32 to index
      %get3A_502 = arith.constant 384 : index
      %get3A_503 = tpu.vector_load %arg11[%get3A_501, %get3A_502] {strides = array<i32>} : memref<32x768xf32, #tpu.memory_space<vmem>>, vector<1x16xf32>,
      %get3A_504 = vector.shape_cast %get3A_503 : vector<1x16xf32> to vector<16xf32>
      %add3A_505 = arith.addf %get3A_500, %get3A_504 : vector<16xf32>
      %swap3A_506 = arith.index_cast %scan3A_159 : i32 to index
      %swap3A_507 = arith.constant 384 : index
      %swap3A_508 = tpu.vector_load %arg10[%swap3A_506, %swap3A_507] {strides = array<i32>} : memref<32x768xf32, #tpu.memory_space<vmem>>, vector<1x16xf32>,
      %swap3A_509 = vector.shape_cast %swap3A_508 : vector<1x16xf32> to vector<16xf32>
      %swap3A_510 = vector.shape_cast %add3A_505 : vector<16xf32> to vector<1x16xf32>
      tpu.vector_store %arg10[%swap3A_506, %swap3A_507], %swap3A_510 {strides = array<i32>} : memref<32x768xf32, #tpu.memory_space<vmem>>, vector<1x16xf32>,
      %get3A_511 = arith.index_cast %scan3A_159 : i32 to index
      %get3A_512 = arith.constant 400 : index
      %get3A_513 = tpu.vector_load %arg10[%get3A_511, %get3A_512] {strides = array<i32>} : memref<32x768xf32, #tpu.memory_space<vmem>>, vector<1x16xf32>,
      %get3A_514 = vector.shape_cast %get3A_513 : vector<1x16xf32> to vector<16xf32>
      %get3A_515 = arith.index_cast %scan3A_159 : i32 to index
      %get3A_516 = arith.constant 400 : index
      %get3A_517 = tpu.vector_load %arg11[%get3A_515, %get3A_516] {strides = array<i32>} : memref<32x768xf32, #tpu.memory_space<vmem>>, vector<1x16xf32>,
      %get3A_518 = vector.shape_cast %get3A_517 : vector<1x16xf32> to vector<16xf32>
      %add3A_519 = arith.addf %get3A_514, %get3A_518 : vector<16xf32>
      %swap3A_520 = arith.index_cast %scan3A_159 : i32 to index
      %swap3A_521 = arith.constant 400 : index
      %swap3A_522 = tpu.vector_load %arg10[%swap3A_520, %swap3A_521] {strides = array<i32>} : memref<32x768xf32, #tpu.memory_space<vmem>>, vector<1x16xf32>,
      %swap3A_523 = vector.shape_cast %swap3A_522 : vector<1x16xf32> to vector<16xf32>
      %swap3A_524 = vector.shape_cast %add3A_519 : vector<16xf32> to vector<1x16xf32>
      tpu.vector_store %arg10[%swap3A_520, %swap3A_521], %swap3A_524 {strides = array<i32>} : memref<32x768xf32, #tpu.memory_space<vmem>>, vector<1x16xf32>,
      %get3A_525 = arith.index_cast %scan3A_159 : i32 to index
      %get3A_526 = arith.constant 416 : index
      %get3A_527 = tpu.vector_load %arg10[%get3A_525, %get3A_526] {strides = array<i32>} : memref<32x768xf32, #tpu.memory_space<vmem>>, vector<1x16xf32>,
      %get3A_528 = vector.shape_cast %get3A_527 : vector<1x16xf32> to vector<16xf32>
      %get3A_529 = arith.index_cast %scan3A_159 : i32 to index
      %get3A_530 = arith.constant 416 : index
      %get3A_531 = tpu.vector_load %arg11[%get3A_529, %get3A_530] {strides = array<i32>} : memref<32x768xf32, #tpu.memory_space<vmem>>, vector<1x16xf32>,
      %get3A_532 = vector.shape_cast %get3A_531 : vector<1x16xf32> to vector<16xf32>
      %add3A_533 = arith.addf %get3A_528, %get3A_532 : vector<16xf32>
      %swap3A_534 = arith.index_cast %scan3A_159 : i32 to index
      %swap3A_535 = arith.constant 416 : index
      %swap3A_536 = tpu.vector_load %arg10[%swap3A_534, %swap3A_535] {strides = array<i32>} : memref<32x768xf32, #tpu.memory_space<vmem>>, vector<1x16xf32>,
      %swap3A_537 = vector.shape_cast %swap3A_536 : vector<1x16xf32> to vector<16xf32>
      %swap3A_538 = vector.shape_cast %add3A_533 : vector<16xf32> to vector<1x16xf32>
      tpu.vector_store %arg10[%swap3A_534, %swap3A_535], %swap3A_538 {strides = array<i32>} : memref<32x768xf32, #tpu.memory_space<vmem>>, vector<1x16xf32>,
      %get3A_539 = arith.index_cast %scan3A_159 : i32 to index
      %get3A_540 = arith.constant 432 : index
      %get3A_541 = tpu.vector_load %arg10[%get3A_539, %get3A_540] {strides = array<i32>} : memref<32x768xf32, #tpu.memory_space<vmem>>, vector<1x16xf32>,
      %get3A_542 = vector.shape_cast %get3A_541 : vector<1x16xf32> to vector<16xf32>
      %get3A_543 = arith.index_cast %scan3A_159 : i32 to index
      %get3A_544 = arith.constant 432 : index
      %get3A_545 = tpu.vector_load %arg11[%get3A_543, %get3A_544] {strides = array<i32>} : memref<32x768xf32, #tpu.memory_space<vmem>>, vector<1x16xf32>,
      %get3A_546 = vector.shape_cast %get3A_545 : vector<1x16xf32> to vector<16xf32>
      %add3A_547 = arith.addf %get3A_542, %get3A_546 : vector<16xf32>
      %swap3A_548 = arith.index_cast %scan3A_159 : i32 to index
      %swap3A_549 = arith.constant 432 : index
      %swap3A_550 = tpu.vector_load %arg10[%swap3A_548, %swap3A_549] {strides = array<i32>} : memref<32x768xf32, #tpu.memory_space<vmem>>, vector<1x16xf32>,
      %swap3A_551 = vector.shape_cast %swap3A_550 : vector<1x16xf32> to vector<16xf32>
      %swap3A_552 = vector.shape_cast %add3A_547 : vector<16xf32> to vector<1x16xf32>
      tpu.vector_store %arg10[%swap3A_548, %swap3A_549], %swap3A_552 {strides = array<i32>} : memref<32x768xf32, #tpu.memory_space<vmem>>, vector<1x16xf32>,
      %get3A_553 = arith.index_cast %scan3A_159 : i32 to index
      %get3A_554 = arith.constant 448 : index
      %get3A_555 = tpu.vector_load %arg10[%get3A_553, %get3A_554] {strides = array<i32>} : memref<32x768xf32, #tpu.memory_space<vmem>>, vector<1x16xf32>,
      %get3A_556 = vector.shape_cast %get3A_555 : vector<1x16xf32> to vector<16xf32>
      %get3A_557 = arith.index_cast %scan3A_159 : i32 to index
      %get3A_558 = arith.constant 448 : index
      %get3A_559 = tpu.vector_load %arg11[%get3A_557, %get3A_558] {strides = array<i32>} : memref<32x768xf32, #tpu.memory_space<vmem>>, vector<1x16xf32>,
      %get3A_560 = vector.shape_cast %get3A_559 : vector<1x16xf32> to vector<16xf32>
      %add3A_561 = arith.addf %get3A_556, %get3A_560 : vector<16xf32>
      %swap3A_562 = arith.index_cast %scan3A_159 : i32 to index
      %swap3A_563 = arith.constant 448 : index
      %swap3A_564 = tpu.vector_load %arg10[%swap3A_562, %swap3A_563] {strides = array<i32>} : memref<32x768xf32, #tpu.memory_space<vmem>>, vector<1x16xf32>,
      %swap3A_565 = vector.shape_cast %swap3A_564 : vector<1x16xf32> to vector<16xf32>
      %swap3A_566 = vector.shape_cast %add3A_561 : vector<16xf32> to vector<1x16xf32>
      tpu.vector_store %arg10[%swap3A_562, %swap3A_563], %swap3A_566 {strides = array<i32>} : memref<32x768xf32, #tpu.memory_space<vmem>>, vector<1x16xf32>,
      %get3A_567 = arith.index_cast %scan3A_159 : i32 to index
      %get3A_568 = arith.constant 464 : index
      %get3A_569 = tpu.vector_load %arg10[%get3A_567, %get3A_568] {strides = array<i32>} : memref<32x768xf32, #tpu.memory_space<vmem>>, vector<1x16xf32>,
      %get3A_570 = vector.shape_cast %get3A_569 : vector<1x16xf32> to vector<16xf32>
      %get3A_571 = arith.index_cast %scan3A_159 : i32 to index
      %get3A_572 = arith.constant 464 : index
      %get3A_573 = tpu.vector_load %arg11[%get3A_571, %get3A_572] {strides = array<i32>} : memref<32x768xf32, #tpu.memory_space<vmem>>, vector<1x16xf32>,
      %get3A_574 = vector.shape_cast %get3A_573 : vector<1x16xf32> to vector<16xf32>
      %add3A_575 = arith.addf %get3A_570, %get3A_574 : vector<16xf32>
      %swap3A_576 = arith.index_cast %scan3A_159 : i32 to index
      %swap3A_577 = arith.constant 464 : index
      %swap3A_578 = tpu.vector_load %arg10[%swap3A_576, %swap3A_577] {strides = array<i32>} : memref<32x768xf32, #tpu.memory_space<vmem>>, vector<1x16xf32>,
      %swap3A_579 = vector.shape_cast %swap3A_578 : vector<1x16xf32> to vector<16xf32>
      %swap3A_580 = vector.shape_cast %add3A_575 : vector<16xf32> to vector<1x16xf32>
      tpu.vector_store %arg10[%swap3A_576, %swap3A_577], %swap3A_580 {strides = array<i32>} : memref<32x768xf32, #tpu.memory_space<vmem>>, vector<1x16xf32>,
      %get3A_581 = arith.index_cast %scan3A_159 : i32 to index
      %get3A_582 = arith.constant 480 : index
      %get3A_583 = tpu.vector_load %arg10[%get3A_581, %get3A_582] {strides = array<i32>} : memref<32x768xf32, #tpu.memory_space<vmem>>, vector<1x16xf32>,
      %get3A_584 = vector.shape_cast %get3A_583 : vector<1x16xf32> to vector<16xf32>
      %get3A_585 = arith.index_cast %scan3A_159 : i32 to index
      %get3A_586 = arith.constant 480 : index
      %get3A_587 = tpu.vector_load %arg11[%get3A_585, %get3A_586] {strides = array<i32>} : memref<32x768xf32, #tpu.memory_space<vmem>>, vector<1x16xf32>,
      %get3A_588 = vector.shape_cast %get3A_587 : vector<1x16xf32> to vector<16xf32>
      %add3A_589 = arith.addf %get3A_584, %get3A_588 : vector<16xf32>
      %swap3A_590 = arith.index_cast %scan3A_159 : i32 to index
      %swap3A_591 = arith.constant 480 : index
      %swap3A_592 = tpu.vector_load %arg10[%swap3A_590, %swap3A_591] {strides = array<i32>} : memref<32x768xf32, #tpu.memory_space<vmem>>, vector<1x16xf32>,
      %swap3A_593 = vector.shape_cast %swap3A_592 : vector<1x16xf32> to vector<16xf32>
      %swap3A_594 = vector.shape_cast %add3A_589 : vector<16xf32> to vector<1x16xf32>
      tpu.vector_store %arg10[%swap3A_590, %swap3A_591], %swap3A_594 {strides = array<i32>} : memref<32x768xf32, #tpu.memory_space<vmem>>, vector<1x16xf32>,
      %get3A_595 = arith.index_cast %scan3A_159 : i32 to index
      %get3A_596 = arith.constant 496 : index
      %get3A_597 = tpu.vector_load %arg10[%get3A_595, %get3A_596] {strides = array<i32>} : memref<32x768xf32, #tpu.memory_space<vmem>>, vector<1x16xf32>,
      %get3A_598 = vector.shape_cast %get3A_597 : vector<1x16xf32> to vector<16xf32>
      %get3A_599 = arith.index_cast %scan3A_159 : i32 to index
      %get3A_600 = arith.constant 496 : index
      %get3A_601 = tpu.vector_load %arg11[%get3A_599, %get3A_600] {strides = array<i32>} : memref<32x768xf32, #tpu.memory_space<vmem>>, vector<1x16xf32>,
      %get3A_602 = vector.shape_cast %get3A_601 : vector<1x16xf32> to vector<16xf32>
      %add3A_603 = arith.addf %get3A_598, %get3A_602 : vector<16xf32>
      %swap3A_604 = arith.index_cast %scan3A_159 : i32 to index
      %swap3A_605 = arith.constant 496 : index
      %swap3A_606 = tpu.vector_load %arg10[%swap3A_604, %swap3A_605] {strides = array<i32>} : memref<32x768xf32, #tpu.memory_space<vmem>>, vector<1x16xf32>,
      %swap3A_607 = vector.shape_cast %swap3A_606 : vector<1x16xf32> to vector<16xf32>
      %swap3A_608 = vector.shape_cast %add3A_603 : vector<16xf32> to vector<1x16xf32>
      tpu.vector_store %arg10[%swap3A_604, %swap3A_605], %swap3A_608 {strides = array<i32>} : memref<32x768xf32, #tpu.memory_space<vmem>>, vector<1x16xf32>,
      %get3A_609 = arith.index_cast %scan3A_159 : i32 to index
      %get3A_610 = arith.constant 512 : index
      %get3A_611 = tpu.vector_load %arg10[%get3A_609, %get3A_610] {strides = array<i32>} : memref<32x768xf32, #tpu.memory_space<vmem>>, vector<1x16xf32>,
      %get3A_612 = vector.shape_cast %get3A_611 : vector<1x16xf32> to vector<16xf32>
      %get3A_613 = arith.index_cast %scan3A_159 : i32 to index
      %get3A_614 = arith.constant 512 : index
      %get3A_615 = tpu.vector_load %arg11[%get3A_613, %get3A_614] {strides = array<i32>} : memref<32x768xf32, #tpu.memory_space<vmem>>, vector<1x16xf32>,
      %get3A_616 = vector.shape_cast %get3A_615 : vector<1x16xf32> to vector<16xf32>
      %add3A_617 = arith.addf %get3A_612, %get3A_616 : vector<16xf32>
      %swap3A_618 = arith.index_cast %scan3A_159 : i32 to index
      %swap3A_619 = arith.constant 512 : index
      %swap3A_620 = tpu.vector_load %arg10[%swap3A_618, %swap3A_619] {strides = array<i32>} : memref<32x768xf32, #tpu.memory_space<vmem>>, vector<1x16xf32>,
      %swap3A_621 = vector.shape_cast %swap3A_620 : vector<1x16xf32> to vector<16xf32>
      %swap3A_622 = vector.shape_cast %add3A_617 : vector<16xf32> to vector<1x16xf32>
      tpu.vector_store %arg10[%swap3A_618, %swap3A_619], %swap3A_622 {strides = array<i32>} : memref<32x768xf32, #tpu.memory_space<vmem>>, vector<1x16xf32>,
      %get3A_623 = arith.index_cast %scan3A_159 : i32 to index
      %get3A_624 = arith.constant 528 : index
      %get3A_625 = tpu.vector_load %arg10[%get3A_623, %get3A_624] {strides = array<i32>} : memref<32x768xf32, #tpu.memory_space<vmem>>, vector<1x16xf32>,
      %get3A_626 = vector.shape_cast %get3A_625 : vector<1x16xf32> to vector<16xf32>
      %get3A_627 = arith.index_cast %scan3A_159 : i32 to index
      %get3A_628 = arith.constant 528 : index
      %get3A_629 = tpu.vector_load %arg11[%get3A_627, %get3A_628] {strides = array<i32>} : memref<32x768xf32, #tpu.memory_space<vmem>>, vector<1x16xf32>,
      %get3A_630 = vector.shape_cast %get3A_629 : vector<1x16xf32> to vector<16xf32>
      %add3A_631 = arith.addf %get3A_626, %get3A_630 : vector<16xf32>
      %swap3A_632 = arith.index_cast %scan3A_159 : i32 to index
      %swap3A_633 = arith.constant 528 : index
      %swap3A_634 = tpu.vector_load %arg10[%swap3A_632, %swap3A_633] {strides = array<i32>} : memref<32x768xf32, #tpu.memory_space<vmem>>, vector<1x16xf32>,
      %swap3A_635 = vector.shape_cast %swap3A_634 : vector<1x16xf32> to vector<16xf32>
      %swap3A_636 = vector.shape_cast %add3A_631 : vector<16xf32> to vector<1x16xf32>
      tpu.vector_store %arg10[%swap3A_632, %swap3A_633], %swap3A_636 {strides = array<i32>} : memref<32x768xf32, #tpu.memory_space<vmem>>, vector<1x16xf32>,
      %get3A_637 = arith.index_cast %scan3A_159 : i32 to index
      %get3A_638 = arith.constant 544 : index
      %get3A_639 = tpu.vector_load %arg10[%get3A_637, %get3A_638] {strides = array<i32>} : memref<32x768xf32, #tpu.memory_space<vmem>>, vector<1x16xf32>,
      %get3A_640 = vector.shape_cast %get3A_639 : vector<1x16xf32> to vector<16xf32>
      %get3A_641 = arith.index_cast %scan3A_159 : i32 to index
      %get3A_642 = arith.constant 544 : index
      %get3A_643 = tpu.vector_load %arg11[%get3A_641, %get3A_642] {strides = array<i32>} : memref<32x768xf32, #tpu.memory_space<vmem>>, vector<1x16xf32>,
      %get3A_644 = vector.shape_cast %get3A_643 : vector<1x16xf32> to vector<16xf32>
      %add3A_645 = arith.addf %get3A_640, %get3A_644 : vector<16xf32>
      %swap3A_646 = arith.index_cast %scan3A_159 : i32 to index
      %swap3A_647 = arith.constant 544 : index
      %swap3A_648 = tpu.vector_load %arg10[%swap3A_646, %swap3A_647] {strides = array<i32>} : memref<32x768xf32, #tpu.memory_space<vmem>>, vector<1x16xf32>,
      %swap3A_649 = vector.shape_cast %swap3A_648 : vector<1x16xf32> to vector<16xf32>
      %swap3A_650 = vector.shape_cast %add3A_645 : vector<16xf32> to vector<1x16xf32>
      tpu.vector_store %arg10[%swap3A_646, %swap3A_647], %swap3A_650 {strides = array<i32>} : memref<32x768xf32, #tpu.memory_space<vmem>>, vector<1x16xf32>,
      %get3A_651 = arith.index_cast %scan3A_159 : i32 to index
      %get3A_652 = arith.constant 560 : index
      %get3A_653 = tpu.vector_load %arg10[%get3A_651, %get3A_652] {strides = array<i32>} : memref<32x768xf32, #tpu.memory_space<vmem>>, vector<1x16xf32>,
      %get3A_654 = vector.shape_cast %get3A_653 : vector<1x16xf32> to vector<16xf32>
      %get3A_655 = arith.index_cast %scan3A_159 : i32 to index
      %get3A_656 = arith.constant 560 : index
      %get3A_657 = tpu.vector_load %arg11[%get3A_655, %get3A_656] {strides = array<i32>} : memref<32x768xf32, #tpu.memory_space<vmem>>, vector<1x16xf32>,
      %get3A_658 = vector.shape_cast %get3A_657 : vector<1x16xf32> to vector<16xf32>
      %add3A_659 = arith.addf %get3A_654, %get3A_658 : vector<16xf32>
      %swap3A_660 = arith.index_cast %scan3A_159 : i32 to index
      %swap3A_661 = arith.constant 560 : index
      %swap3A_662 = tpu.vector_load %arg10[%swap3A_660, %swap3A_661] {strides = array<i32>} : memref<32x768xf32, #tpu.memory_space<vmem>>, vector<1x16xf32>,
      %swap3A_663 = vector.shape_cast %swap3A_662 : vector<1x16xf32> to vector<16xf32>
      %swap3A_664 = vector.shape_cast %add3A_659 : vector<16xf32> to vector<1x16xf32>
      tpu.vector_store %arg10[%swap3A_660, %swap3A_661], %swap3A_664 {strides = array<i32>} : memref<32x768xf32, #tpu.memory_space<vmem>>, vector<1x16xf32>,
      %get3A_665 = arith.index_cast %scan3A_159 : i32 to index
      %get3A_666 = arith.constant 576 : index
      %get3A_667 = tpu.vector_load %arg10[%get3A_665, %get3A_666] {strides = array<i32>} : memref<32x768xf32, #tpu.memory_space<vmem>>, vector<1x16xf32>,
      %get3A_668 = vector.shape_cast %get3A_667 : vector<1x16xf32> to vector<16xf32>
      %get3A_669 = arith.index_cast %scan3A_159 : i32 to index
      %get3A_670 = arith.constant 576 : index
      %get3A_671 = tpu.vector_load %arg11[%get3A_669, %get3A_670] {strides = array<i32>} : memref<32x768xf32, #tpu.memory_space<vmem>>, vector<1x16xf32>,
      %get3A_672 = vector.shape_cast %get3A_671 : vector<1x16xf32> to vector<16xf32>
      %add3A_673 = arith.addf %get3A_668, %get3A_672 : vector<16xf32>
      %swap3A_674 = arith.index_cast %scan3A_159 : i32 to index
      %swap3A_675 = arith.constant 576 : index
      %swap3A_676 = tpu.vector_load %arg10[%swap3A_674, %swap3A_675] {strides = array<i32>} : memref<32x768xf32, #tpu.memory_space<vmem>>, vector<1x16xf32>,
      %swap3A_677 = vector.shape_cast %swap3A_676 : vector<1x16xf32> to vector<16xf32>
      %swap3A_678 = vector.shape_cast %add3A_673 : vector<16xf32> to vector<1x16xf32>
      tpu.vector_store %arg10[%swap3A_674, %swap3A_675], %swap3A_678 {strides = array<i32>} : memref<32x768xf32, #tpu.memory_space<vmem>>, vector<1x16xf32>,
      %get3A_679 = arith.index_cast %scan3A_159 : i32 to index
      %get3A_680 = arith.constant 592 : index
      %get3A_681 = tpu.vector_load %arg10[%get3A_679, %get3A_680] {strides = array<i32>} : memref<32x768xf32, #tpu.memory_space<vmem>>, vector<1x16xf32>,
      %get3A_682 = vector.shape_cast %get3A_681 : vector<1x16xf32> to vector<16xf32>
      %get3A_683 = arith.index_cast %scan3A_159 : i32 to index
      %get3A_684 = arith.constant 592 : index
      %get3A_685 = tpu.vector_load %arg11[%get3A_683, %get3A_684] {strides = array<i32>} : memref<32x768xf32, #tpu.memory_space<vmem>>, vector<1x16xf32>,
      %get3A_686 = vector.shape_cast %get3A_685 : vector<1x16xf32> to vector<16xf32>
      %add3A_687 = arith.addf %get3A_682, %get3A_686 : vector<16xf32>
      %swap3A_688 = arith.index_cast %scan3A_159 : i32 to index
      %swap3A_689 = arith.constant 592 : index
      %swap3A_690 = tpu.vector_load %arg10[%swap3A_688, %swap3A_689] {strides = array<i32>} : memref<32x768xf32, #tpu.memory_space<vmem>>, vector<1x16xf32>,
      %swap3A_691 = vector.shape_cast %swap3A_690 : vector<1x16xf32> to vector<16xf32>
      %swap3A_692 = vector.shape_cast %add3A_687 : vector<16xf32> to vector<1x16xf32>
      tpu.vector_store %arg10[%swap3A_688, %swap3A_689], %swap3A_692 {strides = array<i32>} : memref<32x768xf32, #tpu.memory_space<vmem>>, vector<1x16xf32>,
      %get3A_693 = arith.index_cast %scan3A_159 : i32 to index
      %get3A_694 = arith.constant 608 : index
      %get3A_695 = tpu.vector_load %arg10[%get3A_693, %get3A_694] {strides = array<i32>} : memref<32x768xf32, #tpu.memory_space<vmem>>, vector<1x16xf32>,
      %get3A_696 = vector.shape_cast %get3A_695 : vector<1x16xf32> to vector<16xf32>
      %get3A_697 = arith.index_cast %scan3A_159 : i32 to index
      %get3A_698 = arith.constant 608 : index
      %get3A_699 = tpu.vector_load %arg11[%get3A_697, %get3A_698] {strides = array<i32>} : memref<32x768xf32, #tpu.memory_space<vmem>>, vector<1x16xf32>,
      %get3A_700 = vector.shape_cast %get3A_699 : vector<1x16xf32> to vector<16xf32>
      %add3A_701 = arith.addf %get3A_696, %get3A_700 : vector<16xf32>
      %swap3A_702 = arith.index_cast %scan3A_159 : i32 to index
      %swap3A_703 = arith.constant 608 : index
      %swap3A_704 = tpu.vector_load %arg10[%swap3A_702, %swap3A_703] {strides = array<i32>} : memref<32x768xf32, #tpu.memory_space<vmem>>, vector<1x16xf32>,
      %swap3A_705 = vector.shape_cast %swap3A_704 : vector<1x16xf32> to vector<16xf32>
      %swap3A_706 = vector.shape_cast %add3A_701 : vector<16xf32> to vector<1x16xf32>
      tpu.vector_store %arg10[%swap3A_702, %swap3A_703], %swap3A_706 {strides = array<i32>} : memref<32x768xf32, #tpu.memory_space<vmem>>, vector<1x16xf32>,
      %get3A_707 = arith.index_cast %scan3A_159 : i32 to index
      %get3A_708 = arith.constant 624 : index
      %get3A_709 = tpu.vector_load %arg10[%get3A_707, %get3A_708] {strides = array<i32>} : memref<32x768xf32, #tpu.memory_space<vmem>>, vector<1x16xf32>,
      %get3A_710 = vector.shape_cast %get3A_709 : vector<1x16xf32> to vector<16xf32>
      %get3A_711 = arith.index_cast %scan3A_159 : i32 to index
      %get3A_712 = arith.constant 624 : index
      %get3A_713 = tpu.vector_load %arg11[%get3A_711, %get3A_712] {strides = array<i32>} : memref<32x768xf32, #tpu.memory_space<vmem>>, vector<1x16xf32>,
      %get3A_714 = vector.shape_cast %get3A_713 : vector<1x16xf32> to vector<16xf32>
      %add3A_715 = arith.addf %get3A_710, %get3A_714 : vector<16xf32>
      %swap3A_716 = arith.index_cast %scan3A_159 : i32 to index
      %swap3A_717 = arith.constant 624 : index
      %swap3A_718 = tpu.vector_load %arg10[%swap3A_716, %swap3A_717] {strides = array<i32>} : memref<32x768xf32, #tpu.memory_space<vmem>>, vector<1x16xf32>,
      %swap3A_719 = vector.shape_cast %swap3A_718 : vector<1x16xf32> to vector<16xf32>
      %swap3A_720 = vector.shape_cast %add3A_715 : vector<16xf32> to vector<1x16xf32>
      tpu.vector_store %arg10[%swap3A_716, %swap3A_717], %swap3A_720 {strides = array<i32>} : memref<32x768xf32, #tpu.memory_space<vmem>>, vector<1x16xf32>,
      %get3A_721 = arith.index_cast %scan3A_159 : i32 to index
      %get3A_722 = arith.constant 640 : index
      %get3A_723 = tpu.vector_load %arg10[%get3A_721, %get3A_722] {strides = array<i32>} : memref<32x768xf32, #tpu.memory_space<vmem>>, vector<1x16xf32>,
      %get3A_724 = vector.shape_cast %get3A_723 : vector<1x16xf32> to vector<16xf32>
      %get3A_725 = arith.index_cast %scan3A_159 : i32 to index
      %get3A_726 = arith.constant 640 : index
      %get3A_727 = tpu.vector_load %arg11[%get3A_725, %get3A_726] {strides = array<i32>} : memref<32x768xf32, #tpu.memory_space<vmem>>, vector<1x16xf32>,
      %get3A_728 = vector.shape_cast %get3A_727 : vector<1x16xf32> to vector<16xf32>
      %add3A_729 = arith.addf %get3A_724, %get3A_728 : vector<16xf32>
      %swap3A_730 = arith.index_cast %scan3A_159 : i32 to index
      %swap3A_731 = arith.constant 640 : index
      %swap3A_732 = tpu.vector_load %arg10[%swap3A_730, %swap3A_731] {strides = array<i32>} : memref<32x768xf32, #tpu.memory_space<vmem>>, vector<1x16xf32>,
      %swap3A_733 = vector.shape_cast %swap3A_732 : vector<1x16xf32> to vector<16xf32>
      %swap3A_734 = vector.shape_cast %add3A_729 : vector<16xf32> to vector<1x16xf32>
      tpu.vector_store %arg10[%swap3A_730, %swap3A_731], %swap3A_734 {strides = array<i32>} : memref<32x768xf32, #tpu.memory_space<vmem>>, vector<1x16xf32>,
      %get3A_735 = arith.index_cast %scan3A_159 : i32 to index
      %get3A_736 = arith.constant 656 : index
      %get3A_737 = tpu.vector_load %arg10[%get3A_735, %get3A_736] {strides = array<i32>} : memref<32x768xf32, #tpu.memory_space<vmem>>, vector<1x16xf32>,
      %get3A_738 = vector.shape_cast %get3A_737 : vector<1x16xf32> to vector<16xf32>
      %get3A_739 = arith.index_cast %scan3A_159 : i32 to index
      %get3A_740 = arith.constant 656 : index
      %get3A_741 = tpu.vector_load %arg11[%get3A_739, %get3A_740] {strides = array<i32>} : memref<32x768xf32, #tpu.memory_space<vmem>>, vector<1x16xf32>,
      %get3A_742 = vector.shape_cast %get3A_741 : vector<1x16xf32> to vector<16xf32>
      %add3A_743 = arith.addf %get3A_738, %get3A_742 : vector<16xf32>
      %swap3A_744 = arith.index_cast %scan3A_159 : i32 to index
      %swap3A_745 = arith.constant 656 : index
      %swap3A_746 = tpu.vector_load %arg10[%swap3A_744, %swap3A_745] {strides = array<i32>} : memref<32x768xf32, #tpu.memory_space<vmem>>, vector<1x16xf32>,
      %swap3A_747 = vector.shape_cast %swap3A_746 : vector<1x16xf32> to vector<16xf32>
      %swap3A_748 = vector.shape_cast %add3A_743 : vector<16xf32> to vector<1x16xf32>
      tpu.vector_store %arg10[%swap3A_744, %swap3A_745], %swap3A_748 {strides = array<i32>} : memref<32x768xf32, #tpu.memory_space<vmem>>, vector<1x16xf32>,
      %get3A_749 = arith.index_cast %scan3A_159 : i32 to index
      %get3A_750 = arith.constant 672 : index
      %get3A_751 = tpu.vector_load %arg10[%get3A_749, %get3A_750] {strides = array<i32>} : memref<32x768xf32, #tpu.memory_space<vmem>>, vector<1x16xf32>,
      %get3A_752 = vector.shape_cast %get3A_751 : vector<1x16xf32> to vector<16xf32>
      %get3A_753 = arith.index_cast %scan3A_159 : i32 to index
      %get3A_754 = arith.constant 672 : index
      %get3A_755 = tpu.vector_load %arg11[%get3A_753, %get3A_754] {strides = array<i32>} : memref<32x768xf32, #tpu.memory_space<vmem>>, vector<1x16xf32>,
      %get3A_756 = vector.shape_cast %get3A_755 : vector<1x16xf32> to vector<16xf32>
      %add3A_757 = arith.addf %get3A_752, %get3A_756 : vector<16xf32>
      %swap3A_758 = arith.index_cast %scan3A_159 : i32 to index
      %swap3A_759 = arith.constant 672 : index
      %swap3A_760 = tpu.vector_load %arg10[%swap3A_758, %swap3A_759] {strides = array<i32>} : memref<32x768xf32, #tpu.memory_space<vmem>>, vector<1x16xf32>,
      %swap3A_761 = vector.shape_cast %swap3A_760 : vector<1x16xf32> to vector<16xf32>
      %swap3A_762 = vector.shape_cast %add3A_757 : vector<16xf32> to vector<1x16xf32>
      tpu.vector_store %arg10[%swap3A_758, %swap3A_759], %swap3A_762 {strides = array<i32>} : memref<32x768xf32, #tpu.memory_space<vmem>>, vector<1x16xf32>,
      %get3A_763 = arith.index_cast %scan3A_159 : i32 to index
      %get3A_764 = arith.constant 688 : index
      %get3A_765 = tpu.vector_load %arg10[%get3A_763, %get3A_764] {strides = array<i32>} : memref<32x768xf32, #tpu.memory_space<vmem>>, vector<1x16xf32>,
      %get3A_766 = vector.shape_cast %get3A_765 : vector<1x16xf32> to vector<16xf32>
      %get3A_767 = arith.index_cast %scan3A_159 : i32 to index
      %get3A_768 = arith.constant 688 : index
      %get3A_769 = tpu.vector_load %arg11[%get3A_767, %get3A_768] {strides = array<i32>} : memref<32x768xf32, #tpu.memory_space<vmem>>, vector<1x16xf32>,
      %get3A_770 = vector.shape_cast %get3A_769 : vector<1x16xf32> to vector<16xf32>
      %add3A_771 = arith.addf %get3A_766, %get3A_770 : vector<16xf32>
      %swap3A_772 = arith.index_cast %scan3A_159 : i32 to index
      %swap3A_773 = arith.constant 688 : index
      %swap3A_774 = tpu.vector_load %arg10[%swap3A_772, %swap3A_773] {strides = array<i32>} : memref<32x768xf32, #tpu.memory_space<vmem>>, vector<1x16xf32>,
      %swap3A_775 = vector.shape_cast %swap3A_774 : vector<1x16xf32> to vector<16xf32>
      %swap3A_776 = vector.shape_cast %add3A_771 : vector<16xf32> to vector<1x16xf32>
      tpu.vector_store %arg10[%swap3A_772, %swap3A_773], %swap3A_776 {strides = array<i32>} : memref<32x768xf32, #tpu.memory_space<vmem>>, vector<1x16xf32>,
      %get3A_777 = arith.index_cast %scan3A_159 : i32 to index
      %get3A_778 = arith.constant 704 : index
      %get3A_779 = tpu.vector_load %arg10[%get3A_777, %get3A_778] {strides = array<i32>} : memref<32x768xf32, #tpu.memory_space<vmem>>, vector<1x16xf32>,
      %get3A_780 = vector.shape_cast %get3A_779 : vector<1x16xf32> to vector<16xf32>
      %get3A_781 = arith.index_cast %scan3A_159 : i32 to index
      %get3A_782 = arith.constant 704 : index
      %get3A_783 = tpu.vector_load %arg11[%get3A_781, %get3A_782] {strides = array<i32>} : memref<32x768xf32, #tpu.memory_space<vmem>>, vector<1x16xf32>,
      %get3A_784 = vector.shape_cast %get3A_783 : vector<1x16xf32> to vector<16xf32>
      %add3A_785 = arith.addf %get3A_780, %get3A_784 : vector<16xf32>
      %swap3A_786 = arith.index_cast %scan3A_159 : i32 to index
      %swap3A_787 = arith.constant 704 : index
      %swap3A_788 = tpu.vector_load %arg10[%swap3A_786, %swap3A_787] {strides = array<i32>} : memref<32x768xf32, #tpu.memory_space<vmem>>, vector<1x16xf32>,
      %swap3A_789 = vector.shape_cast %swap3A_788 : vector<1x16xf32> to vector<16xf32>
      %swap3A_790 = vector.shape_cast %add3A_785 : vector<16xf32> to vector<1x16xf32>
      tpu.vector_store %arg10[%swap3A_786, %swap3A_787], %swap3A_790 {strides = array<i32>} : memref<32x768xf32, #tpu.memory_space<vmem>>, vector<1x16xf32>,
      %get3A_791 = arith.index_cast %scan3A_159 : i32 to index
      %get3A_792 = arith.constant 720 : index
      %get3A_793 = tpu.vector_load %arg10[%get3A_791, %get3A_792] {strides = array<i32>} : memref<32x768xf32, #tpu.memory_space<vmem>>, vector<1x16xf32>,
      %get3A_794 = vector.shape_cast %get3A_793 : vector<1x16xf32> to vector<16xf32>
      %get3A_795 = arith.index_cast %scan3A_159 : i32 to index
      %get3A_796 = arith.constant 720 : index
      %get3A_797 = tpu.vector_load %arg11[%get3A_795, %get3A_796] {strides = array<i32>} : memref<32x768xf32, #tpu.memory_space<vmem>>, vector<1x16xf32>,
      %get3A_798 = vector.shape_cast %get3A_797 : vector<1x16xf32> to vector<16xf32>
      %add3A_799 = arith.addf %get3A_794, %get3A_798 : vector<16xf32>
      %swap3A_800 = arith.index_cast %scan3A_159 : i32 to index
      %swap3A_801 = arith.constant 720 : index
      %swap3A_802 = tpu.vector_load %arg10[%swap3A_800, %swap3A_801] {strides = array<i32>} : memref<32x768xf32, #tpu.memory_space<vmem>>, vector<1x16xf32>,
      %swap3A_803 = vector.shape_cast %swap3A_802 : vector<1x16xf32> to vector<16xf32>
      %swap3A_804 = vector.shape_cast %add3A_799 : vector<16xf32> to vector<1x16xf32>
      tpu.vector_store %arg10[%swap3A_800, %swap3A_801], %swap3A_804 {strides = array<i32>} : memref<32x768xf32, #tpu.memory_space<vmem>>, vector<1x16xf32>,
      %get3A_805 = arith.index_cast %scan3A_159 : i32 to index
      %get3A_806 = arith.constant 736 : index
      %get3A_807 = tpu.vector_load %arg10[%get3A_805, %get3A_806] {strides = array<i32>} : memref<32x768xf32, #tpu.memory_space<vmem>>, vector<1x16xf32>,
      %get3A_808 = vector.shape_cast %get3A_807 : vector<1x16xf32> to vector<16xf32>
      %get3A_809 = arith.index_cast %scan3A_159 : i32 to index
      %get3A_810 = arith.constant 736 : index
      %get3A_811 = tpu.vector_load %arg11[%get3A_809, %get3A_810] {strides = array<i32>} : memref<32x768xf32, #tpu.memory_space<vmem>>, vector<1x16xf32>,
      %get3A_812 = vector.shape_cast %get3A_811 : vector<1x16xf32> to vector<16xf32>
      %add3A_813 = arith.addf %get3A_808, %get3A_812 : vector<16xf32>
      %swap3A_814 = arith.index_cast %scan3A_159 : i32 to index
      %swap3A_815 = arith.constant 736 : index
      %swap3A_816 = tpu.vector_load %arg10[%swap3A_814, %swap3A_815] {strides = array<i32>} : memref<32x768xf32, #tpu.memory_space<vmem>>, vector<1x16xf32>,
      %swap3A_817 = vector.shape_cast %swap3A_816 : vector<1x16xf32> to vector<16xf32>
      %swap3A_818 = vector.shape_cast %add3A_813 : vector<16xf32> to vector<1x16xf32>
      tpu.vector_store %arg10[%swap3A_814, %swap3A_815], %swap3A_818 {strides = array<i32>} : memref<32x768xf32, #tpu.memory_space<vmem>>, vector<1x16xf32>,
      %get3A_819 = arith.index_cast %scan3A_159 : i32 to index
      %get3A_820 = arith.constant 752 : index
      %get3A_821 = tpu.vector_load %arg10[%get3A_819, %get3A_820] {strides = array<i32>} : memref<32x768xf32, #tpu.memory_space<vmem>>, vector<1x16xf32>,
      %get3A_822 = vector.shape_cast %get3A_821 : vector<1x16xf32> to vector<16xf32>
      %get3A_823 = arith.index_cast %scan3A_159 : i32 to index
      %get3A_824 = arith.constant 752 : index
      %get3A_825 = tpu.vector_load %arg11[%get3A_823, %get3A_824] {strides = array<i32>} : memref<32x768xf32, #tpu.memory_space<vmem>>, vector<1x16xf32>,
      %get3A_826 = vector.shape_cast %get3A_825 : vector<1x16xf32> to vector<16xf32>
      %add3A_827 = arith.addf %get3A_822, %get3A_826 : vector<16xf32>
      %swap3A_828 = arith.index_cast %scan3A_159 : i32 to index
      %swap3A_829 = arith.constant 752 : index
      %swap3A_830 = tpu.vector_load %arg10[%swap3A_828, %swap3A_829] {strides = array<i32>} : memref<32x768xf32, #tpu.memory_space<vmem>>, vector<1x16xf32>,
      %swap3A_831 = vector.shape_cast %swap3A_830 : vector<1x16xf32> to vector<16xf32>
      %swap3A_832 = vector.shape_cast %add3A_827 : vector<16xf32> to vector<1x16xf32>
      tpu.vector_store %arg10[%swap3A_828, %swap3A_829], %swap3A_832 {strides = array<i32>} : memref<32x768xf32, #tpu.memory_space<vmem>>, vector<1x16xf32>,
      %scan3A_833 = arith.constant 0 : i32
      scf.yield %scan3A_833 : i32
    }
    %scan3A_65 = arith.constant 32 : i32
    %dma_wait3A_66 = arith.constant 0 : i32
    %dma_wait3A_67 = tpu.memref_slice %arg3[%add3A_4, %dma_wait3A_66] : memref<2048x768xf32, #tpu.memory_space<hbm>> -> memref<32x768xf32, #tpu.memory_space<hbm>>
    %dma_wait3A_68 = arith.constant 0 : i32
    %dma_wait3A_69 = tpu.memref_slice %arg3[%add3A_4, %dma_wait3A_68] : memref<2048x768xf32, #tpu.memory_space<hbm>> -> memref<32x768xf32, #tpu.memory_space<hbm>>
    tpu.wait_dma2 semaphore(%arg15 : memref<!tpu.dma_semaphore, #tpu.memory_space<semaphore_mem>>) src(%dma_wait3A_69 : memref<32x768xf32, #tpu.memory_space<hbm>>) dst(%arg12 : memref<32x768xf32, #tpu.memory_space<vmem>>)
    %scan3A_70 = arith.constant 0 : i32
    %scan3A_71 = arith.constant 0 : i32
    %scan3A_72 = arith.constant 32 : i32
    %scan3A_73 = arith.addi %scan3A_71, %scan3A_72 : i32
    %scan3A_74 = arith.constant 1 : i32
    %scan3A_75 = scf.for %scan3A_159 = %scan3A_71 to %scan3A_73 step %scan3A_74 iter_args(%scan3A_160 = %scan3A_70) -> (i32)  : i32 {
      %get3A_161 = arith.index_cast %scan3A_159 : i32 to index
      %get3A_162 = arith.constant 0 : index
      %get3A_163 = tpu.vector_load %arg10[%get3A_161, %get3A_162] {strides = array<i32>} : memref<32x768xf32, #tpu.memory_space<vmem>>, vector<1x16xf32>,
      %get3A_164 = vector.shape_cast %get3A_163 : vector<1x16xf32> to vector<16xf32>
      %get3A_165 = arith.index_cast %scan3A_159 : i32 to index
      %get3A_166 = arith.constant 0 : index
      %get3A_167 = tpu.vector_load %arg12[%get3A_165, %get3A_166] {strides = array<i32>} : memref<32x768xf32, #tpu.memory_space<vmem>>, vector<1x16xf32>,
      %get3A_168 = vector.shape_cast %get3A_167 : vector<1x16xf32> to vector<16xf32>
      %add3A_169 = arith.addf %get3A_164, %get3A_168 : vector<16xf32>
      %swap3A_170 = arith.index_cast %scan3A_159 : i32 to index
      %swap3A_171 = arith.constant 0 : index
      %swap3A_172 = tpu.vector_load %arg10[%swap3A_170, %swap3A_171] {strides = array<i32>} : memref<32x768xf32, #tpu.memory_space<vmem>>, vector<1x16xf32>,
      %swap3A_173 = vector.shape_cast %swap3A_172 : vector<1x16xf32> to vector<16xf32>
      %swap3A_174 = vector.shape_cast %add3A_169 : vector<16xf32> to vector<1x16xf32>
      tpu.vector_store %arg10[%swap3A_170, %swap3A_171], %swap3A_174 {strides = array<i32>} : memref<32x768xf32, #tpu.memory_space<vmem>>, vector<1x16xf32>,
      %get3A_175 = arith.index_cast %scan3A_159 : i32 to index
      %get3A_176 = arith.constant 16 : index
      %get3A_177 = tpu.vector_load %arg10[%get3A_175, %get3A_176] {strides = array<i32>} : memref<32x768xf32, #tpu.memory_space<vmem>>, vector<1x16xf32>,
      %get3A_178 = vector.shape_cast %get3A_177 : vector<1x16xf32> to vector<16xf32>
      %get3A_179 = arith.index_cast %scan3A_159 : i32 to index
      %get3A_180 = arith.constant 16 : index
      %get3A_181 = tpu.vector_load %arg12[%get3A_179, %get3A_180] {strides = array<i32>} : memref<32x768xf32, #tpu.memory_space<vmem>>, vector<1x16xf32>,
      %get3A_182 = vector.shape_cast %get3A_181 : vector<1x16xf32> to vector<16xf32>
      %add3A_183 = arith.addf %get3A_178, %get3A_182 : vector<16xf32>
      %swap3A_184 = arith.index_cast %scan3A_159 : i32 to index
      %swap3A_185 = arith.constant 16 : index
      %swap3A_186 = tpu.vector_load %arg10[%swap3A_184, %swap3A_185] {strides = array<i32>} : memref<32x768xf32, #tpu.memory_space<vmem>>, vector<1x16xf32>,
      %swap3A_187 = vector.shape_cast %swap3A_186 : vector<1x16xf32> to vector<16xf32>
      %swap3A_188 = vector.shape_cast %add3A_183 : vector<16xf32> to vector<1x16xf32>
      tpu.vector_store %arg10[%swap3A_184, %swap3A_185], %swap3A_188 {strides = array<i32>} : memref<32x768xf32, #tpu.memory_space<vmem>>, vector<1x16xf32>,
      %get3A_189 = arith.index_cast %scan3A_159 : i32 to index
      %get3A_190 = arith.constant 32 : index
      %get3A_191 = tpu.vector_load %arg10[%get3A_189, %get3A_190] {strides = array<i32>} : memref<32x768xf32, #tpu.memory_space<vmem>>, vector<1x16xf32>,
      %get3A_192 = vector.shape_cast %get3A_191 : vector<1x16xf32> to vector<16xf32>
      %get3A_193 = arith.index_cast %scan3A_159 : i32 to index
      %get3A_194 = arith.constant 32 : index
      %get3A_195 = tpu.vector_load %arg12[%get3A_193, %get3A_194] {strides = array<i32>} : memref<32x768xf32, #tpu.memory_space<vmem>>, vector<1x16xf32>,
      %get3A_196 = vector.shape_cast %get3A_195 : vector<1x16xf32> to vector<16xf32>
      %add3A_197 = arith.addf %get3A_192, %get3A_196 : vector<16xf32>
      %swap3A_198 = arith.index_cast %scan3A_159 : i32 to index
      %swap3A_199 = arith.constant 32 : index
      %swap3A_200 = tpu.vector_load %arg10[%swap3A_198, %swap3A_199] {strides = array<i32>} : memref<32x768xf32, #tpu.memory_space<vmem>>, vector<1x16xf32>,
      %swap3A_201 = vector.shape_cast %swap3A_200 : vector<1x16xf32> to vector<16xf32>
      %swap3A_202 = vector.shape_cast %add3A_197 : vector<16xf32> to vector<1x16xf32>
      tpu.vector_store %arg10[%swap3A_198, %swap3A_199], %swap3A_202 {strides = array<i32>} : memref<32x768xf32, #tpu.memory_space<vmem>>, vector<1x16xf32>,
      %get3A_203 = arith.index_cast %scan3A_159 : i32 to index
      %get3A_204 = arith.constant 48 : index
      %get3A_205 = tpu.vector_load %arg10[%get3A_203, %get3A_204] {strides = array<i32>} : memref<32x768xf32, #tpu.memory_space<vmem>>, vector<1x16xf32>,
      %get3A_206 = vector.shape_cast %get3A_205 : vector<1x16xf32> to vector<16xf32>
      %get3A_207 = arith.index_cast %scan3A_159 : i32 to index
      %get3A_208 = arith.constant 48 : index
      %get3A_209 = tpu.vector_load %arg12[%get3A_207, %get3A_208] {strides = array<i32>} : memref<32x768xf32, #tpu.memory_space<vmem>>, vector<1x16xf32>,
      %get3A_210 = vector.shape_cast %get3A_209 : vector<1x16xf32> to vector<16xf32>
      %add3A_211 = arith.addf %get3A_206, %get3A_210 : vector<16xf32>
      %swap3A_212 = arith.index_cast %scan3A_159 : i32 to index
      %swap3A_213 = arith.constant 48 : index
      %swap3A_214 = tpu.vector_load %arg10[%swap3A_212, %swap3A_213] {strides = array<i32>} : memref<32x768xf32, #tpu.memory_space<vmem>>, vector<1x16xf32>,
      %swap3A_215 = vector.shape_cast %swap3A_214 : vector<1x16xf32> to vector<16xf32>
      %swap3A_216 = vector.shape_cast %add3A_211 : vector<16xf32> to vector<1x16xf32>
      tpu.vector_store %arg10[%swap3A_212, %swap3A_213], %swap3A_216 {strides = array<i32>} : memref<32x768xf32, #tpu.memory_space<vmem>>, vector<1x16xf32>,
      %get3A_217 = arith.index_cast %scan3A_159 : i32 to index
      %get3A_218 = arith.constant 64 : index
      %get3A_219 = tpu.vector_load %arg10[%get3A_217, %get3A_218] {strides = array<i32>} : memref<32x768xf32, #tpu.memory_space<vmem>>, vector<1x16xf32>,
      %get3A_220 = vector.shape_cast %get3A_219 : vector<1x16xf32> to vector<16xf32>
      %get3A_221 = arith.index_cast %scan3A_159 : i32 to index
      %get3A_222 = arith.constant 64 : index
      %get3A_223 = tpu.vector_load %arg12[%get3A_221, %get3A_222] {strides = array<i32>} : memref<32x768xf32, #tpu.memory_space<vmem>>, vector<1x16xf32>,
      %get3A_224 = vector.shape_cast %get3A_223 : vector<1x16xf32> to vector<16xf32>
      %add3A_225 = arith.addf %get3A_220, %get3A_224 : vector<16xf32>
      %swap3A_226 = arith.index_cast %scan3A_159 : i32 to index
      %swap3A_227 = arith.constant 64 : index
      %swap3A_228 = tpu.vector_load %arg10[%swap3A_226, %swap3A_227] {strides = array<i32>} : memref<32x768xf32, #tpu.memory_space<vmem>>, vector<1x16xf32>,
      %swap3A_229 = vector.shape_cast %swap3A_228 : vector<1x16xf32> to vector<16xf32>
      %swap3A_230 = vector.shape_cast %add3A_225 : vector<16xf32> to vector<1x16xf32>
      tpu.vector_store %arg10[%swap3A_226, %swap3A_227], %swap3A_230 {strides = array<i32>} : memref<32x768xf32, #tpu.memory_space<vmem>>, vector<1x16xf32>,
      %get3A_231 = arith.index_cast %scan3A_159 : i32 to index
      %get3A_232 = arith.constant 80 : index
      %get3A_233 = tpu.vector_load %arg10[%get3A_231, %get3A_232] {strides = array<i32>} : memref<32x768xf32, #tpu.memory_space<vmem>>, vector<1x16xf32>,
      %get3A_234 = vector.shape_cast %get3A_233 : vector<1x16xf32> to vector<16xf32>
      %get3A_235 = arith.index_cast %scan3A_159 : i32 to index
      %get3A_236 = arith.constant 80 : index
      %get3A_237 = tpu.vector_load %arg12[%get3A_235, %get3A_236] {strides = array<i32>} : memref<32x768xf32, #tpu.memory_space<vmem>>, vector<1x16xf32>,
      %get3A_238 = vector.shape_cast %get3A_237 : vector<1x16xf32> to vector<16xf32>
      %add3A_239 = arith.addf %get3A_234, %get3A_238 : vector<16xf32>
      %swap3A_240 = arith.index_cast %scan3A_159 : i32 to index
      %swap3A_241 = arith.constant 80 : index
      %swap3A_242 = tpu.vector_load %arg10[%swap3A_240, %swap3A_241] {strides = array<i32>} : memref<32x768xf32, #tpu.memory_space<vmem>>, vector<1x16xf32>,
      %swap3A_243 = vector.shape_cast %swap3A_242 : vector<1x16xf32> to vector<16xf32>
      %swap3A_244 = vector.shape_cast %add3A_239 : vector<16xf32> to vector<1x16xf32>
      tpu.vector_store %arg10[%swap3A_240, %swap3A_241], %swap3A_244 {strides = array<i32>} : memref<32x768xf32, #tpu.memory_space<vmem>>, vector<1x16xf32>,
      %get3A_245 = arith.index_cast %scan3A_159 : i32 to index
      %get3A_246 = arith.constant 96 : index
      %get3A_247 = tpu.vector_load %arg10[%get3A_245, %get3A_246] {strides = array<i32>} : memref<32x768xf32, #tpu.memory_space<vmem>>, vector<1x16xf32>,
      %get3A_248 = vector.shape_cast %get3A_247 : vector<1x16xf32> to vector<16xf32>
      %get3A_249 = arith.index_cast %scan3A_159 : i32 to index
      %get3A_250 = arith.constant 96 : index
      %get3A_251 = tpu.vector_load %arg12[%get3A_249, %get3A_250] {strides = array<i32>} : memref<32x768xf32, #tpu.memory_space<vmem>>, vector<1x16xf32>,
      %get3A_252 = vector.shape_cast %get3A_251 : vector<1x16xf32> to vector<16xf32>
      %add3A_253 = arith.addf %get3A_248, %get3A_252 : vector<16xf32>
      %swap3A_254 = arith.index_cast %scan3A_159 : i32 to index
      %swap3A_255 = arith.constant 96 : index
      %swap3A_256 = tpu.vector_load %arg10[%swap3A_254, %swap3A_255] {strides = array<i32>} : memref<32x768xf32, #tpu.memory_space<vmem>>, vector<1x16xf32>,
      %swap3A_257 = vector.shape_cast %swap3A_256 : vector<1x16xf32> to vector<16xf32>
      %swap3A_258 = vector.shape_cast %add3A_253 : vector<16xf32> to vector<1x16xf32>
      tpu.vector_store %arg10[%swap3A_254, %swap3A_255], %swap3A_258 {strides = array<i32>} : memref<32x768xf32, #tpu.memory_space<vmem>>, vector<1x16xf32>,
      %get3A_259 = arith.index_cast %scan3A_159 : i32 to index
      %get3A_260 = arith.constant 112 : index
      %get3A_261 = tpu.vector_load %arg10[%get3A_259, %get3A_260] {strides = array<i32>} : memref<32x768xf32, #tpu.memory_space<vmem>>, vector<1x16xf32>,
      %get3A_262 = vector.shape_cast %get3A_261 : vector<1x16xf32> to vector<16xf32>
      %get3A_263 = arith.index_cast %scan3A_159 : i32 to index
      %get3A_264 = arith.constant 112 : index
      %get3A_265 = tpu.vector_load %arg12[%get3A_263, %get3A_264] {strides = array<i32>} : memref<32x768xf32, #tpu.memory_space<vmem>>, vector<1x16xf32>,
      %get3A_266 = vector.shape_cast %get3A_265 : vector<1x16xf32> to vector<16xf32>
      %add3A_267 = arith.addf %get3A_262, %get3A_266 : vector<16xf32>
      %swap3A_268 = arith.index_cast %scan3A_159 : i32 to index
      %swap3A_269 = arith.constant 112 : index
      %swap3A_270 = tpu.vector_load %arg10[%swap3A_268, %swap3A_269] {strides = array<i32>} : memref<32x768xf32, #tpu.memory_space<vmem>>, vector<1x16xf32>,
      %swap3A_271 = vector.shape_cast %swap3A_270 : vector<1x16xf32> to vector<16xf32>
      %swap3A_272 = vector.shape_cast %add3A_267 : vector<16xf32> to vector<1x16xf32>
      tpu.vector_store %arg10[%swap3A_268, %swap3A_269], %swap3A_272 {strides = array<i32>} : memref<32x768xf32, #tpu.memory_space<vmem>>, vector<1x16xf32>,
      %get3A_273 = arith.index_cast %scan3A_159 : i32 to index
      %get3A_274 = arith.constant 128 : index
      %get3A_275 = tpu.vector_load %arg10[%get3A_273, %get3A_274] {strides = array<i32>} : memref<32x768xf32, #tpu.memory_space<vmem>>, vector<1x16xf32>,
      %get3A_276 = vector.shape_cast %get3A_275 : vector<1x16xf32> to vector<16xf32>
      %get3A_277 = arith.index_cast %scan3A_159 : i32 to index
      %get3A_278 = arith.constant 128 : index
      %get3A_279 = tpu.vector_load %arg12[%get3A_277, %get3A_278] {strides = array<i32>} : memref<32x768xf32, #tpu.memory_space<vmem>>, vector<1x16xf32>,
      %get3A_280 = vector.shape_cast %get3A_279 : vector<1x16xf32> to vector<16xf32>
      %add3A_281 = arith.addf %get3A_276, %get3A_280 : vector<16xf32>
      %swap3A_282 = arith.index_cast %scan3A_159 : i32 to index
      %swap3A_283 = arith.constant 128 : index
      %swap3A_284 = tpu.vector_load %arg10[%swap3A_282, %swap3A_283] {strides = array<i32>} : memref<32x768xf32, #tpu.memory_space<vmem>>, vector<1x16xf32>,
      %swap3A_285 = vector.shape_cast %swap3A_284 : vector<1x16xf32> to vector<16xf32>
      %swap3A_286 = vector.shape_cast %add3A_281 : vector<16xf32> to vector<1x16xf32>
      tpu.vector_store %arg10[%swap3A_282, %swap3A_283], %swap3A_286 {strides = array<i32>} : memref<32x768xf32, #tpu.memory_space<vmem>>, vector<1x16xf32>,
      %get3A_287 = arith.index_cast %scan3A_159 : i32 to index
      %get3A_288 = arith.constant 144 : index
      %get3A_289 = tpu.vector_load %arg10[%get3A_287, %get3A_288] {strides = array<i32>} : memref<32x768xf32, #tpu.memory_space<vmem>>, vector<1x16xf32>,
      %get3A_290 = vector.shape_cast %get3A_289 : vector<1x16xf32> to vector<16xf32>
      %get3A_291 = arith.index_cast %scan3A_159 : i32 to index
      %get3A_292 = arith.constant 144 : index
      %get3A_293 = tpu.vector_load %arg12[%get3A_291, %get3A_292] {strides = array<i32>} : memref<32x768xf32, #tpu.memory_space<vmem>>, vector<1x16xf32>,
      %get3A_294 = vector.shape_cast %get3A_293 : vector<1x16xf32> to vector<16xf32>
      %add3A_295 = arith.addf %get3A_290, %get3A_294 : vector<16xf32>
      %swap3A_296 = arith.index_cast %scan3A_159 : i32 to index
      %swap3A_297 = arith.constant 144 : index
      %swap3A_298 = tpu.vector_load %arg10[%swap3A_296, %swap3A_297] {strides = array<i32>} : memref<32x768xf32, #tpu.memory_space<vmem>>, vector<1x16xf32>,
      %swap3A_299 = vector.shape_cast %swap3A_298 : vector<1x16xf32> to vector<16xf32>
      %swap3A_300 = vector.shape_cast %add3A_295 : vector<16xf32> to vector<1x16xf32>
      tpu.vector_store %arg10[%swap3A_296, %swap3A_297], %swap3A_300 {strides = array<i32>} : memref<32x768xf32, #tpu.memory_space<vmem>>, vector<1x16xf32>,
      %get3A_301 = arith.index_cast %scan3A_159 : i32 to index
      %get3A_302 = arith.constant 160 : index
      %get3A_303 = tpu.vector_load %arg10[%get3A_301, %get3A_302] {strides = array<i32>} : memref<32x768xf32, #tpu.memory_space<vmem>>, vector<1x16xf32>,
      %get3A_304 = vector.shape_cast %get3A_303 : vector<1x16xf32> to vector<16xf32>
      %get3A_305 = arith.index_cast %scan3A_159 : i32 to index
      %get3A_306 = arith.constant 160 : index
      %get3A_307 = tpu.vector_load %arg12[%get3A_305, %get3A_306] {strides = array<i32>} : memref<32x768xf32, #tpu.memory_space<vmem>>, vector<1x16xf32>,
      %get3A_308 = vector.shape_cast %get3A_307 : vector<1x16xf32> to vector<16xf32>
      %add3A_309 = arith.addf %get3A_304, %get3A_308 : vector<16xf32>
      %swap3A_310 = arith.index_cast %scan3A_159 : i32 to index
      %swap3A_311 = arith.constant 160 : index
      %swap3A_312 = tpu.vector_load %arg10[%swap3A_310, %swap3A_311] {strides = array<i32>} : memref<32x768xf32, #tpu.memory_space<vmem>>, vector<1x16xf32>,
      %swap3A_313 = vector.shape_cast %swap3A_312 : vector<1x16xf32> to vector<16xf32>
      %swap3A_314 = vector.shape_cast %add3A_309 : vector<16xf32> to vector<1x16xf32>
      tpu.vector_store %arg10[%swap3A_310, %swap3A_311], %swap3A_314 {strides = array<i32>} : memref<32x768xf32, #tpu.memory_space<vmem>>, vector<1x16xf32>,
      %get3A_315 = arith.index_cast %scan3A_159 : i32 to index
      %get3A_316 = arith.constant 176 : index
      %get3A_317 = tpu.vector_load %arg10[%get3A_315, %get3A_316] {strides = array<i32>} : memref<32x768xf32, #tpu.memory_space<vmem>>, vector<1x16xf32>,
      %get3A_318 = vector.shape_cast %get3A_317 : vector<1x16xf32> to vector<16xf32>
      %get3A_319 = arith.index_cast %scan3A_159 : i32 to index
      %get3A_320 = arith.constant 176 : index
      %get3A_321 = tpu.vector_load %arg12[%get3A_319, %get3A_320] {strides = array<i32>} : memref<32x768xf32, #tpu.memory_space<vmem>>, vector<1x16xf32>,
      %get3A_322 = vector.shape_cast %get3A_321 : vector<1x16xf32> to vector<16xf32>
      %add3A_323 = arith.addf %get3A_318, %get3A_322 : vector<16xf32>
      %swap3A_324 = arith.index_cast %scan3A_159 : i32 to index
      %swap3A_325 = arith.constant 176 : index
      %swap3A_326 = tpu.vector_load %arg10[%swap3A_324, %swap3A_325] {strides = array<i32>} : memref<32x768xf32, #tpu.memory_space<vmem>>, vector<1x16xf32>,
      %swap3A_327 = vector.shape_cast %swap3A_326 : vector<1x16xf32> to vector<16xf32>
      %swap3A_328 = vector.shape_cast %add3A_323 : vector<16xf32> to vector<1x16xf32>
      tpu.vector_store %arg10[%swap3A_324, %swap3A_325], %swap3A_328 {strides = array<i32>} : memref<32x768xf32, #tpu.memory_space<vmem>>, vector<1x16xf32>,
      %get3A_329 = arith.index_cast %scan3A_159 : i32 to index
      %get3A_330 = arith.constant 192 : index
      %get3A_331 = tpu.vector_load %arg10[%get3A_329, %get3A_330] {strides = array<i32>} : memref<32x768xf32, #tpu.memory_space<vmem>>, vector<1x16xf32>,
      %get3A_332 = vector.shape_cast %get3A_331 : vector<1x16xf32> to vector<16xf32>
      %get3A_333 = arith.index_cast %scan3A_159 : i32 to index
      %get3A_334 = arith.constant 192 : index
      %get3A_335 = tpu.vector_load %arg12[%get3A_333, %get3A_334] {strides = array<i32>} : memref<32x768xf32, #tpu.memory_space<vmem>>, vector<1x16xf32>,
      %get3A_336 = vector.shape_cast %get3A_335 : vector<1x16xf32> to vector<16xf32>
      %add3A_337 = arith.addf %get3A_332, %get3A_336 : vector<16xf32>
      %swap3A_338 = arith.index_cast %scan3A_159 : i32 to index
      %swap3A_339 = arith.constant 192 : index
      %swap3A_340 = tpu.vector_load %arg10[%swap3A_338, %swap3A_339] {strides = array<i32>} : memref<32x768xf32, #tpu.memory_space<vmem>>, vector<1x16xf32>,
      %swap3A_341 = vector.shape_cast %swap3A_340 : vector<1x16xf32> to vector<16xf32>
      %swap3A_342 = vector.shape_cast %add3A_337 : vector<16xf32> to vector<1x16xf32>
      tpu.vector_store %arg10[%swap3A_338, %swap3A_339], %swap3A_342 {strides = array<i32>} : memref<32x768xf32, #tpu.memory_space<vmem>>, vector<1x16xf32>,
      %get3A_343 = arith.index_cast %scan3A_159 : i32 to index
      %get3A_344 = arith.constant 208 : index
      %get3A_345 = tpu.vector_load %arg10[%get3A_343, %get3A_344] {strides = array<i32>} : memref<32x768xf32, #tpu.memory_space<vmem>>, vector<1x16xf32>,
      %get3A_346 = vector.shape_cast %get3A_345 : vector<1x16xf32> to vector<16xf32>
      %get3A_347 = arith.index_cast %scan3A_159 : i32 to index
      %get3A_348 = arith.constant 208 : index
      %get3A_349 = tpu.vector_load %arg12[%get3A_347, %get3A_348] {strides = array<i32>} : memref<32x768xf32, #tpu.memory_space<vmem>>, vector<1x16xf32>,
      %get3A_350 = vector.shape_cast %get3A_349 : vector<1x16xf32> to vector<16xf32>
      %add3A_351 = arith.addf %get3A_346, %get3A_350 : vector<16xf32>
      %swap3A_352 = arith.index_cast %scan3A_159 : i32 to index
      %swap3A_353 = arith.constant 208 : index
      %swap3A_354 = tpu.vector_load %arg10[%swap3A_352, %swap3A_353] {strides = array<i32>} : memref<32x768xf32, #tpu.memory_space<vmem>>, vector<1x16xf32>,
      %swap3A_355 = vector.shape_cast %swap3A_354 : vector<1x16xf32> to vector<16xf32>
      %swap3A_356 = vector.shape_cast %add3A_351 : vector<16xf32> to vector<1x16xf32>
      tpu.vector_store %arg10[%swap3A_352, %swap3A_353], %swap3A_356 {strides = array<i32>} : memref<32x768xf32, #tpu.memory_space<vmem>>, vector<1x16xf32>,
      %get3A_357 = arith.index_cast %scan3A_159 : i32 to index
      %get3A_358 = arith.constant 224 : index
      %get3A_359 = tpu.vector_load %arg10[%get3A_357, %get3A_358] {strides = array<i32>} : memref<32x768xf32, #tpu.memory_space<vmem>>, vector<1x16xf32>,
      %get3A_360 = vector.shape_cast %get3A_359 : vector<1x16xf32> to vector<16xf32>
      %get3A_361 = arith.index_cast %scan3A_159 : i32 to index
      %get3A_362 = arith.constant 224 : index
      %get3A_363 = tpu.vector_load %arg12[%get3A_361, %get3A_362] {strides = array<i32>} : memref<32x768xf32, #tpu.memory_space<vmem>>, vector<1x16xf32>,
      %get3A_364 = vector.shape_cast %get3A_363 : vector<1x16xf32> to vector<16xf32>
      %add3A_365 = arith.addf %get3A_360, %get3A_364 : vector<16xf32>
      %swap3A_366 = arith.index_cast %scan3A_159 : i32 to index
      %swap3A_367 = arith.constant 224 : index
      %swap3A_368 = tpu.vector_load %arg10[%swap3A_366, %swap3A_367] {strides = array<i32>} : memref<32x768xf32, #tpu.memory_space<vmem>>, vector<1x16xf32>,
      %swap3A_369 = vector.shape_cast %swap3A_368 : vector<1x16xf32> to vector<16xf32>
      %swap3A_370 = vector.shape_cast %add3A_365 : vector<16xf32> to vector<1x16xf32>
      tpu.vector_store %arg10[%swap3A_366, %swap3A_367], %swap3A_370 {strides = array<i32>} : memref<32x768xf32, #tpu.memory_space<vmem>>, vector<1x16xf32>,
      %get3A_371 = arith.index_cast %scan3A_159 : i32 to index
      %get3A_372 = arith.constant 240 : index
      %get3A_373 = tpu.vector_load %arg10[%get3A_371, %get3A_372] {strides = array<i32>} : memref<32x768xf32, #tpu.memory_space<vmem>>, vector<1x16xf32>,
      %get3A_374 = vector.shape_cast %get3A_373 : vector<1x16xf32> to vector<16xf32>
      %get3A_375 = arith.index_cast %scan3A_159 : i32 to index
      %get3A_376 = arith.constant 240 : index
      %get3A_377 = tpu.vector_load %arg12[%get3A_375, %get3A_376] {strides = array<i32>} : memref<32x768xf32, #tpu.memory_space<vmem>>, vector<1x16xf32>,
      %get3A_378 = vector.shape_cast %get3A_377 : vector<1x16xf32> to vector<16xf32>
      %add3A_379 = arith.addf %get3A_374, %get3A_378 : vector<16xf32>
      %swap3A_380 = arith.index_cast %scan3A_159 : i32 to index
      %swap3A_381 = arith.constant 240 : index
      %swap3A_382 = tpu.vector_load %arg10[%swap3A_380, %swap3A_381] {strides = array<i32>} : memref<32x768xf32, #tpu.memory_space<vmem>>, vector<1x16xf32>,
      %swap3A_383 = vector.shape_cast %swap3A_382 : vector<1x16xf32> to vector<16xf32>
      %swap3A_384 = vector.shape_cast %add3A_379 : vector<16xf32> to vector<1x16xf32>
      tpu.vector_store %arg10[%swap3A_380, %swap3A_381], %swap3A_384 {strides = array<i32>} : memref<32x768xf32, #tpu.memory_space<vmem>>, vector<1x16xf32>,
      %get3A_385 = arith.index_cast %scan3A_159 : i32 to index
      %get3A_386 = arith.constant 256 : index
      %get3A_387 = tpu.vector_load %arg10[%get3A_385, %get3A_386] {strides = array<i32>} : memref<32x768xf32, #tpu.memory_space<vmem>>, vector<1x16xf32>,
      %get3A_388 = vector.shape_cast %get3A_387 : vector<1x16xf32> to vector<16xf32>
      %get3A_389 = arith.index_cast %scan3A_159 : i32 to index
      %get3A_390 = arith.constant 256 : index
      %get3A_391 = tpu.vector_load %arg12[%get3A_389, %get3A_390] {strides = array<i32>} : memref<32x768xf32, #tpu.memory_space<vmem>>, vector<1x16xf32>,
      %get3A_392 = vector.shape_cast %get3A_391 : vector<1x16xf32> to vector<16xf32>
      %add3A_393 = arith.addf %get3A_388, %get3A_392 : vector<16xf32>
      %swap3A_394 = arith.index_cast %scan3A_159 : i32 to index
      %swap3A_395 = arith.constant 256 : index
      %swap3A_396 = tpu.vector_load %arg10[%swap3A_394, %swap3A_395] {strides = array<i32>} : memref<32x768xf32, #tpu.memory_space<vmem>>, vector<1x16xf32>,
      %swap3A_397 = vector.shape_cast %swap3A_396 : vector<1x16xf32> to vector<16xf32>
      %swap3A_398 = vector.shape_cast %add3A_393 : vector<16xf32> to vector<1x16xf32>
      tpu.vector_store %arg10[%swap3A_394, %swap3A_395], %swap3A_398 {strides = array<i32>} : memref<32x768xf32, #tpu.memory_space<vmem>>, vector<1x16xf32>,
      %get3A_399 = arith.index_cast %scan3A_159 : i32 to index
      %get3A_400 = arith.constant 272 : index
      %get3A_401 = tpu.vector_load %arg10[%get3A_399, %get3A_400] {strides = array<i32>} : memref<32x768xf32, #tpu.memory_space<vmem>>, vector<1x16xf32>,
      %get3A_402 = vector.shape_cast %get3A_401 : vector<1x16xf32> to vector<16xf32>
      %get3A_403 = arith.index_cast %scan3A_159 : i32 to index
      %get3A_404 = arith.constant 272 : index
      %get3A_405 = tpu.vector_load %arg12[%get3A_403, %get3A_404] {strides = array<i32>} : memref<32x768xf32, #tpu.memory_space<vmem>>, vector<1x16xf32>,
      %get3A_406 = vector.shape_cast %get3A_405 : vector<1x16xf32> to vector<16xf32>
      %add3A_407 = arith.addf %get3A_402, %get3A_406 : vector<16xf32>
      %swap3A_408 = arith.index_cast %scan3A_159 : i32 to index
      %swap3A_409 = arith.constant 272 : index
      %swap3A_410 = tpu.vector_load %arg10[%swap3A_408, %swap3A_409] {strides = array<i32>} : memref<32x768xf32, #tpu.memory_space<vmem>>, vector<1x16xf32>,
      %swap3A_411 = vector.shape_cast %swap3A_410 : vector<1x16xf32> to vector<16xf32>
      %swap3A_412 = vector.shape_cast %add3A_407 : vector<16xf32> to vector<1x16xf32>
      tpu.vector_store %arg10[%swap3A_408, %swap3A_409], %swap3A_412 {strides = array<i32>} : memref<32x768xf32, #tpu.memory_space<vmem>>, vector<1x16xf32>,
      %get3A_413 = arith.index_cast %scan3A_159 : i32 to index
      %get3A_414 = arith.constant 288 : index
      %get3A_415 = tpu.vector_load %arg10[%get3A_413, %get3A_414] {strides = array<i32>} : memref<32x768xf32, #tpu.memory_space<vmem>>, vector<1x16xf32>,
      %get3A_416 = vector.shape_cast %get3A_415 : vector<1x16xf32> to vector<16xf32>
      %get3A_417 = arith.index_cast %scan3A_159 : i32 to index
      %get3A_418 = arith.constant 288 : index
      %get3A_419 = tpu.vector_load %arg12[%get3A_417, %get3A_418] {strides = array<i32>} : memref<32x768xf32, #tpu.memory_space<vmem>>, vector<1x16xf32>,
      %get3A_420 = vector.shape_cast %get3A_419 : vector<1x16xf32> to vector<16xf32>
      %add3A_421 = arith.addf %get3A_416, %get3A_420 : vector<16xf32>
      %swap3A_422 = arith.index_cast %scan3A_159 : i32 to index
      %swap3A_423 = arith.constant 288 : index
      %swap3A_424 = tpu.vector_load %arg10[%swap3A_422, %swap3A_423] {strides = array<i32>} : memref<32x768xf32, #tpu.memory_space<vmem>>, vector<1x16xf32>,
      %swap3A_425 = vector.shape_cast %swap3A_424 : vector<1x16xf32> to vector<16xf32>
      %swap3A_426 = vector.shape_cast %add3A_421 : vector<16xf32> to vector<1x16xf32>
      tpu.vector_store %arg10[%swap3A_422, %swap3A_423], %swap3A_426 {strides = array<i32>} : memref<32x768xf32, #tpu.memory_space<vmem>>, vector<1x16xf32>,
      %get3A_427 = arith.index_cast %scan3A_159 : i32 to index
      %get3A_428 = arith.constant 304 : index
      %get3A_429 = tpu.vector_load %arg10[%get3A_427, %get3A_428] {strides = array<i32>} : memref<32x768xf32, #tpu.memory_space<vmem>>, vector<1x16xf32>,
      %get3A_430 = vector.shape_cast %get3A_429 : vector<1x16xf32> to vector<16xf32>
      %get3A_431 = arith.index_cast %scan3A_159 : i32 to index
      %get3A_432 = arith.constant 304 : index
      %get3A_433 = tpu.vector_load %arg12[%get3A_431, %get3A_432] {strides = array<i32>} : memref<32x768xf32, #tpu.memory_space<vmem>>, vector<1x16xf32>,
      %get3A_434 = vector.shape_cast %get3A_433 : vector<1x16xf32> to vector<16xf32>
      %add3A_435 = arith.addf %get3A_430, %get3A_434 : vector<16xf32>
      %swap3A_436 = arith.index_cast %scan3A_159 : i32 to index
      %swap3A_437 = arith.constant 304 : index
      %swap3A_438 = tpu.vector_load %arg10[%swap3A_436, %swap3A_437] {strides = array<i32>} : memref<32x768xf32, #tpu.memory_space<vmem>>, vector<1x16xf32>,
      %swap3A_439 = vector.shape_cast %swap3A_438 : vector<1x16xf32> to vector<16xf32>
      %swap3A_440 = vector.shape_cast %add3A_435 : vector<16xf32> to vector<1x16xf32>
      tpu.vector_store %arg10[%swap3A_436, %swap3A_437], %swap3A_440 {strides = array<i32>} : memref<32x768xf32, #tpu.memory_space<vmem>>, vector<1x16xf32>,
      %get3A_441 = arith.index_cast %scan3A_159 : i32 to index
      %get3A_442 = arith.constant 320 : index
      %get3A_443 = tpu.vector_load %arg10[%get3A_441, %get3A_442] {strides = array<i32>} : memref<32x768xf32, #tpu.memory_space<vmem>>, vector<1x16xf32>,
      %get3A_444 = vector.shape_cast %get3A_443 : vector<1x16xf32> to vector<16xf32>
      %get3A_445 = arith.index_cast %scan3A_159 : i32 to index
      %get3A_446 = arith.constant 320 : index
      %get3A_447 = tpu.vector_load %arg12[%get3A_445, %get3A_446] {strides = array<i32>} : memref<32x768xf32, #tpu.memory_space<vmem>>, vector<1x16xf32>,
      %get3A_448 = vector.shape_cast %get3A_447 : vector<1x16xf32> to vector<16xf32>
      %add3A_449 = arith.addf %get3A_444, %get3A_448 : vector<16xf32>
      %swap3A_450 = arith.index_cast %scan3A_159 : i32 to index
      %swap3A_451 = arith.constant 320 : index
      %swap3A_452 = tpu.vector_load %arg10[%swap3A_450, %swap3A_451] {strides = array<i32>} : memref<32x768xf32, #tpu.memory_space<vmem>>, vector<1x16xf32>,
      %swap3A_453 = vector.shape_cast %swap3A_452 : vector<1x16xf32> to vector<16xf32>
      %swap3A_454 = vector.shape_cast %add3A_449 : vector<16xf32> to vector<1x16xf32>
      tpu.vector_store %arg10[%swap3A_450, %swap3A_451], %swap3A_454 {strides = array<i32>} : memref<32x768xf32, #tpu.memory_space<vmem>>, vector<1x16xf32>,
      %get3A_455 = arith.index_cast %scan3A_159 : i32 to index
      %get3A_456 = arith.constant 336 : index
      %get3A_457 = tpu.vector_load %arg10[%get3A_455, %get3A_456] {strides = array<i32>} : memref<32x768xf32, #tpu.memory_space<vmem>>, vector<1x16xf32>,
      %get3A_458 = vector.shape_cast %get3A_457 : vector<1x16xf32> to vector<16xf32>
      %get3A_459 = arith.index_cast %scan3A_159 : i32 to index
      %get3A_460 = arith.constant 336 : index
      %get3A_461 = tpu.vector_load %arg12[%get3A_459, %get3A_460] {strides = array<i32>} : memref<32x768xf32, #tpu.memory_space<vmem>>, vector<1x16xf32>,
      %get3A_462 = vector.shape_cast %get3A_461 : vector<1x16xf32> to vector<16xf32>
      %add3A_463 = arith.addf %get3A_458, %get3A_462 : vector<16xf32>
      %swap3A_464 = arith.index_cast %scan3A_159 : i32 to index
      %swap3A_465 = arith.constant 336 : index
      %swap3A_466 = tpu.vector_load %arg10[%swap3A_464, %swap3A_465] {strides = array<i32>} : memref<32x768xf32, #tpu.memory_space<vmem>>, vector<1x16xf32>,
      %swap3A_467 = vector.shape_cast %swap3A_466 : vector<1x16xf32> to vector<16xf32>
      %swap3A_468 = vector.shape_cast %add3A_463 : vector<16xf32> to vector<1x16xf32>
      tpu.vector_store %arg10[%swap3A_464, %swap3A_465], %swap3A_468 {strides = array<i32>} : memref<32x768xf32, #tpu.memory_space<vmem>>, vector<1x16xf32>,
      %get3A_469 = arith.index_cast %scan3A_159 : i32 to index
      %get3A_470 = arith.constant 352 : index
      %get3A_471 = tpu.vector_load %arg10[%get3A_469, %get3A_470] {strides = array<i32>} : memref<32x768xf32, #tpu.memory_space<vmem>>, vector<1x16xf32>,
      %get3A_472 = vector.shape_cast %get3A_471 : vector<1x16xf32> to vector<16xf32>
      %get3A_473 = arith.index_cast %scan3A_159 : i32 to index
      %get3A_474 = arith.constant 352 : index
      %get3A_475 = tpu.vector_load %arg12[%get3A_473, %get3A_474] {strides = array<i32>} : memref<32x768xf32, #tpu.memory_space<vmem>>, vector<1x16xf32>,
      %get3A_476 = vector.shape_cast %get3A_475 : vector<1x16xf32> to vector<16xf32>
      %add3A_477 = arith.addf %get3A_472, %get3A_476 : vector<16xf32>
      %swap3A_478 = arith.index_cast %scan3A_159 : i32 to index
      %swap3A_479 = arith.constant 352 : index
      %swap3A_480 = tpu.vector_load %arg10[%swap3A_478, %swap3A_479] {strides = array<i32>} : memref<32x768xf32, #tpu.memory_space<vmem>>, vector<1x16xf32>,
      %swap3A_481 = vector.shape_cast %swap3A_480 : vector<1x16xf32> to vector<16xf32>
      %swap3A_482 = vector.shape_cast %add3A_477 : vector<16xf32> to vector<1x16xf32>
      tpu.vector_store %arg10[%swap3A_478, %swap3A_479], %swap3A_482 {strides = array<i32>} : memref<32x768xf32, #tpu.memory_space<vmem>>, vector<1x16xf32>,
      %get3A_483 = arith.index_cast %scan3A_159 : i32 to index
      %get3A_484 = arith.constant 368 : index
      %get3A_485 = tpu.vector_load %arg10[%get3A_483, %get3A_484] {strides = array<i32>} : memref<32x768xf32, #tpu.memory_space<vmem>>, vector<1x16xf32>,
      %get3A_486 = vector.shape_cast %get3A_485 : vector<1x16xf32> to vector<16xf32>
      %get3A_487 = arith.index_cast %scan3A_159 : i32 to index
      %get3A_488 = arith.constant 368 : index
      %get3A_489 = tpu.vector_load %arg12[%get3A_487, %get3A_488] {strides = array<i32>} : memref<32x768xf32, #tpu.memory_space<vmem>>, vector<1x16xf32>,
      %get3A_490 = vector.shape_cast %get3A_489 : vector<1x16xf32> to vector<16xf32>
      %add3A_491 = arith.addf %get3A_486, %get3A_490 : vector<16xf32>
      %swap3A_492 = arith.index_cast %scan3A_159 : i32 to index
      %swap3A_493 = arith.constant 368 : index
      %swap3A_494 = tpu.vector_load %arg10[%swap3A_492, %swap3A_493] {strides = array<i32>} : memref<32x768xf32, #tpu.memory_space<vmem>>, vector<1x16xf32>,
      %swap3A_495 = vector.shape_cast %swap3A_494 : vector<1x16xf32> to vector<16xf32>
      %swap3A_496 = vector.shape_cast %add3A_491 : vector<16xf32> to vector<1x16xf32>
      tpu.vector_store %arg10[%swap3A_492, %swap3A_493], %swap3A_496 {strides = array<i32>} : memref<32x768xf32, #tpu.memory_space<vmem>>, vector<1x16xf32>,
      %get3A_497 = arith.index_cast %scan3A_159 : i32 to index
      %get3A_498 = arith.constant 384 : index
      %get3A_499 = tpu.vector_load %arg10[%get3A_497, %get3A_498] {strides = array<i32>} : memref<32x768xf32, #tpu.memory_space<vmem>>, vector<1x16xf32>,
      %get3A_500 = vector.shape_cast %get3A_499 : vector<1x16xf32> to vector<16xf32>
      %get3A_501 = arith.index_cast %scan3A_159 : i32 to index
      %get3A_502 = arith.constant 384 : index
      %get3A_503 = tpu.vector_load %arg12[%get3A_501, %get3A_502] {strides = array<i32>} : memref<32x768xf32, #tpu.memory_space<vmem>>, vector<1x16xf32>,
      %get3A_504 = vector.shape_cast %get3A_503 : vector<1x16xf32> to vector<16xf32>
      %add3A_505 = arith.addf %get3A_500, %get3A_504 : vector<16xf32>
      %swap3A_506 = arith.index_cast %scan3A_159 : i32 to index
      %swap3A_507 = arith.constant 384 : index
      %swap3A_508 = tpu.vector_load %arg10[%swap3A_506, %swap3A_507] {strides = array<i32>} : memref<32x768xf32, #tpu.memory_space<vmem>>, vector<1x16xf32>,
      %swap3A_509 = vector.shape_cast %swap3A_508 : vector<1x16xf32> to vector<16xf32>
      %swap3A_510 = vector.shape_cast %add3A_505 : vector<16xf32> to vector<1x16xf32>
      tpu.vector_store %arg10[%swap3A_506, %swap3A_507], %swap3A_510 {strides = array<i32>} : memref<32x768xf32, #tpu.memory_space<vmem>>, vector<1x16xf32>,
      %get3A_511 = arith.index_cast %scan3A_159 : i32 to index
      %get3A_512 = arith.constant 400 : index
      %get3A_513 = tpu.vector_load %arg10[%get3A_511, %get3A_512] {strides = array<i32>} : memref<32x768xf32, #tpu.memory_space<vmem>>, vector<1x16xf32>,
      %get3A_514 = vector.shape_cast %get3A_513 : vector<1x16xf32> to vector<16xf32>
      %get3A_515 = arith.index_cast %scan3A_159 : i32 to index
      %get3A_516 = arith.constant 400 : index
      %get3A_517 = tpu.vector_load %arg12[%get3A_515, %get3A_516] {strides = array<i32>} : memref<32x768xf32, #tpu.memory_space<vmem>>, vector<1x16xf32>,
      %get3A_518 = vector.shape_cast %get3A_517 : vector<1x16xf32> to vector<16xf32>
      %add3A_519 = arith.addf %get3A_514, %get3A_518 : vector<16xf32>
      %swap3A_520 = arith.index_cast %scan3A_159 : i32 to index
      %swap3A_521 = arith.constant 400 : index
      %swap3A_522 = tpu.vector_load %arg10[%swap3A_520, %swap3A_521] {strides = array<i32>} : memref<32x768xf32, #tpu.memory_space<vmem>>, vector<1x16xf32>,
      %swap3A_523 = vector.shape_cast %swap3A_522 : vector<1x16xf32> to vector<16xf32>
      %swap3A_524 = vector.shape_cast %add3A_519 : vector<16xf32> to vector<1x16xf32>
      tpu.vector_store %arg10[%swap3A_520, %swap3A_521], %swap3A_524 {strides = array<i32>} : memref<32x768xf32, #tpu.memory_space<vmem>>, vector<1x16xf32>,
      %get3A_525 = arith.index_cast %scan3A_159 : i32 to index
      %get3A_526 = arith.constant 416 : index
      %get3A_527 = tpu.vector_load %arg10[%get3A_525, %get3A_526] {strides = array<i32>} : memref<32x768xf32, #tpu.memory_space<vmem>>, vector<1x16xf32>,
      %get3A_528 = vector.shape_cast %get3A_527 : vector<1x16xf32> to vector<16xf32>
      %get3A_529 = arith.index_cast %scan3A_159 : i32 to index
      %get3A_530 = arith.constant 416 : index
      %get3A_531 = tpu.vector_load %arg12[%get3A_529, %get3A_530] {strides = array<i32>} : memref<32x768xf32, #tpu.memory_space<vmem>>, vector<1x16xf32>,
      %get3A_532 = vector.shape_cast %get3A_531 : vector<1x16xf32> to vector<16xf32>
      %add3A_533 = arith.addf %get3A_528, %get3A_532 : vector<16xf32>
      %swap3A_534 = arith.index_cast %scan3A_159 : i32 to index
      %swap3A_535 = arith.constant 416 : index
      %swap3A_536 = tpu.vector_load %arg10[%swap3A_534, %swap3A_535] {strides = array<i32>} : memref<32x768xf32, #tpu.memory_space<vmem>>, vector<1x16xf32>,
      %swap3A_537 = vector.shape_cast %swap3A_536 : vector<1x16xf32> to vector<16xf32>
      %swap3A_538 = vector.shape_cast %add3A_533 : vector<16xf32> to vector<1x16xf32>
      tpu.vector_store %arg10[%swap3A_534, %swap3A_535], %swap3A_538 {strides = array<i32>} : memref<32x768xf32, #tpu.memory_space<vmem>>, vector<1x16xf32>,
      %get3A_539 = arith.index_cast %scan3A_159 : i32 to index
      %get3A_540 = arith.constant 432 : index
      %get3A_541 = tpu.vector_load %arg10[%get3A_539, %get3A_540] {strides = array<i32>} : memref<32x768xf32, #tpu.memory_space<vmem>>, vector<1x16xf32>,
      %get3A_542 = vector.shape_cast %get3A_541 : vector<1x16xf32> to vector<16xf32>
      %get3A_543 = arith.index_cast %scan3A_159 : i32 to index
      %get3A_544 = arith.constant 432 : index
      %get3A_545 = tpu.vector_load %arg12[%get3A_543, %get3A_544] {strides = array<i32>} : memref<32x768xf32, #tpu.memory_space<vmem>>, vector<1x16xf32>,
      %get3A_546 = vector.shape_cast %get3A_545 : vector<1x16xf32> to vector<16xf32>
      %add3A_547 = arith.addf %get3A_542, %get3A_546 : vector<16xf32>
      %swap3A_548 = arith.index_cast %scan3A_159 : i32 to index
      %swap3A_549 = arith.constant 432 : index
      %swap3A_550 = tpu.vector_load %arg10[%swap3A_548, %swap3A_549] {strides = array<i32>} : memref<32x768xf32, #tpu.memory_space<vmem>>, vector<1x16xf32>,
      %swap3A_551 = vector.shape_cast %swap3A_550 : vector<1x16xf32> to vector<16xf32>
      %swap3A_552 = vector.shape_cast %add3A_547 : vector<16xf32> to vector<1x16xf32>
      tpu.vector_store %arg10[%swap3A_548, %swap3A_549], %swap3A_552 {strides = array<i32>} : memref<32x768xf32, #tpu.memory_space<vmem>>, vector<1x16xf32>,
      %get3A_553 = arith.index_cast %scan3A_159 : i32 to index
      %get3A_554 = arith.constant 448 : index
      %get3A_555 = tpu.vector_load %arg10[%get3A_553, %get3A_554] {strides = array<i32>} : memref<32x768xf32, #tpu.memory_space<vmem>>, vector<1x16xf32>,
      %get3A_556 = vector.shape_cast %get3A_555 : vector<1x16xf32> to vector<16xf32>
      %get3A_557 = arith.index_cast %scan3A_159 : i32 to index
      %get3A_558 = arith.constant 448 : index
      %get3A_559 = tpu.vector_load %arg12[%get3A_557, %get3A_558] {strides = array<i32>} : memref<32x768xf32, #tpu.memory_space<vmem>>, vector<1x16xf32>,
      %get3A_560 = vector.shape_cast %get3A_559 : vector<1x16xf32> to vector<16xf32>
      %add3A_561 = arith.addf %get3A_556, %get3A_560 : vector<16xf32>
      %swap3A_562 = arith.index_cast %scan3A_159 : i32 to index
      %swap3A_563 = arith.constant 448 : index
      %swap3A_564 = tpu.vector_load %arg10[%swap3A_562, %swap3A_563] {strides = array<i32>} : memref<32x768xf32, #tpu.memory_space<vmem>>, vector<1x16xf32>,
      %swap3A_565 = vector.shape_cast %swap3A_564 : vector<1x16xf32> to vector<16xf32>
      %swap3A_566 = vector.shape_cast %add3A_561 : vector<16xf32> to vector<1x16xf32>
      tpu.vector_store %arg10[%swap3A_562, %swap3A_563], %swap3A_566 {strides = array<i32>} : memref<32x768xf32, #tpu.memory_space<vmem>>, vector<1x16xf32>,
      %get3A_567 = arith.index_cast %scan3A_159 : i32 to index
      %get3A_568 = arith.constant 464 : index
      %get3A_569 = tpu.vector_load %arg10[%get3A_567, %get3A_568] {strides = array<i32>} : memref<32x768xf32, #tpu.memory_space<vmem>>, vector<1x16xf32>,
      %get3A_570 = vector.shape_cast %get3A_569 : vector<1x16xf32> to vector<16xf32>
      %get3A_571 = arith.index_cast %scan3A_159 : i32 to index
      %get3A_572 = arith.constant 464 : index
      %get3A_573 = tpu.vector_load %arg12[%get3A_571, %get3A_572] {strides = array<i32>} : memref<32x768xf32, #tpu.memory_space<vmem>>, vector<1x16xf32>,
      %get3A_574 = vector.shape_cast %get3A_573 : vector<1x16xf32> to vector<16xf32>
      %add3A_575 = arith.addf %get3A_570, %get3A_574 : vector<16xf32>
      %swap3A_576 = arith.index_cast %scan3A_159 : i32 to index
      %swap3A_577 = arith.constant 464 : index
      %swap3A_578 = tpu.vector_load %arg10[%swap3A_576, %swap3A_577] {strides = array<i32>} : memref<32x768xf32, #tpu.memory_space<vmem>>, vector<1x16xf32>,
      %swap3A_579 = vector.shape_cast %swap3A_578 : vector<1x16xf32> to vector<16xf32>
      %swap3A_580 = vector.shape_cast %add3A_575 : vector<16xf32> to vector<1x16xf32>
      tpu.vector_store %arg10[%swap3A_576, %swap3A_577], %swap3A_580 {strides = array<i32>} : memref<32x768xf32, #tpu.memory_space<vmem>>, vector<1x16xf32>,
      %get3A_581 = arith.index_cast %scan3A_159 : i32 to index
      %get3A_582 = arith.constant 480 : index
      %get3A_583 = tpu.vector_load %arg10[%get3A_581, %get3A_582] {strides = array<i32>} : memref<32x768xf32, #tpu.memory_space<vmem>>, vector<1x16xf32>,
      %get3A_584 = vector.shape_cast %get3A_583 : vector<1x16xf32> to vector<16xf32>
      %get3A_585 = arith.index_cast %scan3A_159 : i32 to index
      %get3A_586 = arith.constant 480 : index
      %get3A_587 = tpu.vector_load %arg12[%get3A_585, %get3A_586] {strides = array<i32>} : memref<32x768xf32, #tpu.memory_space<vmem>>, vector<1x16xf32>,
      %get3A_588 = vector.shape_cast %get3A_587 : vector<1x16xf32> to vector<16xf32>
      %add3A_589 = arith.addf %get3A_584, %get3A_588 : vector<16xf32>
      %swap3A_590 = arith.index_cast %scan3A_159 : i32 to index
      %swap3A_591 = arith.constant 480 : index
      %swap3A_592 = tpu.vector_load %arg10[%swap3A_590, %swap3A_591] {strides = array<i32>} : memref<32x768xf32, #tpu.memory_space<vmem>>, vector<1x16xf32>,
      %swap3A_593 = vector.shape_cast %swap3A_592 : vector<1x16xf32> to vector<16xf32>
      %swap3A_594 = vector.shape_cast %add3A_589 : vector<16xf32> to vector<1x16xf32>
      tpu.vector_store %arg10[%swap3A_590, %swap3A_591], %swap3A_594 {strides = array<i32>} : memref<32x768xf32, #tpu.memory_space<vmem>>, vector<1x16xf32>,
      %get3A_595 = arith.index_cast %scan3A_159 : i32 to index
      %get3A_596 = arith.constant 496 : index
      %get3A_597 = tpu.vector_load %arg10[%get3A_595, %get3A_596] {strides = array<i32>} : memref<32x768xf32, #tpu.memory_space<vmem>>, vector<1x16xf32>,
      %get3A_598 = vector.shape_cast %get3A_597 : vector<1x16xf32> to vector<16xf32>
      %get3A_599 = arith.index_cast %scan3A_159 : i32 to index
      %get3A_600 = arith.constant 496 : index
      %get3A_601 = tpu.vector_load %arg12[%get3A_599, %get3A_600] {strides = array<i32>} : memref<32x768xf32, #tpu.memory_space<vmem>>, vector<1x16xf32>,
      %get3A_602 = vector.shape_cast %get3A_601 : vector<1x16xf32> to vector<16xf32>
      %add3A_603 = arith.addf %get3A_598, %get3A_602 : vector<16xf32>
      %swap3A_604 = arith.index_cast %scan3A_159 : i32 to index
      %swap3A_605 = arith.constant 496 : index
      %swap3A_606 = tpu.vector_load %arg10[%swap3A_604, %swap3A_605] {strides = array<i32>} : memref<32x768xf32, #tpu.memory_space<vmem>>, vector<1x16xf32>,
      %swap3A_607 = vector.shape_cast %swap3A_606 : vector<1x16xf32> to vector<16xf32>
      %swap3A_608 = vector.shape_cast %add3A_603 : vector<16xf32> to vector<1x16xf32>
      tpu.vector_store %arg10[%swap3A_604, %swap3A_605], %swap3A_608 {strides = array<i32>} : memref<32x768xf32, #tpu.memory_space<vmem>>, vector<1x16xf32>,
      %get3A_609 = arith.index_cast %scan3A_159 : i32 to index
      %get3A_610 = arith.constant 512 : index
      %get3A_611 = tpu.vector_load %arg10[%get3A_609, %get3A_610] {strides = array<i32>} : memref<32x768xf32, #tpu.memory_space<vmem>>, vector<1x16xf32>,
      %get3A_612 = vector.shape_cast %get3A_611 : vector<1x16xf32> to vector<16xf32>
      %get3A_613 = arith.index_cast %scan3A_159 : i32 to index
      %get3A_614 = arith.constant 512 : index
      %get3A_615 = tpu.vector_load %arg12[%get3A_613, %get3A_614] {strides = array<i32>} : memref<32x768xf32, #tpu.memory_space<vmem>>, vector<1x16xf32>,
      %get3A_616 = vector.shape_cast %get3A_615 : vector<1x16xf32> to vector<16xf32>
      %add3A_617 = arith.addf %get3A_612, %get3A_616 : vector<16xf32>
      %swap3A_618 = arith.index_cast %scan3A_159 : i32 to index
      %swap3A_619 = arith.constant 512 : index
      %swap3A_620 = tpu.vector_load %arg10[%swap3A_618, %swap3A_619] {strides = array<i32>} : memref<32x768xf32, #tpu.memory_space<vmem>>, vector<1x16xf32>,
      %swap3A_621 = vector.shape_cast %swap3A_620 : vector<1x16xf32> to vector<16xf32>
      %swap3A_622 = vector.shape_cast %add3A_617 : vector<16xf32> to vector<1x16xf32>
      tpu.vector_store %arg10[%swap3A_618, %swap3A_619], %swap3A_622 {strides = array<i32>} : memref<32x768xf32, #tpu.memory_space<vmem>>, vector<1x16xf32>,
      %get3A_623 = arith.index_cast %scan3A_159 : i32 to index
      %get3A_624 = arith.constant 528 : index
      %get3A_625 = tpu.vector_load %arg10[%get3A_623, %get3A_624] {strides = array<i32>} : memref<32x768xf32, #tpu.memory_space<vmem>>, vector<1x16xf32>,
      %get3A_626 = vector.shape_cast %get3A_625 : vector<1x16xf32> to vector<16xf32>
      %get3A_627 = arith.index_cast %scan3A_159 : i32 to index
      %get3A_628 = arith.constant 528 : index
      %get3A_629 = tpu.vector_load %arg12[%get3A_627, %get3A_628] {strides = array<i32>} : memref<32x768xf32, #tpu.memory_space<vmem>>, vector<1x16xf32>,
      %get3A_630 = vector.shape_cast %get3A_629 : vector<1x16xf32> to vector<16xf32>
      %add3A_631 = arith.addf %get3A_626, %get3A_630 : vector<16xf32>
      %swap3A_632 = arith.index_cast %scan3A_159 : i32 to index
      %swap3A_633 = arith.constant 528 : index
      %swap3A_634 = tpu.vector_load %arg10[%swap3A_632, %swap3A_633] {strides = array<i32>} : memref<32x768xf32, #tpu.memory_space<vmem>>, vector<1x16xf32>,
      %swap3A_635 = vector.shape_cast %swap3A_634 : vector<1x16xf32> to vector<16xf32>
      %swap3A_636 = vector.shape_cast %add3A_631 : vector<16xf32> to vector<1x16xf32>
      tpu.vector_store %arg10[%swap3A_632, %swap3A_633], %swap3A_636 {strides = array<i32>} : memref<32x768xf32, #tpu.memory_space<vmem>>, vector<1x16xf32>,
      %get3A_637 = arith.index_cast %scan3A_159 : i32 to index
      %get3A_638 = arith.constant 544 : index
      %get3A_639 = tpu.vector_load %arg10[%get3A_637, %get3A_638] {strides = array<i32>} : memref<32x768xf32, #tpu.memory_space<vmem>>, vector<1x16xf32>,
      %get3A_640 = vector.shape_cast %get3A_639 : vector<1x16xf32> to vector<16xf32>
      %get3A_641 = arith.index_cast %scan3A_159 : i32 to index
      %get3A_642 = arith.constant 544 : index
      %get3A_643 = tpu.vector_load %arg12[%get3A_641, %get3A_642] {strides = array<i32>} : memref<32x768xf32, #tpu.memory_space<vmem>>, vector<1x16xf32>,
      %get3A_644 = vector.shape_cast %get3A_643 : vector<1x16xf32> to vector<16xf32>
      %add3A_645 = arith.addf %get3A_640, %get3A_644 : vector<16xf32>
      %swap3A_646 = arith.index_cast %scan3A_159 : i32 to index
      %swap3A_647 = arith.constant 544 : index
      %swap3A_648 = tpu.vector_load %arg10[%swap3A_646, %swap3A_647] {strides = array<i32>} : memref<32x768xf32, #tpu.memory_space<vmem>>, vector<1x16xf32>,
      %swap3A_649 = vector.shape_cast %swap3A_648 : vector<1x16xf32> to vector<16xf32>
      %swap3A_650 = vector.shape_cast %add3A_645 : vector<16xf32> to vector<1x16xf32>
      tpu.vector_store %arg10[%swap3A_646, %swap3A_647], %swap3A_650 {strides = array<i32>} : memref<32x768xf32, #tpu.memory_space<vmem>>, vector<1x16xf32>,
      %get3A_651 = arith.index_cast %scan3A_159 : i32 to index
      %get3A_652 = arith.constant 560 : index
      %get3A_653 = tpu.vector_load %arg10[%get3A_651, %get3A_652] {strides = array<i32>} : memref<32x768xf32, #tpu.memory_space<vmem>>, vector<1x16xf32>,
      %get3A_654 = vector.shape_cast %get3A_653 : vector<1x16xf32> to vector<16xf32>
      %get3A_655 = arith.index_cast %scan3A_159 : i32 to index
      %get3A_656 = arith.constant 560 : index
      %get3A_657 = tpu.vector_load %arg12[%get3A_655, %get3A_656] {strides = array<i32>} : memref<32x768xf32, #tpu.memory_space<vmem>>, vector<1x16xf32>,
      %get3A_658 = vector.shape_cast %get3A_657 : vector<1x16xf32> to vector<16xf32>
      %add3A_659 = arith.addf %get3A_654, %get3A_658 : vector<16xf32>
      %swap3A_660 = arith.index_cast %scan3A_159 : i32 to index
      %swap3A_661 = arith.constant 560 : index
      %swap3A_662 = tpu.vector_load %arg10[%swap3A_660, %swap3A_661] {strides = array<i32>} : memref<32x768xf32, #tpu.memory_space<vmem>>, vector<1x16xf32>,
      %swap3A_663 = vector.shape_cast %swap3A_662 : vector<1x16xf32> to vector<16xf32>
      %swap3A_664 = vector.shape_cast %add3A_659 : vector<16xf32> to vector<1x16xf32>
      tpu.vector_store %arg10[%swap3A_660, %swap3A_661], %swap3A_664 {strides = array<i32>} : memref<32x768xf32, #tpu.memory_space<vmem>>, vector<1x16xf32>,
      %get3A_665 = arith.index_cast %scan3A_159 : i32 to index
      %get3A_666 = arith.constant 576 : index
      %get3A_667 = tpu.vector_load %arg10[%get3A_665, %get3A_666] {strides = array<i32>} : memref<32x768xf32, #tpu.memory_space<vmem>>, vector<1x16xf32>,
      %get3A_668 = vector.shape_cast %get3A_667 : vector<1x16xf32> to vector<16xf32>
      %get3A_669 = arith.index_cast %scan3A_159 : i32 to index
      %get3A_670 = arith.constant 576 : index
      %get3A_671 = tpu.vector_load %arg12[%get3A_669, %get3A_670] {strides = array<i32>} : memref<32x768xf32, #tpu.memory_space<vmem>>, vector<1x16xf32>,
      %get3A_672 = vector.shape_cast %get3A_671 : vector<1x16xf32> to vector<16xf32>
      %add3A_673 = arith.addf %get3A_668, %get3A_672 : vector<16xf32>
      %swap3A_674 = arith.index_cast %scan3A_159 : i32 to index
      %swap3A_675 = arith.constant 576 : index
      %swap3A_676 = tpu.vector_load %arg10[%swap3A_674, %swap3A_675] {strides = array<i32>} : memref<32x768xf32, #tpu.memory_space<vmem>>, vector<1x16xf32>,
      %swap3A_677 = vector.shape_cast %swap3A_676 : vector<1x16xf32> to vector<16xf32>
      %swap3A_678 = vector.shape_cast %add3A_673 : vector<16xf32> to vector<1x16xf32>
      tpu.vector_store %arg10[%swap3A_674, %swap3A_675], %swap3A_678 {strides = array<i32>} : memref<32x768xf32, #tpu.memory_space<vmem>>, vector<1x16xf32>,
      %get3A_679 = arith.index_cast %scan3A_159 : i32 to index
      %get3A_680 = arith.constant 592 : index
      %get3A_681 = tpu.vector_load %arg10[%get3A_679, %get3A_680] {strides = array<i32>} : memref<32x768xf32, #tpu.memory_space<vmem>>, vector<1x16xf32>,
      %get3A_682 = vector.shape_cast %get3A_681 : vector<1x16xf32> to vector<16xf32>
      %get3A_683 = arith.index_cast %scan3A_159 : i32 to index
      %get3A_684 = arith.constant 592 : index
      %get3A_685 = tpu.vector_load %arg12[%get3A_683, %get3A_684] {strides = array<i32>} : memref<32x768xf32, #tpu.memory_space<vmem>>, vector<1x16xf32>,
      %get3A_686 = vector.shape_cast %get3A_685 : vector<1x16xf32> to vector<16xf32>
      %add3A_687 = arith.addf %get3A_682, %get3A_686 : vector<16xf32>
      %swap3A_688 = arith.index_cast %scan3A_159 : i32 to index
      %swap3A_689 = arith.constant 592 : index
      %swap3A_690 = tpu.vector_load %arg10[%swap3A_688, %swap3A_689] {strides = array<i32>} : memref<32x768xf32, #tpu.memory_space<vmem>>, vector<1x16xf32>,
      %swap3A_691 = vector.shape_cast %swap3A_690 : vector<1x16xf32> to vector<16xf32>
      %swap3A_692 = vector.shape_cast %add3A_687 : vector<16xf32> to vector<1x16xf32>
      tpu.vector_store %arg10[%swap3A_688, %swap3A_689], %swap3A_692 {strides = array<i32>} : memref<32x768xf32, #tpu.memory_space<vmem>>, vector<1x16xf32>,
      %get3A_693 = arith.index_cast %scan3A_159 : i32 to index
      %get3A_694 = arith.constant 608 : index
      %get3A_695 = tpu.vector_load %arg10[%get3A_693, %get3A_694] {strides = array<i32>} : memref<32x768xf32, #tpu.memory_space<vmem>>, vector<1x16xf32>,
      %get3A_696 = vector.shape_cast %get3A_695 : vector<1x16xf32> to vector<16xf32>
      %get3A_697 = arith.index_cast %scan3A_159 : i32 to index
      %get3A_698 = arith.constant 608 : index
      %get3A_699 = tpu.vector_load %arg12[%get3A_697, %get3A_698] {strides = array<i32>} : memref<32x768xf32, #tpu.memory_space<vmem>>, vector<1x16xf32>,
      %get3A_700 = vector.shape_cast %get3A_699 : vector<1x16xf32> to vector<16xf32>
      %add3A_701 = arith.addf %get3A_696, %get3A_700 : vector<16xf32>
      %swap3A_702 = arith.index_cast %scan3A_159 : i32 to index
      %swap3A_703 = arith.constant 608 : index
      %swap3A_704 = tpu.vector_load %arg10[%swap3A_702, %swap3A_703] {strides = array<i32>} : memref<32x768xf32, #tpu.memory_space<vmem>>, vector<1x16xf32>,
      %swap3A_705 = vector.shape_cast %swap3A_704 : vector<1x16xf32> to vector<16xf32>
      %swap3A_706 = vector.shape_cast %add3A_701 : vector<16xf32> to vector<1x16xf32>
      tpu.vector_store %arg10[%swap3A_702, %swap3A_703], %swap3A_706 {strides = array<i32>} : memref<32x768xf32, #tpu.memory_space<vmem>>, vector<1x16xf32>,
      %get3A_707 = arith.index_cast %scan3A_159 : i32 to index
      %get3A_708 = arith.constant 624 : index
      %get3A_709 = tpu.vector_load %arg10[%get3A_707, %get3A_708] {strides = array<i32>} : memref<32x768xf32, #tpu.memory_space<vmem>>, vector<1x16xf32>,
      %get3A_710 = vector.shape_cast %get3A_709 : vector<1x16xf32> to vector<16xf32>
      %get3A_711 = arith.index_cast %scan3A_159 : i32 to index
      %get3A_712 = arith.constant 624 : index
      %get3A_713 = tpu.vector_load %arg12[%get3A_711, %get3A_712] {strides = array<i32>} : memref<32x768xf32, #tpu.memory_space<vmem>>, vector<1x16xf32>,
      %get3A_714 = vector.shape_cast %get3A_713 : vector<1x16xf32> to vector<16xf32>
      %add3A_715 = arith.addf %get3A_710, %get3A_714 : vector<16xf32>
      %swap3A_716 = arith.index_cast %scan3A_159 : i32 to index
      %swap3A_717 = arith.constant 624 : index
      %swap3A_718 = tpu.vector_load %arg10[%swap3A_716, %swap3A_717] {strides = array<i32>} : memref<32x768xf32, #tpu.memory_space<vmem>>, vector<1x16xf32>,
      %swap3A_719 = vector.shape_cast %swap3A_718 : vector<1x16xf32> to vector<16xf32>
      %swap3A_720 = vector.shape_cast %add3A_715 : vector<16xf32> to vector<1x16xf32>
      tpu.vector_store %arg10[%swap3A_716, %swap3A_717], %swap3A_720 {strides = array<i32>} : memref<32x768xf32, #tpu.memory_space<vmem>>, vector<1x16xf32>,
      %get3A_721 = arith.index_cast %scan3A_159 : i32 to index
      %get3A_722 = arith.constant 640 : index
      %get3A_723 = tpu.vector_load %arg10[%get3A_721, %get3A_722] {strides = array<i32>} : memref<32x768xf32, #tpu.memory_space<vmem>>, vector<1x16xf32>,
      %get3A_724 = vector.shape_cast %get3A_723 : vector<1x16xf32> to vector<16xf32>
      %get3A_725 = arith.index_cast %scan3A_159 : i32 to index
      %get3A_726 = arith.constant 640 : index
      %get3A_727 = tpu.vector_load %arg12[%get3A_725, %get3A_726] {strides = array<i32>} : memref<32x768xf32, #tpu.memory_space<vmem>>, vector<1x16xf32>,
      %get3A_728 = vector.shape_cast %get3A_727 : vector<1x16xf32> to vector<16xf32>
      %add3A_729 = arith.addf %get3A_724, %get3A_728 : vector<16xf32>
      %swap3A_730 = arith.index_cast %scan3A_159 : i32 to index
      %swap3A_731 = arith.constant 640 : index
      %swap3A_732 = tpu.vector_load %arg10[%swap3A_730, %swap3A_731] {strides = array<i32>} : memref<32x768xf32, #tpu.memory_space<vmem>>, vector<1x16xf32>,
      %swap3A_733 = vector.shape_cast %swap3A_732 : vector<1x16xf32> to vector<16xf32>
      %swap3A_734 = vector.shape_cast %add3A_729 : vector<16xf32> to vector<1x16xf32>
      tpu.vector_store %arg10[%swap3A_730, %swap3A_731], %swap3A_734 {strides = array<i32>} : memref<32x768xf32, #tpu.memory_space<vmem>>, vector<1x16xf32>,
      %get3A_735 = arith.index_cast %scan3A_159 : i32 to index
      %get3A_736 = arith.constant 656 : index
      %get3A_737 = tpu.vector_load %arg10[%get3A_735, %get3A_736] {strides = array<i32>} : memref<32x768xf32, #tpu.memory_space<vmem>>, vector<1x16xf32>,
      %get3A_738 = vector.shape_cast %get3A_737 : vector<1x16xf32> to vector<16xf32>
      %get3A_739 = arith.index_cast %scan3A_159 : i32 to index
      %get3A_740 = arith.constant 656 : index
      %get3A_741 = tpu.vector_load %arg12[%get3A_739, %get3A_740] {strides = array<i32>} : memref<32x768xf32, #tpu.memory_space<vmem>>, vector<1x16xf32>,
      %get3A_742 = vector.shape_cast %get3A_741 : vector<1x16xf32> to vector<16xf32>
      %add3A_743 = arith.addf %get3A_738, %get3A_742 : vector<16xf32>
      %swap3A_744 = arith.index_cast %scan3A_159 : i32 to index
      %swap3A_745 = arith.constant 656 : index
      %swap3A_746 = tpu.vector_load %arg10[%swap3A_744, %swap3A_745] {strides = array<i32>} : memref<32x768xf32, #tpu.memory_space<vmem>>, vector<1x16xf32>,
      %swap3A_747 = vector.shape_cast %swap3A_746 : vector<1x16xf32> to vector<16xf32>
      %swap3A_748 = vector.shape_cast %add3A_743 : vector<16xf32> to vector<1x16xf32>
      tpu.vector_store %arg10[%swap3A_744, %swap3A_745], %swap3A_748 {strides = array<i32>} : memref<32x768xf32, #tpu.memory_space<vmem>>, vector<1x16xf32>,
      %get3A_749 = arith.index_cast %scan3A_159 : i32 to index
      %get3A_750 = arith.constant 672 : index
      %get3A_751 = tpu.vector_load %arg10[%get3A_749, %get3A_750] {strides = array<i32>} : memref<32x768xf32, #tpu.memory_space<vmem>>, vector<1x16xf32>,
      %get3A_752 = vector.shape_cast %get3A_751 : vector<1x16xf32> to vector<16xf32>
      %get3A_753 = arith.index_cast %scan3A_159 : i32 to index
      %get3A_754 = arith.constant 672 : index
      %get3A_755 = tpu.vector_load %arg12[%get3A_753, %get3A_754] {strides = array<i32>} : memref<32x768xf32, #tpu.memory_space<vmem>>, vector<1x16xf32>,
      %get3A_756 = vector.shape_cast %get3A_755 : vector<1x16xf32> to vector<16xf32>
      %add3A_757 = arith.addf %get3A_752, %get3A_756 : vector<16xf32>
      %swap3A_758 = arith.index_cast %scan3A_159 : i32 to index
      %swap3A_759 = arith.constant 672 : index
      %swap3A_760 = tpu.vector_load %arg10[%swap3A_758, %swap3A_759] {strides = array<i32>} : memref<32x768xf32, #tpu.memory_space<vmem>>, vector<1x16xf32>,
      %swap3A_761 = vector.shape_cast %swap3A_760 : vector<1x16xf32> to vector<16xf32>
      %swap3A_762 = vector.shape_cast %add3A_757 : vector<16xf32> to vector<1x16xf32>
      tpu.vector_store %arg10[%swap3A_758, %swap3A_759], %swap3A_762 {strides = array<i32>} : memref<32x768xf32, #tpu.memory_space<vmem>>, vector<1x16xf32>,
      %get3A_763 = arith.index_cast %scan3A_159 : i32 to index
      %get3A_764 = arith.constant 688 : index
      %get3A_765 = tpu.vector_load %arg10[%get3A_763, %get3A_764] {strides = array<i32>} : memref<32x768xf32, #tpu.memory_space<vmem>>, vector<1x16xf32>,
      %get3A_766 = vector.shape_cast %get3A_765 : vector<1x16xf32> to vector<16xf32>
      %get3A_767 = arith.index_cast %scan3A_159 : i32 to index
      %get3A_768 = arith.constant 688 : index
      %get3A_769 = tpu.vector_load %arg12[%get3A_767, %get3A_768] {strides = array<i32>} : memref<32x768xf32, #tpu.memory_space<vmem>>, vector<1x16xf32>,
      %get3A_770 = vector.shape_cast %get3A_769 : vector<1x16xf32> to vector<16xf32>
      %add3A_771 = arith.addf %get3A_766, %get3A_770 : vector<16xf32>
      %swap3A_772 = arith.index_cast %scan3A_159 : i32 to index
      %swap3A_773 = arith.constant 688 : index
      %swap3A_774 = tpu.vector_load %arg10[%swap3A_772, %swap3A_773] {strides = array<i32>} : memref<32x768xf32, #tpu.memory_space<vmem>>, vector<1x16xf32>,
      %swap3A_775 = vector.shape_cast %swap3A_774 : vector<1x16xf32> to vector<16xf32>
      %swap3A_776 = vector.shape_cast %add3A_771 : vector<16xf32> to vector<1x16xf32>
      tpu.vector_store %arg10[%swap3A_772, %swap3A_773], %swap3A_776 {strides = array<i32>} : memref<32x768xf32, #tpu.memory_space<vmem>>, vector<1x16xf32>,
      %get3A_777 = arith.index_cast %scan3A_159 : i32 to index
      %get3A_778 = arith.constant 704 : index
      %get3A_779 = tpu.vector_load %arg10[%get3A_777, %get3A_778] {strides = array<i32>} : memref<32x768xf32, #tpu.memory_space<vmem>>, vector<1x16xf32>,
      %get3A_780 = vector.shape_cast %get3A_779 : vector<1x16xf32> to vector<16xf32>
      %get3A_781 = arith.index_cast %scan3A_159 : i32 to index
      %get3A_782 = arith.constant 704 : index
      %get3A_783 = tpu.vector_load %arg12[%get3A_781, %get3A_782] {strides = array<i32>} : memref<32x768xf32, #tpu.memory_space<vmem>>, vector<1x16xf32>,
      %get3A_784 = vector.shape_cast %get3A_783 : vector<1x16xf32> to vector<16xf32>
      %add3A_785 = arith.addf %get3A_780, %get3A_784 : vector<16xf32>
      %swap3A_786 = arith.index_cast %scan3A_159 : i32 to index
      %swap3A_787 = arith.constant 704 : index
      %swap3A_788 = tpu.vector_load %arg10[%swap3A_786, %swap3A_787] {strides = array<i32>} : memref<32x768xf32, #tpu.memory_space<vmem>>, vector<1x16xf32>,
      %swap3A_789 = vector.shape_cast %swap3A_788 : vector<1x16xf32> to vector<16xf32>
      %swap3A_790 = vector.shape_cast %add3A_785 : vector<16xf32> to vector<1x16xf32>
      tpu.vector_store %arg10[%swap3A_786, %swap3A_787], %swap3A_790 {strides = array<i32>} : memref<32x768xf32, #tpu.memory_space<vmem>>, vector<1x16xf32>,
      %get3A_791 = arith.index_cast %scan3A_159 : i32 to index
      %get3A_792 = arith.constant 720 : index
      %get3A_793 = tpu.vector_load %arg10[%get3A_791, %get3A_792] {strides = array<i32>} : memref<32x768xf32, #tpu.memory_space<vmem>>, vector<1x16xf32>,
      %get3A_794 = vector.shape_cast %get3A_793 : vector<1x16xf32> to vector<16xf32>
      %get3A_795 = arith.index_cast %scan3A_159 : i32 to index
      %get3A_796 = arith.constant 720 : index
      %get3A_797 = tpu.vector_load %arg12[%get3A_795, %get3A_796] {strides = array<i32>} : memref<32x768xf32, #tpu.memory_space<vmem>>, vector<1x16xf32>,
      %get3A_798 = vector.shape_cast %get3A_797 : vector<1x16xf32> to vector<16xf32>
      %add3A_799 = arith.addf %get3A_794, %get3A_798 : vector<16xf32>
      %swap3A_800 = arith.index_cast %scan3A_159 : i32 to index
      %swap3A_801 = arith.constant 720 : index
      %swap3A_802 = tpu.vector_load %arg10[%swap3A_800, %swap3A_801] {strides = array<i32>} : memref<32x768xf32, #tpu.memory_space<vmem>>, vector<1x16xf32>,
      %swap3A_803 = vector.shape_cast %swap3A_802 : vector<1x16xf32> to vector<16xf32>
      %swap3A_804 = vector.shape_cast %add3A_799 : vector<16xf32> to vector<1x16xf32>
      tpu.vector_store %arg10[%swap3A_800, %swap3A_801], %swap3A_804 {strides = array<i32>} : memref<32x768xf32, #tpu.memory_space<vmem>>, vector<1x16xf32>,
      %get3A_805 = arith.index_cast %scan3A_159 : i32 to index
      %get3A_806 = arith.constant 736 : index
      %get3A_807 = tpu.vector_load %arg10[%get3A_805, %get3A_806] {strides = array<i32>} : memref<32x768xf32, #tpu.memory_space<vmem>>, vector<1x16xf32>,
      %get3A_808 = vector.shape_cast %get3A_807 : vector<1x16xf32> to vector<16xf32>
      %get3A_809 = arith.index_cast %scan3A_159 : i32 to index
      %get3A_810 = arith.constant 736 : index
      %get3A_811 = tpu.vector_load %arg12[%get3A_809, %get3A_810] {strides = array<i32>} : memref<32x768xf32, #tpu.memory_space<vmem>>, vector<1x16xf32>,
      %get3A_812 = vector.shape_cast %get3A_811 : vector<1x16xf32> to vector<16xf32>
      %add3A_813 = arith.addf %get3A_808, %get3A_812 : vector<16xf32>
      %swap3A_814 = arith.index_cast %scan3A_159 : i32 to index
      %swap3A_815 = arith.constant 736 : index
      %swap3A_816 = tpu.vector_load %arg10[%swap3A_814, %swap3A_815] {strides = array<i32>} : memref<32x768xf32, #tpu.memory_space<vmem>>, vector<1x16xf32>,
      %swap3A_817 = vector.shape_cast %swap3A_816 : vector<1x16xf32> to vector<16xf32>
      %swap3A_818 = vector.shape_cast %add3A_813 : vector<16xf32> to vector<1x16xf32>
      tpu.vector_store %arg10[%swap3A_814, %swap3A_815], %swap3A_818 {strides = array<i32>} : memref<32x768xf32, #tpu.memory_space<vmem>>, vector<1x16xf32>,
      %get3A_819 = arith.index_cast %scan3A_159 : i32 to index
      %get3A_820 = arith.constant 752 : index
      %get3A_821 = tpu.vector_load %arg10[%get3A_819, %get3A_820] {strides = array<i32>} : memref<32x768xf32, #tpu.memory_space<vmem>>, vector<1x16xf32>,
      %get3A_822 = vector.shape_cast %get3A_821 : vector<1x16xf32> to vector<16xf32>
      %get3A_823 = arith.index_cast %scan3A_159 : i32 to index
      %get3A_824 = arith.constant 752 : index
      %get3A_825 = tpu.vector_load %arg12[%get3A_823, %get3A_824] {strides = array<i32>} : memref<32x768xf32, #tpu.memory_space<vmem>>, vector<1x16xf32>,
      %get3A_826 = vector.shape_cast %get3A_825 : vector<1x16xf32> to vector<16xf32>
      %add3A_827 = arith.addf %get3A_822, %get3A_826 : vector<16xf32>
      %swap3A_828 = arith.index_cast %scan3A_159 : i32 to index
      %swap3A_829 = arith.constant 752 : index
      %swap3A_830 = tpu.vector_load %arg10[%swap3A_828, %swap3A_829] {strides = array<i32>} : memref<32x768xf32, #tpu.memory_space<vmem>>, vector<1x16xf32>,
      %swap3A_831 = vector.shape_cast %swap3A_830 : vector<1x16xf32> to vector<16xf32>
      %swap3A_832 = vector.shape_cast %add3A_827 : vector<16xf32> to vector<1x16xf32>
      tpu.vector_store %arg10[%swap3A_828, %swap3A_829], %swap3A_832 {strides = array<i32>} : memref<32x768xf32, #tpu.memory_space<vmem>>, vector<1x16xf32>,
      %scan3A_833 = arith.constant 0 : i32
      scf.yield %scan3A_833 : i32
    }
    %scan3A_76 = arith.constant 32 : i32
    "tpu.region"() ({
      %run_scoped3A = tpu.sem_alloc : memref<!tpu.dma_semaphore, #tpu.memory_space<semaphore_mem>>
      %dma_start3A_159 = arith.constant 0 : i32
      %dma_start3A_160 = tpu.memref_slice %arg6[%add3A_4, %dma_start3A_159] : memref<2048x768xf32, #tpu.memory_space<hbm>> -> memref<32x768xf32, #tpu.memory_space<hbm>>
      %dma_start3A_161 = arith.constant 0 : i32
      %dma_start3A_162 = tpu.memref_slice %arg6[%add3A_4, %dma_start3A_161] : memref<2048x768xf32, #tpu.memory_space<hbm>> -> memref<32x768xf32, #tpu.memory_space<hbm>>
      tpu.enqueue_dma source(%arg10 : memref<32x768xf32, #tpu.memory_space<vmem>>) target(%dma_start3A_162 : memref<32x768xf32, #tpu.memory_space<hbm>>) target_semaphore(%run_scoped3A : memref<!tpu.dma_semaphore, #tpu.memory_space<semaphore_mem>>)
      %dma_wait3A_163 = arith.constant 0 : i32
      %dma_wait3A_164 = tpu.memref_slice %arg6[%add3A_4, %dma_wait3A_163] : memref<2048x768xf32, #tpu.memory_space<hbm>> -> memref<32x768xf32, #tpu.memory_space<hbm>>
      %dma_wait3A_165 = arith.constant 0 : i32
      %dma_wait3A_166 = tpu.memref_slice %arg6[%add3A_4, %dma_wait3A_165] : memref<2048x768xf32, #tpu.memory_space<hbm>> -> memref<32x768xf32, #tpu.memory_space<hbm>>
      tpu.wait_dma2 semaphore(%run_scoped3A : memref<!tpu.dma_semaphore, #tpu.memory_space<semaphore_mem>>) src(%arg10 : memref<32x768xf32, #tpu.memory_space<vmem>>) dst(%dma_wait3A_166 : memref<32x768xf32, #tpu.memory_space<hbm>>)
      tpu.yield
    }) : () -> ()
    %mul3A_77 = arith.constant 64 : i32
    %mul3A_78 = arith.muli %add3A, %mul3A_77 : i32
    %add3A_79 = arith.constant 32 : i32
    %add3A_80 = arith.addi %mul3A_78, %add3A_79 : i32
    "tpu.region"() ({
      %run_scoped3A = tpu.sem_alloc : memref<!tpu.dma_semaphore, #tpu.memory_space<semaphore_mem>>
      %dma_start3A_159 = tpu.memref_slice %arg4[%add3A_80] : memref<2048xf32, #tpu.memory_space<hbm>> -> memref<32xf32, #tpu.memory_space<hbm>>
      %dma_start3A_160 = tpu.memref_slice %arg4[%add3A_80] : memref<2048xf32, #tpu.memory_space<hbm>> -> memref<32xf32, #tpu.memory_space<hbm>>
      tpu.enqueue_dma source(%dma_start3A_160 : memref<32xf32, #tpu.memory_space<hbm>>) target(%arg7 : memref<32xf32, #tpu.memory_space<vmem>>) target_semaphore(%run_scoped3A : memref<!tpu.dma_semaphore, #tpu.memory_space<semaphore_mem>>)
      %dma_wait3A_161 = tpu.memref_slice %arg4[%add3A_80] : memref<2048xf32, #tpu.memory_space<hbm>> -> memref<32xf32, #tpu.memory_space<hbm>>
      %dma_wait3A_162 = tpu.memref_slice %arg4[%add3A_80] : memref<2048xf32, #tpu.memory_space<hbm>> -> memref<32xf32, #tpu.memory_space<hbm>>
      tpu.wait_dma2 semaphore(%run_scoped3A : memref<!tpu.dma_semaphore, #tpu.memory_space<semaphore_mem>>) src(%dma_wait3A_162 : memref<32xf32, #tpu.memory_space<hbm>>) dst(%arg7 : memref<32xf32, #tpu.memory_space<vmem>>)
      tpu.yield
    }) : () -> ()
    %get3A_81 = arith.constant 0 : index
    %get3A_82 = tpu.vector_load %arg7[%get3A_81] {strides = array<i32>} : memref<32xf32, #tpu.memory_space<vmem>>, vector<16xf32>,
    %get3A_83 = vector.shape_cast %get3A_82 : vector<16xf32> to vector<16xf32>
    %mul3A_84 = arith.constant 1.000000e+00 : f32
    %mul3A_85 = vector.broadcast %mul3A_84 : f32 to vector<16xf32>
    %mul3A_86 = arith.mulf %get3A_83, %mul3A_85 : vector<16xf32>
    %convert_element_type3A_87 = arith.fptosi %mul3A_86 : vector<16xf32> to vector<16xi32>
    %swap3A_88 = arith.constant 0 : index
    %swap3A_89 = tpu.vector_load %arg8[%swap3A_88] {strides = array<i32>} : memref<32xi32, #tpu.memory_space<vmem>>, vector<16xi32>,
    %swap3A_90 = vector.shape_cast %swap3A_89 : vector<16xi32> to vector<16xi32>
    %swap3A_91 = vector.shape_cast %convert_element_type3A_87 : vector<16xi32> to vector<16xi32>
    tpu.vector_store %arg8[%swap3A_88], %swap3A_91 {strides = array<i32>} : memref<32xi32, #tpu.memory_space<vmem>>, vector<16xi32>,
    %get3A_92 = arith.constant 16 : index
    %get3A_93 = tpu.vector_load %arg7[%get3A_92] {strides = array<i32>} : memref<32xf32, #tpu.memory_space<vmem>>, vector<16xf32>,
    %get3A_94 = vector.shape_cast %get3A_93 : vector<16xf32> to vector<16xf32>
    %mul3A_95 = arith.constant 1.000000e+00 : f32
    %mul3A_96 = vector.broadcast %mul3A_95 : f32 to vector<16xf32>
    %mul3A_97 = arith.mulf %get3A_94, %mul3A_96 : vector<16xf32>
    %convert_element_type3A_98 = arith.fptosi %mul3A_97 : vector<16xf32> to vector<16xi32>
    %swap3A_99 = arith.constant 16 : index
    %swap3A_100 = tpu.vector_load %arg8[%swap3A_99] {strides = array<i32>} : memref<32xi32, #tpu.memory_space<vmem>>, vector<16xi32>,
    %swap3A_101 = vector.shape_cast %swap3A_100 : vector<16xi32> to vector<16xi32>
    %swap3A_102 = vector.shape_cast %convert_element_type3A_98 : vector<16xi32> to vector<16xi32>
    tpu.vector_store %arg8[%swap3A_99], %swap3A_102 {strides = array<i32>} : memref<32xi32, #tpu.memory_space<vmem>>, vector<16xi32>,
    "tpu.region"() ({
      %run_scoped3A = tpu.sem_alloc : memref<!tpu.dma_semaphore, #tpu.memory_space<semaphore_mem>>
      %dma_start3A_159 = tpu.memref_slice %arg5[%add3A_80] : memref<2048xf32, #tpu.memory_space<hbm>> -> memref<32xf32, #tpu.memory_space<hbm>>
      %dma_start3A_160 = tpu.memref_slice %arg5[%add3A_80] : memref<2048xf32, #tpu.memory_space<hbm>> -> memref<32xf32, #tpu.memory_space<hbm>>
      tpu.enqueue_dma source(%dma_start3A_160 : memref<32xf32, #tpu.memory_space<hbm>>) target(%arg7 : memref<32xf32, #tpu.memory_space<vmem>>) target_semaphore(%run_scoped3A : memref<!tpu.dma_semaphore, #tpu.memory_space<semaphore_mem>>)
      %dma_wait3A_161 = tpu.memref_slice %arg5[%add3A_80] : memref<2048xf32, #tpu.memory_space<hbm>> -> memref<32xf32, #tpu.memory_space<hbm>>
      %dma_wait3A_162 = tpu.memref_slice %arg5[%add3A_80] : memref<2048xf32, #tpu.memory_space<hbm>> -> memref<32xf32, #tpu.memory_space<hbm>>
      tpu.wait_dma2 semaphore(%run_scoped3A : memref<!tpu.dma_semaphore, #tpu.memory_space<semaphore_mem>>) src(%dma_wait3A_162 : memref<32xf32, #tpu.memory_space<hbm>>) dst(%arg7 : memref<32xf32, #tpu.memory_space<vmem>>)
      tpu.yield
    }) : () -> ()
    %get3A_103 = arith.constant 0 : index
    %get3A_104 = tpu.vector_load %arg7[%get3A_103] {strides = array<i32>} : memref<32xf32, #tpu.memory_space<vmem>>, vector<16xf32>,
    %get3A_105 = vector.shape_cast %get3A_104 : vector<16xf32> to vector<16xf32>
    %mul3A_106 = arith.constant 1.000000e+00 : f32
    %mul3A_107 = vector.broadcast %mul3A_106 : f32 to vector<16xf32>
    %mul3A_108 = arith.mulf %get3A_105, %mul3A_107 : vector<16xf32>
    %convert_element_type3A_109 = arith.fptosi %mul3A_108 : vector<16xf32> to vector<16xi32>
    %swap3A_110 = arith.constant 0 : index
    %swap3A_111 = tpu.vector_load %arg9[%swap3A_110] {strides = array<i32>} : memref<32xi32, #tpu.memory_space<vmem>>, vector<16xi32>,
    %swap3A_112 = vector.shape_cast %swap3A_111 : vector<16xi32> to vector<16xi32>
    %swap3A_113 = vector.shape_cast %convert_element_type3A_109 : vector<16xi32> to vector<16xi32>
    tpu.vector_store %arg9[%swap3A_110], %swap3A_113 {strides = array<i32>} : memref<32xi32, #tpu.memory_space<vmem>>, vector<16xi32>,
    %get3A_114 = arith.constant 16 : index
    %get3A_115 = tpu.vector_load %arg7[%get3A_114] {strides = array<i32>} : memref<32xf32, #tpu.memory_space<vmem>>, vector<16xf32>,
    %get3A_116 = vector.shape_cast %get3A_115 : vector<16xf32> to vector<16xf32>
    %mul3A_117 = arith.constant 1.000000e+00 : f32
    %mul3A_118 = vector.broadcast %mul3A_117 : f32 to vector<16xf32>
    %mul3A_119 = arith.mulf %get3A_116, %mul3A_118 : vector<16xf32>
    %convert_element_type3A_120 = arith.fptosi %mul3A_119 : vector<16xf32> to vector<16xi32>
    %swap3A_121 = arith.constant 16 : index
    %swap3A_122 = tpu.vector_load %arg9[%swap3A_121] {strides = array<i32>} : memref<32xi32, #tpu.memory_space<vmem>>, vector<16xi32>,
    %swap3A_123 = vector.shape_cast %swap3A_122 : vector<16xi32> to vector<16xi32>
    %swap3A_124 = vector.shape_cast %convert_element_type3A_120 : vector<16xi32> to vector<16xi32>
    tpu.vector_store %arg9[%swap3A_121], %swap3A_124 {strides = array<i32>} : memref<32xi32, #tpu.memory_space<vmem>>, vector<16xi32>,
    %dma_start3A_125 = arith.constant 0 : i32
    %dma_start3A_126 = arith.constant 0 : i32
    %dma_start3A_127 = tpu.memref_slice %arg2[%dma_start3A_125, %dma_start3A_126] : memref<5120x768xf32, #tpu.memory_space<hbm>> -> memref<5120x768xf32, #tpu.memory_space<hbm>>
    tpu.enqueue_indirect_dma source(%dma_start3A_127 : memref<5120x768xf32, #tpu.memory_space<hbm>>) target(%arg10 : memref<32x768xf32, #tpu.memory_space<vmem>>) offsets(%arg8 : memref<32xi32, #tpu.memory_space<vmem>>) semaphore(%arg13 : memref<!tpu.dma_semaphore, #tpu.memory_space<semaphore_mem>>)
    %dma_start3A_128 = arith.constant 0 : i32
    %dma_start3A_129 = arith.constant 0 : i32
    %dma_start3A_130 = tpu.memref_slice %arg2[%dma_start3A_128, %dma_start3A_129] : memref<5120x768xf32, #tpu.memory_space<hbm>> -> memref<5120x768xf32, #tpu.memory_space<hbm>>
    tpu.enqueue_indirect_dma source(%dma_start3A_130 : memref<5120x768xf32, #tpu.memory_space<hbm>>) target(%arg11 : memref<32x768xf32, #tpu.memory_space<vmem>>) offsets(%arg9 : memref<32xi32, #tpu.memory_space<vmem>>) semaphore(%arg14 : memref<!tpu.dma_semaphore, #tpu.memory_space<semaphore_mem>>)
    %dma_start3A_131 = arith.constant 0 : i32
    %dma_start3A_132 = tpu.memref_slice %arg3[%add3A_80, %dma_start3A_131] : memref<2048x768xf32, #tpu.memory_space<hbm>> -> memref<32x768xf32, #tpu.memory_space<hbm>>
    %dma_start3A_133 = arith.constant 0 : i32
    %dma_start3A_134 = tpu.memref_slice %arg3[%add3A_80, %dma_start3A_133] : memref<2048x768xf32, #tpu.memory_space<hbm>> -> memref<32x768xf32, #tpu.memory_space<hbm>>
    tpu.enqueue_dma source(%dma_start3A_134 : memref<32x768xf32, #tpu.memory_space<hbm>>) target(%arg12 : memref<32x768xf32, #tpu.memory_space<vmem>>) target_semaphore(%arg15 : memref<!tpu.dma_semaphore, #tpu.memory_space<semaphore_mem>>)
    %dma_wait3A_135 = arith.constant 0 : i32
    %dma_wait3A_136 = arith.constant 0 : i32
    %dma_wait3A_137 = tpu.memref_slice %arg2[%dma_wait3A_135, %dma_wait3A_136] : memref<5120x768xf32, #tpu.memory_space<hbm>> -> memref<5120x768xf32, #tpu.memory_space<hbm>>
    tpu.wait_indirect_dma semaphore(%arg13 : memref<!tpu.dma_semaphore, #tpu.memory_space<semaphore_mem>>) src(%dma_wait3A_137 : memref<5120x768xf32, #tpu.memory_space<hbm>>) dst(%arg10 : memref<32x768xf32, #tpu.memory_space<vmem>>)
    %dma_wait3A_138 = arith.constant 0 : i32
    %dma_wait3A_139 = arith.constant 0 : i32
    %dma_wait3A_140 = tpu.memref_slice %arg2[%dma_wait3A_138, %dma_wait3A_139] : memref<5120x768xf32, #tpu.memory_space<hbm>> -> memref<5120x768xf32, #tpu.memory_space<hbm>>
    tpu.wait_indirect_dma semaphore(%arg14 : memref<!tpu.dma_semaphore, #tpu.memory_space<semaphore_mem>>) src(%dma_wait3A_140 : memref<5120x768xf32, #tpu.memory_space<hbm>>) dst(%arg11 : memref<32x768xf32, #tpu.memory_space<vmem>>)
    %scan3A_141 = arith.constant 0 : i32
    %scan3A_142 = arith.constant 0 : i32
    %scan3A_143 = arith.constant 32 : i32
    %scan3A_144 = arith.addi %scan3A_142, %scan3A_143 : i32
    %scan3A_145 = arith.constant 1 : i32
    %scan3A_146 = scf.for %scan3A_159 = %scan3A_142 to %scan3A_144 step %scan3A_145 iter_args(%scan3A_160 = %scan3A_141) -> (i32)  : i32 {
      %get3A_161 = arith.index_cast %scan3A_159 : i32 to index
      %get3A_162 = arith.constant 0 : index
      %get3A_163 = tpu.vector_load %arg10[%get3A_161, %get3A_162] {strides = array<i32>} : memref<32x768xf32, #tpu.memory_space<vmem>>, vector<1x16xf32>,
      %get3A_164 = vector.shape_cast %get3A_163 : vector<1x16xf32> to vector<16xf32>
      %get3A_165 = arith.index_cast %scan3A_159 : i32 to index
      %get3A_166 = arith.constant 0 : index
      %get3A_167 = tpu.vector_load %arg11[%get3A_165, %get3A_166] {strides = array<i32>} : memref<32x768xf32, #tpu.memory_space<vmem>>, vector<1x16xf32>,
      %get3A_168 = vector.shape_cast %get3A_167 : vector<1x16xf32> to vector<16xf32>
      %add3A_169 = arith.addf %get3A_164, %get3A_168 : vector<16xf32>
      %swap3A_170 = arith.index_cast %scan3A_159 : i32 to index
      %swap3A_171 = arith.constant 0 : index
      %swap3A_172 = tpu.vector_load %arg10[%swap3A_170, %swap3A_171] {strides = array<i32>} : memref<32x768xf32, #tpu.memory_space<vmem>>, vector<1x16xf32>,
      %swap3A_173 = vector.shape_cast %swap3A_172 : vector<1x16xf32> to vector<16xf32>
      %swap3A_174 = vector.shape_cast %add3A_169 : vector<16xf32> to vector<1x16xf32>
      tpu.vector_store %arg10[%swap3A_170, %swap3A_171], %swap3A_174 {strides = array<i32>} : memref<32x768xf32, #tpu.memory_space<vmem>>, vector<1x16xf32>,
      %get3A_175 = arith.index_cast %scan3A_159 : i32 to index
      %get3A_176 = arith.constant 16 : index
      %get3A_177 = tpu.vector_load %arg10[%get3A_175, %get3A_176] {strides = array<i32>} : memref<32x768xf32, #tpu.memory_space<vmem>>, vector<1x16xf32>,
      %get3A_178 = vector.shape_cast %get3A_177 : vector<1x16xf32> to vector<16xf32>
      %get3A_179 = arith.index_cast %scan3A_159 : i32 to index
      %get3A_180 = arith.constant 16 : index
      %get3A_181 = tpu.vector_load %arg11[%get3A_179, %get3A_180] {strides = array<i32>} : memref<32x768xf32, #tpu.memory_space<vmem>>, vector<1x16xf32>,
      %get3A_182 = vector.shape_cast %get3A_181 : vector<1x16xf32> to vector<16xf32>
      %add3A_183 = arith.addf %get3A_178, %get3A_182 : vector<16xf32>
      %swap3A_184 = arith.index_cast %scan3A_159 : i32 to index
      %swap3A_185 = arith.constant 16 : index
      %swap3A_186 = tpu.vector_load %arg10[%swap3A_184, %swap3A_185] {strides = array<i32>} : memref<32x768xf32, #tpu.memory_space<vmem>>, vector<1x16xf32>,
      %swap3A_187 = vector.shape_cast %swap3A_186 : vector<1x16xf32> to vector<16xf32>
      %swap3A_188 = vector.shape_cast %add3A_183 : vector<16xf32> to vector<1x16xf32>
      tpu.vector_store %arg10[%swap3A_184, %swap3A_185], %swap3A_188 {strides = array<i32>} : memref<32x768xf32, #tpu.memory_space<vmem>>, vector<1x16xf32>,
      %get3A_189 = arith.index_cast %scan3A_159 : i32 to index
      %get3A_190 = arith.constant 32 : index
      %get3A_191 = tpu.vector_load %arg10[%get3A_189, %get3A_190] {strides = array<i32>} : memref<32x768xf32, #tpu.memory_space<vmem>>, vector<1x16xf32>,
      %get3A_192 = vector.shape_cast %get3A_191 : vector<1x16xf32> to vector<16xf32>
      %get3A_193 = arith.index_cast %scan3A_159 : i32 to index
      %get3A_194 = arith.constant 32 : index
      %get3A_195 = tpu.vector_load %arg11[%get3A_193, %get3A_194] {strides = array<i32>} : memref<32x768xf32, #tpu.memory_space<vmem>>, vector<1x16xf32>,
      %get3A_196 = vector.shape_cast %get3A_195 : vector<1x16xf32> to vector<16xf32>
      %add3A_197 = arith.addf %get3A_192, %get3A_196 : vector<16xf32>
      %swap3A_198 = arith.index_cast %scan3A_159 : i32 to index
      %swap3A_199 = arith.constant 32 : index
      %swap3A_200 = tpu.vector_load %arg10[%swap3A_198, %swap3A_199] {strides = array<i32>} : memref<32x768xf32, #tpu.memory_space<vmem>>, vector<1x16xf32>,
      %swap3A_201 = vector.shape_cast %swap3A_200 : vector<1x16xf32> to vector<16xf32>
      %swap3A_202 = vector.shape_cast %add3A_197 : vector<16xf32> to vector<1x16xf32>
      tpu.vector_store %arg10[%swap3A_198, %swap3A_199], %swap3A_202 {strides = array<i32>} : memref<32x768xf32, #tpu.memory_space<vmem>>, vector<1x16xf32>,
      %get3A_203 = arith.index_cast %scan3A_159 : i32 to index
      %get3A_204 = arith.constant 48 : index
      %get3A_205 = tpu.vector_load %arg10[%get3A_203, %get3A_204] {strides = array<i32>} : memref<32x768xf32, #tpu.memory_space<vmem>>, vector<1x16xf32>,
      %get3A_206 = vector.shape_cast %get3A_205 : vector<1x16xf32> to vector<16xf32>
      %get3A_207 = arith.index_cast %scan3A_159 : i32 to index
      %get3A_208 = arith.constant 48 : index
      %get3A_209 = tpu.vector_load %arg11[%get3A_207, %get3A_208] {strides = array<i32>} : memref<32x768xf32, #tpu.memory_space<vmem>>, vector<1x16xf32>,
      %get3A_210 = vector.shape_cast %get3A_209 : vector<1x16xf32> to vector<16xf32>
      %add3A_211 = arith.addf %get3A_206, %get3A_210 : vector<16xf32>
      %swap3A_212 = arith.index_cast %scan3A_159 : i32 to index
      %swap3A_213 = arith.constant 48 : index
      %swap3A_214 = tpu.vector_load %arg10[%swap3A_212, %swap3A_213] {strides = array<i32>} : memref<32x768xf32, #tpu.memory_space<vmem>>, vector<1x16xf32>,
      %swap3A_215 = vector.shape_cast %swap3A_214 : vector<1x16xf32> to vector<16xf32>
      %swap3A_216 = vector.shape_cast %add3A_211 : vector<16xf32> to vector<1x16xf32>
      tpu.vector_store %arg10[%swap3A_212, %swap3A_213], %swap3A_216 {strides = array<i32>} : memref<32x768xf32, #tpu.memory_space<vmem>>, vector<1x16xf32>,
      %get3A_217 = arith.index_cast %scan3A_159 : i32 to index
      %get3A_218 = arith.constant 64 : index
      %get3A_219 = tpu.vector_load %arg10[%get3A_217, %get3A_218] {strides = array<i32>} : memref<32x768xf32, #tpu.memory_space<vmem>>, vector<1x16xf32>,
      %get3A_220 = vector.shape_cast %get3A_219 : vector<1x16xf32> to vector<16xf32>
      %get3A_221 = arith.index_cast %scan3A_159 : i32 to index
      %get3A_222 = arith.constant 64 : index
      %get3A_223 = tpu.vector_load %arg11[%get3A_221, %get3A_222] {strides = array<i32>} : memref<32x768xf32, #tpu.memory_space<vmem>>, vector<1x16xf32>,
      %get3A_224 = vector.shape_cast %get3A_223 : vector<1x16xf32> to vector<16xf32>
      %add3A_225 = arith.addf %get3A_220, %get3A_224 : vector<16xf32>
      %swap3A_226 = arith.index_cast %scan3A_159 : i32 to index
      %swap3A_227 = arith.constant 64 : index
      %swap3A_228 = tpu.vector_load %arg10[%swap3A_226, %swap3A_227] {strides = array<i32>} : memref<32x768xf32, #tpu.memory_space<vmem>>, vector<1x16xf32>,
      %swap3A_229 = vector.shape_cast %swap3A_228 : vector<1x16xf32> to vector<16xf32>
      %swap3A_230 = vector.shape_cast %add3A_225 : vector<16xf32> to vector<1x16xf32>
      tpu.vector_store %arg10[%swap3A_226, %swap3A_227], %swap3A_230 {strides = array<i32>} : memref<32x768xf32, #tpu.memory_space<vmem>>, vector<1x16xf32>,
      %get3A_231 = arith.index_cast %scan3A_159 : i32 to index
      %get3A_232 = arith.constant 80 : index
      %get3A_233 = tpu.vector_load %arg10[%get3A_231, %get3A_232] {strides = array<i32>} : memref<32x768xf32, #tpu.memory_space<vmem>>, vector<1x16xf32>,
      %get3A_234 = vector.shape_cast %get3A_233 : vector<1x16xf32> to vector<16xf32>
      %get3A_235 = arith.index_cast %scan3A_159 : i32 to index
      %get3A_236 = arith.constant 80 : index
      %get3A_237 = tpu.vector_load %arg11[%get3A_235, %get3A_236] {strides = array<i32>} : memref<32x768xf32, #tpu.memory_space<vmem>>, vector<1x16xf32>,
      %get3A_238 = vector.shape_cast %get3A_237 : vector<1x16xf32> to vector<16xf32>
      %add3A_239 = arith.addf %get3A_234, %get3A_238 : vector<16xf32>
      %swap3A_240 = arith.index_cast %scan3A_159 : i32 to index
      %swap3A_241 = arith.constant 80 : index
      %swap3A_242 = tpu.vector_load %arg10[%swap3A_240, %swap3A_241] {strides = array<i32>} : memref<32x768xf32, #tpu.memory_space<vmem>>, vector<1x16xf32>,
      %swap3A_243 = vector.shape_cast %swap3A_242 : vector<1x16xf32> to vector<16xf32>
      %swap3A_244 = vector.shape_cast %add3A_239 : vector<16xf32> to vector<1x16xf32>
      tpu.vector_store %arg10[%swap3A_240, %swap3A_241], %swap3A_244 {strides = array<i32>} : memref<32x768xf32, #tpu.memory_space<vmem>>, vector<1x16xf32>,
      %get3A_245 = arith.index_cast %scan3A_159 : i32 to index
      %get3A_246 = arith.constant 96 : index
      %get3A_247 = tpu.vector_load %arg10[%get3A_245, %get3A_246] {strides = array<i32>} : memref<32x768xf32, #tpu.memory_space<vmem>>, vector<1x16xf32>,
      %get3A_248 = vector.shape_cast %get3A_247 : vector<1x16xf32> to vector<16xf32>
      %get3A_249 = arith.index_cast %scan3A_159 : i32 to index
      %get3A_250 = arith.constant 96 : index
      %get3A_251 = tpu.vector_load %arg11[%get3A_249, %get3A_250] {strides = array<i32>} : memref<32x768xf32, #tpu.memory_space<vmem>>, vector<1x16xf32>,
      %get3A_252 = vector.shape_cast %get3A_251 : vector<1x16xf32> to vector<16xf32>
      %add3A_253 = arith.addf %get3A_248, %get3A_252 : vector<16xf32>
      %swap3A_254 = arith.index_cast %scan3A_159 : i32 to index
      %swap3A_255 = arith.constant 96 : index
      %swap3A_256 = tpu.vector_load %arg10[%swap3A_254, %swap3A_255] {strides = array<i32>} : memref<32x768xf32, #tpu.memory_space<vmem>>, vector<1x16xf32>,
      %swap3A_257 = vector.shape_cast %swap3A_256 : vector<1x16xf32> to vector<16xf32>
      %swap3A_258 = vector.shape_cast %add3A_253 : vector<16xf32> to vector<1x16xf32>
      tpu.vector_store %arg10[%swap3A_254, %swap3A_255], %swap3A_258 {strides = array<i32>} : memref<32x768xf32, #tpu.memory_space<vmem>>, vector<1x16xf32>,
      %get3A_259 = arith.index_cast %scan3A_159 : i32 to index
      %get3A_260 = arith.constant 112 : index
      %get3A_261 = tpu.vector_load %arg10[%get3A_259, %get3A_260] {strides = array<i32>} : memref<32x768xf32, #tpu.memory_space<vmem>>, vector<1x16xf32>,
      %get3A_262 = vector.shape_cast %get3A_261 : vector<1x16xf32> to vector<16xf32>
      %get3A_263 = arith.index_cast %scan3A_159 : i32 to index
      %get3A_264 = arith.constant 112 : index
      %get3A_265 = tpu.vector_load %arg11[%get3A_263, %get3A_264] {strides = array<i32>} : memref<32x768xf32, #tpu.memory_space<vmem>>, vector<1x16xf32>,
      %get3A_266 = vector.shape_cast %get3A_265 : vector<1x16xf32> to vector<16xf32>
      %add3A_267 = arith.addf %get3A_262, %get3A_266 : vector<16xf32>
      %swap3A_268 = arith.index_cast %scan3A_159 : i32 to index
      %swap3A_269 = arith.constant 112 : index
      %swap3A_270 = tpu.vector_load %arg10[%swap3A_268, %swap3A_269] {strides = array<i32>} : memref<32x768xf32, #tpu.memory_space<vmem>>, vector<1x16xf32>,
      %swap3A_271 = vector.shape_cast %swap3A_270 : vector<1x16xf32> to vector<16xf32>
      %swap3A_272 = vector.shape_cast %add3A_267 : vector<16xf32> to vector<1x16xf32>
      tpu.vector_store %arg10[%swap3A_268, %swap3A_269], %swap3A_272 {strides = array<i32>} : memref<32x768xf32, #tpu.memory_space<vmem>>, vector<1x16xf32>,
      %get3A_273 = arith.index_cast %scan3A_159 : i32 to index
      %get3A_274 = arith.constant 128 : index
      %get3A_275 = tpu.vector_load %arg10[%get3A_273, %get3A_274] {strides = array<i32>} : memref<32x768xf32, #tpu.memory_space<vmem>>, vector<1x16xf32>,
      %get3A_276 = vector.shape_cast %get3A_275 : vector<1x16xf32> to vector<16xf32>
      %get3A_277 = arith.index_cast %scan3A_159 : i32 to index
      %get3A_278 = arith.constant 128 : index
      %get3A_279 = tpu.vector_load %arg11[%get3A_277, %get3A_278] {strides = array<i32>} : memref<32x768xf32, #tpu.memory_space<vmem>>, vector<1x16xf32>,
      %get3A_280 = vector.shape_cast %get3A_279 : vector<1x16xf32> to vector<16xf32>
      %add3A_281 = arith.addf %get3A_276, %get3A_280 : vector<16xf32>
      %swap3A_282 = arith.index_cast %scan3A_159 : i32 to index
      %swap3A_283 = arith.constant 128 : index
      %swap3A_284 = tpu.vector_load %arg10[%swap3A_282, %swap3A_283] {strides = array<i32>} : memref<32x768xf32, #tpu.memory_space<vmem>>, vector<1x16xf32>,
      %swap3A_285 = vector.shape_cast %swap3A_284 : vector<1x16xf32> to vector<16xf32>
      %swap3A_286 = vector.shape_cast %add3A_281 : vector<16xf32> to vector<1x16xf32>
      tpu.vector_store %arg10[%swap3A_282, %swap3A_283], %swap3A_286 {strides = array<i32>} : memref<32x768xf32, #tpu.memory_space<vmem>>, vector<1x16xf32>,
      %get3A_287 = arith.index_cast %scan3A_159 : i32 to index
      %get3A_288 = arith.constant 144 : index
      %get3A_289 = tpu.vector_load %arg10[%get3A_287, %get3A_288] {strides = array<i32>} : memref<32x768xf32, #tpu.memory_space<vmem>>, vector<1x16xf32>,
      %get3A_290 = vector.shape_cast %get3A_289 : vector<1x16xf32> to vector<16xf32>
      %get3A_291 = arith.index_cast %scan3A_159 : i32 to index
      %get3A_292 = arith.constant 144 : index
      %get3A_293 = tpu.vector_load %arg11[%get3A_291, %get3A_292] {strides = array<i32>} : memref<32x768xf32, #tpu.memory_space<vmem>>, vector<1x16xf32>,
      %get3A_294 = vector.shape_cast %get3A_293 : vector<1x16xf32> to vector<16xf32>
      %add3A_295 = arith.addf %get3A_290, %get3A_294 : vector<16xf32>
      %swap3A_296 = arith.index_cast %scan3A_159 : i32 to index
      %swap3A_297 = arith.constant 144 : index
      %swap3A_298 = tpu.vector_load %arg10[%swap3A_296, %swap3A_297] {strides = array<i32>} : memref<32x768xf32, #tpu.memory_space<vmem>>, vector<1x16xf32>,
      %swap3A_299 = vector.shape_cast %swap3A_298 : vector<1x16xf32> to vector<16xf32>
      %swap3A_300 = vector.shape_cast %add3A_295 : vector<16xf32> to vector<1x16xf32>
      tpu.vector_store %arg10[%swap3A_296, %swap3A_297], %swap3A_300 {strides = array<i32>} : memref<32x768xf32, #tpu.memory_space<vmem>>, vector<1x16xf32>,
      %get3A_301 = arith.index_cast %scan3A_159 : i32 to index
      %get3A_302 = arith.constant 160 : index
      %get3A_303 = tpu.vector_load %arg10[%get3A_301, %get3A_302] {strides = array<i32>} : memref<32x768xf32, #tpu.memory_space<vmem>>, vector<1x16xf32>,
      %get3A_304 = vector.shape_cast %get3A_303 : vector<1x16xf32> to vector<16xf32>
      %get3A_305 = arith.index_cast %scan3A_159 : i32 to index
      %get3A_306 = arith.constant 160 : index
      %get3A_307 = tpu.vector_load %arg11[%get3A_305, %get3A_306] {strides = array<i32>} : memref<32x768xf32, #tpu.memory_space<vmem>>, vector<1x16xf32>,
      %get3A_308 = vector.shape_cast %get3A_307 : vector<1x16xf32> to vector<16xf32>
      %add3A_309 = arith.addf %get3A_304, %get3A_308 : vector<16xf32>
      %swap3A_310 = arith.index_cast %scan3A_159 : i32 to index
      %swap3A_311 = arith.constant 160 : index
      %swap3A_312 = tpu.vector_load %arg10[%swap3A_310, %swap3A_311] {strides = array<i32>} : memref<32x768xf32, #tpu.memory_space<vmem>>, vector<1x16xf32>,
      %swap3A_313 = vector.shape_cast %swap3A_312 : vector<1x16xf32> to vector<16xf32>
      %swap3A_314 = vector.shape_cast %add3A_309 : vector<16xf32> to vector<1x16xf32>
      tpu.vector_store %arg10[%swap3A_310, %swap3A_311], %swap3A_314 {strides = array<i32>} : memref<32x768xf32, #tpu.memory_space<vmem>>, vector<1x16xf32>,
      %get3A_315 = arith.index_cast %scan3A_159 : i32 to index
      %get3A_316 = arith.constant 176 : index
      %get3A_317 = tpu.vector_load %arg10[%get3A_315, %get3A_316] {strides = array<i32>} : memref<32x768xf32, #tpu.memory_space<vmem>>, vector<1x16xf32>,
      %get3A_318 = vector.shape_cast %get3A_317 : vector<1x16xf32> to vector<16xf32>
      %get3A_319 = arith.index_cast %scan3A_159 : i32 to index
      %get3A_320 = arith.constant 176 : index
      %get3A_321 = tpu.vector_load %arg11[%get3A_319, %get3A_320] {strides = array<i32>} : memref<32x768xf32, #tpu.memory_space<vmem>>, vector<1x16xf32>,
      %get3A_322 = vector.shape_cast %get3A_321 : vector<1x16xf32> to vector<16xf32>
      %add3A_323 = arith.addf %get3A_318, %get3A_322 : vector<16xf32>
      %swap3A_324 = arith.index_cast %scan3A_159 : i32 to index
      %swap3A_325 = arith.constant 176 : index
      %swap3A_326 = tpu.vector_load %arg10[%swap3A_324, %swap3A_325] {strides = array<i32>} : memref<32x768xf32, #tpu.memory_space<vmem>>, vector<1x16xf32>,
      %swap3A_327 = vector.shape_cast %swap3A_326 : vector<1x16xf32> to vector<16xf32>
      %swap3A_328 = vector.shape_cast %add3A_323 : vector<16xf32> to vector<1x16xf32>
      tpu.vector_store %arg10[%swap3A_324, %swap3A_325], %swap3A_328 {strides = array<i32>} : memref<32x768xf32, #tpu.memory_space<vmem>>, vector<1x16xf32>,
      %get3A_329 = arith.index_cast %scan3A_159 : i32 to index
      %get3A_330 = arith.constant 192 : index
      %get3A_331 = tpu.vector_load %arg10[%get3A_329, %get3A_330] {strides = array<i32>} : memref<32x768xf32, #tpu.memory_space<vmem>>, vector<1x16xf32>,
      %get3A_332 = vector.shape_cast %get3A_331 : vector<1x16xf32> to vector<16xf32>
      %get3A_333 = arith.index_cast %scan3A_159 : i32 to index
      %get3A_334 = arith.constant 192 : index
      %get3A_335 = tpu.vector_load %arg11[%get3A_333, %get3A_334] {strides = array<i32>} : memref<32x768xf32, #tpu.memory_space<vmem>>, vector<1x16xf32>,
      %get3A_336 = vector.shape_cast %get3A_335 : vector<1x16xf32> to vector<16xf32>
      %add3A_337 = arith.addf %get3A_332, %get3A_336 : vector<16xf32>
      %swap3A_338 = arith.index_cast %scan3A_159 : i32 to index
      %swap3A_339 = arith.constant 192 : index
      %swap3A_340 = tpu.vector_load %arg10[%swap3A_338, %swap3A_339] {strides = array<i32>} : memref<32x768xf32, #tpu.memory_space<vmem>>, vector<1x16xf32>,
      %swap3A_341 = vector.shape_cast %swap3A_340 : vector<1x16xf32> to vector<16xf32>
      %swap3A_342 = vector.shape_cast %add3A_337 : vector<16xf32> to vector<1x16xf32>
      tpu.vector_store %arg10[%swap3A_338, %swap3A_339], %swap3A_342 {strides = array<i32>} : memref<32x768xf32, #tpu.memory_space<vmem>>, vector<1x16xf32>,
      %get3A_343 = arith.index_cast %scan3A_159 : i32 to index
      %get3A_344 = arith.constant 208 : index
      %get3A_345 = tpu.vector_load %arg10[%get3A_343, %get3A_344] {strides = array<i32>} : memref<32x768xf32, #tpu.memory_space<vmem>>, vector<1x16xf32>,
      %get3A_346 = vector.shape_cast %get3A_345 : vector<1x16xf32> to vector<16xf32>
      %get3A_347 = arith.index_cast %scan3A_159 : i32 to index
      %get3A_348 = arith.constant 208 : index
      %get3A_349 = tpu.vector_load %arg11[%get3A_347, %get3A_348] {strides = array<i32>} : memref<32x768xf32, #tpu.memory_space<vmem>>, vector<1x16xf32>,
      %get3A_350 = vector.shape_cast %get3A_349 : vector<1x16xf32> to vector<16xf32>
      %add3A_351 = arith.addf %get3A_346, %get3A_350 : vector<16xf32>
      %swap3A_352 = arith.index_cast %scan3A_159 : i32 to index
      %swap3A_353 = arith.constant 208 : index
      %swap3A_354 = tpu.vector_load %arg10[%swap3A_352, %swap3A_353] {strides = array<i32>} : memref<32x768xf32, #tpu.memory_space<vmem>>, vector<1x16xf32>,
      %swap3A_355 = vector.shape_cast %swap3A_354 : vector<1x16xf32> to vector<16xf32>
      %swap3A_356 = vector.shape_cast %add3A_351 : vector<16xf32> to vector<1x16xf32>
      tpu.vector_store %arg10[%swap3A_352, %swap3A_353], %swap3A_356 {strides = array<i32>} : memref<32x768xf32, #tpu.memory_space<vmem>>, vector<1x16xf32>,
      %get3A_357 = arith.index_cast %scan3A_159 : i32 to index
      %get3A_358 = arith.constant 224 : index
      %get3A_359 = tpu.vector_load %arg10[%get3A_357, %get3A_358] {strides = array<i32>} : memref<32x768xf32, #tpu.memory_space<vmem>>, vector<1x16xf32>,
      %get3A_360 = vector.shape_cast %get3A_359 : vector<1x16xf32> to vector<16xf32>
      %get3A_361 = arith.index_cast %scan3A_159 : i32 to index
      %get3A_362 = arith.constant 224 : index
      %get3A_363 = tpu.vector_load %arg11[%get3A_361, %get3A_362] {strides = array<i32>} : memref<32x768xf32, #tpu.memory_space<vmem>>, vector<1x16xf32>,
      %get3A_364 = vector.shape_cast %get3A_363 : vector<1x16xf32> to vector<16xf32>
      %add3A_365 = arith.addf %get3A_360, %get3A_364 : vector<16xf32>
      %swap3A_366 = arith.index_cast %scan3A_159 : i32 to index
      %swap3A_367 = arith.constant 224 : index
      %swap3A_368 = tpu.vector_load %arg10[%swap3A_366, %swap3A_367] {strides = array<i32>} : memref<32x768xf32, #tpu.memory_space<vmem>>, vector<1x16xf32>,
      %swap3A_369 = vector.shape_cast %swap3A_368 : vector<1x16xf32> to vector<16xf32>
      %swap3A_370 = vector.shape_cast %add3A_365 : vector<16xf32> to vector<1x16xf32>
      tpu.vector_store %arg10[%swap3A_366, %swap3A_367], %swap3A_370 {strides = array<i32>} : memref<32x768xf32, #tpu.memory_space<vmem>>, vector<1x16xf32>,
      %get3A_371 = arith.index_cast %scan3A_159 : i32 to index
      %get3A_372 = arith.constant 240 : index
      %get3A_373 = tpu.vector_load %arg10[%get3A_371, %get3A_372] {strides = array<i32>} : memref<32x768xf32, #tpu.memory_space<vmem>>, vector<1x16xf32>,
      %get3A_374 = vector.shape_cast %get3A_373 : vector<1x16xf32> to vector<16xf32>
      %get3A_375 = arith.index_cast %scan3A_159 : i32 to index
      %get3A_376 = arith.constant 240 : index
      %get3A_377 = tpu.vector_load %arg11[%get3A_375, %get3A_376] {strides = array<i32>} : memref<32x768xf32, #tpu.memory_space<vmem>>, vector<1x16xf32>,
      %get3A_378 = vector.shape_cast %get3A_377 : vector<1x16xf32> to vector<16xf32>
      %add3A_379 = arith.addf %get3A_374, %get3A_378 : vector<16xf32>
      %swap3A_380 = arith.index_cast %scan3A_159 : i32 to index
      %swap3A_381 = arith.constant 240 : index
      %swap3A_382 = tpu.vector_load %arg10[%swap3A_380, %swap3A_381] {strides = array<i32>} : memref<32x768xf32, #tpu.memory_space<vmem>>, vector<1x16xf32>,
      %swap3A_383 = vector.shape_cast %swap3A_382 : vector<1x16xf32> to vector<16xf32>
      %swap3A_384 = vector.shape_cast %add3A_379 : vector<16xf32> to vector<1x16xf32>
      tpu.vector_store %arg10[%swap3A_380, %swap3A_381], %swap3A_384 {strides = array<i32>} : memref<32x768xf32, #tpu.memory_space<vmem>>, vector<1x16xf32>,
      %get3A_385 = arith.index_cast %scan3A_159 : i32 to index
      %get3A_386 = arith.constant 256 : index
      %get3A_387 = tpu.vector_load %arg10[%get3A_385, %get3A_386] {strides = array<i32>} : memref<32x768xf32, #tpu.memory_space<vmem>>, vector<1x16xf32>,
      %get3A_388 = vector.shape_cast %get3A_387 : vector<1x16xf32> to vector<16xf32>
      %get3A_389 = arith.index_cast %scan3A_159 : i32 to index
      %get3A_390 = arith.constant 256 : index
      %get3A_391 = tpu.vector_load %arg11[%get3A_389, %get3A_390] {strides = array<i32>} : memref<32x768xf32, #tpu.memory_space<vmem>>, vector<1x16xf32>,
      %get3A_392 = vector.shape_cast %get3A_391 : vector<1x16xf32> to vector<16xf32>
      %add3A_393 = arith.addf %get3A_388, %get3A_392 : vector<16xf32>
      %swap3A_394 = arith.index_cast %scan3A_159 : i32 to index
      %swap3A_395 = arith.constant 256 : index
      %swap3A_396 = tpu.vector_load %arg10[%swap3A_394, %swap3A_395] {strides = array<i32>} : memref<32x768xf32, #tpu.memory_space<vmem>>, vector<1x16xf32>,
      %swap3A_397 = vector.shape_cast %swap3A_396 : vector<1x16xf32> to vector<16xf32>
      %swap3A_398 = vector.shape_cast %add3A_393 : vector<16xf32> to vector<1x16xf32>
      tpu.vector_store %arg10[%swap3A_394, %swap3A_395], %swap3A_398 {strides = array<i32>} : memref<32x768xf32, #tpu.memory_space<vmem>>, vector<1x16xf32>,
      %get3A_399 = arith.index_cast %scan3A_159 : i32 to index
      %get3A_400 = arith.constant 272 : index
      %get3A_401 = tpu.vector_load %arg10[%get3A_399, %get3A_400] {strides = array<i32>} : memref<32x768xf32, #tpu.memory_space<vmem>>, vector<1x16xf32>,
      %get3A_402 = vector.shape_cast %get3A_401 : vector<1x16xf32> to vector<16xf32>
      %get3A_403 = arith.index_cast %scan3A_159 : i32 to index
      %get3A_404 = arith.constant 272 : index
      %get3A_405 = tpu.vector_load %arg11[%get3A_403, %get3A_404] {strides = array<i32>} : memref<32x768xf32, #tpu.memory_space<vmem>>, vector<1x16xf32>,
      %get3A_406 = vector.shape_cast %get3A_405 : vector<1x16xf32> to vector<16xf32>
      %add3A_407 = arith.addf %get3A_402, %get3A_406 : vector<16xf32>
      %swap3A_408 = arith.index_cast %scan3A_159 : i32 to index
      %swap3A_409 = arith.constant 272 : index
      %swap3A_410 = tpu.vector_load %arg10[%swap3A_408, %swap3A_409] {strides = array<i32>} : memref<32x768xf32, #tpu.memory_space<vmem>>, vector<1x16xf32>,
      %swap3A_411 = vector.shape_cast %swap3A_410 : vector<1x16xf32> to vector<16xf32>
      %swap3A_412 = vector.shape_cast %add3A_407 : vector<16xf32> to vector<1x16xf32>
      tpu.vector_store %arg10[%swap3A_408, %swap3A_409], %swap3A_412 {strides = array<i32>} : memref<32x768xf32, #tpu.memory_space<vmem>>, vector<1x16xf32>,
      %get3A_413 = arith.index_cast %scan3A_159 : i32 to index
      %get3A_414 = arith.constant 288 : index
      %get3A_415 = tpu.vector_load %arg10[%get3A_413, %get3A_414] {strides = array<i32>} : memref<32x768xf32, #tpu.memory_space<vmem>>, vector<1x16xf32>,
      %get3A_416 = vector.shape_cast %get3A_415 : vector<1x16xf32> to vector<16xf32>
      %get3A_417 = arith.index_cast %scan3A_159 : i32 to index
      %get3A_418 = arith.constant 288 : index
      %get3A_419 = tpu.vector_load %arg11[%get3A_417, %get3A_418] {strides = array<i32>} : memref<32x768xf32, #tpu.memory_space<vmem>>, vector<1x16xf32>,
      %get3A_420 = vector.shape_cast %get3A_419 : vector<1x16xf32> to vector<16xf32>
      %add3A_421 = arith.addf %get3A_416, %get3A_420 : vector<16xf32>
      %swap3A_422 = arith.index_cast %scan3A_159 : i32 to index
      %swap3A_423 = arith.constant 288 : index
      %swap3A_424 = tpu.vector_load %arg10[%swap3A_422, %swap3A_423] {strides = array<i32>} : memref<32x768xf32, #tpu.memory_space<vmem>>, vector<1x16xf32>,
      %swap3A_425 = vector.shape_cast %swap3A_424 : vector<1x16xf32> to vector<16xf32>
      %swap3A_426 = vector.shape_cast %add3A_421 : vector<16xf32> to vector<1x16xf32>
      tpu.vector_store %arg10[%swap3A_422, %swap3A_423], %swap3A_426 {strides = array<i32>} : memref<32x768xf32, #tpu.memory_space<vmem>>, vector<1x16xf32>,
      %get3A_427 = arith.index_cast %scan3A_159 : i32 to index
      %get3A_428 = arith.constant 304 : index
      %get3A_429 = tpu.vector_load %arg10[%get3A_427, %get3A_428] {strides = array<i32>} : memref<32x768xf32, #tpu.memory_space<vmem>>, vector<1x16xf32>,
      %get3A_430 = vector.shape_cast %get3A_429 : vector<1x16xf32> to vector<16xf32>
      %get3A_431 = arith.index_cast %scan3A_159 : i32 to index
      %get3A_432 = arith.constant 304 : index
      %get3A_433 = tpu.vector_load %arg11[%get3A_431, %get3A_432] {strides = array<i32>} : memref<32x768xf32, #tpu.memory_space<vmem>>, vector<1x16xf32>,
      %get3A_434 = vector.shape_cast %get3A_433 : vector<1x16xf32> to vector<16xf32>
      %add3A_435 = arith.addf %get3A_430, %get3A_434 : vector<16xf32>
      %swap3A_436 = arith.index_cast %scan3A_159 : i32 to index
      %swap3A_437 = arith.constant 304 : index
      %swap3A_438 = tpu.vector_load %arg10[%swap3A_436, %swap3A_437] {strides = array<i32>} : memref<32x768xf32, #tpu.memory_space<vmem>>, vector<1x16xf32>,
      %swap3A_439 = vector.shape_cast %swap3A_438 : vector<1x16xf32> to vector<16xf32>
      %swap3A_440 = vector.shape_cast %add3A_435 : vector<16xf32> to vector<1x16xf32>
      tpu.vector_store %arg10[%swap3A_436, %swap3A_437], %swap3A_440 {strides = array<i32>} : memref<32x768xf32, #tpu.memory_space<vmem>>, vector<1x16xf32>,
      %get3A_441 = arith.index_cast %scan3A_159 : i32 to index
      %get3A_442 = arith.constant 320 : index
      %get3A_443 = tpu.vector_load %arg10[%get3A_441, %get3A_442] {strides = array<i32>} : memref<32x768xf32, #tpu.memory_space<vmem>>, vector<1x16xf32>,
      %get3A_444 = vector.shape_cast %get3A_443 : vector<1x16xf32> to vector<16xf32>
      %get3A_445 = arith.index_cast %scan3A_159 : i32 to index
      %get3A_446 = arith.constant 320 : index
      %get3A_447 = tpu.vector_load %arg11[%get3A_445, %get3A_446] {strides = array<i32>} : memref<32x768xf32, #tpu.memory_space<vmem>>, vector<1x16xf32>,
      %get3A_448 = vector.shape_cast %get3A_447 : vector<1x16xf32> to vector<16xf32>
      %add3A_449 = arith.addf %get3A_444, %get3A_448 : vector<16xf32>
      %swap3A_450 = arith.index_cast %scan3A_159 : i32 to index
      %swap3A_451 = arith.constant 320 : index
      %swap3A_452 = tpu.vector_load %arg10[%swap3A_450, %swap3A_451] {strides = array<i32>} : memref<32x768xf32, #tpu.memory_space<vmem>>, vector<1x16xf32>,
      %swap3A_453 = vector.shape_cast %swap3A_452 : vector<1x16xf32> to vector<16xf32>
      %swap3A_454 = vector.shape_cast %add3A_449 : vector<16xf32> to vector<1x16xf32>
      tpu.vector_store %arg10[%swap3A_450, %swap3A_451], %swap3A_454 {strides = array<i32>} : memref<32x768xf32, #tpu.memory_space<vmem>>, vector<1x16xf32>,
      %get3A_455 = arith.index_cast %scan3A_159 : i32 to index
      %get3A_456 = arith.constant 336 : index
      %get3A_457 = tpu.vector_load %arg10[%get3A_455, %get3A_456] {strides = array<i32>} : memref<32x768xf32, #tpu.memory_space<vmem>>, vector<1x16xf32>,
      %get3A_458 = vector.shape_cast %get3A_457 : vector<1x16xf32> to vector<16xf32>
      %get3A_459 = arith.index_cast %scan3A_159 : i32 to index
      %get3A_460 = arith.constant 336 : index
      %get3A_461 = tpu.vector_load %arg11[%get3A_459, %get3A_460] {strides = array<i32>} : memref<32x768xf32, #tpu.memory_space<vmem>>, vector<1x16xf32>,
      %get3A_462 = vector.shape_cast %get3A_461 : vector<1x16xf32> to vector<16xf32>
      %add3A_463 = arith.addf %get3A_458, %get3A_462 : vector<16xf32>
      %swap3A_464 = arith.index_cast %scan3A_159 : i32 to index
      %swap3A_465 = arith.constant 336 : index
      %swap3A_466 = tpu.vector_load %arg10[%swap3A_464, %swap3A_465] {strides = array<i32>} : memref<32x768xf32, #tpu.memory_space<vmem>>, vector<1x16xf32>,
      %swap3A_467 = vector.shape_cast %swap3A_466 : vector<1x16xf32> to vector<16xf32>
      %swap3A_468 = vector.shape_cast %add3A_463 : vector<16xf32> to vector<1x16xf32>
      tpu.vector_store %arg10[%swap3A_464, %swap3A_465], %swap3A_468 {strides = array<i32>} : memref<32x768xf32, #tpu.memory_space<vmem>>, vector<1x16xf32>,
      %get3A_469 = arith.index_cast %scan3A_159 : i32 to index
      %get3A_470 = arith.constant 352 : index
      %get3A_471 = tpu.vector_load %arg10[%get3A_469, %get3A_470] {strides = array<i32>} : memref<32x768xf32, #tpu.memory_space<vmem>>, vector<1x16xf32>,
      %get3A_472 = vector.shape_cast %get3A_471 : vector<1x16xf32> to vector<16xf32>
      %get3A_473 = arith.index_cast %scan3A_159 : i32 to index
      %get3A_474 = arith.constant 352 : index
      %get3A_475 = tpu.vector_load %arg11[%get3A_473, %get3A_474] {strides = array<i32>} : memref<32x768xf32, #tpu.memory_space<vmem>>, vector<1x16xf32>,
      %get3A_476 = vector.shape_cast %get3A_475 : vector<1x16xf32> to vector<16xf32>
      %add3A_477 = arith.addf %get3A_472, %get3A_476 : vector<16xf32>
      %swap3A_478 = arith.index_cast %scan3A_159 : i32 to index
      %swap3A_479 = arith.constant 352 : index
      %swap3A_480 = tpu.vector_load %arg10[%swap3A_478, %swap3A_479] {strides = array<i32>} : memref<32x768xf32, #tpu.memory_space<vmem>>, vector<1x16xf32>,
      %swap3A_481 = vector.shape_cast %swap3A_480 : vector<1x16xf32> to vector<16xf32>
      %swap3A_482 = vector.shape_cast %add3A_477 : vector<16xf32> to vector<1x16xf32>
      tpu.vector_store %arg10[%swap3A_478, %swap3A_479], %swap3A_482 {strides = array<i32>} : memref<32x768xf32, #tpu.memory_space<vmem>>, vector<1x16xf32>,
      %get3A_483 = arith.index_cast %scan3A_159 : i32 to index
      %get3A_484 = arith.constant 368 : index
      %get3A_485 = tpu.vector_load %arg10[%get3A_483, %get3A_484] {strides = array<i32>} : memref<32x768xf32, #tpu.memory_space<vmem>>, vector<1x16xf32>,
      %get3A_486 = vector.shape_cast %get3A_485 : vector<1x16xf32> to vector<16xf32>
      %get3A_487 = arith.index_cast %scan3A_159 : i32 to index
      %get3A_488 = arith.constant 368 : index
      %get3A_489 = tpu.vector_load %arg11[%get3A_487, %get3A_488] {strides = array<i32>} : memref<32x768xf32, #tpu.memory_space<vmem>>, vector<1x16xf32>,
      %get3A_490 = vector.shape_cast %get3A_489 : vector<1x16xf32> to vector<16xf32>
      %add3A_491 = arith.addf %get3A_486, %get3A_490 : vector<16xf32>
      %swap3A_492 = arith.index_cast %scan3A_159 : i32 to index
      %swap3A_493 = arith.constant 368 : index
      %swap3A_494 = tpu.vector_load %arg10[%swap3A_492, %swap3A_493] {strides = array<i32>} : memref<32x768xf32, #tpu.memory_space<vmem>>, vector<1x16xf32>,
      %swap3A_495 = vector.shape_cast %swap3A_494 : vector<1x16xf32> to vector<16xf32>
      %swap3A_496 = vector.shape_cast %add3A_491 : vector<16xf32> to vector<1x16xf32>
      tpu.vector_store %arg10[%swap3A_492, %swap3A_493], %swap3A_496 {strides = array<i32>} : memref<32x768xf32, #tpu.memory_space<vmem>>, vector<1x16xf32>,
      %get3A_497 = arith.index_cast %scan3A_159 : i32 to index
      %get3A_498 = arith.constant 384 : index
      %get3A_499 = tpu.vector_load %arg10[%get3A_497, %get3A_498] {strides = array<i32>} : memref<32x768xf32, #tpu.memory_space<vmem>>, vector<1x16xf32>,
      %get3A_500 = vector.shape_cast %get3A_499 : vector<1x16xf32> to vector<16xf32>
      %get3A_501 = arith.index_cast %scan3A_159 : i32 to index
      %get3A_502 = arith.constant 384 : index
      %get3A_503 = tpu.vector_load %arg11[%get3A_501, %get3A_502] {strides = array<i32>} : memref<32x768xf32, #tpu.memory_space<vmem>>, vector<1x16xf32>,
      %get3A_504 = vector.shape_cast %get3A_503 : vector<1x16xf32> to vector<16xf32>
      %add3A_505 = arith.addf %get3A_500, %get3A_504 : vector<16xf32>
      %swap3A_506 = arith.index_cast %scan3A_159 : i32 to index
      %swap3A_507 = arith.constant 384 : index
      %swap3A_508 = tpu.vector_load %arg10[%swap3A_506, %swap3A_507] {strides = array<i32>} : memref<32x768xf32, #tpu.memory_space<vmem>>, vector<1x16xf32>,
      %swap3A_509 = vector.shape_cast %swap3A_508 : vector<1x16xf32> to vector<16xf32>
      %swap3A_510 = vector.shape_cast %add3A_505 : vector<16xf32> to vector<1x16xf32>
      tpu.vector_store %arg10[%swap3A_506, %swap3A_507], %swap3A_510 {strides = array<i32>} : memref<32x768xf32, #tpu.memory_space<vmem>>, vector<1x16xf32>,
      %get3A_511 = arith.index_cast %scan3A_159 : i32 to index
      %get3A_512 = arith.constant 400 : index
      %get3A_513 = tpu.vector_load %arg10[%get3A_511, %get3A_512] {strides = array<i32>} : memref<32x768xf32, #tpu.memory_space<vmem>>, vector<1x16xf32>,
      %get3A_514 = vector.shape_cast %get3A_513 : vector<1x16xf32> to vector<16xf32>
      %get3A_515 = arith.index_cast %scan3A_159 : i32 to index
      %get3A_516 = arith.constant 400 : index
      %get3A_517 = tpu.vector_load %arg11[%get3A_515, %get3A_516] {strides = array<i32>} : memref<32x768xf32, #tpu.memory_space<vmem>>, vector<1x16xf32>,
      %get3A_518 = vector.shape_cast %get3A_517 : vector<1x16xf32> to vector<16xf32>
      %add3A_519 = arith.addf %get3A_514, %get3A_518 : vector<16xf32>
      %swap3A_520 = arith.index_cast %scan3A_159 : i32 to index
      %swap3A_521 = arith.constant 400 : index
      %swap3A_522 = tpu.vector_load %arg10[%swap3A_520, %swap3A_521] {strides = array<i32>} : memref<32x768xf32, #tpu.memory_space<vmem>>, vector<1x16xf32>,
      %swap3A_523 = vector.shape_cast %swap3A_522 : vector<1x16xf32> to vector<16xf32>
      %swap3A_524 = vector.shape_cast %add3A_519 : vector<16xf32> to vector<1x16xf32>
      tpu.vector_store %arg10[%swap3A_520, %swap3A_521], %swap3A_524 {strides = array<i32>} : memref<32x768xf32, #tpu.memory_space<vmem>>, vector<1x16xf32>,
      %get3A_525 = arith.index_cast %scan3A_159 : i32 to index
      %get3A_526 = arith.constant 416 : index
      %get3A_527 = tpu.vector_load %arg10[%get3A_525, %get3A_526] {strides = array<i32>} : memref<32x768xf32, #tpu.memory_space<vmem>>, vector<1x16xf32>,
      %get3A_528 = vector.shape_cast %get3A_527 : vector<1x16xf32> to vector<16xf32>
      %get3A_529 = arith.index_cast %scan3A_159 : i32 to index
      %get3A_530 = arith.constant 416 : index
      %get3A_531 = tpu.vector_load %arg11[%get3A_529, %get3A_530] {strides = array<i32>} : memref<32x768xf32, #tpu.memory_space<vmem>>, vector<1x16xf32>,
      %get3A_532 = vector.shape_cast %get3A_531 : vector<1x16xf32> to vector<16xf32>
      %add3A_533 = arith.addf %get3A_528, %get3A_532 : vector<16xf32>
      %swap3A_534 = arith.index_cast %scan3A_159 : i32 to index
      %swap3A_535 = arith.constant 416 : index
      %swap3A_536 = tpu.vector_load %arg10[%swap3A_534, %swap3A_535] {strides = array<i32>} : memref<32x768xf32, #tpu.memory_space<vmem>>, vector<1x16xf32>,
      %swap3A_537 = vector.shape_cast %swap3A_536 : vector<1x16xf32> to vector<16xf32>
      %swap3A_538 = vector.shape_cast %add3A_533 : vector<16xf32> to vector<1x16xf32>
      tpu.vector_store %arg10[%swap3A_534, %swap3A_535], %swap3A_538 {strides = array<i32>} : memref<32x768xf32, #tpu.memory_space<vmem>>, vector<1x16xf32>,
      %get3A_539 = arith.index_cast %scan3A_159 : i32 to index
      %get3A_540 = arith.constant 432 : index
      %get3A_541 = tpu.vector_load %arg10[%get3A_539, %get3A_540] {strides = array<i32>} : memref<32x768xf32, #tpu.memory_space<vmem>>, vector<1x16xf32>,
      %get3A_542 = vector.shape_cast %get3A_541 : vector<1x16xf32> to vector<16xf32>
      %get3A_543 = arith.index_cast %scan3A_159 : i32 to index
      %get3A_544 = arith.constant 432 : index
      %get3A_545 = tpu.vector_load %arg11[%get3A_543, %get3A_544] {strides = array<i32>} : memref<32x768xf32, #tpu.memory_space<vmem>>, vector<1x16xf32>,
      %get3A_546 = vector.shape_cast %get3A_545 : vector<1x16xf32> to vector<16xf32>
      %add3A_547 = arith.addf %get3A_542, %get3A_546 : vector<16xf32>
      %swap3A_548 = arith.index_cast %scan3A_159 : i32 to index
      %swap3A_549 = arith.constant 432 : index
      %swap3A_550 = tpu.vector_load %arg10[%swap3A_548, %swap3A_549] {strides = array<i32>} : memref<32x768xf32, #tpu.memory_space<vmem>>, vector<1x16xf32>,
      %swap3A_551 = vector.shape_cast %swap3A_550 : vector<1x16xf32> to vector<16xf32>
      %swap3A_552 = vector.shape_cast %add3A_547 : vector<16xf32> to vector<1x16xf32>
      tpu.vector_store %arg10[%swap3A_548, %swap3A_549], %swap3A_552 {strides = array<i32>} : memref<32x768xf32, #tpu.memory_space<vmem>>, vector<1x16xf32>,
      %get3A_553 = arith.index_cast %scan3A_159 : i32 to index
      %get3A_554 = arith.constant 448 : index
      %get3A_555 = tpu.vector_load %arg10[%get3A_553, %get3A_554] {strides = array<i32>} : memref<32x768xf32, #tpu.memory_space<vmem>>, vector<1x16xf32>,
      %get3A_556 = vector.shape_cast %get3A_555 : vector<1x16xf32> to vector<16xf32>
      %get3A_557 = arith.index_cast %scan3A_159 : i32 to index
      %get3A_558 = arith.constant 448 : index
      %get3A_559 = tpu.vector_load %arg11[%get3A_557, %get3A_558] {strides = array<i32>} : memref<32x768xf32, #tpu.memory_space<vmem>>, vector<1x16xf32>,
      %get3A_560 = vector.shape_cast %get3A_559 : vector<1x16xf32> to vector<16xf32>
      %add3A_561 = arith.addf %get3A_556, %get3A_560 : vector<16xf32>
      %swap3A_562 = arith.index_cast %scan3A_159 : i32 to index
      %swap3A_563 = arith.constant 448 : index
      %swap3A_564 = tpu.vector_load %arg10[%swap3A_562, %swap3A_563] {strides = array<i32>} : memref<32x768xf32, #tpu.memory_space<vmem>>, vector<1x16xf32>,
      %swap3A_565 = vector.shape_cast %swap3A_564 : vector<1x16xf32> to vector<16xf32>
      %swap3A_566 = vector.shape_cast %add3A_561 : vector<16xf32> to vector<1x16xf32>
      tpu.vector_store %arg10[%swap3A_562, %swap3A_563], %swap3A_566 {strides = array<i32>} : memref<32x768xf32, #tpu.memory_space<vmem>>, vector<1x16xf32>,
      %get3A_567 = arith.index_cast %scan3A_159 : i32 to index
      %get3A_568 = arith.constant 464 : index
      %get3A_569 = tpu.vector_load %arg10[%get3A_567, %get3A_568] {strides = array<i32>} : memref<32x768xf32, #tpu.memory_space<vmem>>, vector<1x16xf32>,
      %get3A_570 = vector.shape_cast %get3A_569 : vector<1x16xf32> to vector<16xf32>
      %get3A_571 = arith.index_cast %scan3A_159 : i32 to index
      %get3A_572 = arith.constant 464 : index
      %get3A_573 = tpu.vector_load %arg11[%get3A_571, %get3A_572] {strides = array<i32>} : memref<32x768xf32, #tpu.memory_space<vmem>>, vector<1x16xf32>,
      %get3A_574 = vector.shape_cast %get3A_573 : vector<1x16xf32> to vector<16xf32>
      %add3A_575 = arith.addf %get3A_570, %get3A_574 : vector<16xf32>
      %swap3A_576 = arith.index_cast %scan3A_159 : i32 to index
      %swap3A_577 = arith.constant 464 : index
      %swap3A_578 = tpu.vector_load %arg10[%swap3A_576, %swap3A_577] {strides = array<i32>} : memref<32x768xf32, #tpu.memory_space<vmem>>, vector<1x16xf32>,
      %swap3A_579 = vector.shape_cast %swap3A_578 : vector<1x16xf32> to vector<16xf32>
      %swap3A_580 = vector.shape_cast %add3A_575 : vector<16xf32> to vector<1x16xf32>
      tpu.vector_store %arg10[%swap3A_576, %swap3A_577], %swap3A_580 {strides = array<i32>} : memref<32x768xf32, #tpu.memory_space<vmem>>, vector<1x16xf32>,
      %get3A_581 = arith.index_cast %scan3A_159 : i32 to index
      %get3A_582 = arith.constant 480 : index
      %get3A_583 = tpu.vector_load %arg10[%get3A_581, %get3A_582] {strides = array<i32>} : memref<32x768xf32, #tpu.memory_space<vmem>>, vector<1x16xf32>,
      %get3A_584 = vector.shape_cast %get3A_583 : vector<1x16xf32> to vector<16xf32>
      %get3A_585 = arith.index_cast %scan3A_159 : i32 to index
      %get3A_586 = arith.constant 480 : index
      %get3A_587 = tpu.vector_load %arg11[%get3A_585, %get3A_586] {strides = array<i32>} : memref<32x768xf32, #tpu.memory_space<vmem>>, vector<1x16xf32>,
      %get3A_588 = vector.shape_cast %get3A_587 : vector<1x16xf32> to vector<16xf32>
      %add3A_589 = arith.addf %get3A_584, %get3A_588 : vector<16xf32>
      %swap3A_590 = arith.index_cast %scan3A_159 : i32 to index
      %swap3A_591 = arith.constant 480 : index
      %swap3A_592 = tpu.vector_load %arg10[%swap3A_590, %swap3A_591] {strides = array<i32>} : memref<32x768xf32, #tpu.memory_space<vmem>>, vector<1x16xf32>,
      %swap3A_593 = vector.shape_cast %swap3A_592 : vector<1x16xf32> to vector<16xf32>
      %swap3A_594 = vector.shape_cast %add3A_589 : vector<16xf32> to vector<1x16xf32>
      tpu.vector_store %arg10[%swap3A_590, %swap3A_591], %swap3A_594 {strides = array<i32>} : memref<32x768xf32, #tpu.memory_space<vmem>>, vector<1x16xf32>,
      %get3A_595 = arith.index_cast %scan3A_159 : i32 to index
      %get3A_596 = arith.constant 496 : index
      %get3A_597 = tpu.vector_load %arg10[%get3A_595, %get3A_596] {strides = array<i32>} : memref<32x768xf32, #tpu.memory_space<vmem>>, vector<1x16xf32>,
      %get3A_598 = vector.shape_cast %get3A_597 : vector<1x16xf32> to vector<16xf32>
      %get3A_599 = arith.index_cast %scan3A_159 : i32 to index
      %get3A_600 = arith.constant 496 : index
      %get3A_601 = tpu.vector_load %arg11[%get3A_599, %get3A_600] {strides = array<i32>} : memref<32x768xf32, #tpu.memory_space<vmem>>, vector<1x16xf32>,
      %get3A_602 = vector.shape_cast %get3A_601 : vector<1x16xf32> to vector<16xf32>
      %add3A_603 = arith.addf %get3A_598, %get3A_602 : vector<16xf32>
      %swap3A_604 = arith.index_cast %scan3A_159 : i32 to index
      %swap3A_605 = arith.constant 496 : index
      %swap3A_606 = tpu.vector_load %arg10[%swap3A_604, %swap3A_605] {strides = array<i32>} : memref<32x768xf32, #tpu.memory_space<vmem>>, vector<1x16xf32>,
      %swap3A_607 = vector.shape_cast %swap3A_606 : vector<1x16xf32> to vector<16xf32>
      %swap3A_608 = vector.shape_cast %add3A_603 : vector<16xf32> to vector<1x16xf32>
      tpu.vector_store %arg10[%swap3A_604, %swap3A_605], %swap3A_608 {strides = array<i32>} : memref<32x768xf32, #tpu.memory_space<vmem>>, vector<1x16xf32>,
      %get3A_609 = arith.index_cast %scan3A_159 : i32 to index
      %get3A_610 = arith.constant 512 : index
      %get3A_611 = tpu.vector_load %arg10[%get3A_609, %get3A_610] {strides = array<i32>} : memref<32x768xf32, #tpu.memory_space<vmem>>, vector<1x16xf32>,
      %get3A_612 = vector.shape_cast %get3A_611 : vector<1x16xf32> to vector<16xf32>
      %get3A_613 = arith.index_cast %scan3A_159 : i32 to index
      %get3A_614 = arith.constant 512 : index
      %get3A_615 = tpu.vector_load %arg11[%get3A_613, %get3A_614] {strides = array<i32>} : memref<32x768xf32, #tpu.memory_space<vmem>>, vector<1x16xf32>,
      %get3A_616 = vector.shape_cast %get3A_615 : vector<1x16xf32> to vector<16xf32>
      %add3A_617 = arith.addf %get3A_612, %get3A_616 : vector<16xf32>
      %swap3A_618 = arith.index_cast %scan3A_159 : i32 to index
      %swap3A_619 = arith.constant 512 : index
      %swap3A_620 = tpu.vector_load %arg10[%swap3A_618, %swap3A_619] {strides = array<i32>} : memref<32x768xf32, #tpu.memory_space<vmem>>, vector<1x16xf32>,
      %swap3A_621 = vector.shape_cast %swap3A_620 : vector<1x16xf32> to vector<16xf32>
      %swap3A_622 = vector.shape_cast %add3A_617 : vector<16xf32> to vector<1x16xf32>
      tpu.vector_store %arg10[%swap3A_618, %swap3A_619], %swap3A_622 {strides = array<i32>} : memref<32x768xf32, #tpu.memory_space<vmem>>, vector<1x16xf32>,
      %get3A_623 = arith.index_cast %scan3A_159 : i32 to index
      %get3A_624 = arith.constant 528 : index
      %get3A_625 = tpu.vector_load %arg10[%get3A_623, %get3A_624] {strides = array<i32>} : memref<32x768xf32, #tpu.memory_space<vmem>>, vector<1x16xf32>,
      %get3A_626 = vector.shape_cast %get3A_625 : vector<1x16xf32> to vector<16xf32>
      %get3A_627 = arith.index_cast %scan3A_159 : i32 to index
      %get3A_628 = arith.constant 528 : index
      %get3A_629 = tpu.vector_load %arg11[%get3A_627, %get3A_628] {strides = array<i32>} : memref<32x768xf32, #tpu.memory_space<vmem>>, vector<1x16xf32>,
      %get3A_630 = vector.shape_cast %get3A_629 : vector<1x16xf32> to vector<16xf32>
      %add3A_631 = arith.addf %get3A_626, %get3A_630 : vector<16xf32>
      %swap3A_632 = arith.index_cast %scan3A_159 : i32 to index
      %swap3A_633 = arith.constant 528 : index
      %swap3A_634 = tpu.vector_load %arg10[%swap3A_632, %swap3A_633] {strides = array<i32>} : memref<32x768xf32, #tpu.memory_space<vmem>>, vector<1x16xf32>,
      %swap3A_635 = vector.shape_cast %swap3A_634 : vector<1x16xf32> to vector<16xf32>
      %swap3A_636 = vector.shape_cast %add3A_631 : vector<16xf32> to vector<1x16xf32>
      tpu.vector_store %arg10[%swap3A_632, %swap3A_633], %swap3A_636 {strides = array<i32>} : memref<32x768xf32, #tpu.memory_space<vmem>>, vector<1x16xf32>,
      %get3A_637 = arith.index_cast %scan3A_159 : i32 to index
      %get3A_638 = arith.constant 544 : index
      %get3A_639 = tpu.vector_load %arg10[%get3A_637, %get3A_638] {strides = array<i32>} : memref<32x768xf32, #tpu.memory_space<vmem>>, vector<1x16xf32>,
      %get3A_640 = vector.shape_cast %get3A_639 : vector<1x16xf32> to vector<16xf32>
      %get3A_641 = arith.index_cast %scan3A_159 : i32 to index
      %get3A_642 = arith.constant 544 : index
      %get3A_643 = tpu.vector_load %arg11[%get3A_641, %get3A_642] {strides = array<i32>} : memref<32x768xf32, #tpu.memory_space<vmem>>, vector<1x16xf32>,
      %get3A_644 = vector.shape_cast %get3A_643 : vector<1x16xf32> to vector<16xf32>
      %add3A_645 = arith.addf %get3A_640, %get3A_644 : vector<16xf32>
      %swap3A_646 = arith.index_cast %scan3A_159 : i32 to index
      %swap3A_647 = arith.constant 544 : index
      %swap3A_648 = tpu.vector_load %arg10[%swap3A_646, %swap3A_647] {strides = array<i32>} : memref<32x768xf32, #tpu.memory_space<vmem>>, vector<1x16xf32>,
      %swap3A_649 = vector.shape_cast %swap3A_648 : vector<1x16xf32> to vector<16xf32>
      %swap3A_650 = vector.shape_cast %add3A_645 : vector<16xf32> to vector<1x16xf32>
      tpu.vector_store %arg10[%swap3A_646, %swap3A_647], %swap3A_650 {strides = array<i32>} : memref<32x768xf32, #tpu.memory_space<vmem>>, vector<1x16xf32>,
      %get3A_651 = arith.index_cast %scan3A_159 : i32 to index
      %get3A_652 = arith.constant 560 : index
      %get3A_653 = tpu.vector_load %arg10[%get3A_651, %get3A_652] {strides = array<i32>} : memref<32x768xf32, #tpu.memory_space<vmem>>, vector<1x16xf32>,
      %get3A_654 = vector.shape_cast %get3A_653 : vector<1x16xf32> to vector<16xf32>
      %get3A_655 = arith.index_cast %scan3A_159 : i32 to index
      %get3A_656 = arith.constant 560 : index
      %get3A_657 = tpu.vector_load %arg11[%get3A_655, %get3A_656] {strides = array<i32>} : memref<32x768xf32, #tpu.memory_space<vmem>>, vector<1x16xf32>,
      %get3A_658 = vector.shape_cast %get3A_657 : vector<1x16xf32> to vector<16xf32>
      %add3A_659 = arith.addf %get3A_654, %get3A_658 : vector<16xf32>
      %swap3A_660 = arith.index_cast %scan3A_159 : i32 to index
      %swap3A_661 = arith.constant 560 : index
      %swap3A_662 = tpu.vector_load %arg10[%swap3A_660, %swap3A_661] {strides = array<i32>} : memref<32x768xf32, #tpu.memory_space<vmem>>, vector<1x16xf32>,
      %swap3A_663 = vector.shape_cast %swap3A_662 : vector<1x16xf32> to vector<16xf32>
      %swap3A_664 = vector.shape_cast %add3A_659 : vector<16xf32> to vector<1x16xf32>
      tpu.vector_store %arg10[%swap3A_660, %swap3A_661], %swap3A_664 {strides = array<i32>} : memref<32x768xf32, #tpu.memory_space<vmem>>, vector<1x16xf32>,
      %get3A_665 = arith.index_cast %scan3A_159 : i32 to index
      %get3A_666 = arith.constant 576 : index
      %get3A_667 = tpu.vector_load %arg10[%get3A_665, %get3A_666] {strides = array<i32>} : memref<32x768xf32, #tpu.memory_space<vmem>>, vector<1x16xf32>,
      %get3A_668 = vector.shape_cast %get3A_667 : vector<1x16xf32> to vector<16xf32>
      %get3A_669 = arith.index_cast %scan3A_159 : i32 to index
      %get3A_670 = arith.constant 576 : index
      %get3A_671 = tpu.vector_load %arg11[%get3A_669, %get3A_670] {strides = array<i32>} : memref<32x768xf32, #tpu.memory_space<vmem>>, vector<1x16xf32>,
      %get3A_672 = vector.shape_cast %get3A_671 : vector<1x16xf32> to vector<16xf32>
      %add3A_673 = arith.addf %get3A_668, %get3A_672 : vector<16xf32>
      %swap3A_674 = arith.index_cast %scan3A_159 : i32 to index
      %swap3A_675 = arith.constant 576 : index
      %swap3A_676 = tpu.vector_load %arg10[%swap3A_674, %swap3A_675] {strides = array<i32>} : memref<32x768xf32, #tpu.memory_space<vmem>>, vector<1x16xf32>,
      %swap3A_677 = vector.shape_cast %swap3A_676 : vector<1x16xf32> to vector<16xf32>
      %swap3A_678 = vector.shape_cast %add3A_673 : vector<16xf32> to vector<1x16xf32>
      tpu.vector_store %arg10[%swap3A_674, %swap3A_675], %swap3A_678 {strides = array<i32>} : memref<32x768xf32, #tpu.memory_space<vmem>>, vector<1x16xf32>,
      %get3A_679 = arith.index_cast %scan3A_159 : i32 to index
      %get3A_680 = arith.constant 592 : index
      %get3A_681 = tpu.vector_load %arg10[%get3A_679, %get3A_680] {strides = array<i32>} : memref<32x768xf32, #tpu.memory_space<vmem>>, vector<1x16xf32>,
      %get3A_682 = vector.shape_cast %get3A_681 : vector<1x16xf32> to vector<16xf32>
      %get3A_683 = arith.index_cast %scan3A_159 : i32 to index
      %get3A_684 = arith.constant 592 : index
      %get3A_685 = tpu.vector_load %arg11[%get3A_683, %get3A_684] {strides = array<i32>} : memref<32x768xf32, #tpu.memory_space<vmem>>, vector<1x16xf32>,
      %get3A_686 = vector.shape_cast %get3A_685 : vector<1x16xf32> to vector<16xf32>
      %add3A_687 = arith.addf %get3A_682, %get3A_686 : vector<16xf32>
      %swap3A_688 = arith.index_cast %scan3A_159 : i32 to index
      %swap3A_689 = arith.constant 592 : index
      %swap3A_690 = tpu.vector_load %arg10[%swap3A_688, %swap3A_689] {strides = array<i32>} : memref<32x768xf32, #tpu.memory_space<vmem>>, vector<1x16xf32>,
      %swap3A_691 = vector.shape_cast %swap3A_690 : vector<1x16xf32> to vector<16xf32>
      %swap3A_692 = vector.shape_cast %add3A_687 : vector<16xf32> to vector<1x16xf32>
      tpu.vector_store %arg10[%swap3A_688, %swap3A_689], %swap3A_692 {strides = array<i32>} : memref<32x768xf32, #tpu.memory_space<vmem>>, vector<1x16xf32>,
      %get3A_693 = arith.index_cast %scan3A_159 : i32 to index
      %get3A_694 = arith.constant 608 : index
      %get3A_695 = tpu.vector_load %arg10[%get3A_693, %get3A_694] {strides = array<i32>} : memref<32x768xf32, #tpu.memory_space<vmem>>, vector<1x16xf32>,
      %get3A_696 = vector.shape_cast %get3A_695 : vector<1x16xf32> to vector<16xf32>
      %get3A_697 = arith.index_cast %scan3A_159 : i32 to index
      %get3A_698 = arith.constant 608 : index
      %get3A_699 = tpu.vector_load %arg11[%get3A_697, %get3A_698] {strides = array<i32>} : memref<32x768xf32, #tpu.memory_space<vmem>>, vector<1x16xf32>,
      %get3A_700 = vector.shape_cast %get3A_699 : vector<1x16xf32> to vector<16xf32>
      %add3A_701 = arith.addf %get3A_696, %get3A_700 : vector<16xf32>
      %swap3A_702 = arith.index_cast %scan3A_159 : i32 to index
      %swap3A_703 = arith.constant 608 : index
      %swap3A_704 = tpu.vector_load %arg10[%swap3A_702, %swap3A_703] {strides = array<i32>} : memref<32x768xf32, #tpu.memory_space<vmem>>, vector<1x16xf32>,
      %swap3A_705 = vector.shape_cast %swap3A_704 : vector<1x16xf32> to vector<16xf32>
      %swap3A_706 = vector.shape_cast %add3A_701 : vector<16xf32> to vector<1x16xf32>
      tpu.vector_store %arg10[%swap3A_702, %swap3A_703], %swap3A_706 {strides = array<i32>} : memref<32x768xf32, #tpu.memory_space<vmem>>, vector<1x16xf32>,
      %get3A_707 = arith.index_cast %scan3A_159 : i32 to index
      %get3A_708 = arith.constant 624 : index
      %get3A_709 = tpu.vector_load %arg10[%get3A_707, %get3A_708] {strides = array<i32>} : memref<32x768xf32, #tpu.memory_space<vmem>>, vector<1x16xf32>,
      %get3A_710 = vector.shape_cast %get3A_709 : vector<1x16xf32> to vector<16xf32>
      %get3A_711 = arith.index_cast %scan3A_159 : i32 to index
      %get3A_712 = arith.constant 624 : index
      %get3A_713 = tpu.vector_load %arg11[%get3A_711, %get3A_712] {strides = array<i32>} : memref<32x768xf32, #tpu.memory_space<vmem>>, vector<1x16xf32>,
      %get3A_714 = vector.shape_cast %get3A_713 : vector<1x16xf32> to vector<16xf32>
      %add3A_715 = arith.addf %get3A_710, %get3A_714 : vector<16xf32>
      %swap3A_716 = arith.index_cast %scan3A_159 : i32 to index
      %swap3A_717 = arith.constant 624 : index
      %swap3A_718 = tpu.vector_load %arg10[%swap3A_716, %swap3A_717] {strides = array<i32>} : memref<32x768xf32, #tpu.memory_space<vmem>>, vector<1x16xf32>,
      %swap3A_719 = vector.shape_cast %swap3A_718 : vector<1x16xf32> to vector<16xf32>
      %swap3A_720 = vector.shape_cast %add3A_715 : vector<16xf32> to vector<1x16xf32>
      tpu.vector_store %arg10[%swap3A_716, %swap3A_717], %swap3A_720 {strides = array<i32>} : memref<32x768xf32, #tpu.memory_space<vmem>>, vector<1x16xf32>,
      %get3A_721 = arith.index_cast %scan3A_159 : i32 to index
      %get3A_722 = arith.constant 640 : index
      %get3A_723 = tpu.vector_load %arg10[%get3A_721, %get3A_722] {strides = array<i32>} : memref<32x768xf32, #tpu.memory_space<vmem>>, vector<1x16xf32>,
      %get3A_724 = vector.shape_cast %get3A_723 : vector<1x16xf32> to vector<16xf32>
      %get3A_725 = arith.index_cast %scan3A_159 : i32 to index
      %get3A_726 = arith.constant 640 : index
      %get3A_727 = tpu.vector_load %arg11[%get3A_725, %get3A_726] {strides = array<i32>} : memref<32x768xf32, #tpu.memory_space<vmem>>, vector<1x16xf32>,
      %get3A_728 = vector.shape_cast %get3A_727 : vector<1x16xf32> to vector<16xf32>
      %add3A_729 = arith.addf %get3A_724, %get3A_728 : vector<16xf32>
      %swap3A_730 = arith.index_cast %scan3A_159 : i32 to index
      %swap3A_731 = arith.constant 640 : index
      %swap3A_732 = tpu.vector_load %arg10[%swap3A_730, %swap3A_731] {strides = array<i32>} : memref<32x768xf32, #tpu.memory_space<vmem>>, vector<1x16xf32>,
      %swap3A_733 = vector.shape_cast %swap3A_732 : vector<1x16xf32> to vector<16xf32>
      %swap3A_734 = vector.shape_cast %add3A_729 : vector<16xf32> to vector<1x16xf32>
      tpu.vector_store %arg10[%swap3A_730, %swap3A_731], %swap3A_734 {strides = array<i32>} : memref<32x768xf32, #tpu.memory_space<vmem>>, vector<1x16xf32>,
      %get3A_735 = arith.index_cast %scan3A_159 : i32 to index
      %get3A_736 = arith.constant 656 : index
      %get3A_737 = tpu.vector_load %arg10[%get3A_735, %get3A_736] {strides = array<i32>} : memref<32x768xf32, #tpu.memory_space<vmem>>, vector<1x16xf32>,
      %get3A_738 = vector.shape_cast %get3A_737 : vector<1x16xf32> to vector<16xf32>
      %get3A_739 = arith.index_cast %scan3A_159 : i32 to index
      %get3A_740 = arith.constant 656 : index
      %get3A_741 = tpu.vector_load %arg11[%get3A_739, %get3A_740] {strides = array<i32>} : memref<32x768xf32, #tpu.memory_space<vmem>>, vector<1x16xf32>,
      %get3A_742 = vector.shape_cast %get3A_741 : vector<1x16xf32> to vector<16xf32>
      %add3A_743 = arith.addf %get3A_738, %get3A_742 : vector<16xf32>
      %swap3A_744 = arith.index_cast %scan3A_159 : i32 to index
      %swap3A_745 = arith.constant 656 : index
      %swap3A_746 = tpu.vector_load %arg10[%swap3A_744, %swap3A_745] {strides = array<i32>} : memref<32x768xf32, #tpu.memory_space<vmem>>, vector<1x16xf32>,
      %swap3A_747 = vector.shape_cast %swap3A_746 : vector<1x16xf32> to vector<16xf32>
      %swap3A_748 = vector.shape_cast %add3A_743 : vector<16xf32> to vector<1x16xf32>
      tpu.vector_store %arg10[%swap3A_744, %swap3A_745], %swap3A_748 {strides = array<i32>} : memref<32x768xf32, #tpu.memory_space<vmem>>, vector<1x16xf32>,
      %get3A_749 = arith.index_cast %scan3A_159 : i32 to index
      %get3A_750 = arith.constant 672 : index
      %get3A_751 = tpu.vector_load %arg10[%get3A_749, %get3A_750] {strides = array<i32>} : memref<32x768xf32, #tpu.memory_space<vmem>>, vector<1x16xf32>,
      %get3A_752 = vector.shape_cast %get3A_751 : vector<1x16xf32> to vector<16xf32>
      %get3A_753 = arith.index_cast %scan3A_159 : i32 to index
      %get3A_754 = arith.constant 672 : index
      %get3A_755 = tpu.vector_load %arg11[%get3A_753, %get3A_754] {strides = array<i32>} : memref<32x768xf32, #tpu.memory_space<vmem>>, vector<1x16xf32>,
      %get3A_756 = vector.shape_cast %get3A_755 : vector<1x16xf32> to vector<16xf32>
      %add3A_757 = arith.addf %get3A_752, %get3A_756 : vector<16xf32>
      %swap3A_758 = arith.index_cast %scan3A_159 : i32 to index
      %swap3A_759 = arith.constant 672 : index
      %swap3A_760 = tpu.vector_load %arg10[%swap3A_758, %swap3A_759] {strides = array<i32>} : memref<32x768xf32, #tpu.memory_space<vmem>>, vector<1x16xf32>,
      %swap3A_761 = vector.shape_cast %swap3A_760 : vector<1x16xf32> to vector<16xf32>
      %swap3A_762 = vector.shape_cast %add3A_757 : vector<16xf32> to vector<1x16xf32>
      tpu.vector_store %arg10[%swap3A_758, %swap3A_759], %swap3A_762 {strides = array<i32>} : memref<32x768xf32, #tpu.memory_space<vmem>>, vector<1x16xf32>,
      %get3A_763 = arith.index_cast %scan3A_159 : i32 to index
      %get3A_764 = arith.constant 688 : index
      %get3A_765 = tpu.vector_load %arg10[%get3A_763, %get3A_764] {strides = array<i32>} : memref<32x768xf32, #tpu.memory_space<vmem>>, vector<1x16xf32>,
      %get3A_766 = vector.shape_cast %get3A_765 : vector<1x16xf32> to vector<16xf32>
      %get3A_767 = arith.index_cast %scan3A_159 : i32 to index
      %get3A_768 = arith.constant 688 : index
      %get3A_769 = tpu.vector_load %arg11[%get3A_767, %get3A_768] {strides = array<i32>} : memref<32x768xf32, #tpu.memory_space<vmem>>, vector<1x16xf32>,
      %get3A_770 = vector.shape_cast %get3A_769 : vector<1x16xf32> to vector<16xf32>
      %add3A_771 = arith.addf %get3A_766, %get3A_770 : vector<16xf32>
      %swap3A_772 = arith.index_cast %scan3A_159 : i32 to index
      %swap3A_773 = arith.constant 688 : index
      %swap3A_774 = tpu.vector_load %arg10[%swap3A_772, %swap3A_773] {strides = array<i32>} : memref<32x768xf32, #tpu.memory_space<vmem>>, vector<1x16xf32>,
      %swap3A_775 = vector.shape_cast %swap3A_774 : vector<1x16xf32> to vector<16xf32>
      %swap3A_776 = vector.shape_cast %add3A_771 : vector<16xf32> to vector<1x16xf32>
      tpu.vector_store %arg10[%swap3A_772, %swap3A_773], %swap3A_776 {strides = array<i32>} : memref<32x768xf32, #tpu.memory_space<vmem>>, vector<1x16xf32>,
      %get3A_777 = arith.index_cast %scan3A_159 : i32 to index
      %get3A_778 = arith.constant 704 : index
      %get3A_779 = tpu.vector_load %arg10[%get3A_777, %get3A_778] {strides = array<i32>} : memref<32x768xf32, #tpu.memory_space<vmem>>, vector<1x16xf32>,
      %get3A_780 = vector.shape_cast %get3A_779 : vector<1x16xf32> to vector<16xf32>
      %get3A_781 = arith.index_cast %scan3A_159 : i32 to index
      %get3A_782 = arith.constant 704 : index
      %get3A_783 = tpu.vector_load %arg11[%get3A_781, %get3A_782] {strides = array<i32>} : memref<32x768xf32, #tpu.memory_space<vmem>>, vector<1x16xf32>,
      %get3A_784 = vector.shape_cast %get3A_783 : vector<1x16xf32> to vector<16xf32>
      %add3A_785 = arith.addf %get3A_780, %get3A_784 : vector<16xf32>
      %swap3A_786 = arith.index_cast %scan3A_159 : i32 to index
      %swap3A_787 = arith.constant 704 : index
      %swap3A_788 = tpu.vector_load %arg10[%swap3A_786, %swap3A_787] {strides = array<i32>} : memref<32x768xf32, #tpu.memory_space<vmem>>, vector<1x16xf32>,
      %swap3A_789 = vector.shape_cast %swap3A_788 : vector<1x16xf32> to vector<16xf32>
      %swap3A_790 = vector.shape_cast %add3A_785 : vector<16xf32> to vector<1x16xf32>
      tpu.vector_store %arg10[%swap3A_786, %swap3A_787], %swap3A_790 {strides = array<i32>} : memref<32x768xf32, #tpu.memory_space<vmem>>, vector<1x16xf32>,
      %get3A_791 = arith.index_cast %scan3A_159 : i32 to index
      %get3A_792 = arith.constant 720 : index
      %get3A_793 = tpu.vector_load %arg10[%get3A_791, %get3A_792] {strides = array<i32>} : memref<32x768xf32, #tpu.memory_space<vmem>>, vector<1x16xf32>,
      %get3A_794 = vector.shape_cast %get3A_793 : vector<1x16xf32> to vector<16xf32>
      %get3A_795 = arith.index_cast %scan3A_159 : i32 to index
      %get3A_796 = arith.constant 720 : index
      %get3A_797 = tpu.vector_load %arg11[%get3A_795, %get3A_796] {strides = array<i32>} : memref<32x768xf32, #tpu.memory_space<vmem>>, vector<1x16xf32>,
      %get3A_798 = vector.shape_cast %get3A_797 : vector<1x16xf32> to vector<16xf32>
      %add3A_799 = arith.addf %get3A_794, %get3A_798 : vector<16xf32>
      %swap3A_800 = arith.index_cast %scan3A_159 : i32 to index
      %swap3A_801 = arith.constant 720 : index
      %swap3A_802 = tpu.vector_load %arg10[%swap3A_800, %swap3A_801] {strides = array<i32>} : memref<32x768xf32, #tpu.memory_space<vmem>>, vector<1x16xf32>,
      %swap3A_803 = vector.shape_cast %swap3A_802 : vector<1x16xf32> to vector<16xf32>
      %swap3A_804 = vector.shape_cast %add3A_799 : vector<16xf32> to vector<1x16xf32>
      tpu.vector_store %arg10[%swap3A_800, %swap3A_801], %swap3A_804 {strides = array<i32>} : memref<32x768xf32, #tpu.memory_space<vmem>>, vector<1x16xf32>,
      %get3A_805 = arith.index_cast %scan3A_159 : i32 to index
      %get3A_806 = arith.constant 736 : index
      %get3A_807 = tpu.vector_load %arg10[%get3A_805, %get3A_806] {strides = array<i32>} : memref<32x768xf32, #tpu.memory_space<vmem>>, vector<1x16xf32>,
      %get3A_808 = vector.shape_cast %get3A_807 : vector<1x16xf32> to vector<16xf32>
      %get3A_809 = arith.index_cast %scan3A_159 : i32 to index
      %get3A_810 = arith.constant 736 : index
      %get3A_811 = tpu.vector_load %arg11[%get3A_809, %get3A_810] {strides = array<i32>} : memref<32x768xf32, #tpu.memory_space<vmem>>, vector<1x16xf32>,
      %get3A_812 = vector.shape_cast %get3A_811 : vector<1x16xf32> to vector<16xf32>
      %add3A_813 = arith.addf %get3A_808, %get3A_812 : vector<16xf32>
      %swap3A_814 = arith.index_cast %scan3A_159 : i32 to index
      %swap3A_815 = arith.constant 736 : index
      %swap3A_816 = tpu.vector_load %arg10[%swap3A_814, %swap3A_815] {strides = array<i32>} : memref<32x768xf32, #tpu.memory_space<vmem>>, vector<1x16xf32>,
      %swap3A_817 = vector.shape_cast %swap3A_816 : vector<1x16xf32> to vector<16xf32>
      %swap3A_818 = vector.shape_cast %add3A_813 : vector<16xf32> to vector<1x16xf32>
      tpu.vector_store %arg10[%swap3A_814, %swap3A_815], %swap3A_818 {strides = array<i32>} : memref<32x768xf32, #tpu.memory_space<vmem>>, vector<1x16xf32>,
      %get3A_819 = arith.index_cast %scan3A_159 : i32 to index
      %get3A_820 = arith.constant 752 : index
      %get3A_821 = tpu.vector_load %arg10[%get3A_819, %get3A_820] {strides = array<i32>} : memref<32x768xf32, #tpu.memory_space<vmem>>, vector<1x16xf32>,
      %get3A_822 = vector.shape_cast %get3A_821 : vector<1x16xf32> to vector<16xf32>
      %get3A_823 = arith.index_cast %scan3A_159 : i32 to index
      %get3A_824 = arith.constant 752 : index
      %get3A_825 = tpu.vector_load %arg11[%get3A_823, %get3A_824] {strides = array<i32>} : memref<32x768xf32, #tpu.memory_space<vmem>>, vector<1x16xf32>,
      %get3A_826 = vector.shape_cast %get3A_825 : vector<1x16xf32> to vector<16xf32>
      %add3A_827 = arith.addf %get3A_822, %get3A_826 : vector<16xf32>
      %swap3A_828 = arith.index_cast %scan3A_159 : i32 to index
      %swap3A_829 = arith.constant 752 : index
      %swap3A_830 = tpu.vector_load %arg10[%swap3A_828, %swap3A_829] {strides = array<i32>} : memref<32x768xf32, #tpu.memory_space<vmem>>, vector<1x16xf32>,
      %swap3A_831 = vector.shape_cast %swap3A_830 : vector<1x16xf32> to vector<16xf32>
      %swap3A_832 = vector.shape_cast %add3A_827 : vector<16xf32> to vector<1x16xf32>
      tpu.vector_store %arg10[%swap3A_828, %swap3A_829], %swap3A_832 {strides = array<i32>} : memref<32x768xf32, #tpu.memory_space<vmem>>, vector<1x16xf32>,
      %scan3A_833 = arith.constant 0 : i32
      scf.yield %scan3A_833 : i32
    }
    %scan3A_147 = arith.constant 32 : i32
    %dma_wait3A_148 = arith.constant 0 : i32
    %dma_wait3A_149 = tpu.memref_slice %arg3[%add3A_80, %dma_wait3A_148] : memref<2048x768xf32, #tpu.memory_space<hbm>> -> memref<32x768xf32, #tpu.memory_space<hbm>>
    %dma_wait3A_150 = arith.constant 0 : i32
    %dma_wait3A_151 = tpu.memref_slice %arg3[%add3A_80, %dma_wait3A_150] : memref<2048x768xf32, #tpu.memory_space<hbm>> -> memref<32x768xf32, #tpu.memory_space<hbm>>
    tpu.wait_dma2 semaphore(%arg15 : memref<!tpu.dma_semaphore, #tpu.memory_space<semaphore_mem>>) src(%dma_wait3A_151 : memref<32x768xf32, #tpu.memory_space<hbm>>) dst(%arg12 : memref<32x768xf32, #tpu.memory_space<vmem>>)
    %scan3A_152 = arith.constant 0 : i32
    %scan3A_153 = arith.constant 0 : i32
    %scan3A_154 = arith.constant 32 : i32
    %scan3A_155 = arith.addi %scan3A_153, %scan3A_154 : i32
    %scan3A_156 = arith.constant 1 : i32
    %scan3A_157 = scf.for %scan3A_159 = %scan3A_153 to %scan3A_155 step %scan3A_156 iter_args(%scan3A_160 = %scan3A_152) -> (i32)  : i32 {
      %get3A_161 = arith.index_cast %scan3A_159 : i32 to index
      %get3A_162 = arith.constant 0 : index
      %get3A_163 = tpu.vector_load %arg10[%get3A_161, %get3A_162] {strides = array<i32>} : memref<32x768xf32, #tpu.memory_space<vmem>>, vector<1x16xf32>,
      %get3A_164 = vector.shape_cast %get3A_163 : vector<1x16xf32> to vector<16xf32>
      %get3A_165 = arith.index_cast %scan3A_159 : i32 to index
      %get3A_166 = arith.constant 0 : index
      %get3A_167 = tpu.vector_load %arg12[%get3A_165, %get3A_166] {strides = array<i32>} : memref<32x768xf32, #tpu.memory_space<vmem>>, vector<1x16xf32>,
      %get3A_168 = vector.shape_cast %get3A_167 : vector<1x16xf32> to vector<16xf32>
      %add3A_169 = arith.addf %get3A_164, %get3A_168 : vector<16xf32>
      %swap3A_170 = arith.index_cast %scan3A_159 : i32 to index
      %swap3A_171 = arith.constant 0 : index
      %swap3A_172 = tpu.vector_load %arg10[%swap3A_170, %swap3A_171] {strides = array<i32>} : memref<32x768xf32, #tpu.memory_space<vmem>>, vector<1x16xf32>,
      %swap3A_173 = vector.shape_cast %swap3A_172 : vector<1x16xf32> to vector<16xf32>
      %swap3A_174 = vector.shape_cast %add3A_169 : vector<16xf32> to vector<1x16xf32>
      tpu.vector_store %arg10[%swap3A_170, %swap3A_171], %swap3A_174 {strides = array<i32>} : memref<32x768xf32, #tpu.memory_space<vmem>>, vector<1x16xf32>,
      %get3A_175 = arith.index_cast %scan3A_159 : i32 to index
      %get3A_176 = arith.constant 16 : index
      %get3A_177 = tpu.vector_load %arg10[%get3A_175, %get3A_176] {strides = array<i32>} : memref<32x768xf32, #tpu.memory_space<vmem>>, vector<1x16xf32>,
      %get3A_178 = vector.shape_cast %get3A_177 : vector<1x16xf32> to vector<16xf32>
      %get3A_179 = arith.index_cast %scan3A_159 : i32 to index
      %get3A_180 = arith.constant 16 : index
      %get3A_181 = tpu.vector_load %arg12[%get3A_179, %get3A_180] {strides = array<i32>} : memref<32x768xf32, #tpu.memory_space<vmem>>, vector<1x16xf32>,
      %get3A_182 = vector.shape_cast %get3A_181 : vector<1x16xf32> to vector<16xf32>
      %add3A_183 = arith.addf %get3A_178, %get3A_182 : vector<16xf32>
      %swap3A_184 = arith.index_cast %scan3A_159 : i32 to index
      %swap3A_185 = arith.constant 16 : index
      %swap3A_186 = tpu.vector_load %arg10[%swap3A_184, %swap3A_185] {strides = array<i32>} : memref<32x768xf32, #tpu.memory_space<vmem>>, vector<1x16xf32>,
      %swap3A_187 = vector.shape_cast %swap3A_186 : vector<1x16xf32> to vector<16xf32>
      %swap3A_188 = vector.shape_cast %add3A_183 : vector<16xf32> to vector<1x16xf32>
      tpu.vector_store %arg10[%swap3A_184, %swap3A_185], %swap3A_188 {strides = array<i32>} : memref<32x768xf32, #tpu.memory_space<vmem>>, vector<1x16xf32>,
      %get3A_189 = arith.index_cast %scan3A_159 : i32 to index
      %get3A_190 = arith.constant 32 : index
      %get3A_191 = tpu.vector_load %arg10[%get3A_189, %get3A_190] {strides = array<i32>} : memref<32x768xf32, #tpu.memory_space<vmem>>, vector<1x16xf32>,
      %get3A_192 = vector.shape_cast %get3A_191 : vector<1x16xf32> to vector<16xf32>
      %get3A_193 = arith.index_cast %scan3A_159 : i32 to index
      %get3A_194 = arith.constant 32 : index
      %get3A_195 = tpu.vector_load %arg12[%get3A_193, %get3A_194] {strides = array<i32>} : memref<32x768xf32, #tpu.memory_space<vmem>>, vector<1x16xf32>,
      %get3A_196 = vector.shape_cast %get3A_195 : vector<1x16xf32> to vector<16xf32>
      %add3A_197 = arith.addf %get3A_192, %get3A_196 : vector<16xf32>
      %swap3A_198 = arith.index_cast %scan3A_159 : i32 to index
      %swap3A_199 = arith.constant 32 : index
      %swap3A_200 = tpu.vector_load %arg10[%swap3A_198, %swap3A_199] {strides = array<i32>} : memref<32x768xf32, #tpu.memory_space<vmem>>, vector<1x16xf32>,
      %swap3A_201 = vector.shape_cast %swap3A_200 : vector<1x16xf32> to vector<16xf32>
      %swap3A_202 = vector.shape_cast %add3A_197 : vector<16xf32> to vector<1x16xf32>
      tpu.vector_store %arg10[%swap3A_198, %swap3A_199], %swap3A_202 {strides = array<i32>} : memref<32x768xf32, #tpu.memory_space<vmem>>, vector<1x16xf32>,
      %get3A_203 = arith.index_cast %scan3A_159 : i32 to index
      %get3A_204 = arith.constant 48 : index
      %get3A_205 = tpu.vector_load %arg10[%get3A_203, %get3A_204] {strides = array<i32>} : memref<32x768xf32, #tpu.memory_space<vmem>>, vector<1x16xf32>,
      %get3A_206 = vector.shape_cast %get3A_205 : vector<1x16xf32> to vector<16xf32>
      %get3A_207 = arith.index_cast %scan3A_159 : i32 to index
      %get3A_208 = arith.constant 48 : index
      %get3A_209 = tpu.vector_load %arg12[%get3A_207, %get3A_208] {strides = array<i32>} : memref<32x768xf32, #tpu.memory_space<vmem>>, vector<1x16xf32>,
      %get3A_210 = vector.shape_cast %get3A_209 : vector<1x16xf32> to vector<16xf32>
      %add3A_211 = arith.addf %get3A_206, %get3A_210 : vector<16xf32>
      %swap3A_212 = arith.index_cast %scan3A_159 : i32 to index
      %swap3A_213 = arith.constant 48 : index
      %swap3A_214 = tpu.vector_load %arg10[%swap3A_212, %swap3A_213] {strides = array<i32>} : memref<32x768xf32, #tpu.memory_space<vmem>>, vector<1x16xf32>,
      %swap3A_215 = vector.shape_cast %swap3A_214 : vector<1x16xf32> to vector<16xf32>
      %swap3A_216 = vector.shape_cast %add3A_211 : vector<16xf32> to vector<1x16xf32>
      tpu.vector_store %arg10[%swap3A_212, %swap3A_213], %swap3A_216 {strides = array<i32>} : memref<32x768xf32, #tpu.memory_space<vmem>>, vector<1x16xf32>,
      %get3A_217 = arith.index_cast %scan3A_159 : i32 to index
      %get3A_218 = arith.constant 64 : index
      %get3A_219 = tpu.vector_load %arg10[%get3A_217, %get3A_218] {strides = array<i32>} : memref<32x768xf32, #tpu.memory_space<vmem>>, vector<1x16xf32>,
      %get3A_220 = vector.shape_cast %get3A_219 : vector<1x16xf32> to vector<16xf32>
      %get3A_221 = arith.index_cast %scan3A_159 : i32 to index
      %get3A_222 = arith.constant 64 : index
      %get3A_223 = tpu.vector_load %arg12[%get3A_221, %get3A_222] {strides = array<i32>} : memref<32x768xf32, #tpu.memory_space<vmem>>, vector<1x16xf32>,
      %get3A_224 = vector.shape_cast %get3A_223 : vector<1x16xf32> to vector<16xf32>
      %add3A_225 = arith.addf %get3A_220, %get3A_224 : vector<16xf32>
      %swap3A_226 = arith.index_cast %scan3A_159 : i32 to index
      %swap3A_227 = arith.constant 64 : index
      %swap3A_228 = tpu.vector_load %arg10[%swap3A_226, %swap3A_227] {strides = array<i32>} : memref<32x768xf32, #tpu.memory_space<vmem>>, vector<1x16xf32>,
      %swap3A_229 = vector.shape_cast %swap3A_228 : vector<1x16xf32> to vector<16xf32>
      %swap3A_230 = vector.shape_cast %add3A_225 : vector<16xf32> to vector<1x16xf32>
      tpu.vector_store %arg10[%swap3A_226, %swap3A_227], %swap3A_230 {strides = array<i32>} : memref<32x768xf32, #tpu.memory_space<vmem>>, vector<1x16xf32>,
      %get3A_231 = arith.index_cast %scan3A_159 : i32 to index
      %get3A_232 = arith.constant 80 : index
      %get3A_233 = tpu.vector_load %arg10[%get3A_231, %get3A_232] {strides = array<i32>} : memref<32x768xf32, #tpu.memory_space<vmem>>, vector<1x16xf32>,
      %get3A_234 = vector.shape_cast %get3A_233 : vector<1x16xf32> to vector<16xf32>
      %get3A_235 = arith.index_cast %scan3A_159 : i32 to index
      %get3A_236 = arith.constant 80 : index
      %get3A_237 = tpu.vector_load %arg12[%get3A_235, %get3A_236] {strides = array<i32>} : memref<32x768xf32, #tpu.memory_space<vmem>>, vector<1x16xf32>,
      %get3A_238 = vector.shape_cast %get3A_237 : vector<1x16xf32> to vector<16xf32>
      %add3A_239 = arith.addf %get3A_234, %get3A_238 : vector<16xf32>
      %swap3A_240 = arith.index_cast %scan3A_159 : i32 to index
      %swap3A_241 = arith.constant 80 : index
      %swap3A_242 = tpu.vector_load %arg10[%swap3A_240, %swap3A_241] {strides = array<i32>} : memref<32x768xf32, #tpu.memory_space<vmem>>, vector<1x16xf32>,
      %swap3A_243 = vector.shape_cast %swap3A_242 : vector<1x16xf32> to vector<16xf32>
      %swap3A_244 = vector.shape_cast %add3A_239 : vector<16xf32> to vector<1x16xf32>
      tpu.vector_store %arg10[%swap3A_240, %swap3A_241], %swap3A_244 {strides = array<i32>} : memref<32x768xf32, #tpu.memory_space<vmem>>, vector<1x16xf32>,
      %get3A_245 = arith.index_cast %scan3A_159 : i32 to index
      %get3A_246 = arith.constant 96 : index
      %get3A_247 = tpu.vector_load %arg10[%get3A_245, %get3A_246] {strides = array<i32>} : memref<32x768xf32, #tpu.memory_space<vmem>>, vector<1x16xf32>,
      %get3A_248 = vector.shape_cast %get3A_247 : vector<1x16xf32> to vector<16xf32>
      %get3A_249 = arith.index_cast %scan3A_159 : i32 to index
      %get3A_250 = arith.constant 96 : index
      %get3A_251 = tpu.vector_load %arg12[%get3A_249, %get3A_250] {strides = array<i32>} : memref<32x768xf32, #tpu.memory_space<vmem>>, vector<1x16xf32>,
      %get3A_252 = vector.shape_cast %get3A_251 : vector<1x16xf32> to vector<16xf32>
      %add3A_253 = arith.addf %get3A_248, %get3A_252 : vector<16xf32>
      %swap3A_254 = arith.index_cast %scan3A_159 : i32 to index
      %swap3A_255 = arith.constant 96 : index
      %swap3A_256 = tpu.vector_load %arg10[%swap3A_254, %swap3A_255] {strides = array<i32>} : memref<32x768xf32, #tpu.memory_space<vmem>>, vector<1x16xf32>,
      %swap3A_257 = vector.shape_cast %swap3A_256 : vector<1x16xf32> to vector<16xf32>
      %swap3A_258 = vector.shape_cast %add3A_253 : vector<16xf32> to vector<1x16xf32>
      tpu.vector_store %arg10[%swap3A_254, %swap3A_255], %swap3A_258 {strides = array<i32>} : memref<32x768xf32, #tpu.memory_space<vmem>>, vector<1x16xf32>,
      %get3A_259 = arith.index_cast %scan3A_159 : i32 to index
      %get3A_260 = arith.constant 112 : index
      %get3A_261 = tpu.vector_load %arg10[%get3A_259, %get3A_260] {strides = array<i32>} : memref<32x768xf32, #tpu.memory_space<vmem>>, vector<1x16xf32>,
      %get3A_262 = vector.shape_cast %get3A_261 : vector<1x16xf32> to vector<16xf32>
      %get3A_263 = arith.index_cast %scan3A_159 : i32 to index
      %get3A_264 = arith.constant 112 : index
      %get3A_265 = tpu.vector_load %arg12[%get3A_263, %get3A_264] {strides = array<i32>} : memref<32x768xf32, #tpu.memory_space<vmem>>, vector<1x16xf32>,
      %get3A_266 = vector.shape_cast %get3A_265 : vector<1x16xf32> to vector<16xf32>
      %add3A_267 = arith.addf %get3A_262, %get3A_266 : vector<16xf32>
      %swap3A_268 = arith.index_cast %scan3A_159 : i32 to index
      %swap3A_269 = arith.constant 112 : index
      %swap3A_270 = tpu.vector_load %arg10[%swap3A_268, %swap3A_269] {strides = array<i32>} : memref<32x768xf32, #tpu.memory_space<vmem>>, vector<1x16xf32>,
      %swap3A_271 = vector.shape_cast %swap3A_270 : vector<1x16xf32> to vector<16xf32>
      %swap3A_272 = vector.shape_cast %add3A_267 : vector<16xf32> to vector<1x16xf32>
      tpu.vector_store %arg10[%swap3A_268, %swap3A_269], %swap3A_272 {strides = array<i32>} : memref<32x768xf32, #tpu.memory_space<vmem>>, vector<1x16xf32>,
      %get3A_273 = arith.index_cast %scan3A_159 : i32 to index
      %get3A_274 = arith.constant 128 : index
      %get3A_275 = tpu.vector_load %arg10[%get3A_273, %get3A_274] {strides = array<i32>} : memref<32x768xf32, #tpu.memory_space<vmem>>, vector<1x16xf32>,
      %get3A_276 = vector.shape_cast %get3A_275 : vector<1x16xf32> to vector<16xf32>
      %get3A_277 = arith.index_cast %scan3A_159 : i32 to index
      %get3A_278 = arith.constant 128 : index
      %get3A_279 = tpu.vector_load %arg12[%get3A_277, %get3A_278] {strides = array<i32>} : memref<32x768xf32, #tpu.memory_space<vmem>>, vector<1x16xf32>,
      %get3A_280 = vector.shape_cast %get3A_279 : vector<1x16xf32> to vector<16xf32>
      %add3A_281 = arith.addf %get3A_276, %get3A_280 : vector<16xf32>
      %swap3A_282 = arith.index_cast %scan3A_159 : i32 to index
      %swap3A_283 = arith.constant 128 : index
      %swap3A_284 = tpu.vector_load %arg10[%swap3A_282, %swap3A_283] {strides = array<i32>} : memref<32x768xf32, #tpu.memory_space<vmem>>, vector<1x16xf32>,
      %swap3A_285 = vector.shape_cast %swap3A_284 : vector<1x16xf32> to vector<16xf32>
      %swap3A_286 = vector.shape_cast %add3A_281 : vector<16xf32> to vector<1x16xf32>
      tpu.vector_store %arg10[%swap3A_282, %swap3A_283], %swap3A_286 {strides = array<i32>} : memref<32x768xf32, #tpu.memory_space<vmem>>, vector<1x16xf32>,
      %get3A_287 = arith.index_cast %scan3A_159 : i32 to index
      %get3A_288 = arith.constant 144 : index
      %get3A_289 = tpu.vector_load %arg10[%get3A_287, %get3A_288] {strides = array<i32>} : memref<32x768xf32, #tpu.memory_space<vmem>>, vector<1x16xf32>,
      %get3A_290 = vector.shape_cast %get3A_289 : vector<1x16xf32> to vector<16xf32>
      %get3A_291 = arith.index_cast %scan3A_159 : i32 to index
      %get3A_292 = arith.constant 144 : index
      %get3A_293 = tpu.vector_load %arg12[%get3A_291, %get3A_292] {strides = array<i32>} : memref<32x768xf32, #tpu.memory_space<vmem>>, vector<1x16xf32>,
      %get3A_294 = vector.shape_cast %get3A_293 : vector<1x16xf32> to vector<16xf32>
      %add3A_295 = arith.addf %get3A_290, %get3A_294 : vector<16xf32>
      %swap3A_296 = arith.index_cast %scan3A_159 : i32 to index
      %swap3A_297 = arith.constant 144 : index
      %swap3A_298 = tpu.vector_load %arg10[%swap3A_296, %swap3A_297] {strides = array<i32>} : memref<32x768xf32, #tpu.memory_space<vmem>>, vector<1x16xf32>,
      %swap3A_299 = vector.shape_cast %swap3A_298 : vector<1x16xf32> to vector<16xf32>
      %swap3A_300 = vector.shape_cast %add3A_295 : vector<16xf32> to vector<1x16xf32>
      tpu.vector_store %arg10[%swap3A_296, %swap3A_297], %swap3A_300 {strides = array<i32>} : memref<32x768xf32, #tpu.memory_space<vmem>>, vector<1x16xf32>,
      %get3A_301 = arith.index_cast %scan3A_159 : i32 to index
      %get3A_302 = arith.constant 160 : index
      %get3A_303 = tpu.vector_load %arg10[%get3A_301, %get3A_302] {strides = array<i32>} : memref<32x768xf32, #tpu.memory_space<vmem>>, vector<1x16xf32>,
      %get3A_304 = vector.shape_cast %get3A_303 : vector<1x16xf32> to vector<16xf32>
      %get3A_305 = arith.index_cast %scan3A_159 : i32 to index
      %get3A_306 = arith.constant 160 : index
      %get3A_307 = tpu.vector_load %arg12[%get3A_305, %get3A_306] {strides = array<i32>} : memref<32x768xf32, #tpu.memory_space<vmem>>, vector<1x16xf32>,
      %get3A_308 = vector.shape_cast %get3A_307 : vector<1x16xf32> to vector<16xf32>
      %add3A_309 = arith.addf %get3A_304, %get3A_308 : vector<16xf32>
      %swap3A_310 = arith.index_cast %scan3A_159 : i32 to index
      %swap3A_311 = arith.constant 160 : index
      %swap3A_312 = tpu.vector_load %arg10[%swap3A_310, %swap3A_311] {strides = array<i32>} : memref<32x768xf32, #tpu.memory_space<vmem>>, vector<1x16xf32>,
      %swap3A_313 = vector.shape_cast %swap3A_312 : vector<1x16xf32> to vector<16xf32>
      %swap3A_314 = vector.shape_cast %add3A_309 : vector<16xf32> to vector<1x16xf32>
      tpu.vector_store %arg10[%swap3A_310, %swap3A_311], %swap3A_314 {strides = array<i32>} : memref<32x768xf32, #tpu.memory_space<vmem>>, vector<1x16xf32>,
      %get3A_315 = arith.index_cast %scan3A_159 : i32 to index
      %get3A_316 = arith.constant 176 : index
      %get3A_317 = tpu.vector_load %arg10[%get3A_315, %get3A_316] {strides = array<i32>} : memref<32x768xf32, #tpu.memory_space<vmem>>, vector<1x16xf32>,
      %get3A_318 = vector.shape_cast %get3A_317 : vector<1x16xf32> to vector<16xf32>
      %get3A_319 = arith.index_cast %scan3A_159 : i32 to index
      %get3A_320 = arith.constant 176 : index
      %get3A_321 = tpu.vector_load %arg12[%get3A_319, %get3A_320] {strides = array<i32>} : memref<32x768xf32, #tpu.memory_space<vmem>>, vector<1x16xf32>,
      %get3A_322 = vector.shape_cast %get3A_321 : vector<1x16xf32> to vector<16xf32>
      %add3A_323 = arith.addf %get3A_318, %get3A_322 : vector<16xf32>
      %swap3A_324 = arith.index_cast %scan3A_159 : i32 to index
      %swap3A_325 = arith.constant 176 : index
      %swap3A_326 = tpu.vector_load %arg10[%swap3A_324, %swap3A_325] {strides = array<i32>} : memref<32x768xf32, #tpu.memory_space<vmem>>, vector<1x16xf32>,
      %swap3A_327 = vector.shape_cast %swap3A_326 : vector<1x16xf32> to vector<16xf32>
      %swap3A_328 = vector.shape_cast %add3A_323 : vector<16xf32> to vector<1x16xf32>
      tpu.vector_store %arg10[%swap3A_324, %swap3A_325], %swap3A_328 {strides = array<i32>} : memref<32x768xf32, #tpu.memory_space<vmem>>, vector<1x16xf32>,
      %get3A_329 = arith.index_cast %scan3A_159 : i32 to index
      %get3A_330 = arith.constant 192 : index
      %get3A_331 = tpu.vector_load %arg10[%get3A_329, %get3A_330] {strides = array<i32>} : memref<32x768xf32, #tpu.memory_space<vmem>>, vector<1x16xf32>,
      %get3A_332 = vector.shape_cast %get3A_331 : vector<1x16xf32> to vector<16xf32>
      %get3A_333 = arith.index_cast %scan3A_159 : i32 to index
      %get3A_334 = arith.constant 192 : index
      %get3A_335 = tpu.vector_load %arg12[%get3A_333, %get3A_334] {strides = array<i32>} : memref<32x768xf32, #tpu.memory_space<vmem>>, vector<1x16xf32>,
      %get3A_336 = vector.shape_cast %get3A_335 : vector<1x16xf32> to vector<16xf32>
      %add3A_337 = arith.addf %get3A_332, %get3A_336 : vector<16xf32>
      %swap3A_338 = arith.index_cast %scan3A_159 : i32 to index
      %swap3A_339 = arith.constant 192 : index
      %swap3A_340 = tpu.vector_load %arg10[%swap3A_338, %swap3A_339] {strides = array<i32>} : memref<32x768xf32, #tpu.memory_space<vmem>>, vector<1x16xf32>,
      %swap3A_341 = vector.shape_cast %swap3A_340 : vector<1x16xf32> to vector<16xf32>
      %swap3A_342 = vector.shape_cast %add3A_337 : vector<16xf32> to vector<1x16xf32>
      tpu.vector_store %arg10[%swap3A_338, %swap3A_339], %swap3A_342 {strides = array<i32>} : memref<32x768xf32, #tpu.memory_space<vmem>>, vector<1x16xf32>,
      %get3A_343 = arith.index_cast %scan3A_159 : i32 to index
      %get3A_344 = arith.constant 208 : index
      %get3A_345 = tpu.vector_load %arg10[%get3A_343, %get3A_344] {strides = array<i32>} : memref<32x768xf32, #tpu.memory_space<vmem>>, vector<1x16xf32>,
      %get3A_346 = vector.shape_cast %get3A_345 : vector<1x16xf32> to vector<16xf32>
      %get3A_347 = arith.index_cast %scan3A_159 : i32 to index
      %get3A_348 = arith.constant 208 : index
      %get3A_349 = tpu.vector_load %arg12[%get3A_347, %get3A_348] {strides = array<i32>} : memref<32x768xf32, #tpu.memory_space<vmem>>, vector<1x16xf32>,
      %get3A_350 = vector.shape_cast %get3A_349 : vector<1x16xf32> to vector<16xf32>
      %add3A_351 = arith.addf %get3A_346, %get3A_350 : vector<16xf32>
      %swap3A_352 = arith.index_cast %scan3A_159 : i32 to index
      %swap3A_353 = arith.constant 208 : index
      %swap3A_354 = tpu.vector_load %arg10[%swap3A_352, %swap3A_353] {strides = array<i32>} : memref<32x768xf32, #tpu.memory_space<vmem>>, vector<1x16xf32>,
      %swap3A_355 = vector.shape_cast %swap3A_354 : vector<1x16xf32> to vector<16xf32>
      %swap3A_356 = vector.shape_cast %add3A_351 : vector<16xf32> to vector<1x16xf32>
      tpu.vector_store %arg10[%swap3A_352, %swap3A_353], %swap3A_356 {strides = array<i32>} : memref<32x768xf32, #tpu.memory_space<vmem>>, vector<1x16xf32>,
      %get3A_357 = arith.index_cast %scan3A_159 : i32 to index
      %get3A_358 = arith.constant 224 : index
      %get3A_359 = tpu.vector_load %arg10[%get3A_357, %get3A_358] {strides = array<i32>} : memref<32x768xf32, #tpu.memory_space<vmem>>, vector<1x16xf32>,
      %get3A_360 = vector.shape_cast %get3A_359 : vector<1x16xf32> to vector<16xf32>
      %get3A_361 = arith.index_cast %scan3A_159 : i32 to index
      %get3A_362 = arith.constant 224 : index
      %get3A_363 = tpu.vector_load %arg12[%get3A_361, %get3A_362] {strides = array<i32>} : memref<32x768xf32, #tpu.memory_space<vmem>>, vector<1x16xf32>,
      %get3A_364 = vector.shape_cast %get3A_363 : vector<1x16xf32> to vector<16xf32>
      %add3A_365 = arith.addf %get3A_360, %get3A_364 : vector<16xf32>
      %swap3A_366 = arith.index_cast %scan3A_159 : i32 to index
      %swap3A_367 = arith.constant 224 : index
      %swap3A_368 = tpu.vector_load %arg10[%swap3A_366, %swap3A_367] {strides = array<i32>} : memref<32x768xf32, #tpu.memory_space<vmem>>, vector<1x16xf32>,
      %swap3A_369 = vector.shape_cast %swap3A_368 : vector<1x16xf32> to vector<16xf32>
      %swap3A_370 = vector.shape_cast %add3A_365 : vector<16xf32> to vector<1x16xf32>
      tpu.vector_store %arg10[%swap3A_366, %swap3A_367], %swap3A_370 {strides = array<i32>} : memref<32x768xf32, #tpu.memory_space<vmem>>, vector<1x16xf32>,
      %get3A_371 = arith.index_cast %scan3A_159 : i32 to index
      %get3A_372 = arith.constant 240 : index
      %get3A_373 = tpu.vector_load %arg10[%get3A_371, %get3A_372] {strides = array<i32>} : memref<32x768xf32, #tpu.memory_space<vmem>>, vector<1x16xf32>,
      %get3A_374 = vector.shape_cast %get3A_373 : vector<1x16xf32> to vector<16xf32>
      %get3A_375 = arith.index_cast %scan3A_159 : i32 to index
      %get3A_376 = arith.constant 240 : index
      %get3A_377 = tpu.vector_load %arg12[%get3A_375, %get3A_376] {strides = array<i32>} : memref<32x768xf32, #tpu.memory_space<vmem>>, vector<1x16xf32>,
      %get3A_378 = vector.shape_cast %get3A_377 : vector<1x16xf32> to vector<16xf32>
      %add3A_379 = arith.addf %get3A_374, %get3A_378 : vector<16xf32>
      %swap3A_380 = arith.index_cast %scan3A_159 : i32 to index
      %swap3A_381 = arith.constant 240 : index
      %swap3A_382 = tpu.vector_load %arg10[%swap3A_380, %swap3A_381] {strides = array<i32>} : memref<32x768xf32, #tpu.memory_space<vmem>>, vector<1x16xf32>,
      %swap3A_383 = vector.shape_cast %swap3A_382 : vector<1x16xf32> to vector<16xf32>
      %swap3A_384 = vector.shape_cast %add3A_379 : vector<16xf32> to vector<1x16xf32>
      tpu.vector_store %arg10[%swap3A_380, %swap3A_381], %swap3A_384 {strides = array<i32>} : memref<32x768xf32, #tpu.memory_space<vmem>>, vector<1x16xf32>,
      %get3A_385 = arith.index_cast %scan3A_159 : i32 to index
      %get3A_386 = arith.constant 256 : index
      %get3A_387 = tpu.vector_load %arg10[%get3A_385, %get3A_386] {strides = array<i32>} : memref<32x768xf32, #tpu.memory_space<vmem>>, vector<1x16xf32>,
      %get3A_388 = vector.shape_cast %get3A_387 : vector<1x16xf32> to vector<16xf32>
      %get3A_389 = arith.index_cast %scan3A_159 : i32 to index
      %get3A_390 = arith.constant 256 : index
      %get3A_391 = tpu.vector_load %arg12[%get3A_389, %get3A_390] {strides = array<i32>} : memref<32x768xf32, #tpu.memory_space<vmem>>, vector<1x16xf32>,
      %get3A_392 = vector.shape_cast %get3A_391 : vector<1x16xf32> to vector<16xf32>
      %add3A_393 = arith.addf %get3A_388, %get3A_392 : vector<16xf32>
      %swap3A_394 = arith.index_cast %scan3A_159 : i32 to index
      %swap3A_395 = arith.constant 256 : index
      %swap3A_396 = tpu.vector_load %arg10[%swap3A_394, %swap3A_395] {strides = array<i32>} : memref<32x768xf32, #tpu.memory_space<vmem>>, vector<1x16xf32>,
      %swap3A_397 = vector.shape_cast %swap3A_396 : vector<1x16xf32> to vector<16xf32>
      %swap3A_398 = vector.shape_cast %add3A_393 : vector<16xf32> to vector<1x16xf32>
      tpu.vector_store %arg10[%swap3A_394, %swap3A_395], %swap3A_398 {strides = array<i32>} : memref<32x768xf32, #tpu.memory_space<vmem>>, vector<1x16xf32>,
      %get3A_399 = arith.index_cast %scan3A_159 : i32 to index
      %get3A_400 = arith.constant 272 : index
      %get3A_401 = tpu.vector_load %arg10[%get3A_399, %get3A_400] {strides = array<i32>} : memref<32x768xf32, #tpu.memory_space<vmem>>, vector<1x16xf32>,
      %get3A_402 = vector.shape_cast %get3A_401 : vector<1x16xf32> to vector<16xf32>
      %get3A_403 = arith.index_cast %scan3A_159 : i32 to index
      %get3A_404 = arith.constant 272 : index
      %get3A_405 = tpu.vector_load %arg12[%get3A_403, %get3A_404] {strides = array<i32>} : memref<32x768xf32, #tpu.memory_space<vmem>>, vector<1x16xf32>,
      %get3A_406 = vector.shape_cast %get3A_405 : vector<1x16xf32> to vector<16xf32>
      %add3A_407 = arith.addf %get3A_402, %get3A_406 : vector<16xf32>
      %swap3A_408 = arith.index_cast %scan3A_159 : i32 to index
      %swap3A_409 = arith.constant 272 : index
      %swap3A_410 = tpu.vector_load %arg10[%swap3A_408, %swap3A_409] {strides = array<i32>} : memref<32x768xf32, #tpu.memory_space<vmem>>, vector<1x16xf32>,
      %swap3A_411 = vector.shape_cast %swap3A_410 : vector<1x16xf32> to vector<16xf32>
      %swap3A_412 = vector.shape_cast %add3A_407 : vector<16xf32> to vector<1x16xf32>
      tpu.vector_store %arg10[%swap3A_408, %swap3A_409], %swap3A_412 {strides = array<i32>} : memref<32x768xf32, #tpu.memory_space<vmem>>, vector<1x16xf32>,
      %get3A_413 = arith.index_cast %scan3A_159 : i32 to index
      %get3A_414 = arith.constant 288 : index
      %get3A_415 = tpu.vector_load %arg10[%get3A_413, %get3A_414] {strides = array<i32>} : memref<32x768xf32, #tpu.memory_space<vmem>>, vector<1x16xf32>,
      %get3A_416 = vector.shape_cast %get3A_415 : vector<1x16xf32> to vector<16xf32>
      %get3A_417 = arith.index_cast %scan3A_159 : i32 to index
      %get3A_418 = arith.constant 288 : index
      %get3A_419 = tpu.vector_load %arg12[%get3A_417, %get3A_418] {strides = array<i32>} : memref<32x768xf32, #tpu.memory_space<vmem>>, vector<1x16xf32>,
      %get3A_420 = vector.shape_cast %get3A_419 : vector<1x16xf32> to vector<16xf32>
      %add3A_421 = arith.addf %get3A_416, %get3A_420 : vector<16xf32>
      %swap3A_422 = arith.index_cast %scan3A_159 : i32 to index
      %swap3A_423 = arith.constant 288 : index
      %swap3A_424 = tpu.vector_load %arg10[%swap3A_422, %swap3A_423] {strides = array<i32>} : memref<32x768xf32, #tpu.memory_space<vmem>>, vector<1x16xf32>,
      %swap3A_425 = vector.shape_cast %swap3A_424 : vector<1x16xf32> to vector<16xf32>
      %swap3A_426 = vector.shape_cast %add3A_421 : vector<16xf32> to vector<1x16xf32>
      tpu.vector_store %arg10[%swap3A_422, %swap3A_423], %swap3A_426 {strides = array<i32>} : memref<32x768xf32, #tpu.memory_space<vmem>>, vector<1x16xf32>,
      %get3A_427 = arith.index_cast %scan3A_159 : i32 to index
      %get3A_428 = arith.constant 304 : index
      %get3A_429 = tpu.vector_load %arg10[%get3A_427, %get3A_428] {strides = array<i32>} : memref<32x768xf32, #tpu.memory_space<vmem>>, vector<1x16xf32>,
      %get3A_430 = vector.shape_cast %get3A_429 : vector<1x16xf32> to vector<16xf32>
      %get3A_431 = arith.index_cast %scan3A_159 : i32 to index
      %get3A_432 = arith.constant 304 : index
      %get3A_433 = tpu.vector_load %arg12[%get3A_431, %get3A_432] {strides = array<i32>} : memref<32x768xf32, #tpu.memory_space<vmem>>, vector<1x16xf32>,
      %get3A_434 = vector.shape_cast %get3A_433 : vector<1x16xf32> to vector<16xf32>
      %add3A_435 = arith.addf %get3A_430, %get3A_434 : vector<16xf32>
      %swap3A_436 = arith.index_cast %scan3A_159 : i32 to index
      %swap3A_437 = arith.constant 304 : index
      %swap3A_438 = tpu.vector_load %arg10[%swap3A_436, %swap3A_437] {strides = array<i32>} : memref<32x768xf32, #tpu.memory_space<vmem>>, vector<1x16xf32>,
      %swap3A_439 = vector.shape_cast %swap3A_438 : vector<1x16xf32> to vector<16xf32>
      %swap3A_440 = vector.shape_cast %add3A_435 : vector<16xf32> to vector<1x16xf32>
      tpu.vector_store %arg10[%swap3A_436, %swap3A_437], %swap3A_440 {strides = array<i32>} : memref<32x768xf32, #tpu.memory_space<vmem>>, vector<1x16xf32>,
      %get3A_441 = arith.index_cast %scan3A_159 : i32 to index
      %get3A_442 = arith.constant 320 : index
      %get3A_443 = tpu.vector_load %arg10[%get3A_441, %get3A_442] {strides = array<i32>} : memref<32x768xf32, #tpu.memory_space<vmem>>, vector<1x16xf32>,
      %get3A_444 = vector.shape_cast %get3A_443 : vector<1x16xf32> to vector<16xf32>
      %get3A_445 = arith.index_cast %scan3A_159 : i32 to index
      %get3A_446 = arith.constant 320 : index
      %get3A_447 = tpu.vector_load %arg12[%get3A_445, %get3A_446] {strides = array<i32>} : memref<32x768xf32, #tpu.memory_space<vmem>>, vector<1x16xf32>,
      %get3A_448 = vector.shape_cast %get3A_447 : vector<1x16xf32> to vector<16xf32>
      %add3A_449 = arith.addf %get3A_444, %get3A_448 : vector<16xf32>
      %swap3A_450 = arith.index_cast %scan3A_159 : i32 to index
      %swap3A_451 = arith.constant 320 : index
      %swap3A_452 = tpu.vector_load %arg10[%swap3A_450, %swap3A_451] {strides = array<i32>} : memref<32x768xf32, #tpu.memory_space<vmem>>, vector<1x16xf32>,
      %swap3A_453 = vector.shape_cast %swap3A_452 : vector<1x16xf32> to vector<16xf32>
      %swap3A_454 = vector.shape_cast %add3A_449 : vector<16xf32> to vector<1x16xf32>
      tpu.vector_store %arg10[%swap3A_450, %swap3A_451], %swap3A_454 {strides = array<i32>} : memref<32x768xf32, #tpu.memory_space<vmem>>, vector<1x16xf32>,
      %get3A_455 = arith.index_cast %scan3A_159 : i32 to index
      %get3A_456 = arith.constant 336 : index
      %get3A_457 = tpu.vector_load %arg10[%get3A_455, %get3A_456] {strides = array<i32>} : memref<32x768xf32, #tpu.memory_space<vmem>>, vector<1x16xf32>,
      %get3A_458 = vector.shape_cast %get3A_457 : vector<1x16xf32> to vector<16xf32>
      %get3A_459 = arith.index_cast %scan3A_159 : i32 to index
      %get3A_460 = arith.constant 336 : index
      %get3A_461 = tpu.vector_load %arg12[%get3A_459, %get3A_460] {strides = array<i32>} : memref<32x768xf32, #tpu.memory_space<vmem>>, vector<1x16xf32>,
      %get3A_462 = vector.shape_cast %get3A_461 : vector<1x16xf32> to vector<16xf32>
      %add3A_463 = arith.addf %get3A_458, %get3A_462 : vector<16xf32>
      %swap3A_464 = arith.index_cast %scan3A_159 : i32 to index
      %swap3A_465 = arith.constant 336 : index
      %swap3A_466 = tpu.vector_load %arg10[%swap3A_464, %swap3A_465] {strides = array<i32>} : memref<32x768xf32, #tpu.memory_space<vmem>>, vector<1x16xf32>,
      %swap3A_467 = vector.shape_cast %swap3A_466 : vector<1x16xf32> to vector<16xf32>
      %swap3A_468 = vector.shape_cast %add3A_463 : vector<16xf32> to vector<1x16xf32>
      tpu.vector_store %arg10[%swap3A_464, %swap3A_465], %swap3A_468 {strides = array<i32>} : memref<32x768xf32, #tpu.memory_space<vmem>>, vector<1x16xf32>,
      %get3A_469 = arith.index_cast %scan3A_159 : i32 to index
      %get3A_470 = arith.constant 352 : index
      %get3A_471 = tpu.vector_load %arg10[%get3A_469, %get3A_470] {strides = array<i32>} : memref<32x768xf32, #tpu.memory_space<vmem>>, vector<1x16xf32>,
      %get3A_472 = vector.shape_cast %get3A_471 : vector<1x16xf32> to vector<16xf32>
      %get3A_473 = arith.index_cast %scan3A_159 : i32 to index
      %get3A_474 = arith.constant 352 : index
      %get3A_475 = tpu.vector_load %arg12[%get3A_473, %get3A_474] {strides = array<i32>} : memref<32x768xf32, #tpu.memory_space<vmem>>, vector<1x16xf32>,
      %get3A_476 = vector.shape_cast %get3A_475 : vector<1x16xf32> to vector<16xf32>
      %add3A_477 = arith.addf %get3A_472, %get3A_476 : vector<16xf32>
      %swap3A_478 = arith.index_cast %scan3A_159 : i32 to index
      %swap3A_479 = arith.constant 352 : index
      %swap3A_480 = tpu.vector_load %arg10[%swap3A_478, %swap3A_479] {strides = array<i32>} : memref<32x768xf32, #tpu.memory_space<vmem>>, vector<1x16xf32>,
      %swap3A_481 = vector.shape_cast %swap3A_480 : vector<1x16xf32> to vector<16xf32>
      %swap3A_482 = vector.shape_cast %add3A_477 : vector<16xf32> to vector<1x16xf32>
      tpu.vector_store %arg10[%swap3A_478, %swap3A_479], %swap3A_482 {strides = array<i32>} : memref<32x768xf32, #tpu.memory_space<vmem>>, vector<1x16xf32>,
      %get3A_483 = arith.index_cast %scan3A_159 : i32 to index
      %get3A_484 = arith.constant 368 : index
      %get3A_485 = tpu.vector_load %arg10[%get3A_483, %get3A_484] {strides = array<i32>} : memref<32x768xf32, #tpu.memory_space<vmem>>, vector<1x16xf32>,
      %get3A_486 = vector.shape_cast %get3A_485 : vector<1x16xf32> to vector<16xf32>
      %get3A_487 = arith.index_cast %scan3A_159 : i32 to index
      %get3A_488 = arith.constant 368 : index
      %get3A_489 = tpu.vector_load %arg12[%get3A_487, %get3A_488] {strides = array<i32>} : memref<32x768xf32, #tpu.memory_space<vmem>>, vector<1x16xf32>,
      %get3A_490 = vector.shape_cast %get3A_489 : vector<1x16xf32> to vector<16xf32>
      %add3A_491 = arith.addf %get3A_486, %get3A_490 : vector<16xf32>
      %swap3A_492 = arith.index_cast %scan3A_159 : i32 to index
      %swap3A_493 = arith.constant 368 : index
      %swap3A_494 = tpu.vector_load %arg10[%swap3A_492, %swap3A_493] {strides = array<i32>} : memref<32x768xf32, #tpu.memory_space<vmem>>, vector<1x16xf32>,
      %swap3A_495 = vector.shape_cast %swap3A_494 : vector<1x16xf32> to vector<16xf32>
      %swap3A_496 = vector.shape_cast %add3A_491 : vector<16xf32> to vector<1x16xf32>
      tpu.vector_store %arg10[%swap3A_492, %swap3A_493], %swap3A_496 {strides = array<i32>} : memref<32x768xf32, #tpu.memory_space<vmem>>, vector<1x16xf32>,
      %get3A_497 = arith.index_cast %scan3A_159 : i32 to index
      %get3A_498 = arith.constant 384 : index
      %get3A_499 = tpu.vector_load %arg10[%get3A_497, %get3A_498] {strides = array<i32>} : memref<32x768xf32, #tpu.memory_space<vmem>>, vector<1x16xf32>,
      %get3A_500 = vector.shape_cast %get3A_499 : vector<1x16xf32> to vector<16xf32>
      %get3A_501 = arith.index_cast %scan3A_159 : i32 to index
      %get3A_502 = arith.constant 384 : index
      %get3A_503 = tpu.vector_load %arg12[%get3A_501, %get3A_502] {strides = array<i32>} : memref<32x768xf32, #tpu.memory_space<vmem>>, vector<1x16xf32>,
      %get3A_504 = vector.shape_cast %get3A_503 : vector<1x16xf32> to vector<16xf32>
      %add3A_505 = arith.addf %get3A_500, %get3A_504 : vector<16xf32>
      %swap3A_506 = arith.index_cast %scan3A_159 : i32 to index
      %swap3A_507 = arith.constant 384 : index
      %swap3A_508 = tpu.vector_load %arg10[%swap3A_506, %swap3A_507] {strides = array<i32>} : memref<32x768xf32, #tpu.memory_space<vmem>>, vector<1x16xf32>,
      %swap3A_509 = vector.shape_cast %swap3A_508 : vector<1x16xf32> to vector<16xf32>
      %swap3A_510 = vector.shape_cast %add3A_505 : vector<16xf32> to vector<1x16xf32>
      tpu.vector_store %arg10[%swap3A_506, %swap3A_507], %swap3A_510 {strides = array<i32>} : memref<32x768xf32, #tpu.memory_space<vmem>>, vector<1x16xf32>,
      %get3A_511 = arith.index_cast %scan3A_159 : i32 to index
      %get3A_512 = arith.constant 400 : index
      %get3A_513 = tpu.vector_load %arg10[%get3A_511, %get3A_512] {strides = array<i32>} : memref<32x768xf32, #tpu.memory_space<vmem>>, vector<1x16xf32>,
      %get3A_514 = vector.shape_cast %get3A_513 : vector<1x16xf32> to vector<16xf32>
      %get3A_515 = arith.index_cast %scan3A_159 : i32 to index
      %get3A_516 = arith.constant 400 : index
      %get3A_517 = tpu.vector_load %arg12[%get3A_515, %get3A_516] {strides = array<i32>} : memref<32x768xf32, #tpu.memory_space<vmem>>, vector<1x16xf32>,
      %get3A_518 = vector.shape_cast %get3A_517 : vector<1x16xf32> to vector<16xf32>
      %add3A_519 = arith.addf %get3A_514, %get3A_518 : vector<16xf32>
      %swap3A_520 = arith.index_cast %scan3A_159 : i32 to index
      %swap3A_521 = arith.constant 400 : index
      %swap3A_522 = tpu.vector_load %arg10[%swap3A_520, %swap3A_521] {strides = array<i32>} : memref<32x768xf32, #tpu.memory_space<vmem>>, vector<1x16xf32>,
      %swap3A_523 = vector.shape_cast %swap3A_522 : vector<1x16xf32> to vector<16xf32>
      %swap3A_524 = vector.shape_cast %add3A_519 : vector<16xf32> to vector<1x16xf32>
      tpu.vector_store %arg10[%swap3A_520, %swap3A_521], %swap3A_524 {strides = array<i32>} : memref<32x768xf32, #tpu.memory_space<vmem>>, vector<1x16xf32>,
      %get3A_525 = arith.index_cast %scan3A_159 : i32 to index
      %get3A_526 = arith.constant 416 : index
      %get3A_527 = tpu.vector_load %arg10[%get3A_525, %get3A_526] {strides = array<i32>} : memref<32x768xf32, #tpu.memory_space<vmem>>, vector<1x16xf32>,
      %get3A_528 = vector.shape_cast %get3A_527 : vector<1x16xf32> to vector<16xf32>
      %get3A_529 = arith.index_cast %scan3A_159 : i32 to index
      %get3A_530 = arith.constant 416 : index
      %get3A_531 = tpu.vector_load %arg12[%get3A_529, %get3A_530] {strides = array<i32>} : memref<32x768xf32, #tpu.memory_space<vmem>>, vector<1x16xf32>,
      %get3A_532 = vector.shape_cast %get3A_531 : vector<1x16xf32> to vector<16xf32>
      %add3A_533 = arith.addf %get3A_528, %get3A_532 : vector<16xf32>
      %swap3A_534 = arith.index_cast %scan3A_159 : i32 to index
      %swap3A_535 = arith.constant 416 : index
      %swap3A_536 = tpu.vector_load %arg10[%swap3A_534, %swap3A_535] {strides = array<i32>} : memref<32x768xf32, #tpu.memory_space<vmem>>, vector<1x16xf32>,
      %swap3A_537 = vector.shape_cast %swap3A_536 : vector<1x16xf32> to vector<16xf32>
      %swap3A_538 = vector.shape_cast %add3A_533 : vector<16xf32> to vector<1x16xf32>
      tpu.vector_store %arg10[%swap3A_534, %swap3A_535], %swap3A_538 {strides = array<i32>} : memref<32x768xf32, #tpu.memory_space<vmem>>, vector<1x16xf32>,
      %get3A_539 = arith.index_cast %scan3A_159 : i32 to index
      %get3A_540 = arith.constant 432 : index
      %get3A_541 = tpu.vector_load %arg10[%get3A_539, %get3A_540] {strides = array<i32>} : memref<32x768xf32, #tpu.memory_space<vmem>>, vector<1x16xf32>,
      %get3A_542 = vector.shape_cast %get3A_541 : vector<1x16xf32> to vector<16xf32>
      %get3A_543 = arith.index_cast %scan3A_159 : i32 to index
      %get3A_544 = arith.constant 432 : index
      %get3A_545 = tpu.vector_load %arg12[%get3A_543, %get3A_544] {strides = array<i32>} : memref<32x768xf32, #tpu.memory_space<vmem>>, vector<1x16xf32>,
      %get3A_546 = vector.shape_cast %get3A_545 : vector<1x16xf32> to vector<16xf32>
      %add3A_547 = arith.addf %get3A_542, %get3A_546 : vector<16xf32>
      %swap3A_548 = arith.index_cast %scan3A_159 : i32 to index
      %swap3A_549 = arith.constant 432 : index
      %swap3A_550 = tpu.vector_load %arg10[%swap3A_548, %swap3A_549] {strides = array<i32>} : memref<32x768xf32, #tpu.memory_space<vmem>>, vector<1x16xf32>,
      %swap3A_551 = vector.shape_cast %swap3A_550 : vector<1x16xf32> to vector<16xf32>
      %swap3A_552 = vector.shape_cast %add3A_547 : vector<16xf32> to vector<1x16xf32>
      tpu.vector_store %arg10[%swap3A_548, %swap3A_549], %swap3A_552 {strides = array<i32>} : memref<32x768xf32, #tpu.memory_space<vmem>>, vector<1x16xf32>,
      %get3A_553 = arith.index_cast %scan3A_159 : i32 to index
      %get3A_554 = arith.constant 448 : index
      %get3A_555 = tpu.vector_load %arg10[%get3A_553, %get3A_554] {strides = array<i32>} : memref<32x768xf32, #tpu.memory_space<vmem>>, vector<1x16xf32>,
      %get3A_556 = vector.shape_cast %get3A_555 : vector<1x16xf32> to vector<16xf32>
      %get3A_557 = arith.index_cast %scan3A_159 : i32 to index
      %get3A_558 = arith.constant 448 : index
      %get3A_559 = tpu.vector_load %arg12[%get3A_557, %get3A_558] {strides = array<i32>} : memref<32x768xf32, #tpu.memory_space<vmem>>, vector<1x16xf32>,
      %get3A_560 = vector.shape_cast %get3A_559 : vector<1x16xf32> to vector<16xf32>
      %add3A_561 = arith.addf %get3A_556, %get3A_560 : vector<16xf32>
      %swap3A_562 = arith.index_cast %scan3A_159 : i32 to index
      %swap3A_563 = arith.constant 448 : index
      %swap3A_564 = tpu.vector_load %arg10[%swap3A_562, %swap3A_563] {strides = array<i32>} : memref<32x768xf32, #tpu.memory_space<vmem>>, vector<1x16xf32>,
      %swap3A_565 = vector.shape_cast %swap3A_564 : vector<1x16xf32> to vector<16xf32>
      %swap3A_566 = vector.shape_cast %add3A_561 : vector<16xf32> to vector<1x16xf32>
      tpu.vector_store %arg10[%swap3A_562, %swap3A_563], %swap3A_566 {strides = array<i32>} : memref<32x768xf32, #tpu.memory_space<vmem>>, vector<1x16xf32>,
      %get3A_567 = arith.index_cast %scan3A_159 : i32 to index
      %get3A_568 = arith.constant 464 : index
      %get3A_569 = tpu.vector_load %arg10[%get3A_567, %get3A_568] {strides = array<i32>} : memref<32x768xf32, #tpu.memory_space<vmem>>, vector<1x16xf32>,
      %get3A_570 = vector.shape_cast %get3A_569 : vector<1x16xf32> to vector<16xf32>
      %get3A_571 = arith.index_cast %scan3A_159 : i32 to index
      %get3A_572 = arith.constant 464 : index
      %get3A_573 = tpu.vector_load %arg12[%get3A_571, %get3A_572] {strides = array<i32>} : memref<32x768xf32, #tpu.memory_space<vmem>>, vector<1x16xf32>,
      %get3A_574 = vector.shape_cast %get3A_573 : vector<1x16xf32> to vector<16xf32>
      %add3A_575 = arith.addf %get3A_570, %get3A_574 : vector<16xf32>
      %swap3A_576 = arith.index_cast %scan3A_159 : i32 to index
      %swap3A_577 = arith.constant 464 : index
      %swap3A_578 = tpu.vector_load %arg10[%swap3A_576, %swap3A_577] {strides = array<i32>} : memref<32x768xf32, #tpu.memory_space<vmem>>, vector<1x16xf32>,
      %swap3A_579 = vector.shape_cast %swap3A_578 : vector<1x16xf32> to vector<16xf32>
      %swap3A_580 = vector.shape_cast %add3A_575 : vector<16xf32> to vector<1x16xf32>
      tpu.vector_store %arg10[%swap3A_576, %swap3A_577], %swap3A_580 {strides = array<i32>} : memref<32x768xf32, #tpu.memory_space<vmem>>, vector<1x16xf32>,
      %get3A_581 = arith.index_cast %scan3A_159 : i32 to index
      %get3A_582 = arith.constant 480 : index
      %get3A_583 = tpu.vector_load %arg10[%get3A_581, %get3A_582] {strides = array<i32>} : memref<32x768xf32, #tpu.memory_space<vmem>>, vector<1x16xf32>,
      %get3A_584 = vector.shape_cast %get3A_583 : vector<1x16xf32> to vector<16xf32>
      %get3A_585 = arith.index_cast %scan3A_159 : i32 to index
      %get3A_586 = arith.constant 480 : index
      %get3A_587 = tpu.vector_load %arg12[%get3A_585, %get3A_586] {strides = array<i32>} : memref<32x768xf32, #tpu.memory_space<vmem>>, vector<1x16xf32>,
      %get3A_588 = vector.shape_cast %get3A_587 : vector<1x16xf32> to vector<16xf32>
      %add3A_589 = arith.addf %get3A_584, %get3A_588 : vector<16xf32>
      %swap3A_590 = arith.index_cast %scan3A_159 : i32 to index
      %swap3A_591 = arith.constant 480 : index
      %swap3A_592 = tpu.vector_load %arg10[%swap3A_590, %swap3A_591] {strides = array<i32>} : memref<32x768xf32, #tpu.memory_space<vmem>>, vector<1x16xf32>,
      %swap3A_593 = vector.shape_cast %swap3A_592 : vector<1x16xf32> to vector<16xf32>
      %swap3A_594 = vector.shape_cast %add3A_589 : vector<16xf32> to vector<1x16xf32>
      tpu.vector_store %arg10[%swap3A_590, %swap3A_591], %swap3A_594 {strides = array<i32>} : memref<32x768xf32, #tpu.memory_space<vmem>>, vector<1x16xf32>,
      %get3A_595 = arith.index_cast %scan3A_159 : i32 to index
      %get3A_596 = arith.constant 496 : index
      %get3A_597 = tpu.vector_load %arg10[%get3A_595, %get3A_596] {strides = array<i32>} : memref<32x768xf32, #tpu.memory_space<vmem>>, vector<1x16xf32>,
      %get3A_598 = vector.shape_cast %get3A_597 : vector<1x16xf32> to vector<16xf32>
      %get3A_599 = arith.index_cast %scan3A_159 : i32 to index
      %get3A_600 = arith.constant 496 : index
      %get3A_601 = tpu.vector_load %arg12[%get3A_599, %get3A_600] {strides = array<i32>} : memref<32x768xf32, #tpu.memory_space<vmem>>, vector<1x16xf32>,
      %get3A_602 = vector.shape_cast %get3A_601 : vector<1x16xf32> to vector<16xf32>
      %add3A_603 = arith.addf %get3A_598, %get3A_602 : vector<16xf32>
      %swap3A_604 = arith.index_cast %scan3A_159 : i32 to index
      %swap3A_605 = arith.constant 496 : index
      %swap3A_606 = tpu.vector_load %arg10[%swap3A_604, %swap3A_605] {strides = array<i32>} : memref<32x768xf32, #tpu.memory_space<vmem>>, vector<1x16xf32>,
      %swap3A_607 = vector.shape_cast %swap3A_606 : vector<1x16xf32> to vector<16xf32>
      %swap3A_608 = vector.shape_cast %add3A_603 : vector<16xf32> to vector<1x16xf32>
      tpu.vector_store %arg10[%swap3A_604, %swap3A_605], %swap3A_608 {strides = array<i32>} : memref<32x768xf32, #tpu.memory_space<vmem>>, vector<1x16xf32>,
      %get3A_609 = arith.index_cast %scan3A_159 : i32 to index
      %get3A_610 = arith.constant 512 : index
      %get3A_611 = tpu.vector_load %arg10[%get3A_609, %get3A_610] {strides = array<i32>} : memref<32x768xf32, #tpu.memory_space<vmem>>, vector<1x16xf32>,
      %get3A_612 = vector.shape_cast %get3A_611 : vector<1x16xf32> to vector<16xf32>
      %get3A_613 = arith.index_cast %scan3A_159 : i32 to index
      %get3A_614 = arith.constant 512 : index
      %get3A_615 = tpu.vector_load %arg12[%get3A_613, %get3A_614] {strides = array<i32>} : memref<32x768xf32, #tpu.memory_space<vmem>>, vector<1x16xf32>,
      %get3A_616 = vector.shape_cast %get3A_615 : vector<1x16xf32> to vector<16xf32>
      %add3A_617 = arith.addf %get3A_612, %get3A_616 : vector<16xf32>
      %swap3A_618 = arith.index_cast %scan3A_159 : i32 to index
      %swap3A_619 = arith.constant 512 : index
      %swap3A_620 = tpu.vector_load %arg10[%swap3A_618, %swap3A_619] {strides = array<i32>} : memref<32x768xf32, #tpu.memory_space<vmem>>, vector<1x16xf32>,
      %swap3A_621 = vector.shape_cast %swap3A_620 : vector<1x16xf32> to vector<16xf32>
      %swap3A_622 = vector.shape_cast %add3A_617 : vector<16xf32> to vector<1x16xf32>
      tpu.vector_store %arg10[%swap3A_618, %swap3A_619], %swap3A_622 {strides = array<i32>} : memref<32x768xf32, #tpu.memory_space<vmem>>, vector<1x16xf32>,
      %get3A_623 = arith.index_cast %scan3A_159 : i32 to index
      %get3A_624 = arith.constant 528 : index
      %get3A_625 = tpu.vector_load %arg10[%get3A_623, %get3A_624] {strides = array<i32>} : memref<32x768xf32, #tpu.memory_space<vmem>>, vector<1x16xf32>,
      %get3A_626 = vector.shape_cast %get3A_625 : vector<1x16xf32> to vector<16xf32>
      %get3A_627 = arith.index_cast %scan3A_159 : i32 to index
      %get3A_628 = arith.constant 528 : index
      %get3A_629 = tpu.vector_load %arg12[%get3A_627, %get3A_628] {strides = array<i32>} : memref<32x768xf32, #tpu.memory_space<vmem>>, vector<1x16xf32>,
      %get3A_630 = vector.shape_cast %get3A_629 : vector<1x16xf32> to vector<16xf32>
      %add3A_631 = arith.addf %get3A_626, %get3A_630 : vector<16xf32>
      %swap3A_632 = arith.index_cast %scan3A_159 : i32 to index
      %swap3A_633 = arith.constant 528 : index
      %swap3A_634 = tpu.vector_load %arg10[%swap3A_632, %swap3A_633] {strides = array<i32>} : memref<32x768xf32, #tpu.memory_space<vmem>>, vector<1x16xf32>,
      %swap3A_635 = vector.shape_cast %swap3A_634 : vector<1x16xf32> to vector<16xf32>
      %swap3A_636 = vector.shape_cast %add3A_631 : vector<16xf32> to vector<1x16xf32>
      tpu.vector_store %arg10[%swap3A_632, %swap3A_633], %swap3A_636 {strides = array<i32>} : memref<32x768xf32, #tpu.memory_space<vmem>>, vector<1x16xf32>,
      %get3A_637 = arith.index_cast %scan3A_159 : i32 to index
      %get3A_638 = arith.constant 544 : index
      %get3A_639 = tpu.vector_load %arg10[%get3A_637, %get3A_638] {strides = array<i32>} : memref<32x768xf32, #tpu.memory_space<vmem>>, vector<1x16xf32>,
      %get3A_640 = vector.shape_cast %get3A_639 : vector<1x16xf32> to vector<16xf32>
      %get3A_641 = arith.index_cast %scan3A_159 : i32 to index
      %get3A_642 = arith.constant 544 : index
      %get3A_643 = tpu.vector_load %arg12[%get3A_641, %get3A_642] {strides = array<i32>} : memref<32x768xf32, #tpu.memory_space<vmem>>, vector<1x16xf32>,
      %get3A_644 = vector.shape_cast %get3A_643 : vector<1x16xf32> to vector<16xf32>
      %add3A_645 = arith.addf %get3A_640, %get3A_644 : vector<16xf32>
      %swap3A_646 = arith.index_cast %scan3A_159 : i32 to index
      %swap3A_647 = arith.constant 544 : index
      %swap3A_648 = tpu.vector_load %arg10[%swap3A_646, %swap3A_647] {strides = array<i32>} : memref<32x768xf32, #tpu.memory_space<vmem>>, vector<1x16xf32>,
      %swap3A_649 = vector.shape_cast %swap3A_648 : vector<1x16xf32> to vector<16xf32>
      %swap3A_650 = vector.shape_cast %add3A_645 : vector<16xf32> to vector<1x16xf32>
      tpu.vector_store %arg10[%swap3A_646, %swap3A_647], %swap3A_650 {strides = array<i32>} : memref<32x768xf32, #tpu.memory_space<vmem>>, vector<1x16xf32>,
      %get3A_651 = arith.index_cast %scan3A_159 : i32 to index
      %get3A_652 = arith.constant 560 : index
      %get3A_653 = tpu.vector_load %arg10[%get3A_651, %get3A_652] {strides = array<i32>} : memref<32x768xf32, #tpu.memory_space<vmem>>, vector<1x16xf32>,
      %get3A_654 = vector.shape_cast %get3A_653 : vector<1x16xf32> to vector<16xf32>
      %get3A_655 = arith.index_cast %scan3A_159 : i32 to index
      %get3A_656 = arith.constant 560 : index
      %get3A_657 = tpu.vector_load %arg12[%get3A_655, %get3A_656] {strides = array<i32>} : memref<32x768xf32, #tpu.memory_space<vmem>>, vector<1x16xf32>,
      %get3A_658 = vector.shape_cast %get3A_657 : vector<1x16xf32> to vector<16xf32>
      %add3A_659 = arith.addf %get3A_654, %get3A_658 : vector<16xf32>
      %swap3A_660 = arith.index_cast %scan3A_159 : i32 to index
      %swap3A_661 = arith.constant 560 : index
      %swap3A_662 = tpu.vector_load %arg10[%swap3A_660, %swap3A_661] {strides = array<i32>} : memref<32x768xf32, #tpu.memory_space<vmem>>, vector<1x16xf32>,
      %swap3A_663 = vector.shape_cast %swap3A_662 : vector<1x16xf32> to vector<16xf32>
      %swap3A_664 = vector.shape_cast %add3A_659 : vector<16xf32> to vector<1x16xf32>
      tpu.vector_store %arg10[%swap3A_660, %swap3A_661], %swap3A_664 {strides = array<i32>} : memref<32x768xf32, #tpu.memory_space<vmem>>, vector<1x16xf32>,
      %get3A_665 = arith.index_cast %scan3A_159 : i32 to index
      %get3A_666 = arith.constant 576 : index
      %get3A_667 = tpu.vector_load %arg10[%get3A_665, %get3A_666] {strides = array<i32>} : memref<32x768xf32, #tpu.memory_space<vmem>>, vector<1x16xf32>,
      %get3A_668 = vector.shape_cast %get3A_667 : vector<1x16xf32> to vector<16xf32>
      %get3A_669 = arith.index_cast %scan3A_159 : i32 to index
      %get3A_670 = arith.constant 576 : index
      %get3A_671 = tpu.vector_load %arg12[%get3A_669, %get3A_670] {strides = array<i32>} : memref<32x768xf32, #tpu.memory_space<vmem>>, vector<1x16xf32>,
      %get3A_672 = vector.shape_cast %get3A_671 : vector<1x16xf32> to vector<16xf32>
      %add3A_673 = arith.addf %get3A_668, %get3A_672 : vector<16xf32>
      %swap3A_674 = arith.index_cast %scan3A_159 : i32 to index
      %swap3A_675 = arith.constant 576 : index
      %swap3A_676 = tpu.vector_load %arg10[%swap3A_674, %swap3A_675] {strides = array<i32>} : memref<32x768xf32, #tpu.memory_space<vmem>>, vector<1x16xf32>,
      %swap3A_677 = vector.shape_cast %swap3A_676 : vector<1x16xf32> to vector<16xf32>
      %swap3A_678 = vector.shape_cast %add3A_673 : vector<16xf32> to vector<1x16xf32>
      tpu.vector_store %arg10[%swap3A_674, %swap3A_675], %swap3A_678 {strides = array<i32>} : memref<32x768xf32, #tpu.memory_space<vmem>>, vector<1x16xf32>,
      %get3A_679 = arith.index_cast %scan3A_159 : i32 to index
      %get3A_680 = arith.constant 592 : index
      %get3A_681 = tpu.vector_load %arg10[%get3A_679, %get3A_680] {strides = array<i32>} : memref<32x768xf32, #tpu.memory_space<vmem>>, vector<1x16xf32>,
      %get3A_682 = vector.shape_cast %get3A_681 : vector<1x16xf32> to vector<16xf32>
      %get3A_683 = arith.index_cast %scan3A_159 : i32 to index
      %get3A_684 = arith.constant 592 : index
      %get3A_685 = tpu.vector_load %arg12[%get3A_683, %get3A_684] {strides = array<i32>} : memref<32x768xf32, #tpu.memory_space<vmem>>, vector<1x16xf32>,
      %get3A_686 = vector.shape_cast %get3A_685 : vector<1x16xf32> to vector<16xf32>
      %add3A_687 = arith.addf %get3A_682, %get3A_686 : vector<16xf32>
      %swap3A_688 = arith.index_cast %scan3A_159 : i32 to index
      %swap3A_689 = arith.constant 592 : index
      %swap3A_690 = tpu.vector_load %arg10[%swap3A_688, %swap3A_689] {strides = array<i32>} : memref<32x768xf32, #tpu.memory_space<vmem>>, vector<1x16xf32>,
      %swap3A_691 = vector.shape_cast %swap3A_690 : vector<1x16xf32> to vector<16xf32>
      %swap3A_692 = vector.shape_cast %add3A_687 : vector<16xf32> to vector<1x16xf32>
      tpu.vector_store %arg10[%swap3A_688, %swap3A_689], %swap3A_692 {strides = array<i32>} : memref<32x768xf32, #tpu.memory_space<vmem>>, vector<1x16xf32>,
      %get3A_693 = arith.index_cast %scan3A_159 : i32 to index
      %get3A_694 = arith.constant 608 : index
      %get3A_695 = tpu.vector_load %arg10[%get3A_693, %get3A_694] {strides = array<i32>} : memref<32x768xf32, #tpu.memory_space<vmem>>, vector<1x16xf32>,
      %get3A_696 = vector.shape_cast %get3A_695 : vector<1x16xf32> to vector<16xf32>
      %get3A_697 = arith.index_cast %scan3A_159 : i32 to index
      %get3A_698 = arith.constant 608 : index
      %get3A_699 = tpu.vector_load %arg12[%get3A_697, %get3A_698] {strides = array<i32>} : memref<32x768xf32, #tpu.memory_space<vmem>>, vector<1x16xf32>,
      %get3A_700 = vector.shape_cast %get3A_699 : vector<1x16xf32> to vector<16xf32>
      %add3A_701 = arith.addf %get3A_696, %get3A_700 : vector<16xf32>
      %swap3A_702 = arith.index_cast %scan3A_159 : i32 to index
      %swap3A_703 = arith.constant 608 : index
      %swap3A_704 = tpu.vector_load %arg10[%swap3A_702, %swap3A_703] {strides = array<i32>} : memref<32x768xf32, #tpu.memory_space<vmem>>, vector<1x16xf32>,
      %swap3A_705 = vector.shape_cast %swap3A_704 : vector<1x16xf32> to vector<16xf32>
      %swap3A_706 = vector.shape_cast %add3A_701 : vector<16xf32> to vector<1x16xf32>
      tpu.vector_store %arg10[%swap3A_702, %swap3A_703], %swap3A_706 {strides = array<i32>} : memref<32x768xf32, #tpu.memory_space<vmem>>, vector<1x16xf32>,
      %get3A_707 = arith.index_cast %scan3A_159 : i32 to index
      %get3A_708 = arith.constant 624 : index
      %get3A_709 = tpu.vector_load %arg10[%get3A_707, %get3A_708] {strides = array<i32>} : memref<32x768xf32, #tpu.memory_space<vmem>>, vector<1x16xf32>,
      %get3A_710 = vector.shape_cast %get3A_709 : vector<1x16xf32> to vector<16xf32>
      %get3A_711 = arith.index_cast %scan3A_159 : i32 to index
      %get3A_712 = arith.constant 624 : index
      %get3A_713 = tpu.vector_load %arg12[%get3A_711, %get3A_712] {strides = array<i32>} : memref<32x768xf32, #tpu.memory_space<vmem>>, vector<1x16xf32>,
      %get3A_714 = vector.shape_cast %get3A_713 : vector<1x16xf32> to vector<16xf32>
      %add3A_715 = arith.addf %get3A_710, %get3A_714 : vector<16xf32>
      %swap3A_716 = arith.index_cast %scan3A_159 : i32 to index
      %swap3A_717 = arith.constant 624 : index
      %swap3A_718 = tpu.vector_load %arg10[%swap3A_716, %swap3A_717] {strides = array<i32>} : memref<32x768xf32, #tpu.memory_space<vmem>>, vector<1x16xf32>,
      %swap3A_719 = vector.shape_cast %swap3A_718 : vector<1x16xf32> to vector<16xf32>
      %swap3A_720 = vector.shape_cast %add3A_715 : vector<16xf32> to vector<1x16xf32>
      tpu.vector_store %arg10[%swap3A_716, %swap3A_717], %swap3A_720 {strides = array<i32>} : memref<32x768xf32, #tpu.memory_space<vmem>>, vector<1x16xf32>,
      %get3A_721 = arith.index_cast %scan3A_159 : i32 to index
      %get3A_722 = arith.constant 640 : index
      %get3A_723 = tpu.vector_load %arg10[%get3A_721, %get3A_722] {strides = array<i32>} : memref<32x768xf32, #tpu.memory_space<vmem>>, vector<1x16xf32>,
      %get3A_724 = vector.shape_cast %get3A_723 : vector<1x16xf32> to vector<16xf32>
      %get3A_725 = arith.index_cast %scan3A_159 : i32 to index
      %get3A_726 = arith.constant 640 : index
      %get3A_727 = tpu.vector_load %arg12[%get3A_725, %get3A_726] {strides = array<i32>} : memref<32x768xf32, #tpu.memory_space<vmem>>, vector<1x16xf32>,
      %get3A_728 = vector.shape_cast %get3A_727 : vector<1x16xf32> to vector<16xf32>
      %add3A_729 = arith.addf %get3A_724, %get3A_728 : vector<16xf32>
      %swap3A_730 = arith.index_cast %scan3A_159 : i32 to index
      %swap3A_731 = arith.constant 640 : index
      %swap3A_732 = tpu.vector_load %arg10[%swap3A_730, %swap3A_731] {strides = array<i32>} : memref<32x768xf32, #tpu.memory_space<vmem>>, vector<1x16xf32>,
      %swap3A_733 = vector.shape_cast %swap3A_732 : vector<1x16xf32> to vector<16xf32>
      %swap3A_734 = vector.shape_cast %add3A_729 : vector<16xf32> to vector<1x16xf32>
      tpu.vector_store %arg10[%swap3A_730, %swap3A_731], %swap3A_734 {strides = array<i32>} : memref<32x768xf32, #tpu.memory_space<vmem>>, vector<1x16xf32>,
      %get3A_735 = arith.index_cast %scan3A_159 : i32 to index
      %get3A_736 = arith.constant 656 : index
      %get3A_737 = tpu.vector_load %arg10[%get3A_735, %get3A_736] {strides = array<i32>} : memref<32x768xf32, #tpu.memory_space<vmem>>, vector<1x16xf32>,
      %get3A_738 = vector.shape_cast %get3A_737 : vector<1x16xf32> to vector<16xf32>
      %get3A_739 = arith.index_cast %scan3A_159 : i32 to index
      %get3A_740 = arith.constant 656 : index
      %get3A_741 = tpu.vector_load %arg12[%get3A_739, %get3A_740] {strides = array<i32>} : memref<32x768xf32, #tpu.memory_space<vmem>>, vector<1x16xf32>,
      %get3A_742 = vector.shape_cast %get3A_741 : vector<1x16xf32> to vector<16xf32>
      %add3A_743 = arith.addf %get3A_738, %get3A_742 : vector<16xf32>
      %swap3A_744 = arith.index_cast %scan3A_159 : i32 to index
      %swap3A_745 = arith.constant 656 : index
      %swap3A_746 = tpu.vector_load %arg10[%swap3A_744, %swap3A_745] {strides = array<i32>} : memref<32x768xf32, #tpu.memory_space<vmem>>, vector<1x16xf32>,
      %swap3A_747 = vector.shape_cast %swap3A_746 : vector<1x16xf32> to vector<16xf32>
      %swap3A_748 = vector.shape_cast %add3A_743 : vector<16xf32> to vector<1x16xf32>
      tpu.vector_store %arg10[%swap3A_744, %swap3A_745], %swap3A_748 {strides = array<i32>} : memref<32x768xf32, #tpu.memory_space<vmem>>, vector<1x16xf32>,
      %get3A_749 = arith.index_cast %scan3A_159 : i32 to index
      %get3A_750 = arith.constant 672 : index
      %get3A_751 = tpu.vector_load %arg10[%get3A_749, %get3A_750] {strides = array<i32>} : memref<32x768xf32, #tpu.memory_space<vmem>>, vector<1x16xf32>,
      %get3A_752 = vector.shape_cast %get3A_751 : vector<1x16xf32> to vector<16xf32>
      %get3A_753 = arith.index_cast %scan3A_159 : i32 to index
      %get3A_754 = arith.constant 672 : index
      %get3A_755 = tpu.vector_load %arg12[%get3A_753, %get3A_754] {strides = array<i32>} : memref<32x768xf32, #tpu.memory_space<vmem>>, vector<1x16xf32>,
      %get3A_756 = vector.shape_cast %get3A_755 : vector<1x16xf32> to vector<16xf32>
      %add3A_757 = arith.addf %get3A_752, %get3A_756 : vector<16xf32>
      %swap3A_758 = arith.index_cast %scan3A_159 : i32 to index
      %swap3A_759 = arith.constant 672 : index
      %swap3A_760 = tpu.vector_load %arg10[%swap3A_758, %swap3A_759] {strides = array<i32>} : memref<32x768xf32, #tpu.memory_space<vmem>>, vector<1x16xf32>,
      %swap3A_761 = vector.shape_cast %swap3A_760 : vector<1x16xf32> to vector<16xf32>
      %swap3A_762 = vector.shape_cast %add3A_757 : vector<16xf32> to vector<1x16xf32>
      tpu.vector_store %arg10[%swap3A_758, %swap3A_759], %swap3A_762 {strides = array<i32>} : memref<32x768xf32, #tpu.memory_space<vmem>>, vector<1x16xf32>,
      %get3A_763 = arith.index_cast %scan3A_159 : i32 to index
      %get3A_764 = arith.constant 688 : index
      %get3A_765 = tpu.vector_load %arg10[%get3A_763, %get3A_764] {strides = array<i32>} : memref<32x768xf32, #tpu.memory_space<vmem>>, vector<1x16xf32>,
      %get3A_766 = vector.shape_cast %get3A_765 : vector<1x16xf32> to vector<16xf32>
      %get3A_767 = arith.index_cast %scan3A_159 : i32 to index
      %get3A_768 = arith.constant 688 : index
      %get3A_769 = tpu.vector_load %arg12[%get3A_767, %get3A_768] {strides = array<i32>} : memref<32x768xf32, #tpu.memory_space<vmem>>, vector<1x16xf32>,
      %get3A_770 = vector.shape_cast %get3A_769 : vector<1x16xf32> to vector<16xf32>
      %add3A_771 = arith.addf %get3A_766, %get3A_770 : vector<16xf32>
      %swap3A_772 = arith.index_cast %scan3A_159 : i32 to index
      %swap3A_773 = arith.constant 688 : index
      %swap3A_774 = tpu.vector_load %arg10[%swap3A_772, %swap3A_773] {strides = array<i32>} : memref<32x768xf32, #tpu.memory_space<vmem>>, vector<1x16xf32>,
      %swap3A_775 = vector.shape_cast %swap3A_774 : vector<1x16xf32> to vector<16xf32>
      %swap3A_776 = vector.shape_cast %add3A_771 : vector<16xf32> to vector<1x16xf32>
      tpu.vector_store %arg10[%swap3A_772, %swap3A_773], %swap3A_776 {strides = array<i32>} : memref<32x768xf32, #tpu.memory_space<vmem>>, vector<1x16xf32>,
      %get3A_777 = arith.index_cast %scan3A_159 : i32 to index
      %get3A_778 = arith.constant 704 : index
      %get3A_779 = tpu.vector_load %arg10[%get3A_777, %get3A_778] {strides = array<i32>} : memref<32x768xf32, #tpu.memory_space<vmem>>, vector<1x16xf32>,
      %get3A_780 = vector.shape_cast %get3A_779 : vector<1x16xf32> to vector<16xf32>
      %get3A_781 = arith.index_cast %scan3A_159 : i32 to index
      %get3A_782 = arith.constant 704 : index
      %get3A_783 = tpu.vector_load %arg12[%get3A_781, %get3A_782] {strides = array<i32>} : memref<32x768xf32, #tpu.memory_space<vmem>>, vector<1x16xf32>,
      %get3A_784 = vector.shape_cast %get3A_783 : vector<1x16xf32> to vector<16xf32>
      %add3A_785 = arith.addf %get3A_780, %get3A_784 : vector<16xf32>
      %swap3A_786 = arith.index_cast %scan3A_159 : i32 to index
      %swap3A_787 = arith.constant 704 : index
      %swap3A_788 = tpu.vector_load %arg10[%swap3A_786, %swap3A_787] {strides = array<i32>} : memref<32x768xf32, #tpu.memory_space<vmem>>, vector<1x16xf32>,
      %swap3A_789 = vector.shape_cast %swap3A_788 : vector<1x16xf32> to vector<16xf32>
      %swap3A_790 = vector.shape_cast %add3A_785 : vector<16xf32> to vector<1x16xf32>
      tpu.vector_store %arg10[%swap3A_786, %swap3A_787], %swap3A_790 {strides = array<i32>} : memref<32x768xf32, #tpu.memory_space<vmem>>, vector<1x16xf32>,
      %get3A_791 = arith.index_cast %scan3A_159 : i32 to index
      %get3A_792 = arith.constant 720 : index
      %get3A_793 = tpu.vector_load %arg10[%get3A_791, %get3A_792] {strides = array<i32>} : memref<32x768xf32, #tpu.memory_space<vmem>>, vector<1x16xf32>,
      %get3A_794 = vector.shape_cast %get3A_793 : vector<1x16xf32> to vector<16xf32>
      %get3A_795 = arith.index_cast %scan3A_159 : i32 to index
      %get3A_796 = arith.constant 720 : index
      %get3A_797 = tpu.vector_load %arg12[%get3A_795, %get3A_796] {strides = array<i32>} : memref<32x768xf32, #tpu.memory_space<vmem>>, vector<1x16xf32>,
      %get3A_798 = vector.shape_cast %get3A_797 : vector<1x16xf32> to vector<16xf32>
      %add3A_799 = arith.addf %get3A_794, %get3A_798 : vector<16xf32>
      %swap3A_800 = arith.index_cast %scan3A_159 : i32 to index
      %swap3A_801 = arith.constant 720 : index
      %swap3A_802 = tpu.vector_load %arg10[%swap3A_800, %swap3A_801] {strides = array<i32>} : memref<32x768xf32, #tpu.memory_space<vmem>>, vector<1x16xf32>,
      %swap3A_803 = vector.shape_cast %swap3A_802 : vector<1x16xf32> to vector<16xf32>
      %swap3A_804 = vector.shape_cast %add3A_799 : vector<16xf32> to vector<1x16xf32>
      tpu.vector_store %arg10[%swap3A_800, %swap3A_801], %swap3A_804 {strides = array<i32>} : memref<32x768xf32, #tpu.memory_space<vmem>>, vector<1x16xf32>,
      %get3A_805 = arith.index_cast %scan3A_159 : i32 to index
      %get3A_806 = arith.constant 736 : index
      %get3A_807 = tpu.vector_load %arg10[%get3A_805, %get3A_806] {strides = array<i32>} : memref<32x768xf32, #tpu.memory_space<vmem>>, vector<1x16xf32>,
      %get3A_808 = vector.shape_cast %get3A_807 : vector<1x16xf32> to vector<16xf32>
      %get3A_809 = arith.index_cast %scan3A_159 : i32 to index
      %get3A_810 = arith.constant 736 : index
      %get3A_811 = tpu.vector_load %arg12[%get3A_809, %get3A_810] {strides = array<i32>} : memref<32x768xf32, #tpu.memory_space<vmem>>, vector<1x16xf32>,
      %get3A_812 = vector.shape_cast %get3A_811 : vector<1x16xf32> to vector<16xf32>
      %add3A_813 = arith.addf %get3A_808, %get3A_812 : vector<16xf32>
      %swap3A_814 = arith.index_cast %scan3A_159 : i32 to index
      %swap3A_815 = arith.constant 736 : index
      %swap3A_816 = tpu.vector_load %arg10[%swap3A_814, %swap3A_815] {strides = array<i32>} : memref<32x768xf32, #tpu.memory_space<vmem>>, vector<1x16xf32>,
      %swap3A_817 = vector.shape_cast %swap3A_816 : vector<1x16xf32> to vector<16xf32>
      %swap3A_818 = vector.shape_cast %add3A_813 : vector<16xf32> to vector<1x16xf32>
      tpu.vector_store %arg10[%swap3A_814, %swap3A_815], %swap3A_818 {strides = array<i32>} : memref<32x768xf32, #tpu.memory_space<vmem>>, vector<1x16xf32>,
      %get3A_819 = arith.index_cast %scan3A_159 : i32 to index
      %get3A_820 = arith.constant 752 : index
      %get3A_821 = tpu.vector_load %arg10[%get3A_819, %get3A_820] {strides = array<i32>} : memref<32x768xf32, #tpu.memory_space<vmem>>, vector<1x16xf32>,
      %get3A_822 = vector.shape_cast %get3A_821 : vector<1x16xf32> to vector<16xf32>
      %get3A_823 = arith.index_cast %scan3A_159 : i32 to index
      %get3A_824 = arith.constant 752 : index
      %get3A_825 = tpu.vector_load %arg12[%get3A_823, %get3A_824] {strides = array<i32>} : memref<32x768xf32, #tpu.memory_space<vmem>>, vector<1x16xf32>,
      %get3A_826 = vector.shape_cast %get3A_825 : vector<1x16xf32> to vector<16xf32>
      %add3A_827 = arith.addf %get3A_822, %get3A_826 : vector<16xf32>
      %swap3A_828 = arith.index_cast %scan3A_159 : i32 to index
      %swap3A_829 = arith.constant 752 : index
      %swap3A_830 = tpu.vector_load %arg10[%swap3A_828, %swap3A_829] {strides = array<i32>} : memref<32x768xf32, #tpu.memory_space<vmem>>, vector<1x16xf32>,
      %swap3A_831 = vector.shape_cast %swap3A_830 : vector<1x16xf32> to vector<16xf32>
      %swap3A_832 = vector.shape_cast %add3A_827 : vector<16xf32> to vector<1x16xf32>
      tpu.vector_store %arg10[%swap3A_828, %swap3A_829], %swap3A_832 {strides = array<i32>} : memref<32x768xf32, #tpu.memory_space<vmem>>, vector<1x16xf32>,
      %scan3A_833 = arith.constant 0 : i32
      scf.yield %scan3A_833 : i32
    }
    %scan3A_158 = arith.constant 32 : i32
    "tpu.region"() ({
      %run_scoped3A = tpu.sem_alloc : memref<!tpu.dma_semaphore, #tpu.memory_space<semaphore_mem>>
      %dma_start3A_159 = arith.constant 0 : i32
      %dma_start3A_160 = tpu.memref_slice %arg6[%add3A_80, %dma_start3A_159] : memref<2048x768xf32, #tpu.memory_space<hbm>> -> memref<32x768xf32, #tpu.memory_space<hbm>>
      %dma_start3A_161 = arith.constant 0 : i32
      %dma_start3A_162 = tpu.memref_slice %arg6[%add3A_80, %dma_start3A_161] : memref<2048x768xf32, #tpu.memory_space<hbm>> -> memref<32x768xf32, #tpu.memory_space<hbm>>
      tpu.enqueue_dma source(%arg10 : memref<32x768xf32, #tpu.memory_space<vmem>>) target(%dma_start3A_162 : memref<32x768xf32, #tpu.memory_space<hbm>>) target_semaphore(%run_scoped3A : memref<!tpu.dma_semaphore, #tpu.memory_space<semaphore_mem>>)
      %dma_wait3A_163 = arith.constant 0 : i32
      %dma_wait3A_164 = tpu.memref_slice %arg6[%add3A_80, %dma_wait3A_163] : memref<2048x768xf32, #tpu.memory_space<hbm>> -> memref<32x768xf32, #tpu.memory_space<hbm>>
      %dma_wait3A_165 = arith.constant 0 : i32
      %dma_wait3A_166 = tpu.memref_slice %arg6[%add3A_80, %dma_wait3A_165] : memref<2048x768xf32, #tpu.memory_space<hbm>> -> memref<32x768xf32, #tpu.memory_space<hbm>>
      tpu.wait_dma2 semaphore(%run_scoped3A : memref<!tpu.dma_semaphore, #tpu.memory_space<semaphore_mem>>) src(%arg10 : memref<32x768xf32, #tpu.memory_space<vmem>>) dst(%dma_wait3A_166 : memref<32x768xf32, #tpu.memory_space<hbm>>)
      tpu.yield
    }) : () -> ()
    return
  }
}

#map = affine_map<(d0, d1) -> (0, 0)>
#map1 = affine_map<(d0, d1) -> (0)>
module attributes {stable_mosaic.version = 14 : i64} {
  func.func @_dispatch_sc(%arg0: i32, %arg1: i32, %arg2: memref<2048x768xf32, #tpu.memory_space<hbm>>, %arg3: memref<2048xf32, #tpu.memory_space<hbm>>, %arg4: memref<2048xf32, #tpu.memory_space<hbm>>, %arg5: memref<2048xf32, #tpu.memory_space<hbm>>, %arg6: memref<2048xf32, #tpu.memory_space<hbm>>, %arg7: memref<5120x768xf32, #tpu.memory_space<hbm>>, %arg8: memref<81920xf32, #tpu.memory_space<hbm>>, %arg9: memref<64xf32, #tpu.memory_space<vmem>>, %arg10: memref<64xi32, #tpu.memory_space<vmem>>, %arg11: memref<64xi32, #tpu.memory_space<vmem>>, %arg12: memref<64xi32, #tpu.memory_space<vmem>>, %arg13: memref<64xf32, #tpu.memory_space<vmem>>, %arg14: memref<64x768xf32, #tpu.memory_space<vmem>>, %arg15: memref<!tpu.dma_semaphore, #tpu.memory_space<semaphore_mem>>, %arg16: memref<!tpu.dma_semaphore, #tpu.memory_space<semaphore_mem>>) attributes {dimension_semantics = [#tpu.dimension_semantics<core_parallel>, #tpu.dimension_semantics<subcore_parallel>], iteration_bounds = array<i64: 2, 16>, scalar_prefetch = 0 : i64, scratch_operands = 8 : i64, tpu.core_type = #tpu.core_type<sc_vector_subcore>, window_params = [{transform_indices = #map}, {transform_indices = #map1}, {transform_indices = #map1}, {transform_indices = #map1}, {transform_indices = #map1}, {transform_indices = #map}, {transform_indices = #map1}]} {
    %mul3A = arith.constant 2 : i32
    %mul3A_0 = arith.muli %arg1, %mul3A : i32
    %add3A = arith.addi %mul3A_0, %arg0 : i32
    %mul3A_1 = arith.constant 64 : i32
    %mul3A_2 = arith.muli %add3A, %mul3A_1 : i32
    "tpu.region"() ({
      %run_scoped3A = tpu.sem_alloc : memref<!tpu.dma_semaphore, #tpu.memory_space<semaphore_mem>>
      %dma_start3A_194 = arith.constant 0 : i32
      %dma_start3A_195 = tpu.memref_slice %arg2[%mul3A_2, %dma_start3A_194] : memref<2048x768xf32, #tpu.memory_space<hbm>> -> memref<64x768xf32, #tpu.memory_space<hbm>>
      %dma_start3A_196 = arith.constant 0 : i32
      %dma_start3A_197 = tpu.memref_slice %arg2[%mul3A_2, %dma_start3A_196] : memref<2048x768xf32, #tpu.memory_space<hbm>> -> memref<64x768xf32, #tpu.memory_space<hbm>>
      tpu.enqueue_dma source(%dma_start3A_197 : memref<64x768xf32, #tpu.memory_space<hbm>>) target(%arg14 : memref<64x768xf32, #tpu.memory_space<vmem>>) target_semaphore(%run_scoped3A : memref<!tpu.dma_semaphore, #tpu.memory_space<semaphore_mem>>)
      %dma_wait3A_198 = arith.constant 0 : i32
      %dma_wait3A_199 = tpu.memref_slice %arg2[%mul3A_2, %dma_wait3A_198] : memref<2048x768xf32, #tpu.memory_space<hbm>> -> memref<64x768xf32, #tpu.memory_space<hbm>>
      %dma_wait3A_200 = arith.constant 0 : i32
      %dma_wait3A_201 = tpu.memref_slice %arg2[%mul3A_2, %dma_wait3A_200] : memref<2048x768xf32, #tpu.memory_space<hbm>> -> memref<64x768xf32, #tpu.memory_space<hbm>>
      tpu.wait_dma2 semaphore(%run_scoped3A : memref<!tpu.dma_semaphore, #tpu.memory_space<semaphore_mem>>) src(%dma_wait3A_201 : memref<64x768xf32, #tpu.memory_space<hbm>>) dst(%arg14 : memref<64x768xf32, #tpu.memory_space<vmem>>)
      tpu.yield
    }) : () -> ()
    "tpu.region"() ({
      %run_scoped3A = tpu.sem_alloc : memref<!tpu.dma_semaphore, #tpu.memory_space<semaphore_mem>>
      %dma_start3A_194 = tpu.memref_slice %arg3[%mul3A_2] : memref<2048xf32, #tpu.memory_space<hbm>> -> memref<64xf32, #tpu.memory_space<hbm>>
      %dma_start3A_195 = tpu.memref_slice %arg3[%mul3A_2] : memref<2048xf32, #tpu.memory_space<hbm>> -> memref<64xf32, #tpu.memory_space<hbm>>
      tpu.enqueue_dma source(%dma_start3A_195 : memref<64xf32, #tpu.memory_space<hbm>>) target(%arg9 : memref<64xf32, #tpu.memory_space<vmem>>) target_semaphore(%run_scoped3A : memref<!tpu.dma_semaphore, #tpu.memory_space<semaphore_mem>>)
      %dma_wait3A_196 = tpu.memref_slice %arg3[%mul3A_2] : memref<2048xf32, #tpu.memory_space<hbm>> -> memref<64xf32, #tpu.memory_space<hbm>>
      %dma_wait3A_197 = tpu.memref_slice %arg3[%mul3A_2] : memref<2048xf32, #tpu.memory_space<hbm>> -> memref<64xf32, #tpu.memory_space<hbm>>
      tpu.wait_dma2 semaphore(%run_scoped3A : memref<!tpu.dma_semaphore, #tpu.memory_space<semaphore_mem>>) src(%dma_wait3A_197 : memref<64xf32, #tpu.memory_space<hbm>>) dst(%arg9 : memref<64xf32, #tpu.memory_space<vmem>>)
      tpu.yield
    }) : () -> ()
    %get3A = arith.constant 0 : index
    %get3A_3 = tpu.vector_load %arg9[%get3A] {strides = array<i32>} : memref<64xf32, #tpu.memory_space<vmem>>, vector<16xf32>,
    %get3A_4 = vector.shape_cast %get3A_3 : vector<16xf32> to vector<16xf32>
    %mul3A_5 = arith.constant 1.000000e+00 : f32
    %mul3A_6 = vector.broadcast %mul3A_5 : f32 to vector<16xf32>
    %mul3A_7 = arith.mulf %get3A_4, %mul3A_6 : vector<16xf32>
    %convert_element_type3A = arith.fptosi %mul3A_7 : vector<16xf32> to vector<16xi32>
    %swap3A = arith.constant 0 : index
    %swap3A_8 = tpu.vector_load %arg10[%swap3A] {strides = array<i32>} : memref<64xi32, #tpu.memory_space<vmem>>, vector<16xi32>,
    %swap3A_9 = vector.shape_cast %swap3A_8 : vector<16xi32> to vector<16xi32>
    %swap3A_10 = vector.shape_cast %convert_element_type3A : vector<16xi32> to vector<16xi32>
    tpu.vector_store %arg10[%swap3A], %swap3A_10 {strides = array<i32>} : memref<64xi32, #tpu.memory_space<vmem>>, vector<16xi32>,
    %get3A_11 = arith.constant 16 : index
    %get3A_12 = tpu.vector_load %arg9[%get3A_11] {strides = array<i32>} : memref<64xf32, #tpu.memory_space<vmem>>, vector<16xf32>,
    %get3A_13 = vector.shape_cast %get3A_12 : vector<16xf32> to vector<16xf32>
    %mul3A_14 = arith.constant 1.000000e+00 : f32
    %mul3A_15 = vector.broadcast %mul3A_14 : f32 to vector<16xf32>
    %mul3A_16 = arith.mulf %get3A_13, %mul3A_15 : vector<16xf32>
    %convert_element_type3A_17 = arith.fptosi %mul3A_16 : vector<16xf32> to vector<16xi32>
    %swap3A_18 = arith.constant 16 : index
    %swap3A_19 = tpu.vector_load %arg10[%swap3A_18] {strides = array<i32>} : memref<64xi32, #tpu.memory_space<vmem>>, vector<16xi32>,
    %swap3A_20 = vector.shape_cast %swap3A_19 : vector<16xi32> to vector<16xi32>
    %swap3A_21 = vector.shape_cast %convert_element_type3A_17 : vector<16xi32> to vector<16xi32>
    tpu.vector_store %arg10[%swap3A_18], %swap3A_21 {strides = array<i32>} : memref<64xi32, #tpu.memory_space<vmem>>, vector<16xi32>,
    %get3A_22 = arith.constant 32 : index
    %get3A_23 = tpu.vector_load %arg9[%get3A_22] {strides = array<i32>} : memref<64xf32, #tpu.memory_space<vmem>>, vector<16xf32>,
    %get3A_24 = vector.shape_cast %get3A_23 : vector<16xf32> to vector<16xf32>
    %mul3A_25 = arith.constant 1.000000e+00 : f32
    %mul3A_26 = vector.broadcast %mul3A_25 : f32 to vector<16xf32>
    %mul3A_27 = arith.mulf %get3A_24, %mul3A_26 : vector<16xf32>
    %convert_element_type3A_28 = arith.fptosi %mul3A_27 : vector<16xf32> to vector<16xi32>
    %swap3A_29 = arith.constant 32 : index
    %swap3A_30 = tpu.vector_load %arg10[%swap3A_29] {strides = array<i32>} : memref<64xi32, #tpu.memory_space<vmem>>, vector<16xi32>,
    %swap3A_31 = vector.shape_cast %swap3A_30 : vector<16xi32> to vector<16xi32>
    %swap3A_32 = vector.shape_cast %convert_element_type3A_28 : vector<16xi32> to vector<16xi32>
    tpu.vector_store %arg10[%swap3A_29], %swap3A_32 {strides = array<i32>} : memref<64xi32, #tpu.memory_space<vmem>>, vector<16xi32>,
    %get3A_33 = arith.constant 48 : index
    %get3A_34 = tpu.vector_load %arg9[%get3A_33] {strides = array<i32>} : memref<64xf32, #tpu.memory_space<vmem>>, vector<16xf32>,
    %get3A_35 = vector.shape_cast %get3A_34 : vector<16xf32> to vector<16xf32>
    %mul3A_36 = arith.constant 1.000000e+00 : f32
    %mul3A_37 = vector.broadcast %mul3A_36 : f32 to vector<16xf32>
    %mul3A_38 = arith.mulf %get3A_35, %mul3A_37 : vector<16xf32>
    %convert_element_type3A_39 = arith.fptosi %mul3A_38 : vector<16xf32> to vector<16xi32>
    %swap3A_40 = arith.constant 48 : index
    %swap3A_41 = tpu.vector_load %arg10[%swap3A_40] {strides = array<i32>} : memref<64xi32, #tpu.memory_space<vmem>>, vector<16xi32>,
    %swap3A_42 = vector.shape_cast %swap3A_41 : vector<16xi32> to vector<16xi32>
    %swap3A_43 = vector.shape_cast %convert_element_type3A_39 : vector<16xi32> to vector<16xi32>
    tpu.vector_store %arg10[%swap3A_40], %swap3A_43 {strides = array<i32>} : memref<64xi32, #tpu.memory_space<vmem>>, vector<16xi32>,
    %get3A_44 = arith.constant 0 : index
    %get3A_45 = tpu.vector_load %arg9[%get3A_44] {strides = array<i32>} : memref<64xf32, #tpu.memory_space<vmem>>, vector<16xf32>,
    %get3A_46 = vector.shape_cast %get3A_45 : vector<16xf32> to vector<16xf32>
    %mul3A_47 = arith.constant 1.600000e+01 : f32
    %mul3A_48 = vector.broadcast %mul3A_47 : f32 to vector<16xf32>
    %mul3A_49 = arith.mulf %get3A_46, %mul3A_48 : vector<16xf32>
    %convert_element_type3A_50 = arith.fptosi %mul3A_49 : vector<16xf32> to vector<16xi32>
    %swap3A_51 = arith.constant 0 : index
    %swap3A_52 = tpu.vector_load %arg12[%swap3A_51] {strides = array<i32>} : memref<64xi32, #tpu.memory_space<vmem>>, vector<16xi32>,
    %swap3A_53 = vector.shape_cast %swap3A_52 : vector<16xi32> to vector<16xi32>
    %swap3A_54 = vector.shape_cast %convert_element_type3A_50 : vector<16xi32> to vector<16xi32>
    tpu.vector_store %arg12[%swap3A_51], %swap3A_54 {strides = array<i32>} : memref<64xi32, #tpu.memory_space<vmem>>, vector<16xi32>,
    %get3A_55 = arith.constant 16 : index
    %get3A_56 = tpu.vector_load %arg9[%get3A_55] {strides = array<i32>} : memref<64xf32, #tpu.memory_space<vmem>>, vector<16xf32>,
    %get3A_57 = vector.shape_cast %get3A_56 : vector<16xf32> to vector<16xf32>
    %mul3A_58 = arith.constant 1.600000e+01 : f32
    %mul3A_59 = vector.broadcast %mul3A_58 : f32 to vector<16xf32>
    %mul3A_60 = arith.mulf %get3A_57, %mul3A_59 : vector<16xf32>
    %convert_element_type3A_61 = arith.fptosi %mul3A_60 : vector<16xf32> to vector<16xi32>
    %swap3A_62 = arith.constant 16 : index
    %swap3A_63 = tpu.vector_load %arg12[%swap3A_62] {strides = array<i32>} : memref<64xi32, #tpu.memory_space<vmem>>, vector<16xi32>,
    %swap3A_64 = vector.shape_cast %swap3A_63 : vector<16xi32> to vector<16xi32>
    %swap3A_65 = vector.shape_cast %convert_element_type3A_61 : vector<16xi32> to vector<16xi32>
    tpu.vector_store %arg12[%swap3A_62], %swap3A_65 {strides = array<i32>} : memref<64xi32, #tpu.memory_space<vmem>>, vector<16xi32>,
    %get3A_66 = arith.constant 32 : index
    %get3A_67 = tpu.vector_load %arg9[%get3A_66] {strides = array<i32>} : memref<64xf32, #tpu.memory_space<vmem>>, vector<16xf32>,
    %get3A_68 = vector.shape_cast %get3A_67 : vector<16xf32> to vector<16xf32>
    %mul3A_69 = arith.constant 1.600000e+01 : f32
    %mul3A_70 = vector.broadcast %mul3A_69 : f32 to vector<16xf32>
    %mul3A_71 = arith.mulf %get3A_68, %mul3A_70 : vector<16xf32>
    %convert_element_type3A_72 = arith.fptosi %mul3A_71 : vector<16xf32> to vector<16xi32>
    %swap3A_73 = arith.constant 32 : index
    %swap3A_74 = tpu.vector_load %arg12[%swap3A_73] {strides = array<i32>} : memref<64xi32, #tpu.memory_space<vmem>>, vector<16xi32>,
    %swap3A_75 = vector.shape_cast %swap3A_74 : vector<16xi32> to vector<16xi32>
    %swap3A_76 = vector.shape_cast %convert_element_type3A_72 : vector<16xi32> to vector<16xi32>
    tpu.vector_store %arg12[%swap3A_73], %swap3A_76 {strides = array<i32>} : memref<64xi32, #tpu.memory_space<vmem>>, vector<16xi32>,
    %get3A_77 = arith.constant 48 : index
    %get3A_78 = tpu.vector_load %arg9[%get3A_77] {strides = array<i32>} : memref<64xf32, #tpu.memory_space<vmem>>, vector<16xf32>,
    %get3A_79 = vector.shape_cast %get3A_78 : vector<16xf32> to vector<16xf32>
    %mul3A_80 = arith.constant 1.600000e+01 : f32
    %mul3A_81 = vector.broadcast %mul3A_80 : f32 to vector<16xf32>
    %mul3A_82 = arith.mulf %get3A_79, %mul3A_81 : vector<16xf32>
    %convert_element_type3A_83 = arith.fptosi %mul3A_82 : vector<16xf32> to vector<16xi32>
    %swap3A_84 = arith.constant 48 : index
    %swap3A_85 = tpu.vector_load %arg12[%swap3A_84] {strides = array<i32>} : memref<64xi32, #tpu.memory_space<vmem>>, vector<16xi32>,
    %swap3A_86 = vector.shape_cast %swap3A_85 : vector<16xi32> to vector<16xi32>
    %swap3A_87 = vector.shape_cast %convert_element_type3A_83 : vector<16xi32> to vector<16xi32>
    tpu.vector_store %arg12[%swap3A_84], %swap3A_87 {strides = array<i32>} : memref<64xi32, #tpu.memory_space<vmem>>, vector<16xi32>,
    %dma_start3A = arith.constant 0 : i32
    %dma_start3A_88 = arith.constant 0 : i32
    %dma_start3A_89 = tpu.memref_slice %arg7[%dma_start3A, %dma_start3A_88] : memref<5120x768xf32, #tpu.memory_space<hbm>> -> memref<5120x768xf32, #tpu.memory_space<hbm>>
    tpu.enqueue_indirect_dma source(%arg14 : memref<64x768xf32, #tpu.memory_space<vmem>>) target(%dma_start3A_89 : memref<5120x768xf32, #tpu.memory_space<hbm>>) offsets(%arg10 : memref<64xi32, #tpu.memory_space<vmem>>) semaphore(%arg15 : memref<!tpu.dma_semaphore, #tpu.memory_space<semaphore_mem>>)
    "tpu.region"() ({
      %run_scoped3A = tpu.sem_alloc : memref<!tpu.dma_semaphore, #tpu.memory_space<semaphore_mem>>
      %dma_start3A_194 = tpu.memref_slice %arg5[%mul3A_2] : memref<2048xf32, #tpu.memory_space<hbm>> -> memref<64xf32, #tpu.memory_space<hbm>>
      %dma_start3A_195 = tpu.memref_slice %arg5[%mul3A_2] : memref<2048xf32, #tpu.memory_space<hbm>> -> memref<64xf32, #tpu.memory_space<hbm>>
      tpu.enqueue_dma source(%dma_start3A_195 : memref<64xf32, #tpu.memory_space<hbm>>) target(%arg13 : memref<64xf32, #tpu.memory_space<vmem>>) target_semaphore(%run_scoped3A : memref<!tpu.dma_semaphore, #tpu.memory_space<semaphore_mem>>)
      %dma_wait3A_196 = tpu.memref_slice %arg5[%mul3A_2] : memref<2048xf32, #tpu.memory_space<hbm>> -> memref<64xf32, #tpu.memory_space<hbm>>
      %dma_wait3A_197 = tpu.memref_slice %arg5[%mul3A_2] : memref<2048xf32, #tpu.memory_space<hbm>> -> memref<64xf32, #tpu.memory_space<hbm>>
      tpu.wait_dma2 semaphore(%run_scoped3A : memref<!tpu.dma_semaphore, #tpu.memory_space<semaphore_mem>>) src(%dma_wait3A_197 : memref<64xf32, #tpu.memory_space<hbm>>) dst(%arg13 : memref<64xf32, #tpu.memory_space<vmem>>)
      tpu.yield
    }) : () -> ()
    %dma_start3A_90 = arith.constant 0 : i32
    %dma_start3A_91 = tpu.memref_slice %arg8[%dma_start3A_90] : memref<81920xf32, #tpu.memory_space<hbm>> -> memref<81920xf32, #tpu.memory_space<hbm>>
    tpu.enqueue_indirect_dma source(%arg13 : memref<64xf32, #tpu.memory_space<vmem>>) target(%dma_start3A_91 : memref<81920xf32, #tpu.memory_space<hbm>>) offsets(%arg12 : memref<64xi32, #tpu.memory_space<vmem>>) semaphore(%arg16 : memref<!tpu.dma_semaphore, #tpu.memory_space<semaphore_mem>>)
    "tpu.region"() ({
      %run_scoped3A = tpu.sem_alloc : memref<!tpu.dma_semaphore, #tpu.memory_space<semaphore_mem>>
      %dma_start3A_194 = tpu.memref_slice %arg4[%mul3A_2] : memref<2048xf32, #tpu.memory_space<hbm>> -> memref<64xf32, #tpu.memory_space<hbm>>
      %dma_start3A_195 = tpu.memref_slice %arg4[%mul3A_2] : memref<2048xf32, #tpu.memory_space<hbm>> -> memref<64xf32, #tpu.memory_space<hbm>>
      tpu.enqueue_dma source(%dma_start3A_195 : memref<64xf32, #tpu.memory_space<hbm>>) target(%arg9 : memref<64xf32, #tpu.memory_space<vmem>>) target_semaphore(%run_scoped3A : memref<!tpu.dma_semaphore, #tpu.memory_space<semaphore_mem>>)
      %dma_wait3A_196 = tpu.memref_slice %arg4[%mul3A_2] : memref<2048xf32, #tpu.memory_space<hbm>> -> memref<64xf32, #tpu.memory_space<hbm>>
      %dma_wait3A_197 = tpu.memref_slice %arg4[%mul3A_2] : memref<2048xf32, #tpu.memory_space<hbm>> -> memref<64xf32, #tpu.memory_space<hbm>>
      tpu.wait_dma2 semaphore(%run_scoped3A : memref<!tpu.dma_semaphore, #tpu.memory_space<semaphore_mem>>) src(%dma_wait3A_197 : memref<64xf32, #tpu.memory_space<hbm>>) dst(%arg9 : memref<64xf32, #tpu.memory_space<vmem>>)
      tpu.yield
    }) : () -> ()
    %get3A_92 = arith.constant 0 : index
    %get3A_93 = tpu.vector_load %arg9[%get3A_92] {strides = array<i32>} : memref<64xf32, #tpu.memory_space<vmem>>, vector<16xf32>,
    %get3A_94 = vector.shape_cast %get3A_93 : vector<16xf32> to vector<16xf32>
    %mul3A_95 = arith.constant 1.000000e+00 : f32
    %mul3A_96 = vector.broadcast %mul3A_95 : f32 to vector<16xf32>
    %mul3A_97 = arith.mulf %get3A_94, %mul3A_96 : vector<16xf32>
    %convert_element_type3A_98 = arith.fptosi %mul3A_97 : vector<16xf32> to vector<16xi32>
    %swap3A_99 = arith.constant 0 : index
    %swap3A_100 = tpu.vector_load %arg11[%swap3A_99] {strides = array<i32>} : memref<64xi32, #tpu.memory_space<vmem>>, vector<16xi32>,
    %swap3A_101 = vector.shape_cast %swap3A_100 : vector<16xi32> to vector<16xi32>
    %swap3A_102 = vector.shape_cast %convert_element_type3A_98 : vector<16xi32> to vector<16xi32>
    tpu.vector_store %arg11[%swap3A_99], %swap3A_102 {strides = array<i32>} : memref<64xi32, #tpu.memory_space<vmem>>, vector<16xi32>,
    %get3A_103 = arith.constant 16 : index
    %get3A_104 = tpu.vector_load %arg9[%get3A_103] {strides = array<i32>} : memref<64xf32, #tpu.memory_space<vmem>>, vector<16xf32>,
    %get3A_105 = vector.shape_cast %get3A_104 : vector<16xf32> to vector<16xf32>
    %mul3A_106 = arith.constant 1.000000e+00 : f32
    %mul3A_107 = vector.broadcast %mul3A_106 : f32 to vector<16xf32>
    %mul3A_108 = arith.mulf %get3A_105, %mul3A_107 : vector<16xf32>
    %convert_element_type3A_109 = arith.fptosi %mul3A_108 : vector<16xf32> to vector<16xi32>
    %swap3A_110 = arith.constant 16 : index
    %swap3A_111 = tpu.vector_load %arg11[%swap3A_110] {strides = array<i32>} : memref<64xi32, #tpu.memory_space<vmem>>, vector<16xi32>,
    %swap3A_112 = vector.shape_cast %swap3A_111 : vector<16xi32> to vector<16xi32>
    %swap3A_113 = vector.shape_cast %convert_element_type3A_109 : vector<16xi32> to vector<16xi32>
    tpu.vector_store %arg11[%swap3A_110], %swap3A_113 {strides = array<i32>} : memref<64xi32, #tpu.memory_space<vmem>>, vector<16xi32>,
    %get3A_114 = arith.constant 32 : index
    %get3A_115 = tpu.vector_load %arg9[%get3A_114] {strides = array<i32>} : memref<64xf32, #tpu.memory_space<vmem>>, vector<16xf32>,
    %get3A_116 = vector.shape_cast %get3A_115 : vector<16xf32> to vector<16xf32>
    %mul3A_117 = arith.constant 1.000000e+00 : f32
    %mul3A_118 = vector.broadcast %mul3A_117 : f32 to vector<16xf32>
    %mul3A_119 = arith.mulf %get3A_116, %mul3A_118 : vector<16xf32>
    %convert_element_type3A_120 = arith.fptosi %mul3A_119 : vector<16xf32> to vector<16xi32>
    %swap3A_121 = arith.constant 32 : index
    %swap3A_122 = tpu.vector_load %arg11[%swap3A_121] {strides = array<i32>} : memref<64xi32, #tpu.memory_space<vmem>>, vector<16xi32>,
    %swap3A_123 = vector.shape_cast %swap3A_122 : vector<16xi32> to vector<16xi32>
    %swap3A_124 = vector.shape_cast %convert_element_type3A_120 : vector<16xi32> to vector<16xi32>
    tpu.vector_store %arg11[%swap3A_121], %swap3A_124 {strides = array<i32>} : memref<64xi32, #tpu.memory_space<vmem>>, vector<16xi32>,
    %get3A_125 = arith.constant 48 : index
    %get3A_126 = tpu.vector_load %arg9[%get3A_125] {strides = array<i32>} : memref<64xf32, #tpu.memory_space<vmem>>, vector<16xf32>,
    %get3A_127 = vector.shape_cast %get3A_126 : vector<16xf32> to vector<16xf32>
    %mul3A_128 = arith.constant 1.000000e+00 : f32
    %mul3A_129 = vector.broadcast %mul3A_128 : f32 to vector<16xf32>
    %mul3A_130 = arith.mulf %get3A_127, %mul3A_129 : vector<16xf32>
    %convert_element_type3A_131 = arith.fptosi %mul3A_130 : vector<16xf32> to vector<16xi32>
    %swap3A_132 = arith.constant 48 : index
    %swap3A_133 = tpu.vector_load %arg11[%swap3A_132] {strides = array<i32>} : memref<64xi32, #tpu.memory_space<vmem>>, vector<16xi32>,
    %swap3A_134 = vector.shape_cast %swap3A_133 : vector<16xi32> to vector<16xi32>
    %swap3A_135 = vector.shape_cast %convert_element_type3A_131 : vector<16xi32> to vector<16xi32>
    tpu.vector_store %arg11[%swap3A_132], %swap3A_135 {strides = array<i32>} : memref<64xi32, #tpu.memory_space<vmem>>, vector<16xi32>,
    %dma_start3A_136 = arith.constant 0 : i32
    %dma_start3A_137 = arith.constant 0 : i32
    %dma_start3A_138 = tpu.memref_slice %arg7[%dma_start3A_136, %dma_start3A_137] : memref<5120x768xf32, #tpu.memory_space<hbm>> -> memref<5120x768xf32, #tpu.memory_space<hbm>>
    tpu.enqueue_indirect_dma source(%arg14 : memref<64x768xf32, #tpu.memory_space<vmem>>) target(%dma_start3A_138 : memref<5120x768xf32, #tpu.memory_space<hbm>>) offsets(%arg11 : memref<64xi32, #tpu.memory_space<vmem>>) semaphore(%arg15 : memref<!tpu.dma_semaphore, #tpu.memory_space<semaphore_mem>>)
    %dma_wait3A = arith.constant 0 : i32
    %dma_wait3A_139 = tpu.memref_slice %arg8[%dma_wait3A] : memref<81920xf32, #tpu.memory_space<hbm>> -> memref<81920xf32, #tpu.memory_space<hbm>>
    tpu.wait_indirect_dma semaphore(%arg16 : memref<!tpu.dma_semaphore, #tpu.memory_space<semaphore_mem>>) src(%arg13 : memref<64xf32, #tpu.memory_space<vmem>>) dst(%dma_wait3A_139 : memref<81920xf32, #tpu.memory_space<hbm>>)
    %get3A_140 = arith.constant 0 : index
    %get3A_141 = tpu.vector_load %arg9[%get3A_140] {strides = array<i32>} : memref<64xf32, #tpu.memory_space<vmem>>, vector<16xf32>,
    %get3A_142 = vector.shape_cast %get3A_141 : vector<16xf32> to vector<16xf32>
    %mul3A_143 = arith.constant 1.600000e+01 : f32
    %mul3A_144 = vector.broadcast %mul3A_143 : f32 to vector<16xf32>
    %mul3A_145 = arith.mulf %get3A_142, %mul3A_144 : vector<16xf32>
    %convert_element_type3A_146 = arith.fptosi %mul3A_145 : vector<16xf32> to vector<16xi32>
    %swap3A_147 = arith.constant 0 : index
    %swap3A_148 = tpu.vector_load %arg12[%swap3A_147] {strides = array<i32>} : memref<64xi32, #tpu.memory_space<vmem>>, vector<16xi32>,
    %swap3A_149 = vector.shape_cast %swap3A_148 : vector<16xi32> to vector<16xi32>
    %swap3A_150 = vector.shape_cast %convert_element_type3A_146 : vector<16xi32> to vector<16xi32>
    tpu.vector_store %arg12[%swap3A_147], %swap3A_150 {strides = array<i32>} : memref<64xi32, #tpu.memory_space<vmem>>, vector<16xi32>,
    %get3A_151 = arith.constant 16 : index
    %get3A_152 = tpu.vector_load %arg9[%get3A_151] {strides = array<i32>} : memref<64xf32, #tpu.memory_space<vmem>>, vector<16xf32>,
    %get3A_153 = vector.shape_cast %get3A_152 : vector<16xf32> to vector<16xf32>
    %mul3A_154 = arith.constant 1.600000e+01 : f32
    %mul3A_155 = vector.broadcast %mul3A_154 : f32 to vector<16xf32>
    %mul3A_156 = arith.mulf %get3A_153, %mul3A_155 : vector<16xf32>
    %convert_element_type3A_157 = arith.fptosi %mul3A_156 : vector<16xf32> to vector<16xi32>
    %swap3A_158 = arith.constant 16 : index
    %swap3A_159 = tpu.vector_load %arg12[%swap3A_158] {strides = array<i32>} : memref<64xi32, #tpu.memory_space<vmem>>, vector<16xi32>,
    %swap3A_160 = vector.shape_cast %swap3A_159 : vector<16xi32> to vector<16xi32>
    %swap3A_161 = vector.shape_cast %convert_element_type3A_157 : vector<16xi32> to vector<16xi32>
    tpu.vector_store %arg12[%swap3A_158], %swap3A_161 {strides = array<i32>} : memref<64xi32, #tpu.memory_space<vmem>>, vector<16xi32>,
    %get3A_162 = arith.constant 32 : index
    %get3A_163 = tpu.vector_load %arg9[%get3A_162] {strides = array<i32>} : memref<64xf32, #tpu.memory_space<vmem>>, vector<16xf32>,
    %get3A_164 = vector.shape_cast %get3A_163 : vector<16xf32> to vector<16xf32>
    %mul3A_165 = arith.constant 1.600000e+01 : f32
    %mul3A_166 = vector.broadcast %mul3A_165 : f32 to vector<16xf32>
    %mul3A_167 = arith.mulf %get3A_164, %mul3A_166 : vector<16xf32>
    %convert_element_type3A_168 = arith.fptosi %mul3A_167 : vector<16xf32> to vector<16xi32>
    %swap3A_169 = arith.constant 32 : index
    %swap3A_170 = tpu.vector_load %arg12[%swap3A_169] {strides = array<i32>} : memref<64xi32, #tpu.memory_space<vmem>>, vector<16xi32>,
    %swap3A_171 = vector.shape_cast %swap3A_170 : vector<16xi32> to vector<16xi32>
    %swap3A_172 = vector.shape_cast %convert_element_type3A_168 : vector<16xi32> to vector<16xi32>
    tpu.vector_store %arg12[%swap3A_169], %swap3A_172 {strides = array<i32>} : memref<64xi32, #tpu.memory_space<vmem>>, vector<16xi32>,
    %get3A_173 = arith.constant 48 : index
    %get3A_174 = tpu.vector_load %arg9[%get3A_173] {strides = array<i32>} : memref<64xf32, #tpu.memory_space<vmem>>, vector<16xf32>,
    %get3A_175 = vector.shape_cast %get3A_174 : vector<16xf32> to vector<16xf32>
    %mul3A_176 = arith.constant 1.600000e+01 : f32
    %mul3A_177 = vector.broadcast %mul3A_176 : f32 to vector<16xf32>
    %mul3A_178 = arith.mulf %get3A_175, %mul3A_177 : vector<16xf32>
    %convert_element_type3A_179 = arith.fptosi %mul3A_178 : vector<16xf32> to vector<16xi32>
    %swap3A_180 = arith.constant 48 : index
    %swap3A_181 = tpu.vector_load %arg12[%swap3A_180] {strides = array<i32>} : memref<64xi32, #tpu.memory_space<vmem>>, vector<16xi32>,
    %swap3A_182 = vector.shape_cast %swap3A_181 : vector<16xi32> to vector<16xi32>
    %swap3A_183 = vector.shape_cast %convert_element_type3A_179 : vector<16xi32> to vector<16xi32>
    tpu.vector_store %arg12[%swap3A_180], %swap3A_183 {strides = array<i32>} : memref<64xi32, #tpu.memory_space<vmem>>, vector<16xi32>,
    "tpu.region"() ({
      %run_scoped3A = tpu.sem_alloc : memref<!tpu.dma_semaphore, #tpu.memory_space<semaphore_mem>>
      %dma_start3A_194 = tpu.memref_slice %arg6[%mul3A_2] : memref<2048xf32, #tpu.memory_space<hbm>> -> memref<64xf32, #tpu.memory_space<hbm>>
      %dma_start3A_195 = tpu.memref_slice %arg6[%mul3A_2] : memref<2048xf32, #tpu.memory_space<hbm>> -> memref<64xf32, #tpu.memory_space<hbm>>
      tpu.enqueue_dma source(%dma_start3A_195 : memref<64xf32, #tpu.memory_space<hbm>>) target(%arg13 : memref<64xf32, #tpu.memory_space<vmem>>) target_semaphore(%run_scoped3A : memref<!tpu.dma_semaphore, #tpu.memory_space<semaphore_mem>>)
      %dma_wait3A_196 = tpu.memref_slice %arg6[%mul3A_2] : memref<2048xf32, #tpu.memory_space<hbm>> -> memref<64xf32, #tpu.memory_space<hbm>>
      %dma_wait3A_197 = tpu.memref_slice %arg6[%mul3A_2] : memref<2048xf32, #tpu.memory_space<hbm>> -> memref<64xf32, #tpu.memory_space<hbm>>
      tpu.wait_dma2 semaphore(%run_scoped3A : memref<!tpu.dma_semaphore, #tpu.memory_space<semaphore_mem>>) src(%dma_wait3A_197 : memref<64xf32, #tpu.memory_space<hbm>>) dst(%arg13 : memref<64xf32, #tpu.memory_space<vmem>>)
      tpu.yield
    }) : () -> ()
    %dma_start3A_184 = arith.constant 0 : i32
    %dma_start3A_185 = tpu.memref_slice %arg8[%dma_start3A_184] : memref<81920xf32, #tpu.memory_space<hbm>> -> memref<81920xf32, #tpu.memory_space<hbm>>
    tpu.enqueue_indirect_dma source(%arg13 : memref<64xf32, #tpu.memory_space<vmem>>) target(%dma_start3A_185 : memref<81920xf32, #tpu.memory_space<hbm>>) offsets(%arg12 : memref<64xi32, #tpu.memory_space<vmem>>) semaphore(%arg16 : memref<!tpu.dma_semaphore, #tpu.memory_space<semaphore_mem>>)
    %dma_wait3A_186 = arith.constant 0 : i32
    %dma_wait3A_187 = arith.constant 0 : i32
    %dma_wait3A_188 = tpu.memref_slice %arg7[%dma_wait3A_186, %dma_wait3A_187] : memref<5120x768xf32, #tpu.memory_space<hbm>> -> memref<5120x768xf32, #tpu.memory_space<hbm>>
    tpu.wait_indirect_dma semaphore(%arg15 : memref<!tpu.dma_semaphore, #tpu.memory_space<semaphore_mem>>) src(%arg14 : memref<64x768xf32, #tpu.memory_space<vmem>>) dst(%dma_wait3A_188 : memref<5120x768xf32, #tpu.memory_space<hbm>>)
    %dma_wait3A_189 = arith.constant 0 : i32
    %dma_wait3A_190 = arith.constant 0 : i32
    %dma_wait3A_191 = tpu.memref_slice %arg7[%dma_wait3A_189, %dma_wait3A_190] : memref<5120x768xf32, #tpu.memory_space<hbm>> -> memref<5120x768xf32, #tpu.memory_space<hbm>>
    tpu.wait_indirect_dma semaphore(%arg15 : memref<!tpu.dma_semaphore, #tpu.memory_space<semaphore_mem>>) src(%arg14 : memref<64x768xf32, #tpu.memory_space<vmem>>) dst(%dma_wait3A_191 : memref<5120x768xf32, #tpu.memory_space<hbm>>)
    %dma_wait3A_192 = arith.constant 0 : i32
    %dma_wait3A_193 = tpu.memref_slice %arg8[%dma_wait3A_192] : memref<81920xf32, #tpu.memory_space<hbm>> -> memref<81920xf32, #tpu.memory_space<hbm>>
    tpu.wait_indirect_dma semaphore(%arg16 : memref<!tpu.dma_semaphore, #tpu.memory_space<semaphore_mem>>) src(%arg13 : memref<64xf32, #tpu.memory_space<vmem>>) dst(%dma_wait3A_193 : memref<81920xf32, #tpu.memory_space<hbm>>)
    return
  }
}

module attributes {stable_mosaic.version = 14 : i64} {
  func.func @_router_body(%arg0: i32, %arg1: memref<2048x768xf32, #tpu.memory_space<vmem>>, %arg2: memref<8x768xf32, #tpu.memory_space<vmem>>, %arg3: memref<1x8xf32, #tpu.memory_space<vmem>>, %arg4: memref<8x2048xf32, #tpu.memory_space<vmem>>, %arg5: memref<1x40xi32, #tpu.memory_space<vmem>>) attributes {dimension_semantics = [#tpu.dimension_semantics<arbitrary>], iteration_bounds = array<i64: 1>, scalar_prefetch = 0 : i64, scratch_operands = 0 : i64, tpu.core_type = #tpu.core_type<tc>, window_params = [{pipeline_mode = #tpu.pipeline_mode<synchronous>, transform_indices = @transform_0, window_bounds = array<i64: 2048, 768>}, {pipeline_mode = #tpu.pipeline_mode<synchronous>, transform_indices = @transform_1, window_bounds = array<i64: 8, 768>}, {pipeline_mode = #tpu.pipeline_mode<synchronous>, transform_indices = @transform_2, window_bounds = array<i64: 1, 8>}, {pipeline_mode = #tpu.pipeline_mode<synchronous>, transform_indices = @transform_3, window_bounds = array<i64: 8, 2048>}, {pipeline_mode = #tpu.pipeline_mode<synchronous>, transform_indices = @transform_4, window_bounds = array<i64: 1, 40>}]} {
    %get3A = arith.constant 0 : index
    %get3A_0 = arith.constant 0 : index
    %get3A_1 = vector.load %arg1[%get3A, %get3A_0] : memref<2048x768xf32, #tpu.memory_space<vmem>>, vector<2048x768xf32>
    %get3A_2 = arith.constant 0 : index
    %get3A_3 = arith.constant 0 : index
    %get3A_4 = vector.load %arg2[%get3A_2, %get3A_3] : memref<8x768xf32, #tpu.memory_space<vmem>>, vector<8x768xf32>
    %dot_general3A = arith.constant dense<0.000000e+00> : vector<2048x8xf32>
    %dot_general3A_5 = tpu.matmul %get3A_1, %get3A_4, %dot_general3A {dimension_numbers = #tpu.dot_dimension_numbers<[1], [1], [0], [0], [0, 0, 1, 0], [], []>, transpose_lhs_hint = false} : vector<2048x768xf32>, vector<8x768xf32>, vector<2048x8xf32> -> vector<2048x8xf32>
    %logistic3A = arith.negf %dot_general3A_5 : vector<2048x8xf32>
    %logistic3A_6 = math.exp %logistic3A : vector<2048x8xf32>
    %logistic3A_7 = arith.constant 1.000000e+00 : f32
    %logistic3A_8 = vector.broadcast %logistic3A_7 : f32 to vector<2048x8xf32>
    %logistic3A_9 = arith.addf %logistic3A_8, %logistic3A_6 : vector<2048x8xf32>
    %logistic3A_10 = arith.divf %logistic3A_8, %logistic3A_9 : vector<2048x8xf32>
    %get3A_11 = arith.constant 0 : index
    %get3A_12 = arith.constant 0 : index
    %get3A_13 = vector.load %arg3[%get3A_11, %get3A_12] : memref<1x8xf32, #tpu.memory_space<vmem>>, vector<1x8xf32>
    %add3A = vector.broadcast %get3A_13 : vector<1x8xf32> to vector<2048x8xf32>
    %add3A_14 = arith.addf %logistic3A_10, %add3A : vector<2048x8xf32>
    %slice3A = vector.extract_strided_slice %add3A_14 {offsets = [0, 0], sizes = [2048, 1], strides = [1, 1]} : vector<2048x8xf32> to vector<2048x1xf32>
    %slice3A_15 = vector.extract_strided_slice %add3A_14 {offsets = [0, 1], sizes = [2048, 1], strides = [1, 1]} : vector<2048x8xf32> to vector<2048x1xf32>
    %add3A_16 = arith.addf %slice3A, %slice3A_15 : vector<2048x1xf32>
    %slice3A_17 = vector.extract_strided_slice %add3A_14 {offsets = [0, 2], sizes = [2048, 1], strides = [1, 1]} : vector<2048x8xf32> to vector<2048x1xf32>
    %slice3A_18 = vector.extract_strided_slice %add3A_14 {offsets = [0, 3], sizes = [2048, 1], strides = [1, 1]} : vector<2048x8xf32> to vector<2048x1xf32>
    %add3A_19 = arith.addf %slice3A_17, %slice3A_18 : vector<2048x1xf32>
    %slice3A_20 = vector.extract_strided_slice %add3A_14 {offsets = [0, 4], sizes = [2048, 1], strides = [1, 1]} : vector<2048x8xf32> to vector<2048x1xf32>
    %slice3A_21 = vector.extract_strided_slice %add3A_14 {offsets = [0, 5], sizes = [2048, 1], strides = [1, 1]} : vector<2048x8xf32> to vector<2048x1xf32>
    %add3A_22 = arith.addf %slice3A_20, %slice3A_21 : vector<2048x1xf32>
    %slice3A_23 = vector.extract_strided_slice %add3A_14 {offsets = [0, 6], sizes = [2048, 1], strides = [1, 1]} : vector<2048x8xf32> to vector<2048x1xf32>
    %slice3A_24 = vector.extract_strided_slice %add3A_14 {offsets = [0, 7], sizes = [2048, 1], strides = [1, 1]} : vector<2048x8xf32> to vector<2048x1xf32>
    %add3A_25 = arith.addf %slice3A_23, %slice3A_24 : vector<2048x1xf32>
    %concatenate3A = tpu.concatenate %add3A_16, %add3A_19, %add3A_22, %add3A_25 in 1 : vector<2048x1xf32>, vector<2048x1xf32>, vector<2048x1xf32>, vector<2048x1xf32> -> vector<2048x4xf32>
    %broadcast_in_dim3A = arith.constant 0.000000e+00 : f32
    %broadcast_in_dim3A_26 = vector.broadcast %broadcast_in_dim3A : f32 to vector<2048x4xf32>
    %iota3A = tpu.iota {dimensions = array<i32: 1>} : vector<2048x4xi32>
    %slice3A_27 = vector.extract_strided_slice %concatenate3A {offsets = [0, 0], sizes = [2048, 1], strides = [1, 1]} : vector<2048x4xf32> to vector<2048x1xf32>
    %gt3A = vector.broadcast %slice3A_27 : vector<2048x1xf32> to vector<2048x4xf32>
    %gt3A_28 = arith.cmpf ogt, %gt3A, %concatenate3A : vector<2048x4xf32>
    %eq3A = vector.broadcast %slice3A_27 : vector<2048x1xf32> to vector<2048x4xf32>
    %eq3A_29 = arith.cmpf oeq, %eq3A, %concatenate3A : vector<2048x4xf32>
    %gt3A_30 = arith.constant 0 : i32
    %gt3A_31 = vector.broadcast %gt3A_30 : i32 to vector<2048x4xi32>
    %gt3A_32 = arith.cmpi sgt, %iota3A, %gt3A_31 : vector<2048x4xi32>
    %and3A = arith.andi %eq3A_29, %gt3A_32 : vector<2048x4xi1>
    %or3A = arith.ori %gt3A_28, %and3A : vector<2048x4xi1>
    %convert_element_type3A = arith.extui %or3A : vector<2048x4xi1> to vector<2048x4xi32>
    %convert_element_type3A_33 = arith.sitofp %convert_element_type3A : vector<2048x4xi32> to vector<2048x4xf32>
    %add3A_34 = arith.addf %broadcast_in_dim3A_26, %convert_element_type3A_33 : vector<2048x4xf32>
    %slice3A_35 = vector.extract_strided_slice %concatenate3A {offsets = [0, 1], sizes = [2048, 1], strides = [1, 1]} : vector<2048x4xf32> to vector<2048x1xf32>
    %gt3A_36 = vector.broadcast %slice3A_35 : vector<2048x1xf32> to vector<2048x4xf32>
    %gt3A_37 = arith.cmpf ogt, %gt3A_36, %concatenate3A : vector<2048x4xf32>
    %eq3A_38 = vector.broadcast %slice3A_35 : vector<2048x1xf32> to vector<2048x4xf32>
    %eq3A_39 = arith.cmpf oeq, %eq3A_38, %concatenate3A : vector<2048x4xf32>
    %gt3A_40 = arith.constant 1 : i32
    %gt3A_41 = vector.broadcast %gt3A_40 : i32 to vector<2048x4xi32>
    %gt3A_42 = arith.cmpi sgt, %iota3A, %gt3A_41 : vector<2048x4xi32>
    %and3A_43 = arith.andi %eq3A_39, %gt3A_42 : vector<2048x4xi1>
    %or3A_44 = arith.ori %gt3A_37, %and3A_43 : vector<2048x4xi1>
    %convert_element_type3A_45 = arith.extui %or3A_44 : vector<2048x4xi1> to vector<2048x4xi32>
    %convert_element_type3A_46 = arith.sitofp %convert_element_type3A_45 : vector<2048x4xi32> to vector<2048x4xf32>
    %add3A_47 = arith.addf %add3A_34, %convert_element_type3A_46 : vector<2048x4xf32>
    %slice3A_48 = vector.extract_strided_slice %concatenate3A {offsets = [0, 2], sizes = [2048, 1], strides = [1, 1]} : vector<2048x4xf32> to vector<2048x1xf32>
    %gt3A_49 = vector.broadcast %slice3A_48 : vector<2048x1xf32> to vector<2048x4xf32>
    %gt3A_50 = arith.cmpf ogt, %gt3A_49, %concatenate3A : vector<2048x4xf32>
    %eq3A_51 = vector.broadcast %slice3A_48 : vector<2048x1xf32> to vector<2048x4xf32>
    %eq3A_52 = arith.cmpf oeq, %eq3A_51, %concatenate3A : vector<2048x4xf32>
    %gt3A_53 = arith.constant 2 : i32
    %gt3A_54 = vector.broadcast %gt3A_53 : i32 to vector<2048x4xi32>
    %gt3A_55 = arith.cmpi sgt, %iota3A, %gt3A_54 : vector<2048x4xi32>
    %and3A_56 = arith.andi %eq3A_52, %gt3A_55 : vector<2048x4xi1>
    %or3A_57 = arith.ori %gt3A_50, %and3A_56 : vector<2048x4xi1>
    %convert_element_type3A_58 = arith.extui %or3A_57 : vector<2048x4xi1> to vector<2048x4xi32>
    %convert_element_type3A_59 = arith.sitofp %convert_element_type3A_58 : vector<2048x4xi32> to vector<2048x4xf32>
    %add3A_60 = arith.addf %add3A_47, %convert_element_type3A_59 : vector<2048x4xf32>
    %slice3A_61 = vector.extract_strided_slice %concatenate3A {offsets = [0, 3], sizes = [2048, 1], strides = [1, 1]} : vector<2048x4xf32> to vector<2048x1xf32>
    %gt3A_62 = vector.broadcast %slice3A_61 : vector<2048x1xf32> to vector<2048x4xf32>
    %gt3A_63 = arith.cmpf ogt, %gt3A_62, %concatenate3A : vector<2048x4xf32>
    %eq3A_64 = vector.broadcast %slice3A_61 : vector<2048x1xf32> to vector<2048x4xf32>
    %eq3A_65 = arith.cmpf oeq, %eq3A_64, %concatenate3A : vector<2048x4xf32>
    %gt3A_66 = arith.constant 3 : i32
    %gt3A_67 = vector.broadcast %gt3A_66 : i32 to vector<2048x4xi32>
    %gt3A_68 = arith.cmpi sgt, %iota3A, %gt3A_67 : vector<2048x4xi32>
    %and3A_69 = arith.andi %eq3A_65, %gt3A_68 : vector<2048x4xi1>
    %or3A_70 = arith.ori %gt3A_63, %and3A_69 : vector<2048x4xi1>
    %convert_element_type3A_71 = arith.extui %or3A_70 : vector<2048x4xi1> to vector<2048x4xi32>
    %convert_element_type3A_72 = arith.sitofp %convert_element_type3A_71 : vector<2048x4xi32> to vector<2048x4xf32>
    %add3A_73 = arith.addf %add3A_60, %convert_element_type3A_72 : vector<2048x4xf32>
    %lt3A = arith.constant 2.000000e+00 : f32
    %lt3A_74 = vector.broadcast %lt3A : f32 to vector<2048x4xf32>
    %lt3A_75 = arith.cmpf olt, %add3A_73, %lt3A_74 : vector<2048x4xf32>
    %convert_element_type3A_76 = arith.extui %lt3A_75 : vector<2048x4xi1> to vector<2048x4xi32>
    %convert_element_type3A_77 = arith.sitofp %convert_element_type3A_76 : vector<2048x4xi32> to vector<2048x4xf32>
    %slice3A_78 = vector.extract_strided_slice %convert_element_type3A_77 {offsets = [0, 0], sizes = [2048, 1], strides = [1, 1]} : vector<2048x4xf32> to vector<2048x1xf32>
    %slice3A_79 = vector.extract_strided_slice %convert_element_type3A_77 {offsets = [0, 0], sizes = [2048, 1], strides = [1, 1]} : vector<2048x4xf32> to vector<2048x1xf32>
    %slice3A_80 = vector.extract_strided_slice %convert_element_type3A_77 {offsets = [0, 1], sizes = [2048, 1], strides = [1, 1]} : vector<2048x4xf32> to vector<2048x1xf32>
    %slice3A_81 = vector.extract_strided_slice %convert_element_type3A_77 {offsets = [0, 1], sizes = [2048, 1], strides = [1, 1]} : vector<2048x4xf32> to vector<2048x1xf32>
    %slice3A_82 = vector.extract_strided_slice %convert_element_type3A_77 {offsets = [0, 2], sizes = [2048, 1], strides = [1, 1]} : vector<2048x4xf32> to vector<2048x1xf32>
    %slice3A_83 = vector.extract_strided_slice %convert_element_type3A_77 {offsets = [0, 2], sizes = [2048, 1], strides = [1, 1]} : vector<2048x4xf32> to vector<2048x1xf32>
    %slice3A_84 = vector.extract_strided_slice %convert_element_type3A_77 {offsets = [0, 3], sizes = [2048, 1], strides = [1, 1]} : vector<2048x4xf32> to vector<2048x1xf32>
    %slice3A_85 = vector.extract_strided_slice %convert_element_type3A_77 {offsets = [0, 3], sizes = [2048, 1], strides = [1, 1]} : vector<2048x4xf32> to vector<2048x1xf32>
    %concatenate3A_86 = tpu.concatenate %slice3A_78, %slice3A_79, %slice3A_80, %slice3A_81, %slice3A_82, %slice3A_83, %slice3A_84, %slice3A_85 in 1 : vector<2048x1xf32>, vector<2048x1xf32>, vector<2048x1xf32>, vector<2048x1xf32>, vector<2048x1xf32>, vector<2048x1xf32>, vector<2048x1xf32>, vector<2048x1xf32> -> vector<2048x8xf32>
    %gt3A_87 = arith.constant 0.000000e+00 : f32
    %gt3A_88 = vector.broadcast %gt3A_87 : f32 to vector<2048x8xf32>
    %gt3A_89 = arith.cmpf ogt, %concatenate3A_86, %gt3A_88 : vector<2048x8xf32>
    %jit3A = arith.constant 0.000000e+00 : f32
    %broadcast_in_dim3A_90 = vector.broadcast %jit3A : f32 to vector<2048x8xf32>
    %select_n3A = arith.select %gt3A_89, %add3A_14, %broadcast_in_dim3A_90 : vector<2048x8xi1>, vector<2048x8xf32>
    %iota3A_91 = tpu.iota {dimensions = array<i32: 1>} : vector<2048x8xi32>
    %broadcast_in_dim3A_92 = arith.constant 0.000000e+00 : f32
    %broadcast_in_dim3A_93 = vector.broadcast %broadcast_in_dim3A_92 : f32 to vector<2048x8xf32>
    %slice3A_94 = vector.extract_strided_slice %select_n3A {offsets = [0, 0], sizes = [2048, 1], strides = [1, 1]} : vector<2048x8xf32> to vector<2048x1xf32>
    %gt3A_95 = vector.broadcast %slice3A_94 : vector<2048x1xf32> to vector<2048x8xf32>
    %gt3A_96 = arith.cmpf ogt, %gt3A_95, %select_n3A : vector<2048x8xf32>
    %eq3A_97 = vector.broadcast %slice3A_94 : vector<2048x1xf32> to vector<2048x8xf32>
    %eq3A_98 = arith.cmpf oeq, %eq3A_97, %select_n3A : vector<2048x8xf32>
    %gt3A_99 = arith.constant 0 : i32
    %gt3A_100 = vector.broadcast %gt3A_99 : i32 to vector<2048x8xi32>
    %gt3A_101 = arith.cmpi sgt, %iota3A_91, %gt3A_100 : vector<2048x8xi32>
    %and3A_102 = arith.andi %eq3A_98, %gt3A_101 : vector<2048x8xi1>
    %or3A_103 = arith.ori %gt3A_96, %and3A_102 : vector<2048x8xi1>
    %convert_element_type3A_104 = arith.extui %or3A_103 : vector<2048x8xi1> to vector<2048x8xi32>
    %convert_element_type3A_105 = arith.sitofp %convert_element_type3A_104 : vector<2048x8xi32> to vector<2048x8xf32>
    %add3A_106 = arith.addf %broadcast_in_dim3A_93, %convert_element_type3A_105 : vector<2048x8xf32>
    %slice3A_107 = vector.extract_strided_slice %select_n3A {offsets = [0, 1], sizes = [2048, 1], strides = [1, 1]} : vector<2048x8xf32> to vector<2048x1xf32>
    %gt3A_108 = vector.broadcast %slice3A_107 : vector<2048x1xf32> to vector<2048x8xf32>
    %gt3A_109 = arith.cmpf ogt, %gt3A_108, %select_n3A : vector<2048x8xf32>
    %eq3A_110 = vector.broadcast %slice3A_107 : vector<2048x1xf32> to vector<2048x8xf32>
    %eq3A_111 = arith.cmpf oeq, %eq3A_110, %select_n3A : vector<2048x8xf32>
    %gt3A_112 = arith.constant 1 : i32
    %gt3A_113 = vector.broadcast %gt3A_112 : i32 to vector<2048x8xi32>
    %gt3A_114 = arith.cmpi sgt, %iota3A_91, %gt3A_113 : vector<2048x8xi32>
    %and3A_115 = arith.andi %eq3A_111, %gt3A_114 : vector<2048x8xi1>
    %or3A_116 = arith.ori %gt3A_109, %and3A_115 : vector<2048x8xi1>
    %convert_element_type3A_117 = arith.extui %or3A_116 : vector<2048x8xi1> to vector<2048x8xi32>
    %convert_element_type3A_118 = arith.sitofp %convert_element_type3A_117 : vector<2048x8xi32> to vector<2048x8xf32>
    %add3A_119 = arith.addf %add3A_106, %convert_element_type3A_118 : vector<2048x8xf32>
    %slice3A_120 = vector.extract_strided_slice %select_n3A {offsets = [0, 2], sizes = [2048, 1], strides = [1, 1]} : vector<2048x8xf32> to vector<2048x1xf32>
    %gt3A_121 = vector.broadcast %slice3A_120 : vector<2048x1xf32> to vector<2048x8xf32>
    %gt3A_122 = arith.cmpf ogt, %gt3A_121, %select_n3A : vector<2048x8xf32>
    %eq3A_123 = vector.broadcast %slice3A_120 : vector<2048x1xf32> to vector<2048x8xf32>
    %eq3A_124 = arith.cmpf oeq, %eq3A_123, %select_n3A : vector<2048x8xf32>
    %gt3A_125 = arith.constant 2 : i32
    %gt3A_126 = vector.broadcast %gt3A_125 : i32 to vector<2048x8xi32>
    %gt3A_127 = arith.cmpi sgt, %iota3A_91, %gt3A_126 : vector<2048x8xi32>
    %and3A_128 = arith.andi %eq3A_124, %gt3A_127 : vector<2048x8xi1>
    %or3A_129 = arith.ori %gt3A_122, %and3A_128 : vector<2048x8xi1>
    %convert_element_type3A_130 = arith.extui %or3A_129 : vector<2048x8xi1> to vector<2048x8xi32>
    %convert_element_type3A_131 = arith.sitofp %convert_element_type3A_130 : vector<2048x8xi32> to vector<2048x8xf32>
    %add3A_132 = arith.addf %add3A_119, %convert_element_type3A_131 : vector<2048x8xf32>
    %slice3A_133 = vector.extract_strided_slice %select_n3A {offsets = [0, 3], sizes = [2048, 1], strides = [1, 1]} : vector<2048x8xf32> to vector<2048x1xf32>
    %gt3A_134 = vector.broadcast %slice3A_133 : vector<2048x1xf32> to vector<2048x8xf32>
    %gt3A_135 = arith.cmpf ogt, %gt3A_134, %select_n3A : vector<2048x8xf32>
    %eq3A_136 = vector.broadcast %slice3A_133 : vector<2048x1xf32> to vector<2048x8xf32>
    %eq3A_137 = arith.cmpf oeq, %eq3A_136, %select_n3A : vector<2048x8xf32>
    %gt3A_138 = arith.constant 3 : i32
    %gt3A_139 = vector.broadcast %gt3A_138 : i32 to vector<2048x8xi32>
    %gt3A_140 = arith.cmpi sgt, %iota3A_91, %gt3A_139 : vector<2048x8xi32>
    %and3A_141 = arith.andi %eq3A_137, %gt3A_140 : vector<2048x8xi1>
    %or3A_142 = arith.ori %gt3A_135, %and3A_141 : vector<2048x8xi1>
    %convert_element_type3A_143 = arith.extui %or3A_142 : vector<2048x8xi1> to vector<2048x8xi32>
    %convert_element_type3A_144 = arith.sitofp %convert_element_type3A_143 : vector<2048x8xi32> to vector<2048x8xf32>
    %add3A_145 = arith.addf %add3A_132, %convert_element_type3A_144 : vector<2048x8xf32>
    %slice3A_146 = vector.extract_strided_slice %select_n3A {offsets = [0, 4], sizes = [2048, 1], strides = [1, 1]} : vector<2048x8xf32> to vector<2048x1xf32>
    %gt3A_147 = vector.broadcast %slice3A_146 : vector<2048x1xf32> to vector<2048x8xf32>
    %gt3A_148 = arith.cmpf ogt, %gt3A_147, %select_n3A : vector<2048x8xf32>
    %eq3A_149 = vector.broadcast %slice3A_146 : vector<2048x1xf32> to vector<2048x8xf32>
    %eq3A_150 = arith.cmpf oeq, %eq3A_149, %select_n3A : vector<2048x8xf32>
    %gt3A_151 = arith.constant 4 : i32
    %gt3A_152 = vector.broadcast %gt3A_151 : i32 to vector<2048x8xi32>
    %gt3A_153 = arith.cmpi sgt, %iota3A_91, %gt3A_152 : vector<2048x8xi32>
    %and3A_154 = arith.andi %eq3A_150, %gt3A_153 : vector<2048x8xi1>
    %or3A_155 = arith.ori %gt3A_148, %and3A_154 : vector<2048x8xi1>
    %convert_element_type3A_156 = arith.extui %or3A_155 : vector<2048x8xi1> to vector<2048x8xi32>
    %convert_element_type3A_157 = arith.sitofp %convert_element_type3A_156 : vector<2048x8xi32> to vector<2048x8xf32>
    %add3A_158 = arith.addf %add3A_145, %convert_element_type3A_157 : vector<2048x8xf32>
    %slice3A_159 = vector.extract_strided_slice %select_n3A {offsets = [0, 5], sizes = [2048, 1], strides = [1, 1]} : vector<2048x8xf32> to vector<2048x1xf32>
    %gt3A_160 = vector.broadcast %slice3A_159 : vector<2048x1xf32> to vector<2048x8xf32>
    %gt3A_161 = arith.cmpf ogt, %gt3A_160, %select_n3A : vector<2048x8xf32>
    %eq3A_162 = vector.broadcast %slice3A_159 : vector<2048x1xf32> to vector<2048x8xf32>
    %eq3A_163 = arith.cmpf oeq, %eq3A_162, %select_n3A : vector<2048x8xf32>
    %gt3A_164 = arith.constant 5 : i32
    %gt3A_165 = vector.broadcast %gt3A_164 : i32 to vector<2048x8xi32>
    %gt3A_166 = arith.cmpi sgt, %iota3A_91, %gt3A_165 : vector<2048x8xi32>
    %and3A_167 = arith.andi %eq3A_163, %gt3A_166 : vector<2048x8xi1>
    %or3A_168 = arith.ori %gt3A_161, %and3A_167 : vector<2048x8xi1>
    %convert_element_type3A_169 = arith.extui %or3A_168 : vector<2048x8xi1> to vector<2048x8xi32>
    %convert_element_type3A_170 = arith.sitofp %convert_element_type3A_169 : vector<2048x8xi32> to vector<2048x8xf32>
    %add3A_171 = arith.addf %add3A_158, %convert_element_type3A_170 : vector<2048x8xf32>
    %slice3A_172 = vector.extract_strided_slice %select_n3A {offsets = [0, 6], sizes = [2048, 1], strides = [1, 1]} : vector<2048x8xf32> to vector<2048x1xf32>
    %gt3A_173 = vector.broadcast %slice3A_172 : vector<2048x1xf32> to vector<2048x8xf32>
    %gt3A_174 = arith.cmpf ogt, %gt3A_173, %select_n3A : vector<2048x8xf32>
    %eq3A_175 = vector.broadcast %slice3A_172 : vector<2048x1xf32> to vector<2048x8xf32>
    %eq3A_176 = arith.cmpf oeq, %eq3A_175, %select_n3A : vector<2048x8xf32>
    %gt3A_177 = arith.constant 6 : i32
    %gt3A_178 = vector.broadcast %gt3A_177 : i32 to vector<2048x8xi32>
    %gt3A_179 = arith.cmpi sgt, %iota3A_91, %gt3A_178 : vector<2048x8xi32>
    %and3A_180 = arith.andi %eq3A_176, %gt3A_179 : vector<2048x8xi1>
    %or3A_181 = arith.ori %gt3A_174, %and3A_180 : vector<2048x8xi1>
    %convert_element_type3A_182 = arith.extui %or3A_181 : vector<2048x8xi1> to vector<2048x8xi32>
    %convert_element_type3A_183 = arith.sitofp %convert_element_type3A_182 : vector<2048x8xi32> to vector<2048x8xf32>
    %add3A_184 = arith.addf %add3A_171, %convert_element_type3A_183 : vector<2048x8xf32>
    %slice3A_185 = vector.extract_strided_slice %select_n3A {offsets = [0, 7], sizes = [2048, 1], strides = [1, 1]} : vector<2048x8xf32> to vector<2048x1xf32>
    %gt3A_186 = vector.broadcast %slice3A_185 : vector<2048x1xf32> to vector<2048x8xf32>
    %gt3A_187 = arith.cmpf ogt, %gt3A_186, %select_n3A : vector<2048x8xf32>
    %eq3A_188 = vector.broadcast %slice3A_185 : vector<2048x1xf32> to vector<2048x8xf32>
    %eq3A_189 = arith.cmpf oeq, %eq3A_188, %select_n3A : vector<2048x8xf32>
    %gt3A_190 = arith.constant 7 : i32
    %gt3A_191 = vector.broadcast %gt3A_190 : i32 to vector<2048x8xi32>
    %gt3A_192 = arith.cmpi sgt, %iota3A_91, %gt3A_191 : vector<2048x8xi32>
    %and3A_193 = arith.andi %eq3A_189, %gt3A_192 : vector<2048x8xi1>
    %or3A_194 = arith.ori %gt3A_187, %and3A_193 : vector<2048x8xi1>
    %convert_element_type3A_195 = arith.extui %or3A_194 : vector<2048x8xi1> to vector<2048x8xi32>
    %convert_element_type3A_196 = arith.sitofp %convert_element_type3A_195 : vector<2048x8xi32> to vector<2048x8xf32>
    %add3A_197 = arith.addf %add3A_184, %convert_element_type3A_196 : vector<2048x8xf32>
    %eq3A_198 = arith.constant 0.000000e+00 : f32
    %eq3A_199 = vector.broadcast %eq3A_198 : f32 to vector<2048x8xf32>
    %eq3A_200 = arith.cmpf oeq, %add3A_197, %eq3A_199 : vector<2048x8xf32>
    %convert_element_type3A_201 = arith.extui %eq3A_200 : vector<2048x8xi1> to vector<2048x8xi32>
    %convert_element_type3A_202 = arith.sitofp %convert_element_type3A_201 : vector<2048x8xi32> to vector<2048x8xf32>
    %eq3A_203 = arith.constant 1.000000e+00 : f32
    %eq3A_204 = vector.broadcast %eq3A_203 : f32 to vector<2048x8xf32>
    %eq3A_205 = arith.cmpf oeq, %add3A_197, %eq3A_204 : vector<2048x8xf32>
    %convert_element_type3A_206 = arith.extui %eq3A_205 : vector<2048x8xi1> to vector<2048x8xi32>
    %convert_element_type3A_207 = arith.sitofp %convert_element_type3A_206 : vector<2048x8xi32> to vector<2048x8xf32>
    %add3A_208 = arith.addf %convert_element_type3A_202, %convert_element_type3A_207 : vector<2048x8xf32>
    %mul3A = arith.mulf %add3A_208, %logistic3A_10 : vector<2048x8xf32>
    %reduce_sum3A = arith.constant dense<0.000000e+00> : vector<2048xf32>
    %reduce_sum3A_209 = vector.multi_reduction <add>, %mul3A, %reduce_sum3A [1] : vector<2048x8xf32> to vector<2048xf32>
    %broadcast_in_dim3A_210 = vector.shape_cast %reduce_sum3A_209 : vector<2048xf32> to vector<2048x1xf32>
    %div3A = vector.broadcast %broadcast_in_dim3A_210 : vector<2048x1xf32> to vector<2048x8xf32>
    %div3A_211 = arith.divf %mul3A, %div3A : vector<2048x8xf32>
    %mul3A_212 = arith.constant 2.500000e+00 : f32
    %mul3A_213 = vector.broadcast %mul3A_212 : f32 to vector<2048x8xf32>
    %mul3A_214 = arith.mulf %div3A_211, %mul3A_213 : vector<2048x8xf32>
    %mul3A_215 = arith.mulf %convert_element_type3A_202, %mul3A_214 : vector<2048x8xf32>
    %reduce_sum3A_216 = arith.constant dense<0.000000e+00> : vector<2048xf32>
    %reduce_sum3A_217 = vector.multi_reduction <add>, %mul3A_215, %reduce_sum3A_216 [1] : vector<2048x8xf32> to vector<2048xf32>
    %broadcast_in_dim3A_218 = vector.shape_cast %reduce_sum3A_217 : vector<2048xf32> to vector<2048x1xf32>
    %mul3A_219 = arith.mulf %convert_element_type3A_207, %mul3A_214 : vector<2048x8xf32>
    %reduce_sum3A_220 = arith.constant dense<0.000000e+00> : vector<2048xf32>
    %reduce_sum3A_221 = vector.multi_reduction <add>, %mul3A_219, %reduce_sum3A_220 [1] : vector<2048x8xf32> to vector<2048xf32>
    %broadcast_in_dim3A_222 = vector.shape_cast %reduce_sum3A_221 : vector<2048xf32> to vector<2048x1xf32>
    %iota3A_223 = tpu.iota {dimensions = array<i32: 0>} : vector<256x256xi32>
    %iota3A_224 = tpu.iota {dimensions = array<i32: 1>} : vector<256x256xi32>
    %lt3A_225 = arith.cmpi slt, %iota3A_224, %iota3A_223 : vector<256x256xi32>
    %convert_element_type3A_226 = arith.extui %lt3A_225 : vector<256x256xi1> to vector<256x256xi32>
    %convert_element_type3A_227 = arith.sitofp %convert_element_type3A_226 : vector<256x256xi32> to vector<256x256xf32>
    %convert_element_type3A_228 = arith.truncf %convert_element_type3A_227 : vector<256x256xf32> to vector<256x256xbf16>
    %broadcast_in_dim3A_229 = arith.constant 0.000000e+00 : f32
    %broadcast_in_dim3A_230 = vector.broadcast %broadcast_in_dim3A_229 : f32 to vector<1x8xf32>
    %slice3A_231 = vector.extract_strided_slice %add3A_208 {offsets = [0, 0], sizes = [256, 8], strides = [1, 1]} : vector<2048x8xf32> to vector<256x8xf32>
    %convert_element_type3A_232 = arith.truncf %slice3A_231 : vector<256x8xf32> to vector<256x8xbf16>
    %dot_general3A_233 = arith.constant dense<0.000000e+00> : vector<256x8xf32>
    %dot_general3A_234 = tpu.matmul %convert_element_type3A_228, %convert_element_type3A_232, %dot_general3A_233 {dimension_numbers = #tpu.dot_dimension_numbers<[1], [0], [0], [1], [0, 0, 1, 1], [], []>, transpose_lhs_hint = false} : vector<256x256xbf16>, vector<256x8xbf16>, vector<256x8xf32> -> vector<256x8xf32>
    %add3A_235 = vector.broadcast %broadcast_in_dim3A_230 : vector<1x8xf32> to vector<256x8xf32>
    %add3A_236 = arith.addf %dot_general3A_234, %add3A_235 : vector<256x8xf32>
    %reduce_sum3A_237 = arith.constant dense<0.000000e+00> : vector<8xf32>
    %reduce_sum3A_238 = vector.multi_reduction <add>, %slice3A_231, %reduce_sum3A_237 [0] : vector<256x8xf32> to vector<8xf32>
    %broadcast_in_dim3A_239 = vector.shape_cast %reduce_sum3A_238 : vector<8xf32> to vector<1x8xf32>
    %add3A_240 = arith.addf %broadcast_in_dim3A_230, %broadcast_in_dim3A_239 : vector<1x8xf32>
    %slice3A_241 = vector.extract_strided_slice %add3A_208 {offsets = [256, 0], sizes = [256, 8], strides = [1, 1]} : vector<2048x8xf32> to vector<256x8xf32>
    %convert_element_type3A_242 = arith.truncf %slice3A_241 : vector<256x8xf32> to vector<256x8xbf16>
    %dot_general3A_243 = arith.constant dense<0.000000e+00> : vector<256x8xf32>
    %dot_general3A_244 = tpu.matmul %convert_element_type3A_228, %convert_element_type3A_242, %dot_general3A_243 {dimension_numbers = #tpu.dot_dimension_numbers<[1], [0], [0], [1], [0, 0, 1, 1], [], []>, transpose_lhs_hint = false} : vector<256x256xbf16>, vector<256x8xbf16>, vector<256x8xf32> -> vector<256x8xf32>
    %add3A_245 = vector.broadcast %add3A_240 : vector<1x8xf32> to vector<256x8xf32>
    %add3A_246 = arith.addf %dot_general3A_244, %add3A_245 : vector<256x8xf32>
    %reduce_sum3A_247 = arith.constant dense<0.000000e+00> : vector<8xf32>
    %reduce_sum3A_248 = vector.multi_reduction <add>, %slice3A_241, %reduce_sum3A_247 [0] : vector<256x8xf32> to vector<8xf32>
    %broadcast_in_dim3A_249 = vector.shape_cast %reduce_sum3A_248 : vector<8xf32> to vector<1x8xf32>
    %add3A_250 = arith.addf %add3A_240, %broadcast_in_dim3A_249 : vector<1x8xf32>
    %slice3A_251 = vector.extract_strided_slice %add3A_208 {offsets = [512, 0], sizes = [256, 8], strides = [1, 1]} : vector<2048x8xf32> to vector<256x8xf32>
    %convert_element_type3A_252 = arith.truncf %slice3A_251 : vector<256x8xf32> to vector<256x8xbf16>
    %dot_general3A_253 = arith.constant dense<0.000000e+00> : vector<256x8xf32>
    %dot_general3A_254 = tpu.matmul %convert_element_type3A_228, %convert_element_type3A_252, %dot_general3A_253 {dimension_numbers = #tpu.dot_dimension_numbers<[1], [0], [0], [1], [0, 0, 1, 1], [], []>, transpose_lhs_hint = false} : vector<256x256xbf16>, vector<256x8xbf16>, vector<256x8xf32> -> vector<256x8xf32>
    %add3A_255 = vector.broadcast %add3A_250 : vector<1x8xf32> to vector<256x8xf32>
    %add3A_256 = arith.addf %dot_general3A_254, %add3A_255 : vector<256x8xf32>
    %reduce_sum3A_257 = arith.constant dense<0.000000e+00> : vector<8xf32>
    %reduce_sum3A_258 = vector.multi_reduction <add>, %slice3A_251, %reduce_sum3A_257 [0] : vector<256x8xf32> to vector<8xf32>
    %broadcast_in_dim3A_259 = vector.shape_cast %reduce_sum3A_258 : vector<8xf32> to vector<1x8xf32>
    %add3A_260 = arith.addf %add3A_250, %broadcast_in_dim3A_259 : vector<1x8xf32>
    %slice3A_261 = vector.extract_strided_slice %add3A_208 {offsets = [768, 0], sizes = [256, 8], strides = [1, 1]} : vector<2048x8xf32> to vector<256x8xf32>
    %convert_element_type3A_262 = arith.truncf %slice3A_261 : vector<256x8xf32> to vector<256x8xbf16>
    %dot_general3A_263 = arith.constant dense<0.000000e+00> : vector<256x8xf32>
    %dot_general3A_264 = tpu.matmul %convert_element_type3A_228, %convert_element_type3A_262, %dot_general3A_263 {dimension_numbers = #tpu.dot_dimension_numbers<[1], [0], [0], [1], [0, 0, 1, 1], [], []>, transpose_lhs_hint = false} : vector<256x256xbf16>, vector<256x8xbf16>, vector<256x8xf32> -> vector<256x8xf32>
    %add3A_265 = vector.broadcast %add3A_260 : vector<1x8xf32> to vector<256x8xf32>
    %add3A_266 = arith.addf %dot_general3A_264, %add3A_265 : vector<256x8xf32>
    %reduce_sum3A_267 = arith.constant dense<0.000000e+00> : vector<8xf32>
    %reduce_sum3A_268 = vector.multi_reduction <add>, %slice3A_261, %reduce_sum3A_267 [0] : vector<256x8xf32> to vector<8xf32>
    %broadcast_in_dim3A_269 = vector.shape_cast %reduce_sum3A_268 : vector<8xf32> to vector<1x8xf32>
    %add3A_270 = arith.addf %add3A_260, %broadcast_in_dim3A_269 : vector<1x8xf32>
    %slice3A_271 = vector.extract_strided_slice %add3A_208 {offsets = [1024, 0], sizes = [256, 8], strides = [1, 1]} : vector<2048x8xf32> to vector<256x8xf32>
    %convert_element_type3A_272 = arith.truncf %slice3A_271 : vector<256x8xf32> to vector<256x8xbf16>
    %dot_general3A_273 = arith.constant dense<0.000000e+00> : vector<256x8xf32>
    %dot_general3A_274 = tpu.matmul %convert_element_type3A_228, %convert_element_type3A_272, %dot_general3A_273 {dimension_numbers = #tpu.dot_dimension_numbers<[1], [0], [0], [1], [0, 0, 1, 1], [], []>, transpose_lhs_hint = false} : vector<256x256xbf16>, vector<256x8xbf16>, vector<256x8xf32> -> vector<256x8xf32>
    %add3A_275 = vector.broadcast %add3A_270 : vector<1x8xf32> to vector<256x8xf32>
    %add3A_276 = arith.addf %dot_general3A_274, %add3A_275 : vector<256x8xf32>
    %reduce_sum3A_277 = arith.constant dense<0.000000e+00> : vector<8xf32>
    %reduce_sum3A_278 = vector.multi_reduction <add>, %slice3A_271, %reduce_sum3A_277 [0] : vector<256x8xf32> to vector<8xf32>
    %broadcast_in_dim3A_279 = vector.shape_cast %reduce_sum3A_278 : vector<8xf32> to vector<1x8xf32>
    %add3A_280 = arith.addf %add3A_270, %broadcast_in_dim3A_279 : vector<1x8xf32>
    %slice3A_281 = vector.extract_strided_slice %add3A_208 {offsets = [1280, 0], sizes = [256, 8], strides = [1, 1]} : vector<2048x8xf32> to vector<256x8xf32>
    %convert_element_type3A_282 = arith.truncf %slice3A_281 : vector<256x8xf32> to vector<256x8xbf16>
    %dot_general3A_283 = arith.constant dense<0.000000e+00> : vector<256x8xf32>
    %dot_general3A_284 = tpu.matmul %convert_element_type3A_228, %convert_element_type3A_282, %dot_general3A_283 {dimension_numbers = #tpu.dot_dimension_numbers<[1], [0], [0], [1], [0, 0, 1, 1], [], []>, transpose_lhs_hint = false} : vector<256x256xbf16>, vector<256x8xbf16>, vector<256x8xf32> -> vector<256x8xf32>
    %add3A_285 = vector.broadcast %add3A_280 : vector<1x8xf32> to vector<256x8xf32>
    %add3A_286 = arith.addf %dot_general3A_284, %add3A_285 : vector<256x8xf32>
    %reduce_sum3A_287 = arith.constant dense<0.000000e+00> : vector<8xf32>
    %reduce_sum3A_288 = vector.multi_reduction <add>, %slice3A_281, %reduce_sum3A_287 [0] : vector<256x8xf32> to vector<8xf32>
    %broadcast_in_dim3A_289 = vector.shape_cast %reduce_sum3A_288 : vector<8xf32> to vector<1x8xf32>
    %add3A_290 = arith.addf %add3A_280, %broadcast_in_dim3A_289 : vector<1x8xf32>
    %slice3A_291 = vector.extract_strided_slice %add3A_208 {offsets = [1536, 0], sizes = [256, 8], strides = [1, 1]} : vector<2048x8xf32> to vector<256x8xf32>
    %convert_element_type3A_292 = arith.truncf %slice3A_291 : vector<256x8xf32> to vector<256x8xbf16>
    %dot_general3A_293 = arith.constant dense<0.000000e+00> : vector<256x8xf32>
    %dot_general3A_294 = tpu.matmul %convert_element_type3A_228, %convert_element_type3A_292, %dot_general3A_293 {dimension_numbers = #tpu.dot_dimension_numbers<[1], [0], [0], [1], [0, 0, 1, 1], [], []>, transpose_lhs_hint = false} : vector<256x256xbf16>, vector<256x8xbf16>, vector<256x8xf32> -> vector<256x8xf32>
    %add3A_295 = vector.broadcast %add3A_290 : vector<1x8xf32> to vector<256x8xf32>
    %add3A_296 = arith.addf %dot_general3A_294, %add3A_295 : vector<256x8xf32>
    %reduce_sum3A_297 = arith.constant dense<0.000000e+00> : vector<8xf32>
    %reduce_sum3A_298 = vector.multi_reduction <add>, %slice3A_291, %reduce_sum3A_297 [0] : vector<256x8xf32> to vector<8xf32>
    %broadcast_in_dim3A_299 = vector.shape_cast %reduce_sum3A_298 : vector<8xf32> to vector<1x8xf32>
    %add3A_300 = arith.addf %add3A_290, %broadcast_in_dim3A_299 : vector<1x8xf32>
    %slice3A_301 = vector.extract_strided_slice %add3A_208 {offsets = [1792, 0], sizes = [256, 8], strides = [1, 1]} : vector<2048x8xf32> to vector<256x8xf32>
    %convert_element_type3A_302 = arith.truncf %slice3A_301 : vector<256x8xf32> to vector<256x8xbf16>
    %dot_general3A_303 = arith.constant dense<0.000000e+00> : vector<256x8xf32>
    %dot_general3A_304 = tpu.matmul %convert_element_type3A_228, %convert_element_type3A_302, %dot_general3A_303 {dimension_numbers = #tpu.dot_dimension_numbers<[1], [0], [0], [1], [0, 0, 1, 1], [], []>, transpose_lhs_hint = false} : vector<256x256xbf16>, vector<256x8xbf16>, vector<256x8xf32> -> vector<256x8xf32>
    %add3A_305 = vector.broadcast %add3A_300 : vector<1x8xf32> to vector<256x8xf32>
    %add3A_306 = arith.addf %dot_general3A_304, %add3A_305 : vector<256x8xf32>
    %reduce_sum3A_307 = arith.constant dense<0.000000e+00> : vector<8xf32>
    %reduce_sum3A_308 = vector.multi_reduction <add>, %slice3A_301, %reduce_sum3A_307 [0] : vector<256x8xf32> to vector<8xf32>
    %broadcast_in_dim3A_309 = vector.shape_cast %reduce_sum3A_308 : vector<8xf32> to vector<1x8xf32>
    %add3A_310 = arith.addf %add3A_300, %broadcast_in_dim3A_309 : vector<1x8xf32>
    %concatenate3A_311 = tpu.concatenate %add3A_236, %add3A_246, %add3A_256, %add3A_266, %add3A_276, %add3A_286, %add3A_296, %add3A_306 in 0 : vector<256x8xf32>, vector<256x8xf32>, vector<256x8xf32>, vector<256x8xf32>, vector<256x8xf32>, vector<256x8xf32>, vector<256x8xf32>, vector<256x8xf32> -> vector<2048x8xf32>
    %div3A_312 = arith.constant 1.280000e+02 : f32
    %div3A_313 = vector.broadcast %div3A_312 : f32 to vector<1x8xf32>
    %div3A_314 = arith.divf %add3A_310, %div3A_313 : vector<1x8xf32>
    %ceil3A = math.ceil %div3A_314 : vector<1x8xf32>
    %iota3A_315 = tpu.iota {dimensions = array<i32: 1>} : vector<1x8xi32>
    %broadcast_in_dim3A_316 = arith.constant 0.000000e+00 : f32
    %broadcast_in_dim3A_317 = vector.broadcast %broadcast_in_dim3A_316 : f32 to vector<1x8xf32>
    %gt3A_318 = arith.constant 0 : i32
    %gt3A_319 = vector.broadcast %gt3A_318 : i32 to vector<1x8xi32>
    %gt3A_320 = arith.cmpi sgt, %iota3A_315, %gt3A_319 : vector<1x8xi32>
    %slice3A_321 = vector.extract_strided_slice %ceil3A {offsets = [0, 0], sizes = [1, 1], strides = [1, 1]} : vector<1x8xf32> to vector<1x1xf32>
    %jit3A_322 = arith.constant 0.000000e+00 : f32
    %broadcast_in_dim3A_323 = vector.shape_cast %slice3A_321 : vector<1x1xf32> to vector<1x1xf32>
    %broadcast_in_dim3A_324 = vector.broadcast %broadcast_in_dim3A_323 : vector<1x1xf32> to vector<1x8xf32>
    %broadcast_in_dim3A_325 = vector.broadcast %jit3A_322 : f32 to vector<1x8xf32>
    %select_n3A_326 = arith.select %gt3A_320, %broadcast_in_dim3A_324, %broadcast_in_dim3A_325 : vector<1x8xi1>, vector<1x8xf32>
    %add3A_327 = arith.addf %broadcast_in_dim3A_317, %select_n3A_326 : vector<1x8xf32>
    %gt3A_328 = arith.constant 1 : i32
    %gt3A_329 = vector.broadcast %gt3A_328 : i32 to vector<1x8xi32>
    %gt3A_330 = arith.cmpi sgt, %iota3A_315, %gt3A_329 : vector<1x8xi32>
    %slice3A_331 = vector.extract_strided_slice %ceil3A {offsets = [0, 1], sizes = [1, 1], strides = [1, 1]} : vector<1x8xf32> to vector<1x1xf32>
    %jit3A_332 = arith.constant 0.000000e+00 : f32
    %broadcast_in_dim3A_333 = vector.shape_cast %slice3A_331 : vector<1x1xf32> to vector<1x1xf32>
    %broadcast_in_dim3A_334 = vector.broadcast %broadcast_in_dim3A_333 : vector<1x1xf32> to vector<1x8xf32>
    %broadcast_in_dim3A_335 = vector.broadcast %jit3A_332 : f32 to vector<1x8xf32>
    %select_n3A_336 = arith.select %gt3A_330, %broadcast_in_dim3A_334, %broadcast_in_dim3A_335 : vector<1x8xi1>, vector<1x8xf32>
    %add3A_337 = arith.addf %add3A_327, %select_n3A_336 : vector<1x8xf32>
    %gt3A_338 = arith.constant 2 : i32
    %gt3A_339 = vector.broadcast %gt3A_338 : i32 to vector<1x8xi32>
    %gt3A_340 = arith.cmpi sgt, %iota3A_315, %gt3A_339 : vector<1x8xi32>
    %slice3A_341 = vector.extract_strided_slice %ceil3A {offsets = [0, 2], sizes = [1, 1], strides = [1, 1]} : vector<1x8xf32> to vector<1x1xf32>
    %jit3A_342 = arith.constant 0.000000e+00 : f32
    %broadcast_in_dim3A_343 = vector.shape_cast %slice3A_341 : vector<1x1xf32> to vector<1x1xf32>
    %broadcast_in_dim3A_344 = vector.broadcast %broadcast_in_dim3A_343 : vector<1x1xf32> to vector<1x8xf32>
    %broadcast_in_dim3A_345 = vector.broadcast %jit3A_342 : f32 to vector<1x8xf32>
    %select_n3A_346 = arith.select %gt3A_340, %broadcast_in_dim3A_344, %broadcast_in_dim3A_345 : vector<1x8xi1>, vector<1x8xf32>
    %add3A_347 = arith.addf %add3A_337, %select_n3A_346 : vector<1x8xf32>
    %gt3A_348 = arith.constant 3 : i32
    %gt3A_349 = vector.broadcast %gt3A_348 : i32 to vector<1x8xi32>
    %gt3A_350 = arith.cmpi sgt, %iota3A_315, %gt3A_349 : vector<1x8xi32>
    %slice3A_351 = vector.extract_strided_slice %ceil3A {offsets = [0, 3], sizes = [1, 1], strides = [1, 1]} : vector<1x8xf32> to vector<1x1xf32>
    %jit3A_352 = arith.constant 0.000000e+00 : f32
    %broadcast_in_dim3A_353 = vector.shape_cast %slice3A_351 : vector<1x1xf32> to vector<1x1xf32>
    %broadcast_in_dim3A_354 = vector.broadcast %broadcast_in_dim3A_353 : vector<1x1xf32> to vector<1x8xf32>
    %broadcast_in_dim3A_355 = vector.broadcast %jit3A_352 : f32 to vector<1x8xf32>
    %select_n3A_356 = arith.select %gt3A_350, %broadcast_in_dim3A_354, %broadcast_in_dim3A_355 : vector<1x8xi1>, vector<1x8xf32>
    %add3A_357 = arith.addf %add3A_347, %select_n3A_356 : vector<1x8xf32>
    %gt3A_358 = arith.constant 4 : i32
    %gt3A_359 = vector.broadcast %gt3A_358 : i32 to vector<1x8xi32>
    %gt3A_360 = arith.cmpi sgt, %iota3A_315, %gt3A_359 : vector<1x8xi32>
    %slice3A_361 = vector.extract_strided_slice %ceil3A {offsets = [0, 4], sizes = [1, 1], strides = [1, 1]} : vector<1x8xf32> to vector<1x1xf32>
    %jit3A_362 = arith.constant 0.000000e+00 : f32
    %broadcast_in_dim3A_363 = vector.shape_cast %slice3A_361 : vector<1x1xf32> to vector<1x1xf32>
    %broadcast_in_dim3A_364 = vector.broadcast %broadcast_in_dim3A_363 : vector<1x1xf32> to vector<1x8xf32>
    %broadcast_in_dim3A_365 = vector.broadcast %jit3A_362 : f32 to vector<1x8xf32>
    %select_n3A_366 = arith.select %gt3A_360, %broadcast_in_dim3A_364, %broadcast_in_dim3A_365 : vector<1x8xi1>, vector<1x8xf32>
    %add3A_367 = arith.addf %add3A_357, %select_n3A_366 : vector<1x8xf32>
    %gt3A_368 = arith.constant 5 : i32
    %gt3A_369 = vector.broadcast %gt3A_368 : i32 to vector<1x8xi32>
    %gt3A_370 = arith.cmpi sgt, %iota3A_315, %gt3A_369 : vector<1x8xi32>
    %slice3A_371 = vector.extract_strided_slice %ceil3A {offsets = [0, 5], sizes = [1, 1], strides = [1, 1]} : vector<1x8xf32> to vector<1x1xf32>
    %jit3A_372 = arith.constant 0.000000e+00 : f32
    %broadcast_in_dim3A_373 = vector.shape_cast %slice3A_371 : vector<1x1xf32> to vector<1x1xf32>
    %broadcast_in_dim3A_374 = vector.broadcast %broadcast_in_dim3A_373 : vector<1x1xf32> to vector<1x8xf32>
    %broadcast_in_dim3A_375 = vector.broadcast %jit3A_372 : f32 to vector<1x8xf32>
    %select_n3A_376 = arith.select %gt3A_370, %broadcast_in_dim3A_374, %broadcast_in_dim3A_375 : vector<1x8xi1>, vector<1x8xf32>
    %add3A_377 = arith.addf %add3A_367, %select_n3A_376 : vector<1x8xf32>
    %gt3A_378 = arith.constant 6 : i32
    %gt3A_379 = vector.broadcast %gt3A_378 : i32 to vector<1x8xi32>
    %gt3A_380 = arith.cmpi sgt, %iota3A_315, %gt3A_379 : vector<1x8xi32>
    %slice3A_381 = vector.extract_strided_slice %ceil3A {offsets = [0, 6], sizes = [1, 1], strides = [1, 1]} : vector<1x8xf32> to vector<1x1xf32>
    %jit3A_382 = arith.constant 0.000000e+00 : f32
    %broadcast_in_dim3A_383 = vector.shape_cast %slice3A_381 : vector<1x1xf32> to vector<1x1xf32>
    %broadcast_in_dim3A_384 = vector.broadcast %broadcast_in_dim3A_383 : vector<1x1xf32> to vector<1x8xf32>
    %broadcast_in_dim3A_385 = vector.broadcast %jit3A_382 : f32 to vector<1x8xf32>
    %select_n3A_386 = arith.select %gt3A_380, %broadcast_in_dim3A_384, %broadcast_in_dim3A_385 : vector<1x8xi1>, vector<1x8xf32>
    %add3A_387 = arith.addf %add3A_377, %select_n3A_386 : vector<1x8xf32>
    %gt3A_388 = arith.constant 7 : i32
    %gt3A_389 = vector.broadcast %gt3A_388 : i32 to vector<1x8xi32>
    %gt3A_390 = arith.cmpi sgt, %iota3A_315, %gt3A_389 : vector<1x8xi32>
    %slice3A_391 = vector.extract_strided_slice %ceil3A {offsets = [0, 7], sizes = [1, 1], strides = [1, 1]} : vector<1x8xf32> to vector<1x1xf32>
    %jit3A_392 = arith.constant 0.000000e+00 : f32
    %broadcast_in_dim3A_393 = vector.shape_cast %slice3A_391 : vector<1x1xf32> to vector<1x1xf32>
    %broadcast_in_dim3A_394 = vector.broadcast %broadcast_in_dim3A_393 : vector<1x1xf32> to vector<1x8xf32>
    %broadcast_in_dim3A_395 = vector.broadcast %jit3A_392 : f32 to vector<1x8xf32>
    %select_n3A_396 = arith.select %gt3A_390, %broadcast_in_dim3A_394, %broadcast_in_dim3A_395 : vector<1x8xi1>, vector<1x8xf32>
    %add3A_397 = arith.addf %add3A_387, %select_n3A_396 : vector<1x8xf32>
    %mul3A_398 = arith.constant 1.280000e+02 : f32
    %mul3A_399 = vector.broadcast %mul3A_398 : f32 to vector<1x8xf32>
    %mul3A_400 = arith.mulf %add3A_397, %mul3A_399 : vector<1x8xf32>
    %add3A_401 = vector.broadcast %mul3A_400 : vector<1x8xf32> to vector<2048x8xf32>
    %add3A_402 = arith.addf %add3A_401, %concatenate3A_311 : vector<2048x8xf32>
    %mul3A_403 = arith.mulf %convert_element_type3A_202, %add3A_402 : vector<2048x8xf32>
    %reduce_sum3A_404 = arith.constant dense<0.000000e+00> : vector<2048xf32>
    %reduce_sum3A_405 = vector.multi_reduction <add>, %mul3A_403, %reduce_sum3A_404 [1] : vector<2048x8xf32> to vector<2048xf32>
    %broadcast_in_dim3A_406 = vector.shape_cast %reduce_sum3A_405 : vector<2048xf32> to vector<2048x1xf32>
    %mul3A_407 = arith.mulf %convert_element_type3A_207, %add3A_402 : vector<2048x8xf32>
    %reduce_sum3A_408 = arith.constant dense<0.000000e+00> : vector<2048xf32>
    %reduce_sum3A_409 = vector.multi_reduction <add>, %mul3A_407, %reduce_sum3A_408 [1] : vector<2048x8xf32> to vector<2048xf32>
    %broadcast_in_dim3A_410 = vector.shape_cast %reduce_sum3A_409 : vector<2048xf32> to vector<2048x1xf32>
    %broadcast_in_dim3A_411 = arith.constant 0.000000e+00 : f32
    %broadcast_in_dim3A_412 = vector.broadcast %broadcast_in_dim3A_411 : f32 to vector<2048x4xf32>
    %concatenate3A_413 = tpu.concatenate %broadcast_in_dim3A_406, %broadcast_in_dim3A_410, %broadcast_in_dim3A_218, %broadcast_in_dim3A_222, %broadcast_in_dim3A_412 in 1 : vector<2048x1xf32>, vector<2048x1xf32>, vector<2048x1xf32>, vector<2048x1xf32>, vector<2048x4xf32> -> vector<2048x8xf32>
    %transpose3A = tpu.transpose %concatenate3A_413, [1, 0] : vector<2048x8xf32> -> vector<8x2048xf32>
    %swap3A = arith.constant 0 : index
    %swap3A_414 = arith.constant 0 : index
    %swap3A_415 = vector.load %arg4[%swap3A, %swap3A_414] : memref<8x2048xf32, #tpu.memory_space<vmem>>, vector<8x2048xf32>
    tpu.vector_store %arg4[%swap3A, %swap3A_414], %transpose3A {strides = array<i32>} : memref<8x2048xf32, #tpu.memory_space<vmem>>, vector<8x2048xf32>,
    %iota3A_416 = tpu.iota {dimensions = array<i32: 1>} : vector<1x40xi32>
    %broadcast_in_dim3A_417 = arith.constant 0 : i32
    %broadcast_in_dim3A_418 = vector.broadcast %broadcast_in_dim3A_417 : i32 to vector<1x40xi32>
    %slice3A_419 = vector.extract_strided_slice %add3A_397 {offsets = [0, 1], sizes = [1, 1], strides = [1, 1]} : vector<1x8xf32> to vector<1x1xf32>
    %convert_element_type3A_420 = arith.fptosi %slice3A_419 : vector<1x1xf32> to vector<1x1xi32>
    %ge3A = vector.broadcast %convert_element_type3A_420 : vector<1x1xi32> to vector<1x40xi32>
    %ge3A_421 = arith.cmpi sge, %iota3A_416, %ge3A : vector<1x40xi32>
    %convert_element_type3A_422 = arith.extui %ge3A_421 : vector<1x40xi1> to vector<1x40xi32>
    %add3A_423 = arith.addi %broadcast_in_dim3A_418, %convert_element_type3A_422 : vector<1x40xi32>
    %slice3A_424 = vector.extract_strided_slice %add3A_397 {offsets = [0, 2], sizes = [1, 1], strides = [1, 1]} : vector<1x8xf32> to vector<1x1xf32>
    %convert_element_type3A_425 = arith.fptosi %slice3A_424 : vector<1x1xf32> to vector<1x1xi32>
    %ge3A_426 = vector.broadcast %convert_element_type3A_425 : vector<1x1xi32> to vector<1x40xi32>
    %ge3A_427 = arith.cmpi sge, %iota3A_416, %ge3A_426 : vector<1x40xi32>
    %convert_element_type3A_428 = arith.extui %ge3A_427 : vector<1x40xi1> to vector<1x40xi32>
    %add3A_429 = arith.addi %add3A_423, %convert_element_type3A_428 : vector<1x40xi32>
    %slice3A_430 = vector.extract_strided_slice %add3A_397 {offsets = [0, 3], sizes = [1, 1], strides = [1, 1]} : vector<1x8xf32> to vector<1x1xf32>
    %convert_element_type3A_431 = arith.fptosi %slice3A_430 : vector<1x1xf32> to vector<1x1xi32>
    %ge3A_432 = vector.broadcast %convert_element_type3A_431 : vector<1x1xi32> to vector<1x40xi32>
    %ge3A_433 = arith.cmpi sge, %iota3A_416, %ge3A_432 : vector<1x40xi32>
    %convert_element_type3A_434 = arith.extui %ge3A_433 : vector<1x40xi1> to vector<1x40xi32>
    %add3A_435 = arith.addi %add3A_429, %convert_element_type3A_434 : vector<1x40xi32>
    %slice3A_436 = vector.extract_strided_slice %add3A_397 {offsets = [0, 4], sizes = [1, 1], strides = [1, 1]} : vector<1x8xf32> to vector<1x1xf32>
    %convert_element_type3A_437 = arith.fptosi %slice3A_436 : vector<1x1xf32> to vector<1x1xi32>
    %ge3A_438 = vector.broadcast %convert_element_type3A_437 : vector<1x1xi32> to vector<1x40xi32>
    %ge3A_439 = arith.cmpi sge, %iota3A_416, %ge3A_438 : vector<1x40xi32>
    %convert_element_type3A_440 = arith.extui %ge3A_439 : vector<1x40xi1> to vector<1x40xi32>
    %add3A_441 = arith.addi %add3A_435, %convert_element_type3A_440 : vector<1x40xi32>
    %slice3A_442 = vector.extract_strided_slice %add3A_397 {offsets = [0, 5], sizes = [1, 1], strides = [1, 1]} : vector<1x8xf32> to vector<1x1xf32>
    %convert_element_type3A_443 = arith.fptosi %slice3A_442 : vector<1x1xf32> to vector<1x1xi32>
    %ge3A_444 = vector.broadcast %convert_element_type3A_443 : vector<1x1xi32> to vector<1x40xi32>
    %ge3A_445 = arith.cmpi sge, %iota3A_416, %ge3A_444 : vector<1x40xi32>
    %convert_element_type3A_446 = arith.extui %ge3A_445 : vector<1x40xi1> to vector<1x40xi32>
    %add3A_447 = arith.addi %add3A_441, %convert_element_type3A_446 : vector<1x40xi32>
    %slice3A_448 = vector.extract_strided_slice %add3A_397 {offsets = [0, 6], sizes = [1, 1], strides = [1, 1]} : vector<1x8xf32> to vector<1x1xf32>
    %convert_element_type3A_449 = arith.fptosi %slice3A_448 : vector<1x1xf32> to vector<1x1xi32>
    %ge3A_450 = vector.broadcast %convert_element_type3A_449 : vector<1x1xi32> to vector<1x40xi32>
    %ge3A_451 = arith.cmpi sge, %iota3A_416, %ge3A_450 : vector<1x40xi32>
    %convert_element_type3A_452 = arith.extui %ge3A_451 : vector<1x40xi1> to vector<1x40xi32>
    %add3A_453 = arith.addi %add3A_447, %convert_element_type3A_452 : vector<1x40xi32>
    %slice3A_454 = vector.extract_strided_slice %add3A_397 {offsets = [0, 7], sizes = [1, 1], strides = [1, 1]} : vector<1x8xf32> to vector<1x1xf32>
    %convert_element_type3A_455 = arith.fptosi %slice3A_454 : vector<1x1xf32> to vector<1x1xi32>
    %ge3A_456 = vector.broadcast %convert_element_type3A_455 : vector<1x1xi32> to vector<1x40xi32>
    %ge3A_457 = arith.cmpi sge, %iota3A_416, %ge3A_456 : vector<1x40xi32>
    %convert_element_type3A_458 = arith.extui %ge3A_457 : vector<1x40xi1> to vector<1x40xi32>
    %add3A_459 = arith.addi %add3A_453, %convert_element_type3A_458 : vector<1x40xi32>
    %swap3A_460 = arith.constant 0 : index
    %swap3A_461 = arith.constant 0 : index
    %swap3A_462 = vector.load %arg5[%swap3A_460, %swap3A_461] : memref<1x40xi32, #tpu.memory_space<vmem>>, vector<1x40xi32>
    tpu.vector_store %arg5[%swap3A_460, %swap3A_461], %add3A_459 {strides = array<i32>} : memref<1x40xi32, #tpu.memory_space<vmem>>, vector<1x40xi32>,
    return
  }
  func.func @transform_0(%arg0: i32) -> (i32, i32) {
    %c0_i32 = arith.constant 0 : i32
    %c0_i32_0 = arith.constant 0 : i32
    %c0_i32_1 = arith.constant 0 : i32
    return %c0_i32, %c0_i32_0 : i32, i32
  }
  func.func @transform_1(%arg0: i32) -> (i32, i32) {
    %c0_i32 = arith.constant 0 : i32
    %c0_i32_0 = arith.constant 0 : i32
    %c0_i32_1 = arith.constant 0 : i32
    return %c0_i32, %c0_i32_0 : i32, i32
  }
  func.func @transform_2(%arg0: i32) -> (i32, i32) {
    %c0_i32 = arith.constant 0 : i32
    %c0_i32_0 = arith.constant 0 : i32
    %c0_i32_1 = arith.constant 0 : i32
    return %c0_i32, %c0_i32_0 : i32, i32
  }
  func.func @transform_3(%arg0: i32) -> (i32, i32) {
    %c0_i32 = arith.constant 0 : i32
    %c0_i32_0 = arith.constant 0 : i32
    %c0_i32_1 = arith.constant 0 : i32
    return %c0_i32, %c0_i32_0 : i32, i32
  }
  func.func @transform_4(%arg0: i32) -> (i32, i32) {
    %c0_i32 = arith.constant 0 : i32
    %c0_i32_0 = arith.constant 0 : i32
    %c0_i32_1 = arith.constant 0 : i32
    return %c0_i32, %c0_i32_0 : i32, i32
  }
}

module attributes {stable_mosaic.version = 14 : i64} {
  func.func @_shared_body(%arg0: i32, %arg1: memref<2048x768xf32, #tpu.memory_space<vmem>>, %arg2: memref<768x768xbf16, #tpu.memory_space<vmem>>, %arg3: memref<768x384xbf16, #tpu.memory_space<vmem>>, %arg4: memref<2048x768xf32, #tpu.memory_space<vmem>>) attributes {dimension_semantics = [#tpu.dimension_semantics<arbitrary>], iteration_bounds = array<i64: 1>, scalar_prefetch = 0 : i64, scratch_operands = 0 : i64, tpu.core_type = #tpu.core_type<tc>, window_params = [{pipeline_mode = #tpu.pipeline_mode<synchronous>, transform_indices = @transform_0, window_bounds = array<i64: 2048, 768>}, {pipeline_mode = #tpu.pipeline_mode<synchronous>, transform_indices = @transform_1, window_bounds = array<i64: 768, 768>}, {pipeline_mode = #tpu.pipeline_mode<synchronous>, transform_indices = @transform_2, window_bounds = array<i64: 768, 384>}, {pipeline_mode = #tpu.pipeline_mode<synchronous>, transform_indices = @transform_3, window_bounds = array<i64: 2048, 768>}]} {
    %get3A = arith.constant 0 : index
    %get3A_0 = arith.constant 0 : index
    %get3A_1 = vector.load %arg1[%get3A, %get3A_0] : memref<2048x768xf32, #tpu.memory_space<vmem>>, vector<2048x768xf32>
    %convert_element_type3A = arith.truncf %get3A_1 : vector<2048x768xf32> to vector<2048x768xbf16>
    %get3A_2 = arith.constant 0 : index
    %get3A_3 = arith.constant 0 : index
    %get3A_4 = vector.load %arg2[%get3A_2, %get3A_3] : memref<768x768xbf16, #tpu.memory_space<vmem>>, vector<768x768xbf16>
    %dot_general3A = arith.constant dense<0.000000e+00> : vector<2048x768xf32>
    %dot_general3A_5 = tpu.matmul %convert_element_type3A, %get3A_4, %dot_general3A {dimension_numbers = #tpu.dot_dimension_numbers<[1], [1], [0], [0], [0, 0, 1, 0], [], []>, transpose_lhs_hint = false} : vector<2048x768xbf16>, vector<768x768xbf16>, vector<2048x768xf32> -> vector<2048x768xf32>
    %slice3A = vector.extract_strided_slice %dot_general3A_5 {offsets = [0, 0], sizes = [2048, 384], strides = [1, 1]} : vector<2048x768xf32> to vector<2048x384xf32>
    %slice3A_6 = vector.extract_strided_slice %dot_general3A_5 {offsets = [0, 384], sizes = [2048, 384], strides = [1, 1]} : vector<2048x768xf32> to vector<2048x384xf32>
    %logistic3A = arith.negf %slice3A : vector<2048x384xf32>
    %logistic3A_7 = math.exp %logistic3A : vector<2048x384xf32>
    %logistic3A_8 = arith.constant 1.000000e+00 : f32
    %logistic3A_9 = vector.broadcast %logistic3A_8 : f32 to vector<2048x384xf32>
    %logistic3A_10 = arith.addf %logistic3A_9, %logistic3A_7 : vector<2048x384xf32>
    %logistic3A_11 = arith.divf %logistic3A_9, %logistic3A_10 : vector<2048x384xf32>
    %mul3A = arith.mulf %slice3A, %logistic3A_11 : vector<2048x384xf32>
    %mul3A_12 = arith.mulf %mul3A, %slice3A_6 : vector<2048x384xf32>
    %convert_element_type3A_13 = arith.truncf %mul3A_12 : vector<2048x384xf32> to vector<2048x384xbf16>
    %get3A_14 = arith.constant 0 : index
    %get3A_15 = arith.constant 0 : index
    %get3A_16 = vector.load %arg3[%get3A_14, %get3A_15] : memref<768x384xbf16, #tpu.memory_space<vmem>>, vector<768x384xbf16>
    %dot_general3A_17 = arith.constant dense<0.000000e+00> : vector<2048x768xf32>
    %dot_general3A_18 = tpu.matmul %convert_element_type3A_13, %get3A_16, %dot_general3A_17 {dimension_numbers = #tpu.dot_dimension_numbers<[1], [1], [0], [0], [0, 0, 1, 0], [], []>, transpose_lhs_hint = false} : vector<2048x384xbf16>, vector<768x384xbf16>, vector<2048x768xf32> -> vector<2048x768xf32>
    %swap3A = arith.constant 0 : index
    %swap3A_19 = arith.constant 0 : index
    %swap3A_20 = vector.load %arg4[%swap3A, %swap3A_19] : memref<2048x768xf32, #tpu.memory_space<vmem>>, vector<2048x768xf32>
    tpu.vector_store %arg4[%swap3A, %swap3A_19], %dot_general3A_18 {strides = array<i32>} : memref<2048x768xf32, #tpu.memory_space<vmem>>, vector<2048x768xf32>,
    return
  }
  func.func @transform_0(%arg0: i32) -> (i32, i32) {
    %c0_i32 = arith.constant 0 : i32
    %c0_i32_0 = arith.constant 0 : i32
    %c0_i32_1 = arith.constant 0 : i32
    return %c0_i32, %c0_i32_0 : i32, i32
  }
  func.func @transform_1(%arg0: i32) -> (i32, i32) {
    %c0_i32 = arith.constant 0 : i32
    %c0_i32_0 = arith.constant 0 : i32
    %c0_i32_1 = arith.constant 0 : i32
    return %c0_i32, %c0_i32_0 : i32, i32
  }
  func.func @transform_2(%arg0: i32) -> (i32, i32) {
    %c0_i32 = arith.constant 0 : i32
    %c0_i32_0 = arith.constant 0 : i32
    %c0_i32_1 = arith.constant 0 : i32
    return %c0_i32, %c0_i32_0 : i32, i32
  }
  func.func @transform_3(%arg0: i32) -> (i32, i32) {
    %c0_i32 = arith.constant 0 : i32
    %c0_i32_0 = arith.constant 0 : i32
    %c0_i32_1 = arith.constant 0 : i32
    return %c0_i32, %c0_i32_0 : i32, i32
  }
}

module attributes {stable_mosaic.version = 14 : i64} {
  func.func @_gemm_body(%arg0: i32, %arg1: memref<40xi32, #tpu.memory_space<smem>>, %arg2: memref<128x768xf32, #tpu.memory_space<vmem>>, %arg3: memref<8x768x768xbf16, #tpu.memory_space<vmem>>, %arg4: memref<8x768x384xbf16, #tpu.memory_space<vmem>>, %arg5: memref<128x16xf32, #tpu.memory_space<vmem>>, %arg6: memref<128x768xf32, #tpu.memory_space<vmem>>) attributes {dimension_semantics = [#tpu.dimension_semantics<parallel>], iteration_bounds = array<i64: 40>, scalar_prefetch = 1 : i64, scratch_operands = 0 : i64, tpu.core_type = #tpu.core_type<tc>, window_params = [{transform_indices = @transform_0, window_bounds = array<i64: 128, 768>}, {pipeline_mode = #tpu.pipeline_mode<synchronous>, transform_indices = @transform_1, window_bounds = array<i64: 8, 768, 768>}, {pipeline_mode = #tpu.pipeline_mode<synchronous>, transform_indices = @transform_2, window_bounds = array<i64: 8, 768, 384>}, {transform_indices = @transform_3, window_bounds = array<i64: 128, 16>}, {transform_indices = @transform_4, window_bounds = array<i64: 128, 768>}]} {
    %get3A = arith.index_cast %arg0 : i32 to index
    %get3A_0 = memref.load %arg1[%get3A] : memref<40xi32, #tpu.memory_space<smem>>
    %get3A_1 = arith.constant 0 : index
    %get3A_2 = arith.constant 0 : index
    %get3A_3 = vector.load %arg2[%get3A_1, %get3A_2] : memref<128x768xf32, #tpu.memory_space<vmem>>, vector<128x768xf32>
    %convert_element_type3A = arith.truncf %get3A_3 : vector<128x768xf32> to vector<128x768xbf16>
    %get3A_4 = arith.index_cast %get3A_0 : i32 to index
    %get3A_5 = arith.constant 0 : index
    %get3A_6 = arith.constant 0 : index
    %get3A_7 = vector.load %arg3[%get3A_4, %get3A_5, %get3A_6] : memref<8x768x768xbf16, #tpu.memory_space<vmem>>, vector<1x768x768xbf16>
    %get3A_8 = vector.shape_cast %get3A_7 : vector<1x768x768xbf16> to vector<768x768xbf16>
    %dot_general3A = arith.constant dense<0.000000e+00> : vector<128x768xf32>
    %dot_general3A_9 = tpu.matmul %convert_element_type3A, %get3A_8, %dot_general3A {dimension_numbers = #tpu.dot_dimension_numbers<[1], [1], [0], [0], [0, 0, 1, 0], [], []>, transpose_lhs_hint = false} : vector<128x768xbf16>, vector<768x768xbf16>, vector<128x768xf32> -> vector<128x768xf32>
    %slice3A = vector.extract_strided_slice %dot_general3A_9 {offsets = [0, 0], sizes = [128, 384], strides = [1, 1]} : vector<128x768xf32> to vector<128x384xf32>
    %slice3A_10 = vector.extract_strided_slice %dot_general3A_9 {offsets = [0, 384], sizes = [128, 384], strides = [1, 1]} : vector<128x768xf32> to vector<128x384xf32>
    %logistic3A = arith.negf %slice3A : vector<128x384xf32>
    %logistic3A_11 = math.exp %logistic3A : vector<128x384xf32>
    %logistic3A_12 = arith.constant 1.000000e+00 : f32
    %logistic3A_13 = vector.broadcast %logistic3A_12 : f32 to vector<128x384xf32>
    %logistic3A_14 = arith.addf %logistic3A_13, %logistic3A_11 : vector<128x384xf32>
    %logistic3A_15 = arith.divf %logistic3A_13, %logistic3A_14 : vector<128x384xf32>
    %mul3A = arith.mulf %slice3A, %logistic3A_15 : vector<128x384xf32>
    %mul3A_16 = arith.mulf %mul3A, %slice3A_10 : vector<128x384xf32>
    %convert_element_type3A_17 = arith.truncf %mul3A_16 : vector<128x384xf32> to vector<128x384xbf16>
    %get3A_18 = arith.index_cast %get3A_0 : i32 to index
    %get3A_19 = arith.constant 0 : index
    %get3A_20 = arith.constant 0 : index
    %get3A_21 = vector.load %arg4[%get3A_18, %get3A_19, %get3A_20] : memref<8x768x384xbf16, #tpu.memory_space<vmem>>, vector<1x768x384xbf16>
    %get3A_22 = vector.shape_cast %get3A_21 : vector<1x768x384xbf16> to vector<768x384xbf16>
    %dot_general3A_23 = arith.constant dense<0.000000e+00> : vector<128x768xf32>
    %dot_general3A_24 = tpu.matmul %convert_element_type3A_17, %get3A_22, %dot_general3A_23 {dimension_numbers = #tpu.dot_dimension_numbers<[1], [1], [0], [0], [0, 0, 1, 0], [], []>, transpose_lhs_hint = false} : vector<128x384xbf16>, vector<768x384xbf16>, vector<128x768xf32> -> vector<128x768xf32>
    %get3A_25 = arith.constant 0 : index
    %get3A_26 = arith.constant 0 : index
    %get3A_27 = vector.load %arg5[%get3A_25, %get3A_26] : memref<128x16xf32, #tpu.memory_space<vmem>>, vector<128x1xf32>
    %mul3A_28 = vector.broadcast %get3A_27 : vector<128x1xf32> to vector<128x768xf32>
    %mul3A_29 = arith.mulf %dot_general3A_24, %mul3A_28 : vector<128x768xf32>
    %swap3A = arith.constant 0 : index
    %swap3A_30 = arith.constant 0 : index
    %swap3A_31 = vector.load %arg6[%swap3A, %swap3A_30] : memref<128x768xf32, #tpu.memory_space<vmem>>, vector<128x768xf32>
    tpu.vector_store %arg6[%swap3A, %swap3A_30], %mul3A_29 {strides = array<i32>} : memref<128x768xf32, #tpu.memory_space<vmem>>, vector<128x768xf32>,
    return
  }
  func.func @transform_0(%arg0: i32, %arg1: memref<40xi32, #tpu.memory_space<smem>>) -> (i32, i32) {
    %c0_i32 = arith.constant 0 : i32
    %c0_i32_0 = arith.constant 0 : i32
    return %arg0, %c0_i32 : i32, i32
  }
  func.func @transform_1(%arg0: i32, %arg1: memref<40xi32, #tpu.memory_space<smem>>) -> (i32, i32, i32) {
    %c0_i32 = arith.constant 0 : i32
    %c0_i32_0 = arith.constant 0 : i32
    %c0_i32_1 = arith.constant 0 : i32
    %c0_i32_2 = arith.constant 0 : i32
    return %c0_i32, %c0_i32_0, %c0_i32_1 : i32, i32, i32
  }
  func.func @transform_2(%arg0: i32, %arg1: memref<40xi32, #tpu.memory_space<smem>>) -> (i32, i32, i32) {
    %c0_i32 = arith.constant 0 : i32
    %c0_i32_0 = arith.constant 0 : i32
    %c0_i32_1 = arith.constant 0 : i32
    %c0_i32_2 = arith.constant 0 : i32
    return %c0_i32, %c0_i32_0, %c0_i32_1 : i32, i32, i32
  }
  func.func @transform_3(%arg0: i32, %arg1: memref<40xi32, #tpu.memory_space<smem>>) -> (i32, i32) {
    %c0_i32 = arith.constant 0 : i32
    %c0_i32_0 = arith.constant 0 : i32
    return %arg0, %c0_i32 : i32, i32
  }
  func.func @transform_4(%arg0: i32, %arg1: memref<40xi32, #tpu.memory_space<smem>>) -> (i32, i32) {
    %c0_i32 = arith.constant 0 : i32
    %c0_i32_0 = arith.constant 0 : i32
    return %arg0, %c0_i32 : i32, i32
  }
}

</mosaic_0001>

<sc_bundles>
// kernel: kernel.10.cloned.1.call-start
scs
__scs_entry_jumppad:
0x0: {  	(pc) =	sbr.rel $0x88, $3  }
0x1: {  	(tag) =	ssettag $0x0;
	lr =	simm.s32 $0x1  }
0x2: {  	[smem:$0x3F9A] =	sst lr;
	_ =	strace $0xD0000000  }
0x3: {  	_ = 	snop  }
0x4: {  	_ = 	snop  }
0x5: {  	_ = 	snop  }
0x6: {  	_ = 	snop  }
0x7: {  	_ = 	snop  }
__scs_overlays_trampoline_lowered:
0x8: {  	[smem:$0x3FA9] =	sst s0  }
0x9: {  	[smem:$0x3FAA] =	sst s1  }
0xa: {  	[smem:$0x3FAB] =	sst s2  }
0xb: {  	[smem:$0x3FAC] =	sst s3  }
0xc: {  	[smem:$0x3FAD] =	sst s4  }
0xd: {  	[smem:$0x3FAE] =	sst s5  }
0xe: {  	[smem:$0x3FAF] =	sst s6  }
0xf: {  	[smem:$0x3FB0] =	sst s7  }
0x10: {  	[smem:$0x3FB1] =	sst s8  }
0x11: {  	[smem:$0x3FB2] =	sst s9;
	s0 =	simm.s32 @!p0 $0x0  }
0x12: {  	s1 =	sld [smem:$0x3F98];
	s0 =	simm.s32 @p0 $0x1  }
0x13: {  	[smem:$0x3FB3] =	sst s0;
	s0 =	simm.s32 @!p1 $0x0  }
0x14: {  	s2 =	sld [smem:$0x3F97];
	s0 =	simm.s32 @p1 $0x1  }
0x15: {  	[smem:$0x3FB4] =	sst s0;
	s0 =	simm.s32 @!p2 $0x0  }
0x16: {  	s3 =	sld [smem:$0x3FDB];
	s0 =	simm.s32 @p2 $0x1  }
0x17: {  	s4 =	simm.s32 $0x1BF5;
	[smem:$0x3FB6] =	sst s0  }
0x18: {  	s0 =	sld [smem:$0x3F99];
	_ =	swait.ge [sflag:s4], $0x0  }
0x19: {  	s7 =	sld [smem:$0x3F9A]  }
0x1a: {  	s8 =	sadd.s32 $0xFFFFE003, lr  }
0x1b: {  	s9 =	sadd.s32 $0xFFFFFEF7, lr;
	s5 =	simm.s32 $0xFFFFFFFF;
	p2 =	slt.u32 s8, $0xFFFFF086  }
0x1c: {  	p1 =	slt.u32 s9, $0xF7A;
	s5 =	simm.s32 @!p2 $0x0  }
0x1d: {  	s5 =	simm.s32 @p1 $0x1;
	p0 =	seq.s32 s7, s2  }
0x1e: {  	s7 =	smul.u32 @!p0 $0xF7A, s2;
	p2 =	seq.s32 @!p0 s5, $0x0  }
0x1f: {  	s9 =	smul.u32 $0xF7A, s1;
	s8 =	simm.s32 @!p0 $0x1BF5;
	p2 =	por !p2, p0  }
0x20: {  	[sflag:s8] =	ssyncset.s32 @!p0 $0xFFFFF086;
	s6 =	sadd.s32 @!p0 s3, s7;
	s7 =	simm.s32 @!p0 $0x108  }
0x21: {  	s3 =	sadd.s32 s3, s9;
	s6 =	sadd.s32 @!p0 $0x88, s6;
	s7 =	simm.s32 @p2 $0x1082  }
0x22: {  	[simem:s7], [sflag:s8] =	dma.local @!p0 [hbm:s6], $0xF7A  }
0x23: {  	s9 =	sor.u32 $0xD0000000, s2;
	s6 =	simm.s32 $0x108;
	_ =	swait.ge @!p0 [sflag:s8], $0x0  }
0x24: {  	s3 =	sadd.s32 $0x88, s3;
	s6 =	simm.s32 @!p1 $0x1082;
	[sflag:s4] =	ssyncset.s32 $0xFFFFF086  }
0x25: {  	[simem:s6], [sflag:s4] =	dma.local [hbm:s3], $0xF7A  }
0x26: {  	[smem:$0x3F9A] =	sst s1;
	(tag) =	ssettag s2;
	_ =	strace s9  }
0x27: {  	s1 =	sld [smem:$0x3FAA]  }
0x28: {  	s2 =	sld [smem:$0x3FAB]  }
0x29: {  	s4 =	sld [smem:$0x3FAD]  }
0x2a: {  	p0 =	seq.s32 s5, $0x0;
	s5 =	sld [smem:$0x3FAE]  }
0x2b: {  	s6 =	sld [smem:$0x3FAF]  }
0x2c: {  	s7 =	sld [smem:$0x3FB0]  }
0x2d: {  	s3 =	simm.s32 $0x108;
	s8 =	sld [smem:$0x3FB1]  }
0x2e: {  	s3 =	simm.s32 @!p0 $0x1082;
	s9 =	sld [smem:$0x3FB2]  }
0x2f: {  	lr =	sadd.s32 s0, s3;
	s0 =	sld [smem:$0x3FA9]  }
0x30: {  	s3 =	sld [smem:$0x3FAC]  }
0x31: {  	[smem:$0x3FB5] =	sst s10  }
0x32: {  	s10 =	sld [smem:$0x3FB3];
	_ =	sdelay $0x3  }
0x33: {  	p0 =	seq.s32 s10, $0x1;
	s10 =	sld [smem:$0x3FB5];
	_ =	sdelay $0x3  }
0x34: {  	[smem:$0x3FB5] =	sst s10  }
0x35: {  	s10 =	sld [smem:$0x3FB4];
	_ =	sdelay $0x3  }
0x36: {  	p1 =	seq.s32 s10, $0x1;
	s10 =	sld [smem:$0x3FB5];
	_ =	sdelay $0x3  }
0x37: {  	[smem:$0x3FB5] =	sst s10  }
0x38: {  	s10 =	sld [smem:$0x3FB6]  }
0x39: {  	_ = 	snop;
	(pc) =	sbr.ind lr, $3  }
0x3a: {  	_ = 	snop  }
0x3b: {  	_ = 	snop  }
0x3c: {  	p2 =	seq.s32 s10, $0x1;
	s10 =	sld [smem:$0x3FB5]  }
0x3d: {  	_ =	shalt  }
0x3e: {  	_ =	shalt  }
0x3f: {  	_ =	shalt  }
0x40: {  	_ =	shalt  }
0x41: {  	_ =	shalt  }
0x42: {  	_ =	shalt  }
0x43: {  	_ =	shalt  }
0x44: {  	_ =	shalt  }
0x45: {  	_ =	shalt  }
0x46: {  	_ =	shalt  }
0x47: {  	_ =	shalt  }
0x48: {  	_ =	shalt  }
0x49: {  	_ =	shalt  }
0x4a: {  	_ =	shalt  }
0x4b: {  	_ =	shalt  }
0x4c: {  	_ =	shalt  }
0x4d: {  	_ =	shalt  }
0x4e: {  	_ =	shalt  }
0x4f: {  	_ =	shalt  }
0x50: {  	_ =	shalt  }
0x51: {  	_ =	shalt  }
0x52: {  	_ =	shalt  }
0x53: {  	_ =	shalt  }
0x54: {  	_ =	shalt  }
0x55: {  	_ =	shalt  }
0x56: {  	_ =	shalt  }
0x57: {  	_ =	shalt  }
0x58: {  	_ =	shalt  }
0x59: {  	_ =	shalt  }
0x5a: {  	_ =	shalt  }
0x5b: {  	_ =	shalt  }
0x5c: {  	_ =	shalt  }
0x5d: {  	_ =	shalt  }
0x5e: {  	_ =	shalt  }
0x5f: {  	_ =	shalt  }
0x60: {  	_ =	shalt  }
0x61: {  	_ =	shalt  }
0x62: {  	_ =	shalt  }
0x63: {  	_ =	shalt  }
0x64: {  	_ =	shalt  }
0x65: {  	_ =	shalt  }
0x66: {  	_ =	shalt  }
0x67: {  	_ =	shalt  }
0x68: {  	_ =	shalt  }
0x69: {  	_ =	shalt  }
0x6a: {  	_ =	shalt  }
0x6b: {  	_ =	shalt  }
0x6c: {  	_ =	shalt  }
0x6d: {  	_ =	shalt  }
0x6e: {  	_ =	shalt  }
0x6f: {  	_ =	shalt  }
0x70: {  	_ =	shalt  }
0x71: {  	_ =	shalt  }
0x72: {  	_ =	shalt  }
0x73: {  	_ =	shalt  }
0x74: {  	_ =	shalt  }
0x75: {  	_ =	shalt  }
0x76: {  	_ =	shalt  }
0x77: {  	_ =	shalt  }
0x78: {  	_ =	shalt  }
0x79: {  	_ =	shalt  }
0x7a: {  	_ =	shalt  }
0x7b: {  	_ =	shalt  }
0x7c: {  	_ =	shalt  }
0x7d: {  	_ =	shalt  }
0x7e: {  	_ =	shalt  }
0x7f: {  	_ =	shalt  }
0x80: {  	_ =	shalt  }
0x81: {  	_ =	shalt  }
0x82: {  	_ =	shalt  }
0x83: {  	_ =	shalt  }
0x84: {  	_ =	shalt  }
0x85: {  	_ =	shalt  }
0x86: {  	_ =	shalt  }
0x87: {  	_ =	shalt  }
.Lfunc_end0:
.L_simem_size_0:
called_computation.1_lowered:
.L_overlay_start_0:
0x88: {  	s2 =	sld [smem:$0x3FD9]  }
0x89: {  	s3 =	sld [smem:$0x3FFE];
	_ =	sdelay $0x1  }
0x8a: {  	s1 =	srdreg.scid  }
0x8b: {  	s0 =	sand.u32 $0x1, s1  }
0x8c: {  	s17 =	sshll.u32 s0, $0xA;
	s2 =	sadd.s32 s3, s2  }
0x8d: {  	s2 =	sadd.s32 s2, s17  }
0x8e: {  	[smem:$0x3FC1] =	sst s2  }
0x8f: {  	_ = 	snop  }
0x90: {  	s2 =	sld [smem:$0x3FD0];
	(tm) =	ssettm $0x1  }
0x91: {  	s18 =	sld [smem:$0x3FFB];
	_ =	sdelay $0x3  }
0x92: {  	_ =	strace s18  }
0x93: {  	s3 =	sld [smem:$0x3FFC];
	_ =	sdelay $0x3  }
0x94: {  	_ =	strace s3  }
0x95: {  	s3 =	sld [smem:$0x3FFD];
	_ =	sdelay $0x3  }
0x96: {  	_ =	strace s3  }
0x97: {  	_ =	strace $0x8FFFFFFF  }
0x98: {  	s19 =	sld [smem:$0x3FDB];
	_ =	sdelay $0x1  }
0x99: {  	s4 =	simm.s32 $_scs_section_size  }
0x9a: {  	s5 =	simm.s32 $_size__tile_overlayer_lowered;
	s6 =	simm.s32 $_tile_overlayer_lowered  }
0x9b: {  	s22 =	simm.s32 $0x1BFF;
	s21 =	sshll.u32 s6, $0x1;
	s3 =	sadd.s32 s4, s19  }
0x9c: {  	s7 =	simm.s32 $0x0;
	s20 =	sshll.u32 s5, $0x1;
	s5 =	sadd.s32 s21, s3  }
0x9d: {  	[timem:s7], [sflag:s22] =	dma.local [hbm:s5], s20  }
0x9e: {  	_ =	swait.ge [sflag:s22], s20  }
0x9f: {  	s4 =	ssub.s32 $0x0, s20;
	[sflag:s22] =	ssyncset.done $0x0  }
0xa0: {  	[sflag:s22] =	ssyncadd.s32 s4;
	_ =	sdelay $0x1  }
0xa1: {  	s23 =	simm.s32 $0x1B8B  }
0xa2: {  	_ =	swait.ge [sflag:s23], $0x1  }
0xa3: {  	[sflag:s23] =	ssyncset.done $0x0  }
0xa4: {  	s25 =	simm.s32 $0x1B8E;
	s24 =	sld [smem:$0x3FFE];
	[sflag:s23] =	ssyncadd.s32 $0xFFFFFFFF  }
0xa5: {  	s26 =	simm.s32 $execute0_lowered;
	[smem:$0x3FD2] =	sst s25  }
0xa6: {  	s5 =	sshll.u32 s26, $0x1;
	_ =	strace $0x80000049;
	[dreg:$0x1] =	wrdreg $0xFFFFFFFF  }
0xa7: {  	s28 =	simm.s32 $_size_execute0_lowered;
	s3 =	sadd.s32 s3, s5;
	[dreg:$0x0] =	wrdreg $0x0  }
0xa8: {  	s5 =	sshll.u32 s28, $0x1;
	[dreg:$0x2] =	wrdreg s3  }
0xa9: {  	[dreg:$0x3] =	wrdreg s5  }
0xaa: {  	[dreg:$0x4] =	wrdreg $0xC0  }
0xab: {  	_ =	task [dreg:s7], $0x5FFFF  }
0xac: {  	[dreg:$0x1] =	wrdreg $0xFFFFFFFF  }
0xad: {  	[dreg:$0x0] =	wrdreg $0x60  }
0xae: {  	[dreg:$0x2] =	wrdreg s24  }
0xaf: {  	[dreg:$0x3] =	wrdreg s2  }
0xb0: {  	[dreg:$0x4] =	wrdreg $0x9  }
0xb1: {  	_ =	task.clear_ibuf [dreg:s7], $0x5FFFF;
	_ =	strace $0x90000049  }
0xb2: {  	s29 =	simm.s32 $0x9;
	_ =	strace $0x8000004B  }
0xb3: {  	_ =	swait.ge [sflag:s29], $0x1  }
0xb4: {  	[sflag:s29] =	ssyncadd.s32 $0xFFFFFFFF  }
0xb5: {  	_ =	strace $0x9000004B  }
0xb6: {  	_ =	sfence  }
0xb7: {  	s30 =	sld [smem:$0x0];
	_ =	sdelay $0x2  }
0xb8: {  	s31 =	sshll.u32 s1, $0xD;
	s1 =	sshrl.u32 s1, $0x2  }
0xb9: {  	s3 =	sand.u32 $0x4000, s31;
	s1 =	sadd.s32 s1, s30  }
0xba: {  	s0 =	sor.u32 s3, s0;
	s1 =	sshll.u32 s1, $0x11  }
0xbb: {  	s0 =	sor.u32 s1, s0  }
0xbc: {  	s0 =	sadd.s32 $0x8F2B, s0  }
0xbd: {  	[sflag:s0] =	ssyncadd.remote.s32 $0x1  }
0xbe: {  	_ =	sfence.sel $0xFFFF  }
0xbf: {  	[dreg:$0x0] =	wrdreg $0xFFFFFFFF;
	(pc) =	sbr.abs _section_cstart, $3  }
0xc0: {  	[dreg:$0x1] =	wrdreg $0xFFFFFFFF  }
0xc1: {  	_ =	task.clear_ibuf [dreg:s7], $0x2FFFF;
	_ =	strace $0x9FFFFFFF  }
0xc2: {  	(tm) =	ssettm $0x7FFFFFFF  }
0xc3: {  	_ =	shalt  }
tec
execute0_lowered:
.L_overlay_start_1:
0x0: {  	(tag) =	ssettag $0x1  }
0x1: {  	s0 =	rddreg [dreg:$0x0]  }
0x2: {  	s2 =	rddreg [dreg:$0x1];
	s1 =	simm.s32 $0x0  }
0x3: {  	s4 =	srdreg.scid;
	s6 =	stileid.u32;
	s15 =	simm.s32 $0x4  }
0x4: {  	s16 =	simm.s32 $0x180;
	s18 =	simm.s32 $0x9180;
	s19 =	simm.s32 $0x9980  }
0x5: {  	s20 =	simm.s32 $0xA180;
	s21 =	simm.s32 $0xA980;
	s22 =	simm.s32 $0xB180  }
0x6: {  	s23 =	simm.s32 $0xB980;
	s24 =	simm.s32 $0xC180;
	s25 =	simm.s32 $0x1  }
0x7: {  	s26 =	simm.s32 $0x2;
	s28 =	simm.s32 $0x3;
	s29 =	simm.s32 $0x0  }
0x8: {  	[smem:$0x7FF] =	sst s1;
	s3 =	sadd.s32 $0xAB800, s0;
	s12 =	sadd.s32 $0x7B800, s0  }
0x9: {  	s10 =	sadd.s32 $0x3600, s0;
	s4 =	sand.u32 $0x1, s4;
	s6 =	sshll.u32 s6, $0x4  }
0xa: {  	s11 =	sadd.s32 $0x3400, s0;
	s5 =	ssub.s32 $0x2, s4;
	s4 =	sshll.u32 s4, $0x3  }
0xb: {  	_ =	strace $0x8000004A;
	s7 =	sshrl.u32 s5, $0x1;
	s8 =	sor.u32 s4, s6  }
0xc: {  	s6 =	sadd.s32 $0xAB900, s0;
	s14 =	ssub.s32 s5, s7;
	s4 =	sadd.s32 s10, s8  }
0xd: {  	s9 =	smul.u32 $0x300, s8;
	s5 =	sadd.s32 s11, s8;
	s13 =	sor.u32 $0x4, s8  }
0xe: {  	v2 =	vlaneseq.u32;
	s7 =	sadd.s32 $0xABA00, s0;
	s31 =	smul.u32 $0x300, s13;
	s10 =	sadd.s32 s10, s13  }
0xf: {  	vm0 =	vmmov $0xffff;
	v1 =	vshrl.u32 v2, $0x3;
	s11 =	sadd.s32 s11, s13;
	s14 =	smax.u32 s14, $0x1;
	s8 =	sadd.s32 s12, s9  }
0x10: {  	v0 =	vand.u32 $0x7, v2;
	v2 =	vor.u32 $0x8, v2;
	v1 =	vmul.u32 $0x8, v1;
	s9 =	sadd.s32 s2, s9;
	s12 =	sadd.s32 s12, s31;
	s13 =	sadd.s32 s2, s31  }
.LBB2_1:
0x11: {  	[tilespmem:s1], [sflag:$0x4] =	stream.linear.gather [hbm4b:s4+s1], $0x20, $0x38;
	[tilespmem:$0x12180] =	vst v63  }
0x12: {  	_ =	swait.ge [sflag:s15], $0x20  }
0x13: {  	[sflag:s15] =	ssyncset.done $0x0  }
0x14: {  	[sflag:s15] =	ssyncadd.s32 $0xFFFFFFE0  }
0x15: {  	v3 =	vld [tilespmem:$0x0]  }
0x16: {  	v4 =	vld [tilespmem:$0x10];
	_ =	sdelay $0x3  }
0x17: {  	v3 =	vtrunc.f32 v3  }
0x18: {  	v4 =	vtrunc.f32 v4;
	v3 =	vcvt.f32.s32 v3  }
0x19: {  	v4 =	vcvt.f32.s32 v4  }
0x1a: {  	[tilespmem:$0x80] =	vst v3  }
0x1b: {  	[tilespmem:$0x90] =	vst v4  }
0x1c: {  	[tilespmem:s1], [sflag:$0x4] =	stream.linear.gather [hbm4b:s5+s1], $0x20, $0x38;
	[tilespmem:$0x12180] =	vst v63  }
0x1d: {  	_ =	swait.ge [sflag:s15], $0x20  }
0x1e: {  	[sflag:s15] =	ssyncset.done $0x0  }
0x1f: {  	[sflag:s15] =	ssyncadd.s32 $0xFFFFFFE0  }
0x20: {  	v3 =	vld [tilespmem:$0x80];
	_ =	sdelay $0x4  }
0x21: {  	v4 =	vshrl.u32 v3, $0x3  }
0x22: {  	v5 =	vld [tilespmem:$0x0];
	v4 =	vmul.u32 $0x30, v4  }
0x23: {  	v6 =	vld [tilespmem:$0x10];
	v3 =	vand.u32 $0x7, v3  }
0x24: {  	v3 =	vor.u32 v3, v4  }
0x25: {  	v4 =	vperm.xlane v3, v0;
	_ =	sdelay $0x1  }
0x26: {  	v5 =	vtrunc.f32 v5;
	v4 =	vadd.s32 v1, v4  }
0x27: {  	v6 =	vtrunc.f32 v6;
	v5 =	vcvt.f32.s32 v5  }
0x28: {  	v6 =	vcvt.f32.s32 v6  }
0x29: {  	[tilespmem:$0x100] =	vst v5  }
0x2a: {  	[tilespmem:$0x110] =	vst v6;
	v3 =	vperm.xlane v3, v2  }
0x2b: {  	[tilespmem:s16], [sflag:$0x1] =	stream.indirect_vreg.gather [hbm4b:s3+s1], $0x80, v4, vm0, $0xb8;
	[tilespmem:$0x12180] =	vst v63  }
0x2c: {  	s0 =	simm.s32 $0x980;
	v3 =	vadd.s32 v1, v3  }
0x2d: {  	[tilespmem:s0], [sflag:$0x1] =	stream.indirect_vreg.gather [hbm4b:s6+s1], $0x80, v4, vm0, $0xb8;
	[tilespmem:$0x12180] =	vst v63  }
0x2e: {  	s17 =	simm.s32 $0x1180  }
0x2f: {  	[tilespmem:s17], [sflag:$0x1] =	stream.indirect_vreg.gather [hbm4b:s7+s1], $0x80, v4, vm0, $0xb8;
	[tilespmem:$0x12180] =	vst v63  }
0x30: {  	s2 =	simm.s32 $0x1980  }
0x31: {  	[tilespmem:s2], [sflag:$0x1] =	stream.indirect_vreg.gather [hbm4b:s3+s1], $0x80, v3, vm0, $0xb8;
	[tilespmem:$0x12180] =	vst v63  }
0x32: {  	s17 =	simm.s32 $0x2180  }
0x33: {  	[tilespmem:s17], [sflag:$0x1] =	stream.indirect_vreg.gather [hbm4b:s6+s1], $0x80, v3, vm0, $0xb8;
	[tilespmem:$0x12180] =	vst v63  }
0x34: {  	s2 =	simm.s32 $0x2980  }
0x35: {  	[tilespmem:s2], [sflag:$0x1] =	stream.indirect_vreg.gather [hbm4b:s7+s1], $0x80, v3, vm0, $0xb8;
	[tilespmem:$0x12180] =	vst v63  }
0x36: {  	v3 =	vld [tilespmem:$0x90];
	_ =	sdelay $0x4  }
0x37: {  	v4 =	vshrl.u32 v3, $0x3  }
0x38: {  	v4 =	vmul.u32 $0x30, v4  }
0x39: {  	v3 =	vand.u32 $0x7, v3  }
0x3a: {  	v3 =	vor.u32 v3, v4  }
0x3b: {  	v4 =	vperm.xlane v3, v0;
	_ =	sdelay $0x1  }
0x3c: {  	v4 =	vadd.s32 v1, v4;
	_ =	sdelay $0x3  }
0x3d: {  	s17 =	simm.s32 $0x3180;
	v3 =	vperm.xlane v3, v2  }
0x3e: {  	[tilespmem:s17], [sflag:$0x1] =	stream.indirect_vreg.gather [hbm4b:s3+s1], $0x80, v4, vm0, $0xb8;
	[tilespmem:$0x12180] =	vst v63  }
0x3f: {  	s2 =	simm.s32 $0x3980;
	v3 =	vadd.s32 v1, v3  }
0x40: {  	[tilespmem:s2], [sflag:$0x1] =	stream.indirect_vreg.gather [hbm4b:s6+s1], $0x80, v4, vm0, $0xb8;
	[tilespmem:$0x12180] =	vst v63  }
0x41: {  	s17 =	simm.s32 $0x4180  }
0x42: {  	[tilespmem:s17], [sflag:$0x1] =	stream.indirect_vreg.gather [hbm4b:s7+s1], $0x80, v4, vm0, $0xb8;
	[tilespmem:$0x12180] =	vst v63  }
0x43: {  	s2 =	simm.s32 $0x4980  }
0x44: {  	[tilespmem:s2], [sflag:$0x1] =	stream.indirect_vreg.gather [hbm4b:s3+s1], $0x80, v3, vm0, $0xb8;
	[tilespmem:$0x12180] =	vst v63  }
0x45: {  	s17 =	simm.s32 $0x5180  }
0x46: {  	[tilespmem:s17], [sflag:$0x1] =	stream.indirect_vreg.gather [hbm4b:s6+s1], $0x80, v3, vm0, $0xb8;
	[tilespmem:$0x12180] =	vst v63  }
0x47: {  	s2 =	simm.s32 $0x5980  }
0x48: {  	[tilespmem:s2], [sflag:$0x1] =	stream.indirect_vreg.gather [hbm4b:s7+s1], $0x80, v3, vm0, $0xb8;
	[tilespmem:$0x12180] =	vst v63  }
0x49: {  	v3 =	vld [tilespmem:$0x100];
	_ =	sdelay $0x4  }
0x4a: {  	v4 =	vshrl.u32 v3, $0x3  }
0x4b: {  	v4 =	vmul.u32 $0x30, v4  }
0x4c: {  	v3 =	vand.u32 $0x7, v3  }
0x4d: {  	v3 =	vor.u32 v3, v4  }
0x4e: {  	v4 =	vperm.xlane v3, v0;
	_ =	sdelay $0x1  }
0x4f: {  	v4 =	vadd.s32 v1, v4;
	_ =	sdelay $0x3  }
0x50: {  	s17 =	simm.s32 $0x6180;
	v3 =	vperm.xlane v3, v2  }
0x51: {  	[tilespmem:s17], [sflag:$0x2] =	stream.indirect_vreg.gather [hbm4b:s3+s1], $0x80, v4, vm0, $0xb8;
	[tilespmem:$0x12180] =	vst v63  }
0x52: {  	s2 =	simm.s32 $0x6980;
	v3 =	vadd.s32 v1, v3  }
0x53: {  	[tilespmem:s2], [sflag:$0x2] =	stream.indirect_vreg.gather [hbm4b:s6+s1], $0x80, v4, vm0, $0xb8;
	[tilespmem:$0x12180] =	vst v63  }
0x54: {  	s17 =	simm.s32 $0x7180  }
0x55: {  	[tilespmem:s17], [sflag:$0x2] =	stream.indirect_vreg.gather [hbm4b:s7+s1], $0x80, v4, vm0, $0xb8;
	[tilespmem:$0x12180] =	vst v63  }
0x56: {  	s2 =	simm.s32 $0x7980  }
0x57: {  	[tilespmem:s2], [sflag:$0x2] =	stream.indirect_vreg.gather [hbm4b:s3+s1], $0x80, v3, vm0, $0xb8;
	[tilespmem:$0x12180] =	vst v63  }
0x58: {  	s17 =	simm.s32 $0x8180  }
0x59: {  	[tilespmem:s17], [sflag:$0x2] =	stream.indirect_vreg.gather [hbm4b:s6+s1], $0x80, v3, vm0, $0xb8;
	[tilespmem:$0x12180] =	vst v63  }
0x5a: {  	s2 =	simm.s32 $0x8980  }
0x5b: {  	[tilespmem:s2], [sflag:$0x2] =	stream.indirect_vreg.gather [hbm4b:s7+s1], $0x80, v3, vm0, $0xb8;
	[tilespmem:$0x12180] =	vst v63  }
0x5c: {  	v3 =	vld [tilespmem:$0x110];
	_ =	sdelay $0x4  }
0x5d: {  	v4 =	vshrl.u32 v3, $0x3  }
0x5e: {  	v4 =	vmul.u32 $0x30, v4  }
0x5f: {  	v3 =	vand.u32 $0x7, v3  }
0x60: {  	v3 =	vor.u32 v3, v4  }
0x61: {  	v4 =	vperm.xlane v3, v0;
	_ =	sdelay $0x1  }
0x62: {  	v4 =	vadd.s32 v1, v4;
	_ =	sdelay $0x3  }
0x63: {  	v3 =	vperm.xlane v3, v2  }
0x64: {  	[tilespmem:s18], [sflag:$0x2] =	stream.indirect_vreg.gather [hbm4b:s3+s1], $0x80, v4, vm0, $0xb8;
	[tilespmem:$0x12180] =	vst v63  }
0x65: {  	v3 =	vadd.s32 v1, v3  }
0x66: {  	[tilespmem:s19], [sflag:$0x2] =	stream.indirect_vreg.gather [hbm4b:s6+s1], $0x80, v4, vm0, $0xb8;
	[tilespmem:$0x12180] =	vst v63  }
0x67: {  	_ = 	snop  }
0x68: {  	[tilespmem:s20], [sflag:$0x2] =	stream.indirect_vreg.gather [hbm4b:s7+s1], $0x80, v4, vm0, $0xb8;
	[tilespmem:$0x12180] =	vst v63  }
0x69: {  	_ = 	snop  }
0x6a: {  	[tilespmem:s21], [sflag:$0x2] =	stream.indirect_vreg.gather [hbm4b:s3+s1], $0x80, v3, vm0, $0xb8;
	[tilespmem:$0x12180] =	vst v63  }
0x6b: {  	_ = 	snop  }
0x6c: {  	[tilespmem:s22], [sflag:$0x2] =	stream.indirect_vreg.gather [hbm4b:s6+s1], $0x80, v3, vm0, $0xb8;
	[tilespmem:$0x12180] =	vst v63  }
0x6d: {  	_ = 	snop  }
0x6e: {  	[tilespmem:s23], [sflag:$0x2] =	stream.indirect_vreg.gather [hbm4b:s7+s1], $0x80, v3, vm0, $0xb8;
	[tilespmem:$0x12180] =	vst v63  }
0x6f: {  	_ = 	snop  }
0x70: {  	[tilespmem:s24], [sflag:$0x3] =	stream.linear.gather [hbm4b:s8+s1], $0x6000, $0x38;
	[tilespmem:$0x12180] =	vst v63  }
0x71: {  	_ =	swait.ge [sflag:s25], $0x6000  }
0x72: {  	[sflag:s25] =	ssyncset.done $0x0  }
0x73: {  	s17 =	simm.s32 $0x0;
	[sflag:s25] =	ssyncadd.s32 $0xFFFFA000  }
0x74: {  	s0 =	smul.u32 $0x1800, s17;
	_ =	swait.ge [sflag:s26], $0x6000  }
0x75: {  	s30 =	sand.u32 $0x380, s1;
	[sflag:s26] =	ssyncset.done $0x0  }
0x76: {  	s30 =	sor.u32 s30, s0;
	[sflag:s26] =	ssyncadd.s32 $0xFFFFA000  }
0x77: {  	v12 =	vld [tilespmem:s30+$0x6180]  }
0x78: {  	v13 =	vld [tilespmem:s30+$0x6190]  }
0x79: {  	v14 =	vld [tilespmem:s30+$0x61A0]  }
0x7a: {  	v15 =	vld [tilespmem:s30+$0x61B0]  }
0x7b: {  	v16 =	vld [tilespmem:s30+$0x61C0]  }
0x7c: {  	v17 =	vld [tilespmem:s30+$0x61D0]  }
0x7d: {  	v18 =	vld [tilespmem:s30+$0x61E0]  }
0x7e: {  	v19 =	vld [tilespmem:s30+$0x61F0]  }
0x7f: {  	v20 =	vld [tilespmem:s30+$0x6580]  }
0x80: {  	v21 =	vld [tilespmem:s30+$0x6590]  }
0x81: {  	v22 =	vld [tilespmem:s30+$0x65A0]  }
0x82: {  	v23 =	vld [tilespmem:s30+$0x65B0]  }
0x83: {  	v24 =	vld [tilespmem:s30+$0x65C0]  }
0x84: {  	v25 =	vld [tilespmem:s30+$0x65D0]  }
0x85: {  	v26 =	vld [tilespmem:s30+$0x65E0]  }
0x86: {  	v27 =	vld [tilespmem:s30+$0x65F0]  }
0x87: {  	v28 =	vld [tilespmem:s30+$0x6980]  }
0x88: {  	v29 =	vld [tilespmem:s30+$0x6990]  }
0x89: {  	v30 =	vld [tilespmem:s30+$0x69A0]  }
0x8a: {  	v31 =	vld [tilespmem:s30+$0x69B0]  }
0x8b: {  	v32 =	vld [tilespmem:s30+$0x69C0]  }
0x8c: {  	v33 =	vld [tilespmem:s30+$0x69D0]  }
0x8d: {  	v34 =	vld [tilespmem:s30+$0x69E0]  }
0x8e: {  	v35 =	vld [tilespmem:s30+$0x69F0]  }
0x8f: {  	v36 =	vld [tilespmem:s30+$0x6D80]  }
0x90: {  	v37 =	vld [tilespmem:s30+$0x6D90]  }
0x91: {  	v38 =	vld [tilespmem:s30+$0x6DA0]  }
0x92: {  	v39 =	vld [tilespmem:s30+$0x6DB0]  }
0x93: {  	v40 =	vld [tilespmem:s30+$0x6DC0]  }
0x94: {  	v41 =	vld [tilespmem:s30+$0x6DD0]  }
0x95: {  	v42 =	vld [tilespmem:s30+$0x6DE0]  }
0x96: {  	v43 =	vld [tilespmem:s30+$0x6DF0]  }
0x97: {  	v44 =	vld [tilespmem:s30+$0x7180]  }
0x98: {  	v45 =	vld [tilespmem:s30+$0x7190]  }
0x99: {  	v46 =	vld [tilespmem:s30+$0x71A0]  }
0x9a: {  	v47 =	vld [tilespmem:s30+$0x71B0]  }
0x9b: {  	v48 =	vld [tilespmem:s30+$0x71C0]  }
0x9c: {  	v49 =	vld [tilespmem:s30+$0x71D0]  }
0x9d: {  	v50 =	vld [tilespmem:s30+$0x71E0]  }
0x9e: {  	v11 =	vld [tilespmem:s30+$0x71F0]  }
0x9f: {  	v10 =	vld [tilespmem:s30+$0x7580]  }
0xa0: {  	v9 =	vld [tilespmem:s30+$0x7590]  }
0xa1: {  	v8 =	vld [tilespmem:s30+$0x75A0]  }
0xa2: {  	v7 =	vld [tilespmem:s30+$0x75B0]  }
0xa3: {  	v6 =	vld [tilespmem:s30+$0x75C0]  }
0xa4: {  	v51 =	vld [tilespmem:s30+$0x180]  }
0xa5: {  	v52 =	vld [tilespmem:s30+$0x190]  }
0xa6: {  	v53 =	vld [tilespmem:s30+$0x1A0]  }
0xa7: {  	v54 =	vld [tilespmem:s30+$0x1B0]  }
0xa8: {  	v55 =	vld [tilespmem:s30+$0x1C0]  }
0xa9: {  	v62 =	vld [tilespmem:s30+$0x1D0];
	v12 =	vadd.f32 v12, v51  }
0xaa: {  	v63 =	vld [tilespmem:s30+$0x1E0];
	v13 =	vadd.f32 v13, v52  }
0xab: {  	[tilespmem:s30+$0x180] =	vst v12;
	v12 =	vadd.f32 v14, v53;
	v14 =	vld [tilespmem:s30+$0x1F0]  }
0xac: {  	[tilespmem:s30+$0x190] =	vst v13;
	v13 =	vadd.f32 v15, v54;
	v15 =	vld [tilespmem:s30+$0x580]  }
0xad: {  	[tilespmem:s30+$0x1A0] =	vst v12;
	v12 =	vadd.f32 v16, v55;
	v16 =	vld [tilespmem:s30+$0x590]  }
0xae: {  	[tilespmem:s30+$0x1B0] =	vst v13;
	v13 =	vadd.f32 v17, v62;
	v17 =	vld [tilespmem:s30+$0x5A0]  }
0xaf: {  	v5 =	vld [tilespmem:s30+$0x75D0]  }
0xb0: {  	[tilespmem:s30+$0x1C0] =	vst v12;
	v12 =	vadd.f32 v18, v63;
	v18 =	vld [tilespmem:s30+$0x5F0]  }
0xb1: {  	[tilespmem:s30+$0x1D0] =	vst v13;
	v13 =	vadd.f32 v19, v14;
	v14 =	vld [tilespmem:s30+$0x5B0]  }
0xb2: {  	[tilespmem:s30+$0x1E0] =	vst v12;
	v12 =	vadd.f32 v20, v15;
	v15 =	vld [tilespmem:s30+$0x5C0]  }
0xb3: {  	[tilespmem:s30+$0x1F0] =	vst v13;
	v13 =	vadd.f32 v21, v16;
	v16 =	vadd.f32 v22, v17;
	v17 =	vld [tilespmem:s30+$0x5E0]  }
0xb4: {  	[tilespmem:s30+$0x580] =	vst v12;
	v12 =	vld [tilespmem:s30+$0x5D0]  }
0xb5: {  	[tilespmem:s30+$0x590] =	vst v13;
	v13 =	vld [tilespmem:s30+$0x980];
	v18 =	vadd.f32 v27, v18  }
0xb6: {  	[tilespmem:s30+$0x5A0] =	vst v16;
	v16 =	vld [tilespmem:s30+$0x990];
	v14 =	vadd.f32 v23, v14  }
0xb7: {  	v4 =	vld [tilespmem:s30+$0x75E0];
	v15 =	vadd.f32 v24, v15;
	[tilespmem:s30+$0x5F0] =	vst v18  }
0xb8: {  	[tilespmem:s30+$0x5B0] =	vst v14;
	v14 =	vld [tilespmem:s30+$0x9A0];
	v17 =	vadd.f32 v26, v17  }
0xb9: {  	v12 =	vadd.f32 v25, v12;
	[tilespmem:s30+$0x5C0] =	vst v15;
	v15 =	vld [tilespmem:s30+$0x9B0]  }
0xba: {  	v18 =	vld [tilespmem:s30+$0x9F0];
	[tilespmem:s30+$0x5E0] =	vst v17;
	v13 =	vadd.f32 v28, v13  }
0xbb: {  	v16 =	vadd.f32 v29, v16;
	[tilespmem:s30+$0x5D0] =	vst v12;
	v12 =	vld [tilespmem:s30+$0x9C0]  }
0xbc: {  	v17 =	vld [tilespmem:s30+$0x9D0];
	[tilespmem:s30+$0x980] =	vst v13  }
0xbd: {  	[tilespmem:s30+$0x990] =	vst v16;
	v16 =	vld [tilespmem:s30+$0x9E0];
	v13 =	vadd.f32 v30, v14  }
0xbe: {  	v14 =	vld [tilespmem:s30+$0xD80];
	v15 =	vadd.f32 v31, v15  }
0xbf: {  	[tilespmem:s30+$0x9A0] =	vst v13;
	v13 =	vld [tilespmem:s30+$0xD90]  }
0xc0: {  	v12 =	vadd.f32 v32, v12;
	[tilespmem:s30+$0x9B0] =	vst v15;
	v15 =	vld [tilespmem:s30+$0xDA0]  }
0xc1: {  	v3 =	vld [tilespmem:s30+$0x75F0];
	v17 =	vadd.f32 v33, v17  }
0xc2: {  	v16 =	vadd.f32 v34, v16;
	[tilespmem:s30+$0x9C0] =	vst v12;
	v12 =	vld [tilespmem:s30+$0xDB0]  }
0xc3: {  	[tilespmem:s30+$0x9D0] =	vst v17;
	v17 =	vld [tilespmem:s30+$0xDC0];
	v14 =	vadd.f32 v36, v14  }
0xc4: {  	v18 =	vadd.f32 v35, v18;
	[tilespmem:s30+$0x9E0] =	vst v16;
	v16 =	vld [tilespmem:s30+$0xDD0]  }
0xc5: {  	v13 =	vadd.f32 v37, v13;
	[tilespmem:s30+$0xD80] =	vst v14;
	v14 =	vadd.f32 v38, v15;
	v15 =	vld [tilespmem:s30+$0xDE0]  }
0xc6: {  	[tilespmem:s30+$0x9F0] =	vst v18;
	v18 =	vld [tilespmem:s30+$0xDF0]  }
0xc7: {  	[tilespmem:s30+$0xD90] =	vst v13;
	v13 =	vld [tilespmem:s30+$0x1180];
	v12 =	vadd.f32 v39, v12  }
0xc8: {  	v17 =	vadd.f32 v40, v17;
	[tilespmem:s30+$0xDA0] =	vst v14;
	v14 =	vld [tilespmem:s30+$0x1190]  }
0xc9: {  	v16 =	vadd.f32 v41, v16;
	[tilespmem:s30+$0xDB0] =	vst v12;
	v12 =	vld [tilespmem:s30+$0x11A0]  }
0xca: {  	[tilespmem:s30+$0xDC0] =	vst v17;
	v17 =	vld [tilespmem:s30+$0x11B0];
	v15 =	vadd.f32 v42, v15  }
0xcb: {  	v19 =	vld [tilespmem:s30+$0x11C0];
	[tilespmem:s30+$0xDD0] =	vst v16;
	v16 =	vadd.f32 v43, v18  }
0xcc: {  	v18 =	vld [tilespmem:s30+$0x11D0];
	v13 =	vadd.f32 v44, v13;
	[tilespmem:s30+$0xDE0] =	vst v15  }
0xcd: {  	v20 =	vld [tilespmem:s30+$0x11E0];
	[tilespmem:s30+$0xDF0] =	vst v16;
	v14 =	vadd.f32 v45, v14  }
0xce: {  	v16 =	vld [tilespmem:s30+$0x11F0];
	[tilespmem:s30+$0x1180] =	vst v13;
	v12 =	vadd.f32 v46, v12  }
0xcf: {  	v15 =	vld [tilespmem:s30+$0x1580];
	v13 =	vadd.f32 v47, v17;
	[tilespmem:s30+$0x1190] =	vst v14  }
0xd0: {  	v14 =	vld [tilespmem:s30+$0x1590];
	[tilespmem:s30+$0x11A0] =	vst v12;
	v12 =	vadd.f32 v48, v19  }
0xd1: {  	[tilespmem:s30+$0x11B0] =	vst v13;
	v13 =	vld [tilespmem:s30+$0x15A0];
	v18 =	vadd.f32 v49, v18  }
0xd2: {  	s31 =	simm.s32 $0x1;
	s0 =	simm.s32 $0x0;
	v17 =	vadd.f32 v50, v20;
	[tilespmem:s30+$0x11C0] =	vst v12;
	v12 =	vld [tilespmem:s30+$0x15B0]  }
.LBB2_2:
0xd3: {  	s2 =	sshrl.u32 s31, $0x3;
	p0 =	sne.s32 s31, $0x1F;
	[tilespmem:s30+$0x11D0] =	vst v18;
	v11 =	vadd.f32 v11, v16;
	v16 =	vld [tilespmem:s30+$0x15C0]  }
0xd4: {  	s0 =	sadd.s32 $0x80, s0;
	s2 =	smul.u32 $0x1800, s2;
	[tilespmem:s30+$0x11E0] =	vst v17;
	v10 =	vadd.f32 v10, v15;
	v15 =	vld [tilespmem:s30+$0x15D0]  }
0xd5: {  	s17 =	sand.u32 $0x380, s0;
	[tilespmem:s30+$0x11F0] =	vst v11;
	v9 =	vadd.f32 v9, v14;
	v11 =	vld [tilespmem:s30+$0x15E0]  }
0xd6: {  	s2 =	sor.u32 s17, s2;
	[tilespmem:s30+$0x1580] =	vst v10;
	v8 =	vadd.f32 v8, v13;
	v10 =	vld [tilespmem:s30+$0x15F0]  }
0xd7: {  	v39 =	vld [tilespmem:s2+$0x6180];
	[tilespmem:s30+$0x1590] =	vst v9;
	v7 =	vadd.f32 v7, v12  }
0xd8: {  	v40 =	vld [tilespmem:s2+$0x6190];
	[tilespmem:s30+$0x15A0] =	vst v8;
	v6 =	vadd.f32 v6, v16  }
0xd9: {  	v41 =	vld [tilespmem:s2+$0x61A0];
	[tilespmem:s30+$0x15B0] =	vst v7;
	v5 =	vadd.f32 v5, v15  }
0xda: {  	v42 =	vld [tilespmem:s2+$0x61B0];
	[tilespmem:s30+$0x15C0] =	vst v6;
	v4 =	vadd.f32 v4, v11  }
0xdb: {  	v43 =	vld [tilespmem:s2+$0x61C0];
	[tilespmem:s30+$0x15D0] =	vst v5;
	v3 =	vadd.f32 v3, v10  }
0xdc: {  	v44 =	vld [tilespmem:s2+$0x61D0];
	[tilespmem:s30+$0x15E0] =	vst v4  }
0xdd: {  	v45 =	vld [tilespmem:s2+$0x61E0];
	[tilespmem:s30+$0x15F0] =	vst v3;
	s30 =	smov.u32 s2  }
0xde: {  	v46 =	vld [tilespmem:s30+$0x61F0]  }
0xdf: {  	v47 =	vld [tilespmem:s30+$0x6580]  }
0xe0: {  	v48 =	vld [tilespmem:s30+$0x6590]  }
0xe1: {  	v49 =	vld [tilespmem:s30+$0x65A0]  }
0xe2: {  	v50 =	vld [tilespmem:s30+$0x65B0]  }
0xe3: {  	v38 =	vld [tilespmem:s30+$0x65C0]  }
0xe4: {  	v37 =	vld [tilespmem:s30+$0x65D0]  }
0xe5: {  	v36 =	vld [tilespmem:s30+$0x65E0]  }
0xe6: {  	v35 =	vld [tilespmem:s30+$0x65F0]  }
0xe7: {  	v34 =	vld [tilespmem:s30+$0x6980]  }
0xe8: {  	v33 =	vld [tilespmem:s30+$0x6990]  }
0xe9: {  	v32 =	vld [tilespmem:s30+$0x69A0]  }
0xea: {  	v31 =	vld [tilespmem:s30+$0x69B0]  }
0xeb: {  	v30 =	vld [tilespmem:s30+$0x69C0]  }
0xec: {  	v29 =	vld [tilespmem:s30+$0x69D0]  }
0xed: {  	v28 =	vld [tilespmem:s30+$0x69E0]  }
0xee: {  	v27 =	vld [tilespmem:s30+$0x69F0]  }
0xef: {  	v26 =	vld [tilespmem:s30+$0x6D80]  }
0xf0: {  	v25 =	vld [tilespmem:s30+$0x6D90]  }
0xf1: {  	v24 =	vld [tilespmem:s30+$0x6DA0]  }
0xf2: {  	v23 =	vld [tilespmem:s30+$0x6DB0]  }
0xf3: {  	v22 =	vld [tilespmem:s30+$0x6DC0]  }
0xf4: {  	v21 =	vld [tilespmem:s30+$0x6DD0]  }
0xf5: {  	v20 =	vld [tilespmem:s30+$0x6DE0]  }
0xf6: {  	v19 =	vld [tilespmem:s30+$0x6DF0]  }
0xf7: {  	v18 =	vld [tilespmem:s30+$0x7180]  }
0xf8: {  	v17 =	vld [tilespmem:s30+$0x7190]  }
0xf9: {  	v16 =	vld [tilespmem:s30+$0x71A0]  }
0xfa: {  	v15 =	vld [tilespmem:s30+$0x71B0]  }
0xfb: {  	v14 =	vld [tilespmem:s30+$0x71C0]  }
0xfc: {  	v13 =	vld [tilespmem:s30+$0x71D0]  }
0xfd: {  	v12 =	vld [tilespmem:s30+$0x71E0]  }
0xfe: {  	v11 =	vld [tilespmem:s30+$0x71F0]  }
0xff: {  	v10 =	vld [tilespmem:s30+$0x7580]  }
0x100: {  	v9 =	vld [tilespmem:s30+$0x7590]  }
0x101: {  	v8 =	vld [tilespmem:s30+$0x75A0]  }
0x102: {  	v7 =	vld [tilespmem:s30+$0x75B0]  }
0x103: {  	v6 =	vld [tilespmem:s30+$0x75C0]  }
0x104: {  	v5 =	vld [tilespmem:s30+$0x75D0]  }
0x105: {  	v4 =	vld [tilespmem:s30+$0x75E0]  }
0x106: {  	v3 =	vld [tilespmem:s30+$0x75F0]  }
0x107: {  	v51 =	vld [tilespmem:s30+$0x180]  }
0x108: {  	v52 =	vld [tilespmem:s30+$0x190]  }
0x109: {  	v53 =	vld [tilespmem:s30+$0x1A0]  }
0x10a: {  	v54 =	vld [tilespmem:s30+$0x1B0]  }
0x10b: {  	v55 =	vld [tilespmem:s30+$0x1C0]  }
0x10c: {  	v39 =	vadd.f32 v39, v51;
	v51 =	vld [tilespmem:s30+$0x1D0]  }
0x10d: {  	v40 =	vadd.f32 v40, v52;
	v52 =	vld [tilespmem:s30+$0x1E0]  }
0x10e: {  	[tilespmem:s30+$0x180] =	vst v39;
	v39 =	vadd.f32 v41, v53;
	v41 =	vld [tilespmem:s30+$0x1F0]  }
0x10f: {  	[tilespmem:s30+$0x190] =	vst v40;
	v40 =	vadd.f32 v42, v54;
	v42 =	vld [tilespmem:s30+$0x580]  }
0x110: {  	[tilespmem:s30+$0x1A0] =	vst v39;
	v39 =	vadd.f32 v43, v55;
	v43 =	vld [tilespmem:s30+$0x590]  }
0x111: {  	[tilespmem:s30+$0x1B0] =	vst v40;
	v40 =	vadd.f32 v44, v51;
	v44 =	vld [tilespmem:s30+$0x5A0]  }
0x112: {  	[tilespmem:s30+$0x1C0] =	vst v39;
	v39 =	vadd.f32 v45, v52;
	v45 =	vld [tilespmem:s30+$0x5B0]  }
0x113: {  	[tilespmem:s30+$0x1D0] =	vst v40;
	v40 =	vadd.f32 v46, v41;
	v41 =	vld [tilespmem:s30+$0x5C0]  }
0x114: {  	[tilespmem:s30+$0x1E0] =	vst v39;
	v39 =	vadd.f32 v47, v42;
	v42 =	vld [tilespmem:s30+$0x5D0]  }
0x115: {  	[tilespmem:s30+$0x1F0] =	vst v40;
	v40 =	vadd.f32 v48, v43;
	v43 =	vld [tilespmem:s30+$0x5E0]  }
0x116: {  	[tilespmem:s30+$0x580] =	vst v39;
	v39 =	vadd.f32 v49, v44;
	v44 =	vld [tilespmem:s30+$0x5F0]  }
0x117: {  	[tilespmem:s30+$0x590] =	vst v40;
	v40 =	vadd.f32 v50, v45;
	v45 =	vld [tilespmem:s30+$0x980]  }
0x118: {  	[tilespmem:s30+$0x5A0] =	vst v39;
	v38 =	vadd.f32 v38, v41;
	v39 =	vld [tilespmem:s30+$0x990]  }
0x119: {  	[tilespmem:s30+$0x5B0] =	vst v40;
	v37 =	vadd.f32 v37, v42;
	v40 =	vld [tilespmem:s30+$0x9A0]  }
0x11a: {  	[tilespmem:s30+$0x5C0] =	vst v38;
	v36 =	vadd.f32 v36, v43;
	v38 =	vld [tilespmem:s30+$0x9B0]  }
0x11b: {  	[tilespmem:s30+$0x5D0] =	vst v37;
	v35 =	vadd.f32 v35, v44;
	v37 =	vld [tilespmem:s30+$0x9C0]  }
0x11c: {  	[tilespmem:s30+$0x5E0] =	vst v36;
	v34 =	vadd.f32 v34, v45;
	v36 =	vld [tilespmem:s30+$0x9D0]  }
0x11d: {  	[tilespmem:s30+$0x5F0] =	vst v35;
	v33 =	vadd.f32 v33, v39;
	v35 =	vld [tilespmem:s30+$0x9E0]  }
0x11e: {  	[tilespmem:s30+$0x980] =	vst v34;
	v32 =	vadd.f32 v32, v40;
	v34 =	vld [tilespmem:s30+$0x9F0]  }
0x11f: {  	[tilespmem:s30+$0x990] =	vst v33;
	v31 =	vadd.f32 v31, v38;
	v33 =	vld [tilespmem:s30+$0xD80]  }
0x120: {  	[tilespmem:s30+$0x9A0] =	vst v32;
	v30 =	vadd.f32 v30, v37;
	v32 =	vld [tilespmem:s30+$0xD90]  }
0x121: {  	[tilespmem:s30+$0x9B0] =	vst v31;
	v29 =	vadd.f32 v29, v36;
	v31 =	vld [tilespmem:s30+$0xDA0]  }
0x122: {  	[tilespmem:s30+$0x9C0] =	vst v30;
	v28 =	vadd.f32 v28, v35;
	v30 =	vld [tilespmem:s30+$0xDB0]  }
0x123: {  	[tilespmem:s30+$0x9D0] =	vst v29;
	v27 =	vadd.f32 v27, v34;
	v29 =	vld [tilespmem:s30+$0xDC0]  }
0x124: {  	[tilespmem:s30+$0x9E0] =	vst v28;
	v26 =	vadd.f32 v26, v33;
	v28 =	vld [tilespmem:s30+$0xDD0]  }
0x125: {  	[tilespmem:s30+$0x9F0] =	vst v27;
	v25 =	vadd.f32 v25, v32;
	v27 =	vld [tilespmem:s30+$0xDE0]  }
0x126: {  	[tilespmem:s30+$0xD80] =	vst v26;
	v24 =	vadd.f32 v24, v31;
	v26 =	vld [tilespmem:s30+$0xDF0]  }
0x127: {  	[tilespmem:s30+$0xD90] =	vst v25;
	v23 =	vadd.f32 v23, v30;
	v25 =	vld [tilespmem:s30+$0x1180]  }
0x128: {  	[tilespmem:s30+$0xDA0] =	vst v24;
	v22 =	vadd.f32 v22, v29;
	v24 =	vld [tilespmem:s30+$0x1190]  }
0x129: {  	[tilespmem:s30+$0xDB0] =	vst v23;
	v21 =	vadd.f32 v21, v28;
	v23 =	vld [tilespmem:s30+$0x11A0]  }
0x12a: {  	[tilespmem:s30+$0xDC0] =	vst v22;
	v20 =	vadd.f32 v20, v27;
	v22 =	vld [tilespmem:s30+$0x11B0]  }
0x12b: {  	[tilespmem:s30+$0xDD0] =	vst v21;
	v19 =	vadd.f32 v19, v26;
	v21 =	vld [tilespmem:s30+$0x11C0]  }
0x12c: {  	[tilespmem:s30+$0xDE0] =	vst v20;
	v18 =	vadd.f32 v18, v25;
	v20 =	vld [tilespmem:s30+$0x11D0]  }
0x12d: {  	[tilespmem:s30+$0xDF0] =	vst v19;
	v17 =	vadd.f32 v17, v24;
	v19 =	vld [tilespmem:s30+$0x11E0]  }
.Ltmp0:
0x12e: {  	[tilespmem:s30+$0x1180] =	vst v18;
	v18 =	vadd.f32 v16, v23;
	v16 =	vld [tilespmem:s30+$0x11F0];
	(pc) =	sbr.rel @p0 .LBB2_2-.Ltmp0, $4  }
0x12f: {  	[tilespmem:s30+$0x1190] =	vst v17;
	v17 =	vadd.f32 v15, v22;
	v15 =	vld [tilespmem:s30+$0x1580]  }
0x130: {  	[tilespmem:s30+$0x11A0] =	vst v18;
	v21 =	vadd.f32 v14, v21;
	v14 =	vld [tilespmem:s30+$0x1590]  }
0x131: {  	[tilespmem:s30+$0x11B0] =	vst v17;
	v18 =	vadd.f32 v13, v20;
	v13 =	vld [tilespmem:s30+$0x15A0]  }
0x132: {  	s31 =	sadd.s32 $0x1, s31;
	[tilespmem:s30+$0x11C0] =	vst v21;
	v17 =	vadd.f32 v12, v19;
	v12 =	vld [tilespmem:s30+$0x15B0]  }
0x133: {  	[tilespmem:s30+$0x11D0] =	vst v18;
	v18 =	vld [tilespmem:s30+$0x15C0];
	v11 =	vadd.f32 v11, v16  }
0x134: {  	v16 =	vld [tilespmem:s30+$0x15D0];
	[tilespmem:s30+$0x11E0] =	vst v17;
	v10 =	vadd.f32 v10, v15  }
0x135: {  	[tilespmem:s30+$0x11F0] =	vst v11;
	v9 =	vadd.f32 v9, v14;
	v11 =	vld [tilespmem:s30+$0x15E0]  }
0x136: {  	[tilespmem:s30+$0x1580] =	vst v10;
	v8 =	vadd.f32 v8, v13;
	v10 =	vld [tilespmem:s30+$0x15F0]  }
0x137: {  	[tilespmem:s30+$0x1590] =	vst v9;
	v7 =	vadd.f32 v7, v12  }
0x138: {  	[tilespmem:s30+$0x15A0] =	vst v8;
	v6 =	vadd.f32 v6, v18  }
0x139: {  	v5 =	vadd.f32 v5, v16;
	[tilespmem:s30+$0x15B0] =	vst v7  }
0x13a: {  	[tilespmem:s30+$0x15C0] =	vst v6;
	v4 =	vadd.f32 v4, v11  }
0x13b: {  	[tilespmem:s30+$0x15D0] =	vst v5;
	v3 =	vadd.f32 v3, v10  }
0x13c: {  	[tilespmem:s30+$0x15E0] =	vst v4  }
0x13d: {  	s0 =	simm.s32 $0x0;
	[tilespmem:s30+$0x15F0] =	vst v3  }
0x13e: {  	s31 =	simm.s32 $0x0;
	s0 =	smul.u32 $0x1800, s0;
	_ =	swait.ge [sflag:s28], $0x6000  }
0x13f: {  	s2 =	sand.u32 $0x380, s31;
	[sflag:s28] =	ssyncset.done $0x0  }
0x140: {  	s30 =	sor.u32 s2, s0;
	[sflag:s28] =	ssyncadd.s32 $0xFFFFA000  }
0x141: {  	v12 =	vld [tilespmem:s30+$0xC180]  }
0x142: {  	v13 =	vld [tilespmem:s30+$0xC190]  }
0x143: {  	v14 =	vld [tilespmem:s30+$0xC1A0]  }
0x144: {  	v15 =	vld [tilespmem:s30+$0xC1B0]  }
0x145: {  	v16 =	vld [tilespmem:s30+$0xC1C0]  }
0x146: {  	v17 =	vld [tilespmem:s30+$0xC1D0]  }
0x147: {  	v18 =	vld [tilespmem:s30+$0xC1E0]  }
0x148: {  	v19 =	vld [tilespmem:s30+$0xC1F0]  }
0x149: {  	v20 =	vld [tilespmem:s30+$0xC580]  }
0x14a: {  	v21 =	vld [tilespmem:s30+$0xC590]  }
0x14b: {  	v22 =	vld [tilespmem:s30+$0xC5A0]  }
0x14c: {  	v23 =	vld [tilespmem:s30+$0xC5B0]  }
0x14d: {  	v24 =	vld [tilespmem:s30+$0xC5C0]  }
0x14e: {  	v25 =	vld [tilespmem:s30+$0xC5D0]  }
0x14f: {  	v26 =	vld [tilespmem:s30+$0xC5E0]  }
0x150: {  	v27 =	vld [tilespmem:s30+$0xC5F0]  }
0x151: {  	v28 =	vld [tilespmem:s30+$0xC980]  }
0x152: {  	v29 =	vld [tilespmem:s30+$0xC990]  }
0x153: {  	v30 =	vld [tilespmem:s30+$0xC9A0]  }
0x154: {  	v31 =	vld [tilespmem:s30+$0xC9B0]  }
0x155: {  	v32 =	vld [tilespmem:s30+$0xC9C0]  }
0x156: {  	v33 =	vld [tilespmem:s30+$0xC9D0]  }
0x157: {  	v34 =	vld [tilespmem:s30+$0xC9E0]  }
0x158: {  	v35 =	vld [tilespmem:s30+$0xC9F0]  }
0x159: {  	v36 =	vld [tilespmem:s30+$0xCD80]  }
0x15a: {  	v37 =	vld [tilespmem:s30+$0xCD90]  }
0x15b: {  	v38 =	vld [tilespmem:s30+$0xCDA0]  }
0x15c: {  	v39 =	vld [tilespmem:s30+$0xCDB0]  }
0x15d: {  	v40 =	vld [tilespmem:s30+$0xCDC0]  }
0x15e: {  	v41 =	vld [tilespmem:s30+$0xCDD0]  }
0x15f: {  	v42 =	vld [tilespmem:s30+$0xCDE0]  }
0x160: {  	v43 =	vld [tilespmem:s30+$0xCDF0]  }
0x161: {  	v44 =	vld [tilespmem:s30+$0xD180]  }
0x162: {  	v45 =	vld [tilespmem:s30+$0xD190]  }
0x163: {  	v46 =	vld [tilespmem:s30+$0xD1A0]  }
0x164: {  	v47 =	vld [tilespmem:s30+$0xD1B0]  }
0x165: {  	v48 =	vld [tilespmem:s30+$0xD1C0]  }
0x166: {  	v49 =	vld [tilespmem:s30+$0xD1D0]  }
0x167: {  	v50 =	vld [tilespmem:s30+$0xD1E0]  }
0x168: {  	v11 =	vld [tilespmem:s30+$0xD1F0]  }
0x169: {  	v10 =	vld [tilespmem:s30+$0xD580]  }
0x16a: {  	v9 =	vld [tilespmem:s30+$0xD590]  }
0x16b: {  	v8 =	vld [tilespmem:s30+$0xD5A0]  }
0x16c: {  	v7 =	vld [tilespmem:s30+$0xD5B0]  }
0x16d: {  	v6 =	vld [tilespmem:s30+$0xD5C0]  }
0x16e: {  	v51 =	vld [tilespmem:s30+$0x180]  }
0x16f: {  	v52 =	vld [tilespmem:s30+$0x190]  }
0x170: {  	v53 =	vld [tilespmem:s30+$0x1A0]  }
0x171: {  	v54 =	vld [tilespmem:s30+$0x1B0]  }
0x172: {  	v55 =	vld [tilespmem:s30+$0x1C0]  }
0x173: {  	v62 =	vld [tilespmem:s30+$0x1D0];
	v12 =	vadd.f32 v12, v51  }
0x174: {  	v63 =	vld [tilespmem:s30+$0x1E0];
	v13 =	vadd.f32 v13, v52  }
0x175: {  	[tilespmem:s30+$0x180] =	vst v12;
	v12 =	vadd.f32 v14, v53;
	v14 =	vld [tilespmem:s30+$0x1F0]  }
0x176: {  	[tilespmem:s30+$0x190] =	vst v13;
	v13 =	vadd.f32 v15, v54;
	v15 =	vld [tilespmem:s30+$0x580]  }
0x177: {  	[tilespmem:s30+$0x1A0] =	vst v12;
	v12 =	vadd.f32 v16, v55;
	v16 =	vld [tilespmem:s30+$0x590]  }
0x178: {  	[tilespmem:s30+$0x1B0] =	vst v13;
	v13 =	vadd.f32 v17, v62;
	v17 =	vld [tilespmem:s30+$0x5A0]  }
0x179: {  	v5 =	vld [tilespmem:s30+$0xD5D0]  }
0x17a: {  	[tilespmem:s30+$0x1C0] =	vst v12;
	v12 =	vadd.f32 v18, v63;
	v18 =	vld [tilespmem:s30+$0x5F0]  }
0x17b: {  	[tilespmem:s30+$0x1D0] =	vst v13;
	v13 =	vadd.f32 v19, v14;
	v14 =	vld [tilespmem:s30+$0x5B0]  }
0x17c: {  	[tilespmem:s30+$0x1E0] =	vst v12;
	v12 =	vadd.f32 v20, v15;
	v15 =	vld [tilespmem:s30+$0x5C0]  }
0x17d: {  	[tilespmem:s30+$0x1F0] =	vst v13;
	v13 =	vadd.f32 v21, v16;
	v16 =	vadd.f32 v22, v17;
	v17 =	vld [tilespmem:s30+$0x5E0]  }
0x17e: {  	[tilespmem:s30+$0x580] =	vst v12;
	v12 =	vld [tilespmem:s30+$0x5D0]  }
0x17f: {  	[tilespmem:s30+$0x590] =	vst v13;
	v13 =	vld [tilespmem:s30+$0x980];
	v18 =	vadd.f32 v27, v18  }
0x180: {  	[tilespmem:s30+$0x5A0] =	vst v16;
	v16 =	vld [tilespmem:s30+$0x990];
	v14 =	vadd.f32 v23, v14  }
0x181: {  	v4 =	vld [tilespmem:s30+$0xD5E0];
	v15 =	vadd.f32 v24, v15;
	[tilespmem:s30+$0x5F0] =	vst v18  }
0x182: {  	[tilespmem:s30+$0x5B0] =	vst v14;
	v14 =	vld [tilespmem:s30+$0x9A0];
	v17 =	vadd.f32 v26, v17  }
0x183: {  	v12 =	vadd.f32 v25, v12;
	[tilespmem:s30+$0x5C0] =	vst v15;
	v15 =	vld [tilespmem:s30+$0x9B0]  }
0x184: {  	v18 =	vld [tilespmem:s30+$0x9F0];
	[tilespmem:s30+$0x5E0] =	vst v17;
	v13 =	vadd.f32 v28, v13  }
0x185: {  	v16 =	vadd.f32 v29, v16;
	[tilespmem:s30+$0x5D0] =	vst v12;
	v12 =	vld [tilespmem:s30+$0x9C0]  }
0x186: {  	v17 =	vld [tilespmem:s30+$0x9D0];
	[tilespmem:s30+$0x980] =	vst v13  }
0x187: {  	[tilespmem:s30+$0x990] =	vst v16;
	v16 =	vld [tilespmem:s30+$0x9E0];
	v13 =	vadd.f32 v30, v14  }
0x188: {  	v14 =	vld [tilespmem:s30+$0xD80];
	v15 =	vadd.f32 v31, v15  }
0x189: {  	[tilespmem:s30+$0x9A0] =	vst v13;
	v13 =	vld [tilespmem:s30+$0xD90]  }
0x18a: {  	v12 =	vadd.f32 v32, v12;
	[tilespmem:s30+$0x9B0] =	vst v15;
	v15 =	vld [tilespmem:s30+$0xDA0]  }
0x18b: {  	v3 =	vld [tilespmem:s30+$0xD5F0];
	v17 =	vadd.f32 v33, v17  }
0x18c: {  	v16 =	vadd.f32 v34, v16;
	[tilespmem:s30+$0x9C0] =	vst v12;
	v12 =	vld [tilespmem:s30+$0xDB0]  }
0x18d: {  	[tilespmem:s30+$0x9D0] =	vst v17;
	v17 =	vld [tilespmem:s30+$0xDC0];
	v14 =	vadd.f32 v36, v14  }
0x18e: {  	v18 =	vadd.f32 v35, v18;
	[tilespmem:s30+$0x9E0] =	vst v16;
	v16 =	vld [tilespmem:s30+$0xDD0]  }
0x18f: {  	v13 =	vadd.f32 v37, v13;
	[tilespmem:s30+$0xD80] =	vst v14;
	v14 =	vadd.f32 v38, v15;
	v15 =	vld [tilespmem:s30+$0xDE0]  }
0x190: {  	[tilespmem:s30+$0x9F0] =	vst v18;
	v18 =	vld [tilespmem:s30+$0xDF0]  }
0x191: {  	[tilespmem:s30+$0xD90] =	vst v13;
	v13 =	vld [tilespmem:s30+$0x1180];
	v12 =	vadd.f32 v39, v12  }
0x192: {  	v17 =	vadd.f32 v40, v17;
	[tilespmem:s30+$0xDA0] =	vst v14;
	v14 =	vld [tilespmem:s30+$0x1190]  }
0x193: {  	v16 =	vadd.f32 v41, v16;
	[tilespmem:s30+$0xDB0] =	vst v12;
	v12 =	vld [tilespmem:s30+$0x11A0]  }
0x194: {  	[tilespmem:s30+$0xDC0] =	vst v17;
	v17 =	vld [tilespmem:s30+$0x11B0];
	v15 =	vadd.f32 v42, v15  }
0x195: {  	v19 =	vld [tilespmem:s30+$0x11C0];
	[tilespmem:s30+$0xDD0] =	vst v16;
	v16 =	vadd.f32 v43, v18  }
0x196: {  	v18 =	vld [tilespmem:s30+$0x11D0];
	v13 =	vadd.f32 v44, v13;
	[tilespmem:s30+$0xDE0] =	vst v15  }
0x197: {  	v20 =	vld [tilespmem:s30+$0x11E0];
	[tilespmem:s30+$0xDF0] =	vst v16;
	v14 =	vadd.f32 v45, v14  }
0x198: {  	v16 =	vld [tilespmem:s30+$0x11F0];
	[tilespmem:s30+$0x1180] =	vst v13;
	v12 =	vadd.f32 v46, v12  }
0x199: {  	v15 =	vld [tilespmem:s30+$0x1580];
	v13 =	vadd.f32 v47, v17;
	[tilespmem:s30+$0x1190] =	vst v14  }
0x19a: {  	v14 =	vld [tilespmem:s30+$0x1590];
	[tilespmem:s30+$0x11A0] =	vst v12;
	v12 =	vadd.f32 v48, v19  }
0x19b: {  	[tilespmem:s30+$0x11B0] =	vst v13;
	v13 =	vld [tilespmem:s30+$0x15A0];
	v18 =	vadd.f32 v49, v18  }
0x19c: {  	s0 =	simm.s32 $0x1;
	v17 =	vadd.f32 v50, v20;
	[tilespmem:s30+$0x11C0] =	vst v12;
	v12 =	vld [tilespmem:s30+$0x15B0]  }
.LBB2_4:
0x19d: {  	s2 =	sshrl.u32 s0, $0x3;
	p0 =	sne.s32 s0, $0x1F;
	[tilespmem:s30+$0x11D0] =	vst v18;
	v11 =	vadd.f32 v11, v16;
	v16 =	vld [tilespmem:s30+$0x15C0]  }
0x19e: {  	s31 =	sadd.s32 $0x80, s31;
	s2 =	smul.u32 $0x1800, s2;
	[tilespmem:s30+$0x11E0] =	vst v17;
	v10 =	vadd.f32 v10, v15;
	v15 =	vld [tilespmem:s30+$0x15D0]  }
0x19f: {  	s17 =	sand.u32 $0x380, s31;
	[tilespmem:s30+$0x11F0] =	vst v11;
	v9 =	vadd.f32 v9, v14;
	v11 =	vld [tilespmem:s30+$0x15E0]  }
0x1a0: {  	s2 =	sor.u32 s17, s2;
	[tilespmem:s30+$0x1580] =	vst v10;
	v8 =	vadd.f32 v8, v13;
	v10 =	vld [tilespmem:s30+$0x15F0]  }
0x1a1: {  	v39 =	vld [tilespmem:s2+$0xC180];
	[tilespmem:s30+$0x1590] =	vst v9;
	v7 =	vadd.f32 v7, v12  }
0x1a2: {  	v40 =	vld [tilespmem:s2+$0xC190];
	[tilespmem:s30+$0x15A0] =	vst v8;
	v6 =	vadd.f32 v6, v16  }
0x1a3: {  	v41 =	vld [tilespmem:s2+$0xC1A0];
	[tilespmem:s30+$0x15B0] =	vst v7;
	v5 =	vadd.f32 v5, v15  }
0x1a4: {  	v42 =	vld [tilespmem:s2+$0xC1B0];
	[tilespmem:s30+$0x15C0] =	vst v6;
	v4 =	vadd.f32 v4, v11  }
0x1a5: {  	v43 =	vld [tilespmem:s2+$0xC1C0];
	[tilespmem:s30+$0x15D0] =	vst v5;
	v3 =	vadd.f32 v3, v10  }
0x1a6: {  	v44 =	vld [tilespmem:s2+$0xC1D0];
	[tilespmem:s30+$0x15E0] =	vst v4  }
0x1a7: {  	v45 =	vld [tilespmem:s2+$0xC1E0];
	[tilespmem:s30+$0x15F0] =	vst v3;
	s30 =	smov.u32 s2  }
0x1a8: {  	v46 =	vld [tilespmem:s30+$0xC1F0]  }
0x1a9: {  	v47 =	vld [tilespmem:s30+$0xC580]  }
0x1aa: {  	v48 =	vld [tilespmem:s30+$0xC590]  }
0x1ab: {  	v49 =	vld [tilespmem:s30+$0xC5A0]  }
0x1ac: {  	v50 =	vld [tilespmem:s30+$0xC5B0]  }
0x1ad: {  	v38 =	vld [tilespmem:s30+$0xC5C0]  }
0x1ae: {  	v37 =	vld [tilespmem:s30+$0xC5D0]  }
0x1af: {  	v36 =	vld [tilespmem:s30+$0xC5E0]  }
0x1b0: {  	v35 =	vld [tilespmem:s30+$0xC5F0]  }
0x1b1: {  	v34 =	vld [tilespmem:s30+$0xC980]  }
0x1b2: {  	v33 =	vld [tilespmem:s30+$0xC990]  }
0x1b3: {  	v32 =	vld [tilespmem:s30+$0xC9A0]  }
0x1b4: {  	v31 =	vld [tilespmem:s30+$0xC9B0]  }
0x1b5: {  	v30 =	vld [tilespmem:s30+$0xC9C0]  }
0x1b6: {  	v29 =	vld [tilespmem:s30+$0xC9D0]  }
0x1b7: {  	v28 =	vld [tilespmem:s30+$0xC9E0]  }
0x1b8: {  	v27 =	vld [tilespmem:s30+$0xC9F0]  }
0x1b9: {  	v26 =	vld [tilespmem:s30+$0xCD80]  }
0x1ba: {  	v25 =	vld [tilespmem:s30+$0xCD90]  }
0x1bb: {  	v24 =	vld [tilespmem:s30+$0xCDA0]  }
0x1bc: {  	v23 =	vld [tilespmem:s30+$0xCDB0]  }
0x1bd: {  	v22 =	vld [tilespmem:s30+$0xCDC0]  }
0x1be: {  	v21 =	vld [tilespmem:s30+$0xCDD0]  }
0x1bf: {  	v20 =	vld [tilespmem:s30+$0xCDE0]  }
0x1c0: {  	v19 =	vld [tilespmem:s30+$0xCDF0]  }
0x1c1: {  	v18 =	vld [tilespmem:s30+$0xD180]  }
0x1c2: {  	v17 =	vld [tilespmem:s30+$0xD190]  }
0x1c3: {  	v16 =	vld [tilespmem:s30+$0xD1A0]  }
0x1c4: {  	v15 =	vld [tilespmem:s30+$0xD1B0]  }
0x1c5: {  	v14 =	vld [tilespmem:s30+$0xD1C0]  }
0x1c6: {  	v13 =	vld [tilespmem:s30+$0xD1D0]  }
0x1c7: {  	v12 =	vld [tilespmem:s30+$0xD1E0]  }
0x1c8: {  	v11 =	vld [tilespmem:s30+$0xD1F0]  }
0x1c9: {  	v10 =	vld [tilespmem:s30+$0xD580]  }
0x1ca: {  	v9 =	vld [tilespmem:s30+$0xD590]  }
0x1cb: {  	v8 =	vld [tilespmem:s30+$0xD5A0]  }
0x1cc: {  	v7 =	vld [tilespmem:s30+$0xD5B0]  }
0x1cd: {  	v6 =	vld [tilespmem:s30+$0xD5C0]  }
0x1ce: {  	v5 =	vld [tilespmem:s30+$0xD5D0]  }
0x1cf: {  	v4 =	vld [tilespmem:s30+$0xD5E0]  }
0x1d0: {  	v3 =	vld [tilespmem:s30+$0xD5F0]  }
0x1d1: {  	v51 =	vld [tilespmem:s30+$0x180]  }
0x1d2: {  	v52 =	vld [tilespmem:s30+$0x190]  }
0x1d3: {  	v53 =	vld [tilespmem:s30+$0x1A0]  }
0x1d4: {  	v54 =	vld [tilespmem:s30+$0x1B0]  }
0x1d5: {  	v55 =	vld [tilespmem:s30+$0x1C0]  }
0x1d6: {  	v39 =	vadd.f32 v39, v51;
	v51 =	vld [tilespmem:s30+$0x1D0]  }
0x1d7: {  	v40 =	vadd.f32 v40, v52;
	v52 =	vld [tilespmem:s30+$0x1E0]  }
0x1d8: {  	[tilespmem:s30+$0x180] =	vst v39;
	v39 =	vadd.f32 v41, v53;
	v41 =	vld [tilespmem:s30+$0x1F0]  }
0x1d9: {  	[tilespmem:s30+$0x190] =	vst v40;
	v40 =	vadd.f32 v42, v54;
	v42 =	vld [tilespmem:s30+$0x580]  }
0x1da: {  	[tilespmem:s30+$0x1A0] =	vst v39;
	v39 =	vadd.f32 v43, v55;
	v43 =	vld [tilespmem:s30+$0x590]  }
0x1db: {  	[tilespmem:s30+$0x1B0] =	vst v40;
	v40 =	vadd.f32 v44, v51;
	v44 =	vld [tilespmem:s30+$0x5A0]  }
0x1dc: {  	[tilespmem:s30+$0x1C0] =	vst v39;
	v39 =	vadd.f32 v45, v52;
	v45 =	vld [tilespmem:s30+$0x5B0]  }
0x1dd: {  	[tilespmem:s30+$0x1D0] =	vst v40;
	v40 =	vadd.f32 v46, v41;
	v41 =	vld [tilespmem:s30+$0x5C0]  }
0x1de: {  	[tilespmem:s30+$0x1E0] =	vst v39;
	v39 =	vadd.f32 v47, v42;
	v42 =	vld [tilespmem:s30+$0x5D0]  }
0x1df: {  	[tilespmem:s30+$0x1F0] =	vst v40;
	v40 =	vadd.f32 v48, v43;
	v43 =	vld [tilespmem:s30+$0x5E0]  }
0x1e0: {  	[tilespmem:s30+$0x580] =	vst v39;
	v39 =	vadd.f32 v49, v44;
	v44 =	vld [tilespmem:s30+$0x5F0]  }
0x1e1: {  	[tilespmem:s30+$0x590] =	vst v40;
	v40 =	vadd.f32 v50, v45;
	v45 =	vld [tilespmem:s30+$0x980]  }
0x1e2: {  	[tilespmem:s30+$0x5A0] =	vst v39;
	v38 =	vadd.f32 v38, v41;
	v39 =	vld [tilespmem:s30+$0x990]  }
0x1e3: {  	[tilespmem:s30+$0x5B0] =	vst v40;
	v37 =	vadd.f32 v37, v42;
	v40 =	vld [tilespmem:s30+$0x9A0]  }
0x1e4: {  	[tilespmem:s30+$0x5C0] =	vst v38;
	v36 =	vadd.f32 v36, v43;
	v38 =	vld [tilespmem:s30+$0x9B0]  }
0x1e5: {  	[tilespmem:s30+$0x5D0] =	vst v37;
	v35 =	vadd.f32 v35, v44;
	v37 =	vld [tilespmem:s30+$0x9C0]  }
0x1e6: {  	[tilespmem:s30+$0x5E0] =	vst v36;
	v34 =	vadd.f32 v34, v45;
	v36 =	vld [tilespmem:s30+$0x9D0]  }
0x1e7: {  	[tilespmem:s30+$0x5F0] =	vst v35;
	v33 =	vadd.f32 v33, v39;
	v35 =	vld [tilespmem:s30+$0x9E0]  }
0x1e8: {  	[tilespmem:s30+$0x980] =	vst v34;
	v32 =	vadd.f32 v32, v40;
	v34 =	vld [tilespmem:s30+$0x9F0]  }
0x1e9: {  	[tilespmem:s30+$0x990] =	vst v33;
	v31 =	vadd.f32 v31, v38;
	v33 =	vld [tilespmem:s30+$0xD80]  }
0x1ea: {  	[tilespmem:s30+$0x9A0] =	vst v32;
	v30 =	vadd.f32 v30, v37;
	v32 =	vld [tilespmem:s30+$0xD90]  }
0x1eb: {  	[tilespmem:s30+$0x9B0] =	vst v31;
	v29 =	vadd.f32 v29, v36;
	v31 =	vld [tilespmem:s30+$0xDA0]  }
0x1ec: {  	[tilespmem:s30+$0x9C0] =	vst v30;
	v28 =	vadd.f32 v28, v35;
	v30 =	vld [tilespmem:s30+$0xDB0]  }
0x1ed: {  	[tilespmem:s30+$0x9D0] =	vst v29;
	v27 =	vadd.f32 v27, v34;
	v29 =	vld [tilespmem:s30+$0xDC0]  }
0x1ee: {  	[tilespmem:s30+$0x9E0] =	vst v28;
	v26 =	vadd.f32 v26, v33;
	v28 =	vld [tilespmem:s30+$0xDD0]  }
0x1ef: {  	[tilespmem:s30+$0x9F0] =	vst v27;
	v25 =	vadd.f32 v25, v32;
	v27 =	vld [tilespmem:s30+$0xDE0]  }
0x1f0: {  	[tilespmem:s30+$0xD80] =	vst v26;
	v24 =	vadd.f32 v24, v31;
	v26 =	vld [tilespmem:s30+$0xDF0]  }
0x1f1: {  	[tilespmem:s30+$0xD90] =	vst v25;
	v23 =	vadd.f32 v23, v30;
	v25 =	vld [tilespmem:s30+$0x1180]  }
0x1f2: {  	[tilespmem:s30+$0xDA0] =	vst v24;
	v22 =	vadd.f32 v22, v29;
	v24 =	vld [tilespmem:s30+$0x1190]  }
0x1f3: {  	[tilespmem:s30+$0xDB0] =	vst v23;
	v21 =	vadd.f32 v21, v28;
	v23 =	vld [tilespmem:s30+$0x11A0]  }
0x1f4: {  	[tilespmem:s30+$0xDC0] =	vst v22;
	v20 =	vadd.f32 v20, v27;
	v22 =	vld [tilespmem:s30+$0x11B0]  }
0x1f5: {  	[tilespmem:s30+$0xDD0] =	vst v21;
	v19 =	vadd.f32 v19, v26;
	v21 =	vld [tilespmem:s30+$0x11C0]  }
0x1f6: {  	[tilespmem:s30+$0xDE0] =	vst v20;
	v18 =	vadd.f32 v18, v25;
	v20 =	vld [tilespmem:s30+$0x11D0]  }
0x1f7: {  	[tilespmem:s30+$0xDF0] =	vst v19;
	v17 =	vadd.f32 v17, v24;
	v19 =	vld [tilespmem:s30+$0x11E0]  }
.Ltmp1:
0x1f8: {  	[tilespmem:s30+$0x1180] =	vst v18;
	v18 =	vadd.f32 v16, v23;
	v16 =	vld [tilespmem:s30+$0x11F0];
	(pc) =	sbr.rel @p0 .LBB2_4-.Ltmp1, $4  }
0x1f9: {  	[tilespmem:s30+$0x1190] =	vst v17;
	v17 =	vadd.f32 v15, v22;
	v15 =	vld [tilespmem:s30+$0x1580]  }
0x1fa: {  	[tilespmem:s30+$0x11A0] =	vst v18;
	v21 =	vadd.f32 v14, v21;
	v14 =	vld [tilespmem:s30+$0x1590]  }
0x1fb: {  	[tilespmem:s30+$0x11B0] =	vst v17;
	v18 =	vadd.f32 v13, v20;
	v13 =	vld [tilespmem:s30+$0x15A0]  }
0x1fc: {  	s0 =	sadd.s32 $0x1, s0;
	[tilespmem:s30+$0x11C0] =	vst v21;
	v17 =	vadd.f32 v12, v19;
	v12 =	vld [tilespmem:s30+$0x15B0]  }
0x1fd: {  	[tilespmem:s30+$0x11D0] =	vst v18;
	v18 =	vld [tilespmem:s30+$0x15C0];
	v11 =	vadd.f32 v11, v16  }
0x1fe: {  	v16 =	vld [tilespmem:s30+$0x15D0];
	[tilespmem:s30+$0x11E0] =	vst v17;
	v10 =	vadd.f32 v10, v15  }
0x1ff: {  	[tilespmem:s30+$0x11F0] =	vst v11;
	v9 =	vadd.f32 v9, v14;
	v11 =	vld [tilespmem:s30+$0x15E0]  }
0x200: {  	[tilespmem:s30+$0x1580] =	vst v10;
	v8 =	vadd.f32 v8, v13;
	v10 =	vld [tilespmem:s30+$0x15F0]  }
0x201: {  	[tilespmem:s30+$0x1590] =	vst v9;
	v7 =	vadd.f32 v7, v12  }
0x202: {  	[tilespmem:s30+$0x15A0] =	vst v8;
	v6 =	vadd.f32 v6, v18  }
0x203: {  	v5 =	vadd.f32 v5, v16;
	[tilespmem:s30+$0x15B0] =	vst v7  }
0x204: {  	[tilespmem:s30+$0x15C0] =	vst v6;
	v4 =	vadd.f32 v4, v11  }
0x205: {  	[tilespmem:s30+$0x15D0] =	vst v5;
	v3 =	vadd.f32 v3, v10  }
0x206: {  	[tilespmem:s30+$0x15E0] =	vst v4  }
0x207: {  	[tilespmem:s30+$0x15F0] =	vst v3;
	s30 =	simm.s32 $0x0  }
0x208: {  	[hbm4b:s9+s30] =	stream.linear.scatter [tilespmem:s16], [sflag:$0x4], $0x6000, $0x38;
	[tilespmem:$0x12180] =	vst v63  }
0x209: {  	_ =	swait.ge [sflag:s15], $0x6000  }
0x20a: {  	[sflag:s15] =	ssyncset.done $0x0  }
0x20b: {  	[sflag:s15] =	ssyncadd.s32 $0xFFFFA000  }
0x20c: {  	[tilespmem:s30], [sflag:$0x4] =	stream.linear.gather [hbm4b:s10+s30], $0x20, $0x38;
	[tilespmem:$0x12180] =	vst v63  }
0x20d: {  	_ =	swait.ge [sflag:s15], $0x20  }
0x20e: {  	[sflag:s15] =	ssyncset.done $0x0  }
0x20f: {  	[sflag:s15] =	ssyncadd.s32 $0xFFFFFFE0  }
0x210: {  	v3 =	vld [tilespmem:$0x0]  }
0x211: {  	v4 =	vld [tilespmem:$0x10];
	_ =	sdelay $0x3  }
0x212: {  	v3 =	vtrunc.f32 v3  }
0x213: {  	v4 =	vtrunc.f32 v4;
	v3 =	vcvt.f32.s32 v3  }
0x214: {  	v4 =	vcvt.f32.s32 v4  }
0x215: {  	[tilespmem:$0x80] =	vst v3  }
0x216: {  	[tilespmem:$0x90] =	vst v4  }
0x217: {  	[tilespmem:s30], [sflag:$0x4] =	stream.linear.gather [hbm4b:s11+s30], $0x20, $0x38;
	[tilespmem:$0x12180] =	vst v63  }
0x218: {  	_ =	swait.ge [sflag:s15], $0x20  }
0x219: {  	[sflag:s15] =	ssyncset.done $0x0  }
0x21a: {  	[sflag:s15] =	ssyncadd.s32 $0xFFFFFFE0  }
0x21b: {  	v3 =	vld [tilespmem:$0x80];
	_ =	sdelay $0x4  }
0x21c: {  	v4 =	vshrl.u32 v3, $0x3  }
0x21d: {  	v5 =	vld [tilespmem:$0x0];
	v4 =	vmul.u32 $0x30, v4  }
0x21e: {  	v6 =	vld [tilespmem:$0x10];
	v3 =	vand.u32 $0x7, v3  }
0x21f: {  	v3 =	vor.u32 v3, v4  }
0x220: {  	v4 =	vperm.xlane v3, v0;
	_ =	sdelay $0x1  }
0x221: {  	v5 =	vtrunc.f32 v5;
	v4 =	vadd.s32 v1, v4  }
0x222: {  	v6 =	vtrunc.f32 v6;
	v5 =	vcvt.f32.s32 v5  }
0x223: {  	v6 =	vcvt.f32.s32 v6  }
0x224: {  	[tilespmem:$0x100] =	vst v5  }
0x225: {  	[tilespmem:$0x110] =	vst v6;
	v3 =	vperm.xlane v3, v2  }
0x226: {  	[tilespmem:s16], [sflag:$0x1] =	stream.indirect_vreg.gather [hbm4b:s3+s30], $0x80, v4, vm0, $0xb8;
	[tilespmem:$0x12180] =	vst v63  }
0x227: {  	s0 =	simm.s32 $0x980;
	v3 =	vadd.s32 v1, v3  }
0x228: {  	[tilespmem:s0], [sflag:$0x1] =	stream.indirect_vreg.gather [hbm4b:s6+s30], $0x80, v4, vm0, $0xb8;
	[tilespmem:$0x12180] =	vst v63  }
0x229: {  	s17 =	simm.s32 $0x1180  }
0x22a: {  	[tilespmem:s17], [sflag:$0x1] =	stream.indirect_vreg.gather [hbm4b:s7+s30], $0x80, v4, vm0, $0xb8;
	[tilespmem:$0x12180] =	vst v63  }
0x22b: {  	s2 =	simm.s32 $0x1980  }
0x22c: {  	[tilespmem:s2], [sflag:$0x1] =	stream.indirect_vreg.gather [hbm4b:s3+s30], $0x80, v3, vm0, $0xb8;
	[tilespmem:$0x12180] =	vst v63  }
0x22d: {  	s17 =	simm.s32 $0x2180  }
0x22e: {  	[tilespmem:s17], [sflag:$0x1] =	stream.indirect_vreg.gather [hbm4b:s6+s30], $0x80, v3, vm0, $0xb8;
	[tilespmem:$0x12180] =	vst v63  }
0x22f: {  	s2 =	simm.s32 $0x2980  }
0x230: {  	[tilespmem:s2], [sflag:$0x1] =	stream.indirect_vreg.gather [hbm4b:s7+s30], $0x80, v3, vm0, $0xb8;
	[tilespmem:$0x12180] =	vst v63  }
0x231: {  	v3 =	vld [tilespmem:$0x90];
	_ =	sdelay $0x4  }
0x232: {  	v4 =	vshrl.u32 v3, $0x3  }
0x233: {  	v4 =	vmul.u32 $0x30, v4  }
0x234: {  	v3 =	vand.u32 $0x7, v3  }
0x235: {  	v3 =	vor.u32 v3, v4  }
0x236: {  	v4 =	vperm.xlane v3, v0;
	_ =	sdelay $0x1  }
0x237: {  	v4 =	vadd.s32 v1, v4;
	_ =	sdelay $0x3  }
0x238: {  	s17 =	simm.s32 $0x3180;
	v3 =	vperm.xlane v3, v2  }
0x239: {  	[tilespmem:s17], [sflag:$0x1] =	stream.indirect_vreg.gather [hbm4b:s3+s30], $0x80, v4, vm0, $0xb8;
	[tilespmem:$0x12180] =	vst v63  }
0x23a: {  	s2 =	simm.s32 $0x3980;
	v3 =	vadd.s32 v1, v3  }
0x23b: {  	[tilespmem:s2], [sflag:$0x1] =	stream.indirect_vreg.gather [hbm4b:s6+s30], $0x80, v4, vm0, $0xb8;
	[tilespmem:$0x12180] =	vst v63  }
0x23c: {  	s17 =	simm.s32 $0x4180  }
0x23d: {  	[tilespmem:s17], [sflag:$0x1] =	stream.indirect_vreg.gather [hbm4b:s7+s30], $0x80, v4, vm0, $0xb8;
	[tilespmem:$0x12180] =	vst v63  }
0x23e: {  	s2 =	simm.s32 $0x4980  }
0x23f: {  	[tilespmem:s2], [sflag:$0x1] =	stream.indirect_vreg.gather [hbm4b:s3+s30], $0x80, v3, vm0, $0xb8;
	[tilespmem:$0x12180] =	vst v63  }
0x240: {  	s17 =	simm.s32 $0x5180  }
0x241: {  	[tilespmem:s17], [sflag:$0x1] =	stream.indirect_vreg.gather [hbm4b:s6+s30], $0x80, v3, vm0, $0xb8;
	[tilespmem:$0x12180] =	vst v63  }
0x242: {  	s2 =	simm.s32 $0x5980  }
0x243: {  	[tilespmem:s2], [sflag:$0x1] =	stream.indirect_vreg.gather [hbm4b:s7+s30], $0x80, v3, vm0, $0xb8;
	[tilespmem:$0x12180] =	vst v63  }
0x244: {  	v3 =	vld [tilespmem:$0x100];
	_ =	sdelay $0x4  }
0x245: {  	v4 =	vshrl.u32 v3, $0x3  }
0x246: {  	v4 =	vmul.u32 $0x30, v4  }
0x247: {  	v3 =	vand.u32 $0x7, v3  }
0x248: {  	v3 =	vor.u32 v3, v4  }
0x249: {  	v4 =	vperm.xlane v3, v0;
	_ =	sdelay $0x1  }
0x24a: {  	v4 =	vadd.s32 v1, v4;
	_ =	sdelay $0x3  }
0x24b: {  	s17 =	simm.s32 $0x6180;
	v3 =	vperm.xlane v3, v2  }
0x24c: {  	[tilespmem:s17], [sflag:$0x2] =	stream.indirect_vreg.gather [hbm4b:s3+s30], $0x80, v4, vm0, $0xb8;
	[tilespmem:$0x12180] =	vst v63  }
0x24d: {  	s2 =	simm.s32 $0x6980;
	v3 =	vadd.s32 v1, v3  }
0x24e: {  	[tilespmem:s2], [sflag:$0x2] =	stream.indirect_vreg.gather [hbm4b:s6+s30], $0x80, v4, vm0, $0xb8;
	[tilespmem:$0x12180] =	vst v63  }
0x24f: {  	s17 =	simm.s32 $0x7180  }
0x250: {  	[tilespmem:s17], [sflag:$0x2] =	stream.indirect_vreg.gather [hbm4b:s7+s30], $0x80, v4, vm0, $0xb8;
	[tilespmem:$0x12180] =	vst v63  }
0x251: {  	s2 =	simm.s32 $0x7980  }
0x252: {  	[tilespmem:s2], [sflag:$0x2] =	stream.indirect_vreg.gather [hbm4b:s3+s30], $0x80, v3, vm0, $0xb8;
	[tilespmem:$0x12180] =	vst v63  }
0x253: {  	s17 =	simm.s32 $0x8180  }
0x254: {  	[tilespmem:s17], [sflag:$0x2] =	stream.indirect_vreg.gather [hbm4b:s6+s30], $0x80, v3, vm0, $0xb8;
	[tilespmem:$0x12180] =	vst v63  }
0x255: {  	s2 =	simm.s32 $0x8980  }
0x256: {  	[tilespmem:s2], [sflag:$0x2] =	stream.indirect_vreg.gather [hbm4b:s7+s30], $0x80, v3, vm0, $0xb8;
	[tilespmem:$0x12180] =	vst v63  }
0x257: {  	v3 =	vld [tilespmem:$0x110];
	_ =	sdelay $0x4  }
0x258: {  	v4 =	vshrl.u32 v3, $0x3  }
0x259: {  	v4 =	vmul.u32 $0x30, v4  }
0x25a: {  	v3 =	vand.u32 $0x7, v3  }
0x25b: {  	v3 =	vor.u32 v3, v4  }
0x25c: {  	v4 =	vperm.xlane v3, v0;
	_ =	sdelay $0x1  }
0x25d: {  	v4 =	vadd.s32 v1, v4;
	_ =	sdelay $0x3  }
0x25e: {  	v3 =	vperm.xlane v3, v2  }
0x25f: {  	[tilespmem:s18], [sflag:$0x2] =	stream.indirect_vreg.gather [hbm4b:s3+s30], $0x80, v4, vm0, $0xb8;
	[tilespmem:$0x12180] =	vst v63  }
0x260: {  	v3 =	vadd.s32 v1, v3  }
0x261: {  	[tilespmem:s19], [sflag:$0x2] =	stream.indirect_vreg.gather [hbm4b:s6+s30], $0x80, v4, vm0, $0xb8;
	[tilespmem:$0x12180] =	vst v63  }
0x262: {  	_ = 	snop  }
0x263: {  	[tilespmem:s20], [sflag:$0x2] =	stream.indirect_vreg.gather [hbm4b:s7+s30], $0x80, v4, vm0, $0xb8;
	[tilespmem:$0x12180] =	vst v63  }
0x264: {  	_ = 	snop  }
0x265: {  	[tilespmem:s21], [sflag:$0x2] =	stream.indirect_vreg.gather [hbm4b:s3+s30], $0x80, v3, vm0, $0xb8;
	[tilespmem:$0x12180] =	vst v63  }
0x266: {  	_ = 	snop  }
0x267: {  	[tilespmem:s22], [sflag:$0x2] =	stream.indirect_vreg.gather [hbm4b:s6+s30], $0x80, v3, vm0, $0xb8;
	[tilespmem:$0x12180] =	vst v63  }
0x268: {  	_ = 	snop  }
0x269: {  	[tilespmem:s23], [sflag:$0x2] =	stream.indirect_vreg.gather [hbm4b:s7+s30], $0x80, v3, vm0, $0xb8;
	[tilespmem:$0x12180] =	vst v63  }
0x26a: {  	_ = 	snop  }
0x26b: {  	[tilespmem:s24], [sflag:$0x3] =	stream.linear.gather [hbm4b:s12+s30], $0x6000, $0x38;
	[tilespmem:$0x12180] =	vst v63  }
0x26c: {  	_ =	swait.ge [sflag:s25], $0x6000  }
0x26d: {  	[sflag:s25] =	ssyncset.done $0x0  }
0x26e: {  	s17 =	simm.s32 $0x0;
	[sflag:s25] =	ssyncadd.s32 $0xFFFFA000  }
0x26f: {  	s0 =	smul.u32 $0x1800, s17;
	_ =	swait.ge [sflag:s26], $0x6000  }
0x270: {  	s2 =	sand.u32 $0x380, s30;
	[sflag:s26] =	ssyncset.done $0x0  }
0x271: {  	s31 =	sor.u32 s2, s0;
	[sflag:s26] =	ssyncadd.s32 $0xFFFFA000  }
0x272: {  	v12 =	vld [tilespmem:s31+$0x6180]  }
0x273: {  	v13 =	vld [tilespmem:s31+$0x6190]  }
0x274: {  	v14 =	vld [tilespmem:s31+$0x61A0]  }
0x275: {  	v15 =	vld [tilespmem:s31+$0x61B0]  }
0x276: {  	v16 =	vld [tilespmem:s31+$0x61C0]  }
0x277: {  	v17 =	vld [tilespmem:s31+$0x61D0]  }
0x278: {  	v18 =	vld [tilespmem:s31+$0x61E0]  }
0x279: {  	v19 =	vld [tilespmem:s31+$0x61F0]  }
0x27a: {  	v20 =	vld [tilespmem:s31+$0x6580]  }
0x27b: {  	v21 =	vld [tilespmem:s31+$0x6590]  }
0x27c: {  	v22 =	vld [tilespmem:s31+$0x65A0]  }
0x27d: {  	v23 =	vld [tilespmem:s31+$0x65B0]  }
0x27e: {  	v24 =	vld [tilespmem:s31+$0x65C0]  }
0x27f: {  	v25 =	vld [tilespmem:s31+$0x65D0]  }
0x280: {  	v26 =	vld [tilespmem:s31+$0x65E0]  }
0x281: {  	v27 =	vld [tilespmem:s31+$0x65F0]  }
0x282: {  	v28 =	vld [tilespmem:s31+$0x6980]  }
0x283: {  	v29 =	vld [tilespmem:s31+$0x6990]  }
0x284: {  	v30 =	vld [tilespmem:s31+$0x69A0]  }
0x285: {  	v31 =	vld [tilespmem:s31+$0x69B0]  }
0x286: {  	v32 =	vld [tilespmem:s31+$0x69C0]  }
0x287: {  	v33 =	vld [tilespmem:s31+$0x69D0]  }
0x288: {  	v34 =	vld [tilespmem:s31+$0x69E0]  }
0x289: {  	v35 =	vld [tilespmem:s31+$0x69F0]  }
0x28a: {  	v36 =	vld [tilespmem:s31+$0x6D80]  }
0x28b: {  	v37 =	vld [tilespmem:s31+$0x6D90]  }
0x28c: {  	v38 =	vld [tilespmem:s31+$0x6DA0]  }
0x28d: {  	v39 =	vld [tilespmem:s31+$0x6DB0]  }
0x28e: {  	v40 =	vld [tilespmem:s31+$0x6DC0]  }
0x28f: {  	v41 =	vld [tilespmem:s31+$0x6DD0]  }
0x290: {  	v42 =	vld [tilespmem:s31+$0x6DE0]  }
0x291: {  	v43 =	vld [tilespmem:s31+$0x6DF0]  }
0x292: {  	v44 =	vld [tilespmem:s31+$0x7180]  }
0x293: {  	v45 =	vld [tilespmem:s31+$0x7190]  }
0x294: {  	v46 =	vld [tilespmem:s31+$0x71A0]  }
0x295: {  	v47 =	vld [tilespmem:s31+$0x71B0]  }
0x296: {  	v48 =	vld [tilespmem:s31+$0x71C0]  }
0x297: {  	v49 =	vld [tilespmem:s31+$0x71D0]  }
0x298: {  	v50 =	vld [tilespmem:s31+$0x71E0]  }
0x299: {  	v11 =	vld [tilespmem:s31+$0x71F0]  }
0x29a: {  	v10 =	vld [tilespmem:s31+$0x7580]  }
0x29b: {  	v9 =	vld [tilespmem:s31+$0x7590]  }
0x29c: {  	v8 =	vld [tilespmem:s31+$0x75A0]  }
0x29d: {  	v7 =	vld [tilespmem:s31+$0x75B0]  }
0x29e: {  	v6 =	vld [tilespmem:s31+$0x75C0]  }
0x29f: {  	v51 =	vld [tilespmem:s31+$0x180]  }
0x2a0: {  	v52 =	vld [tilespmem:s31+$0x190]  }
0x2a1: {  	v53 =	vld [tilespmem:s31+$0x1A0]  }
0x2a2: {  	v54 =	vld [tilespmem:s31+$0x1B0]  }
0x2a3: {  	v55 =	vld [tilespmem:s31+$0x1C0]  }
0x2a4: {  	v62 =	vld [tilespmem:s31+$0x1D0];
	v12 =	vadd.f32 v12, v51  }
0x2a5: {  	v63 =	vld [tilespmem:s31+$0x1E0];
	v13 =	vadd.f32 v13, v52  }
0x2a6: {  	[tilespmem:s31+$0x180] =	vst v12;
	v12 =	vadd.f32 v14, v53;
	v14 =	vld [tilespmem:s31+$0x1F0]  }
0x2a7: {  	[tilespmem:s31+$0x190] =	vst v13;
	v13 =	vadd.f32 v15, v54;
	v15 =	vld [tilespmem:s31+$0x580]  }
0x2a8: {  	[tilespmem:s31+$0x1A0] =	vst v12;
	v12 =	vadd.f32 v16, v55;
	v16 =	vld [tilespmem:s31+$0x590]  }
0x2a9: {  	[tilespmem:s31+$0x1B0] =	vst v13;
	v13 =	vadd.f32 v17, v62;
	v17 =	vld [tilespmem:s31+$0x5A0]  }
0x2aa: {  	v5 =	vld [tilespmem:s31+$0x75D0]  }
0x2ab: {  	[tilespmem:s31+$0x1C0] =	vst v12;
	v12 =	vadd.f32 v18, v63;
	v18 =	vld [tilespmem:s31+$0x5F0]  }
0x2ac: {  	[tilespmem:s31+$0x1D0] =	vst v13;
	v13 =	vadd.f32 v19, v14;
	v14 =	vld [tilespmem:s31+$0x5B0]  }
0x2ad: {  	[tilespmem:s31+$0x1E0] =	vst v12;
	v12 =	vadd.f32 v20, v15;
	v15 =	vld [tilespmem:s31+$0x5C0]  }
0x2ae: {  	[tilespmem:s31+$0x1F0] =	vst v13;
	v13 =	vadd.f32 v21, v16;
	v16 =	vadd.f32 v22, v17;
	v17 =	vld [tilespmem:s31+$0x5E0]  }
0x2af: {  	[tilespmem:s31+$0x580] =	vst v12;
	v12 =	vld [tilespmem:s31+$0x5D0]  }
0x2b0: {  	[tilespmem:s31+$0x590] =	vst v13;
	v13 =	vld [tilespmem:s31+$0x980];
	v18 =	vadd.f32 v27, v18  }
0x2b1: {  	[tilespmem:s31+$0x5A0] =	vst v16;
	v16 =	vld [tilespmem:s31+$0x990];
	v14 =	vadd.f32 v23, v14  }
0x2b2: {  	v4 =	vld [tilespmem:s31+$0x75E0];
	v15 =	vadd.f32 v24, v15;
	[tilespmem:s31+$0x5F0] =	vst v18  }
0x2b3: {  	[tilespmem:s31+$0x5B0] =	vst v14;
	v14 =	vld [tilespmem:s31+$0x9A0];
	v17 =	vadd.f32 v26, v17  }
0x2b4: {  	v12 =	vadd.f32 v25, v12;
	[tilespmem:s31+$0x5C0] =	vst v15;
	v15 =	vld [tilespmem:s31+$0x9B0]  }
0x2b5: {  	v18 =	vld [tilespmem:s31+$0x9F0];
	[tilespmem:s31+$0x5E0] =	vst v17;
	v13 =	vadd.f32 v28, v13  }
0x2b6: {  	v16 =	vadd.f32 v29, v16;
	[tilespmem:s31+$0x5D0] =	vst v12;
	v12 =	vld [tilespmem:s31+$0x9C0]  }
0x2b7: {  	v17 =	vld [tilespmem:s31+$0x9D0];
	[tilespmem:s31+$0x980] =	vst v13  }
0x2b8: {  	[tilespmem:s31+$0x990] =	vst v16;
	v16 =	vld [tilespmem:s31+$0x9E0];
	v13 =	vadd.f32 v30, v14  }
0x2b9: {  	v14 =	vld [tilespmem:s31+$0xD80];
	v15 =	vadd.f32 v31, v15  }
0x2ba: {  	[tilespmem:s31+$0x9A0] =	vst v13;
	v13 =	vld [tilespmem:s31+$0xD90]  }
0x2bb: {  	v12 =	vadd.f32 v32, v12;
	[tilespmem:s31+$0x9B0] =	vst v15;
	v15 =	vld [tilespmem:s31+$0xDA0]  }
0x2bc: {  	v3 =	vld [tilespmem:s31+$0x75F0];
	v17 =	vadd.f32 v33, v17  }
0x2bd: {  	v16 =	vadd.f32 v34, v16;
	[tilespmem:s31+$0x9C0] =	vst v12;
	v12 =	vld [tilespmem:s31+$0xDB0]  }
0x2be: {  	[tilespmem:s31+$0x9D0] =	vst v17;
	v17 =	vld [tilespmem:s31+$0xDC0];
	v14 =	vadd.f32 v36, v14  }
0x2bf: {  	v18 =	vadd.f32 v35, v18;
	[tilespmem:s31+$0x9E0] =	vst v16;
	v16 =	vld [tilespmem:s31+$0xDD0]  }
0x2c0: {  	v13 =	vadd.f32 v37, v13;
	[tilespmem:s31+$0xD80] =	vst v14;
	v14 =	vadd.f32 v38, v15;
	v15 =	vld [tilespmem:s31+$0xDE0]  }
0x2c1: {  	[tilespmem:s31+$0x9F0] =	vst v18;
	v18 =	vld [tilespmem:s31+$0xDF0]  }
0x2c2: {  	[tilespmem:s31+$0xD90] =	vst v13;
	v13 =	vld [tilespmem:s31+$0x1180];
	v12 =	vadd.f32 v39, v12  }
0x2c3: {  	v17 =	vadd.f32 v40, v17;
	[tilespmem:s31+$0xDA0] =	vst v14;
	v14 =	vld [tilespmem:s31+$0x1190]  }
0x2c4: {  	v16 =	vadd.f32 v41, v16;
	[tilespmem:s31+$0xDB0] =	vst v12;
	v12 =	vld [tilespmem:s31+$0x11A0]  }
0x2c5: {  	[tilespmem:s31+$0xDC0] =	vst v17;
	v17 =	vld [tilespmem:s31+$0x11B0];
	v15 =	vadd.f32 v42, v15  }
0x2c6: {  	v19 =	vld [tilespmem:s31+$0x11C0];
	[tilespmem:s31+$0xDD0] =	vst v16;
	v16 =	vadd.f32 v43, v18  }
0x2c7: {  	v18 =	vld [tilespmem:s31+$0x11D0];
	v13 =	vadd.f32 v44, v13;
	[tilespmem:s31+$0xDE0] =	vst v15  }
0x2c8: {  	v20 =	vld [tilespmem:s31+$0x11E0];
	[tilespmem:s31+$0xDF0] =	vst v16;
	v14 =	vadd.f32 v45, v14  }
0x2c9: {  	v16 =	vld [tilespmem:s31+$0x11F0];
	[tilespmem:s31+$0x1180] =	vst v13;
	v12 =	vadd.f32 v46, v12  }
0x2ca: {  	v15 =	vld [tilespmem:s31+$0x1580];
	v13 =	vadd.f32 v47, v17;
	[tilespmem:s31+$0x1190] =	vst v14  }
0x2cb: {  	v14 =	vld [tilespmem:s31+$0x1590];
	[tilespmem:s31+$0x11A0] =	vst v12;
	v12 =	vadd.f32 v48, v19  }
0x2cc: {  	[tilespmem:s31+$0x11B0] =	vst v13;
	v13 =	vld [tilespmem:s31+$0x15A0];
	v18 =	vadd.f32 v49, v18  }
0x2cd: {  	s0 =	simm.s32 $0x1;
	v17 =	vadd.f32 v50, v20;
	[tilespmem:s31+$0x11C0] =	vst v12;
	v12 =	vld [tilespmem:s31+$0x15B0]  }
.LBB2_6:
0x2ce: {  	s2 =	sshrl.u32 s0, $0x3;
	p0 =	sne.s32 s0, $0x1F;
	[tilespmem:s31+$0x11D0] =	vst v18;
	v11 =	vadd.f32 v11, v16;
	v16 =	vld [tilespmem:s31+$0x15C0]  }
0x2cf: {  	s30 =	sadd.s32 $0x80, s30;
	s2 =	smul.u32 $0x1800, s2;
	[tilespmem:s31+$0x11E0] =	vst v17;
	v10 =	vadd.f32 v10, v15;
	v15 =	vld [tilespmem:s31+$0x15D0]  }
0x2d0: {  	s17 =	sand.u32 $0x380, s30;
	[tilespmem:s31+$0x11F0] =	vst v11;
	v9 =	vadd.f32 v9, v14;
	v11 =	vld [tilespmem:s31+$0x15E0]  }
0x2d1: {  	s2 =	sor.u32 s17, s2;
	[tilespmem:s31+$0x1580] =	vst v10;
	v8 =	vadd.f32 v8, v13;
	v10 =	vld [tilespmem:s31+$0x15F0]  }
0x2d2: {  	v39 =	vld [tilespmem:s2+$0x6180];
	[tilespmem:s31+$0x1590] =	vst v9;
	v7 =	vadd.f32 v7, v12  }
0x2d3: {  	v40 =	vld [tilespmem:s2+$0x6190];
	[tilespmem:s31+$0x15A0] =	vst v8;
	v6 =	vadd.f32 v6, v16  }
0x2d4: {  	v41 =	vld [tilespmem:s2+$0x61A0];
	[tilespmem:s31+$0x15B0] =	vst v7;
	v5 =	vadd.f32 v5, v15  }
0x2d5: {  	v42 =	vld [tilespmem:s2+$0x61B0];
	[tilespmem:s31+$0x15C0] =	vst v6;
	v4 =	vadd.f32 v4, v11  }
0x2d6: {  	v43 =	vld [tilespmem:s2+$0x61C0];
	[tilespmem:s31+$0x15D0] =	vst v5;
	v3 =	vadd.f32 v3, v10  }
0x2d7: {  	v44 =	vld [tilespmem:s2+$0x61D0];
	[tilespmem:s31+$0x15E0] =	vst v4  }
0x2d8: {  	v45 =	vld [tilespmem:s2+$0x61E0];
	[tilespmem:s31+$0x15F0] =	vst v3;
	s31 =	smov.u32 s2  }
0x2d9: {  	v46 =	vld [tilespmem:s31+$0x61F0]  }
0x2da: {  	v47 =	vld [tilespmem:s31+$0x6580]  }
0x2db: {  	v48 =	vld [tilespmem:s31+$0x6590]  }
0x2dc: {  	v49 =	vld [tilespmem:s31+$0x65A0]  }
0x2dd: {  	v50 =	vld [tilespmem:s31+$0x65B0]  }
0x2de: {  	v38 =	vld [tilespmem:s31+$0x65C0]  }
0x2df: {  	v37 =	vld [tilespmem:s31+$0x65D0]  }
0x2e0: {  	v36 =	vld [tilespmem:s31+$0x65E0]  }
0x2e1: {  	v35 =	vld [tilespmem:s31+$0x65F0]  }
0x2e2: {  	v34 =	vld [tilespmem:s31+$0x6980]  }
0x2e3: {  	v33 =	vld [tilespmem:s31+$0x6990]  }
0x2e4: {  	v32 =	vld [tilespmem:s31+$0x69A0]  }
0x2e5: {  	v31 =	vld [tilespmem:s31+$0x69B0]  }
0x2e6: {  	v30 =	vld [tilespmem:s31+$0x69C0]  }
0x2e7: {  	v29 =	vld [tilespmem:s31+$0x69D0]  }
0x2e8: {  	v28 =	vld [tilespmem:s31+$0x69E0]  }
0x2e9: {  	v27 =	vld [tilespmem:s31+$0x69F0]  }
0x2ea: {  	v26 =	vld [tilespmem:s31+$0x6D80]  }
0x2eb: {  	v25 =	vld [tilespmem:s31+$0x6D90]  }
0x2ec: {  	v24 =	vld [tilespmem:s31+$0x6DA0]  }
0x2ed: {  	v23 =	vld [tilespmem:s31+$0x6DB0]  }
0x2ee: {  	v22 =	vld [tilespmem:s31+$0x6DC0]  }
0x2ef: {  	v21 =	vld [tilespmem:s31+$0x6DD0]  }
0x2f0: {  	v20 =	vld [tilespmem:s31+$0x6DE0]  }
0x2f1: {  	v19 =	vld [tilespmem:s31+$0x6DF0]  }
0x2f2: {  	v18 =	vld [tilespmem:s31+$0x7180]  }
0x2f3: {  	v17 =	vld [tilespmem:s31+$0x7190]  }
0x2f4: {  	v16 =	vld [tilespmem:s31+$0x71A0]  }
0x2f5: {  	v15 =	vld [tilespmem:s31+$0x71B0]  }
0x2f6: {  	v14 =	vld [tilespmem:s31+$0x71C0]  }
0x2f7: {  	v13 =	vld [tilespmem:s31+$0x71D0]  }
0x2f8: {  	v12 =	vld [tilespmem:s31+$0x71E0]  }
0x2f9: {  	v11 =	vld [tilespmem:s31+$0x71F0]  }
0x2fa: {  	v10 =	vld [tilespmem:s31+$0x7580]  }
0x2fb: {  	v9 =	vld [tilespmem:s31+$0x7590]  }
0x2fc: {  	v8 =	vld [tilespmem:s31+$0x75A0]  }
0x2fd: {  	v7 =	vld [tilespmem:s31+$0x75B0]  }
0x2fe: {  	v6 =	vld [tilespmem:s31+$0x75C0]  }
0x2ff: {  	v5 =	vld [tilespmem:s31+$0x75D0]  }
0x300: {  	v4 =	vld [tilespmem:s31+$0x75E0]  }
0x301: {  	v3 =	vld [tilespmem:s31+$0x75F0]  }
0x302: {  	v51 =	vld [tilespmem:s31+$0x180]  }
0x303: {  	v52 =	vld [tilespmem:s31+$0x190]  }
0x304: {  	v53 =	vld [tilespmem:s31+$0x1A0]  }
0x305: {  	v54 =	vld [tilespmem:s31+$0x1B0]  }
0x306: {  	v55 =	vld [tilespmem:s31+$0x1C0]  }
0x307: {  	v39 =	vadd.f32 v39, v51;
	v51 =	vld [tilespmem:s31+$0x1D0]  }
0x308: {  	v40 =	vadd.f32 v40, v52;
	v52 =	vld [tilespmem:s31+$0x1E0]  }
0x309: {  	[tilespmem:s31+$0x180] =	vst v39;
	v39 =	vadd.f32 v41, v53;
	v41 =	vld [tilespmem:s31+$0x1F0]  }
0x30a: {  	[tilespmem:s31+$0x190] =	vst v40;
	v40 =	vadd.f32 v42, v54;
	v42 =	vld [tilespmem:s31+$0x580]  }
0x30b: {  	[tilespmem:s31+$0x1A0] =	vst v39;
	v39 =	vadd.f32 v43, v55;
	v43 =	vld [tilespmem:s31+$0x590]  }
0x30c: {  	[tilespmem:s31+$0x1B0] =	vst v40;
	v40 =	vadd.f32 v44, v51;
	v44 =	vld [tilespmem:s31+$0x5A0]  }
0x30d: {  	[tilespmem:s31+$0x1C0] =	vst v39;
	v39 =	vadd.f32 v45, v52;
	v45 =	vld [tilespmem:s31+$0x5B0]  }
0x30e: {  	[tilespmem:s31+$0x1D0] =	vst v40;
	v40 =	vadd.f32 v46, v41;
	v41 =	vld [tilespmem:s31+$0x5C0]  }
0x30f: {  	[tilespmem:s31+$0x1E0] =	vst v39;
	v39 =	vadd.f32 v47, v42;
	v42 =	vld [tilespmem:s31+$0x5D0]  }
0x310: {  	[tilespmem:s31+$0x1F0] =	vst v40;
	v40 =	vadd.f32 v48, v43;
	v43 =	vld [tilespmem:s31+$0x5E0]  }
0x311: {  	[tilespmem:s31+$0x580] =	vst v39;
	v39 =	vadd.f32 v49, v44;
	v44 =	vld [tilespmem:s31+$0x5F0]  }
0x312: {  	[tilespmem:s31+$0x590] =	vst v40;
	v40 =	vadd.f32 v50, v45;
	v45 =	vld [tilespmem:s31+$0x980]  }
0x313: {  	[tilespmem:s31+$0x5A0] =	vst v39;
	v38 =	vadd.f32 v38, v41;
	v39 =	vld [tilespmem:s31+$0x990]  }
0x314: {  	[tilespmem:s31+$0x5B0] =	vst v40;
	v37 =	vadd.f32 v37, v42;
	v40 =	vld [tilespmem:s31+$0x9A0]  }
0x315: {  	[tilespmem:s31+$0x5C0] =	vst v38;
	v36 =	vadd.f32 v36, v43;
	v38 =	vld [tilespmem:s31+$0x9B0]  }
0x316: {  	[tilespmem:s31+$0x5D0] =	vst v37;
	v35 =	vadd.f32 v35, v44;
	v37 =	vld [tilespmem:s31+$0x9C0]  }
0x317: {  	[tilespmem:s31+$0x5E0] =	vst v36;
	v34 =	vadd.f32 v34, v45;
	v36 =	vld [tilespmem:s31+$0x9D0]  }
0x318: {  	[tilespmem:s31+$0x5F0] =	vst v35;
	v33 =	vadd.f32 v33, v39;
	v35 =	vld [tilespmem:s31+$0x9E0]  }
0x319: {  	[tilespmem:s31+$0x980] =	vst v34;
	v32 =	vadd.f32 v32, v40;
	v34 =	vld [tilespmem:s31+$0x9F0]  }
0x31a: {  	[tilespmem:s31+$0x990] =	vst v33;
	v31 =	vadd.f32 v31, v38;
	v33 =	vld [tilespmem:s31+$0xD80]  }
0x31b: {  	[tilespmem:s31+$0x9A0] =	vst v32;
	v30 =	vadd.f32 v30, v37;
	v32 =	vld [tilespmem:s31+$0xD90]  }
0x31c: {  	[tilespmem:s31+$0x9B0] =	vst v31;
	v29 =	vadd.f32 v29, v36;
	v31 =	vld [tilespmem:s31+$0xDA0]  }
0x31d: {  	[tilespmem:s31+$0x9C0] =	vst v30;
	v28 =	vadd.f32 v28, v35;
	v30 =	vld [tilespmem:s31+$0xDB0]  }
0x31e: {  	[tilespmem:s31+$0x9D0] =	vst v29;
	v27 =	vadd.f32 v27, v34;
	v29 =	vld [tilespmem:s31+$0xDC0]  }
0x31f: {  	[tilespmem:s31+$0x9E0] =	vst v28;
	v26 =	vadd.f32 v26, v33;
	v28 =	vld [tilespmem:s31+$0xDD0]  }
0x320: {  	[tilespmem:s31+$0x9F0] =	vst v27;
	v25 =	vadd.f32 v25, v32;
	v27 =	vld [tilespmem:s31+$0xDE0]  }
0x321: {  	[tilespmem:s31+$0xD80] =	vst v26;
	v24 =	vadd.f32 v24, v31;
	v26 =	vld [tilespmem:s31+$0xDF0]  }
0x322: {  	[tilespmem:s31+$0xD90] =	vst v25;
	v23 =	vadd.f32 v23, v30;
	v25 =	vld [tilespmem:s31+$0x1180]  }
0x323: {  	[tilespmem:s31+$0xDA0] =	vst v24;
	v22 =	vadd.f32 v22, v29;
	v24 =	vld [tilespmem:s31+$0x1190]  }
0x324: {  	[tilespmem:s31+$0xDB0] =	vst v23;
	v21 =	vadd.f32 v21, v28;
	v23 =	vld [tilespmem:s31+$0x11A0]  }
0x325: {  	[tilespmem:s31+$0xDC0] =	vst v22;
	v20 =	vadd.f32 v20, v27;
	v22 =	vld [tilespmem:s31+$0x11B0]  }
0x326: {  	[tilespmem:s31+$0xDD0] =	vst v21;
	v19 =	vadd.f32 v19, v26;
	v21 =	vld [tilespmem:s31+$0x11C0]  }
0x327: {  	[tilespmem:s31+$0xDE0] =	vst v20;
	v18 =	vadd.f32 v18, v25;
	v20 =	vld [tilespmem:s31+$0x11D0]  }
0x328: {  	[tilespmem:s31+$0xDF0] =	vst v19;
	v17 =	vadd.f32 v17, v24;
	v19 =	vld [tilespmem:s31+$0x11E0]  }
.Ltmp2:
0x329: {  	[tilespmem:s31+$0x1180] =	vst v18;
	v18 =	vadd.f32 v16, v23;
	v16 =	vld [tilespmem:s31+$0x11F0];
	(pc) =	sbr.rel @p0 .LBB2_6-.Ltmp2, $4  }
0x32a: {  	[tilespmem:s31+$0x1190] =	vst v17;
	v17 =	vadd.f32 v15, v22;
	v15 =	vld [tilespmem:s31+$0x1580]  }
0x32b: {  	[tilespmem:s31+$0x11A0] =	vst v18;
	v21 =	vadd.f32 v14, v21;
	v14 =	vld [tilespmem:s31+$0x1590]  }
0x32c: {  	[tilespmem:s31+$0x11B0] =	vst v17;
	v18 =	vadd.f32 v13, v20;
	v13 =	vld [tilespmem:s31+$0x15A0]  }
0x32d: {  	s0 =	sadd.s32 $0x1, s0;
	[tilespmem:s31+$0x11C0] =	vst v21;
	v17 =	vadd.f32 v12, v19;
	v12 =	vld [tilespmem:s31+$0x15B0]  }
0x32e: {  	[tilespmem:s31+$0x11D0] =	vst v18;
	v18 =	vld [tilespmem:s31+$0x15C0];
	v11 =	vadd.f32 v11, v16  }
0x32f: {  	v16 =	vld [tilespmem:s31+$0x15D0];
	[tilespmem:s31+$0x11E0] =	vst v17;
	v10 =	vadd.f32 v10, v15  }
0x330: {  	[tilespmem:s31+$0x11F0] =	vst v11;
	v9 =	vadd.f32 v9, v14;
	v11 =	vld [tilespmem:s31+$0x15E0]  }
0x331: {  	[tilespmem:s31+$0x1580] =	vst v10;
	v8 =	vadd.f32 v8, v13;
	v10 =	vld [tilespmem:s31+$0x15F0]  }
0x332: {  	[tilespmem:s31+$0x1590] =	vst v9;
	v7 =	vadd.f32 v7, v12  }
0x333: {  	[tilespmem:s31+$0x15A0] =	vst v8;
	v6 =	vadd.f32 v6, v18  }
0x334: {  	v5 =	vadd.f32 v5, v16;
	[tilespmem:s31+$0x15B0] =	vst v7  }
0x335: {  	[tilespmem:s31+$0x15C0] =	vst v6;
	v4 =	vadd.f32 v4, v11  }
0x336: {  	[tilespmem:s31+$0x15D0] =	vst v5;
	v3 =	vadd.f32 v3, v10  }
0x337: {  	[tilespmem:s31+$0x15E0] =	vst v4  }
0x338: {  	s0 =	simm.s32 $0x0;
	[tilespmem:s31+$0x15F0] =	vst v3  }
0x339: {  	s0 =	smul.u32 $0x1800, s0;
	s31 =	simm.s32 $0x0;
	_ =	swait.ge [sflag:s28], $0x6000  }
0x33a: {  	s2 =	sand.u32 $0x380, s31;
	[sflag:s28] =	ssyncset.done $0x0  }
0x33b: {  	s30 =	sor.u32 s2, s0;
	[sflag:s28] =	ssyncadd.s32 $0xFFFFA000  }
0x33c: {  	v12 =	vld [tilespmem:s30+$0xC180]  }
0x33d: {  	v13 =	vld [tilespmem:s30+$0xC190]  }
0x33e: {  	v14 =	vld [tilespmem:s30+$0xC1A0]  }
0x33f: {  	v15 =	vld [tilespmem:s30+$0xC1B0]  }
0x340: {  	v16 =	vld [tilespmem:s30+$0xC1C0]  }
0x341: {  	v17 =	vld [tilespmem:s30+$0xC1D0]  }
0x342: {  	v18 =	vld [tilespmem:s30+$0xC1E0]  }
0x343: {  	v19 =	vld [tilespmem:s30+$0xC1F0]  }
0x344: {  	v20 =	vld [tilespmem:s30+$0xC580]  }
0x345: {  	v21 =	vld [tilespmem:s30+$0xC590]  }
0x346: {  	v22 =	vld [tilespmem:s30+$0xC5A0]  }
0x347: {  	v23 =	vld [tilespmem:s30+$0xC5B0]  }
0x348: {  	v24 =	vld [tilespmem:s30+$0xC5C0]  }
0x349: {  	v25 =	vld [tilespmem:s30+$0xC5D0]  }
0x34a: {  	v26 =	vld [tilespmem:s30+$0xC5E0]  }
0x34b: {  	v27 =	vld [tilespmem:s30+$0xC5F0]  }
0x34c: {  	v28 =	vld [tilespmem:s30+$0xC980]  }
0x34d: {  	v29 =	vld [tilespmem:s30+$0xC990]  }
0x34e: {  	v30 =	vld [tilespmem:s30+$0xC9A0]  }
0x34f: {  	v31 =	vld [tilespmem:s30+$0xC9B0]  }
0x350: {  	v32 =	vld [tilespmem:s30+$0xC9C0]  }
0x351: {  	v33 =	vld [tilespmem:s30+$0xC9D0]  }
0x352: {  	v34 =	vld [tilespmem:s30+$0xC9E0]  }
0x353: {  	v35 =	vld [tilespmem:s30+$0xC9F0]  }
0x354: {  	v36 =	vld [tilespmem:s30+$0xCD80]  }
0x355: {  	v37 =	vld [tilespmem:s30+$0xCD90]  }
0x356: {  	v38 =	vld [tilespmem:s30+$0xCDA0]  }
0x357: {  	v39 =	vld [tilespmem:s30+$0xCDB0]  }
0x358: {  	v40 =	vld [tilespmem:s30+$0xCDC0]  }
0x359: {  	v41 =	vld [tilespmem:s30+$0xCDD0]  }
0x35a: {  	v42 =	vld [tilespmem:s30+$0xCDE0]  }
0x35b: {  	v43 =	vld [tilespmem:s30+$0xCDF0]  }
0x35c: {  	v44 =	vld [tilespmem:s30+$0xD180]  }
0x35d: {  	v45 =	vld [tilespmem:s30+$0xD190]  }
0x35e: {  	v46 =	vld [tilespmem:s30+$0xD1A0]  }
0x35f: {  	v47 =	vld [tilespmem:s30+$0xD1B0]  }
0x360: {  	v48 =	vld [tilespmem:s30+$0xD1C0]  }
0x361: {  	v49 =	vld [tilespmem:s30+$0xD1D0]  }
0x362: {  	v50 =	vld [tilespmem:s30+$0xD1E0]  }
0x363: {  	v11 =	vld [tilespmem:s30+$0xD1F0]  }
0x364: {  	v10 =	vld [tilespmem:s30+$0xD580]  }
0x365: {  	v9 =	vld [tilespmem:s30+$0xD590]  }
0x366: {  	v8 =	vld [tilespmem:s30+$0xD5A0]  }
0x367: {  	v7 =	vld [tilespmem:s30+$0xD5B0]  }
0x368: {  	v6 =	vld [tilespmem:s30+$0xD5C0]  }
0x369: {  	v51 =	vld [tilespmem:s30+$0x180]  }
0x36a: {  	v52 =	vld [tilespmem:s30+$0x190]  }
0x36b: {  	v53 =	vld [tilespmem:s30+$0x1A0]  }
0x36c: {  	v54 =	vld [tilespmem:s30+$0x1B0]  }
0x36d: {  	v55 =	vld [tilespmem:s30+$0x1C0]  }
0x36e: {  	v62 =	vld [tilespmem:s30+$0x1D0];
	v12 =	vadd.f32 v12, v51  }
0x36f: {  	v63 =	vld [tilespmem:s30+$0x1E0];
	v13 =	vadd.f32 v13, v52  }
0x370: {  	[tilespmem:s30+$0x180] =	vst v12;
	v12 =	vadd.f32 v14, v53;
	v14 =	vld [tilespmem:s30+$0x1F0]  }
0x371: {  	[tilespmem:s30+$0x190] =	vst v13;
	v13 =	vadd.f32 v15, v54;
	v15 =	vld [tilespmem:s30+$0x580]  }
0x372: {  	[tilespmem:s30+$0x1A0] =	vst v12;
	v12 =	vadd.f32 v16, v55;
	v16 =	vld [tilespmem:s30+$0x590]  }
0x373: {  	[tilespmem:s30+$0x1B0] =	vst v13;
	v13 =	vadd.f32 v17, v62;
	v17 =	vld [tilespmem:s30+$0x5A0]  }
0x374: {  	v5 =	vld [tilespmem:s30+$0xD5D0]  }
0x375: {  	[tilespmem:s30+$0x1C0] =	vst v12;
	v12 =	vadd.f32 v18, v63;
	v18 =	vld [tilespmem:s30+$0x5F0]  }
0x376: {  	[tilespmem:s30+$0x1D0] =	vst v13;
	v13 =	vadd.f32 v19, v14;
	v14 =	vld [tilespmem:s30+$0x5B0]  }
0x377: {  	[tilespmem:s30+$0x1E0] =	vst v12;
	v12 =	vadd.f32 v20, v15;
	v15 =	vld [tilespmem:s30+$0x5C0]  }
0x378: {  	[tilespmem:s30+$0x1F0] =	vst v13;
	v13 =	vadd.f32 v21, v16;
	v16 =	vadd.f32 v22, v17;
	v17 =	vld [tilespmem:s30+$0x5E0]  }
0x379: {  	[tilespmem:s30+$0x580] =	vst v12;
	v12 =	vld [tilespmem:s30+$0x5D0]  }
0x37a: {  	[tilespmem:s30+$0x590] =	vst v13;
	v13 =	vld [tilespmem:s30+$0x980];
	v18 =	vadd.f32 v27, v18  }
0x37b: {  	[tilespmem:s30+$0x5A0] =	vst v16;
	v16 =	vld [tilespmem:s30+$0x990];
	v14 =	vadd.f32 v23, v14  }
0x37c: {  	v4 =	vld [tilespmem:s30+$0xD5E0];
	v15 =	vadd.f32 v24, v15;
	[tilespmem:s30+$0x5F0] =	vst v18  }
0x37d: {  	[tilespmem:s30+$0x5B0] =	vst v14;
	v14 =	vld [tilespmem:s30+$0x9A0];
	v17 =	vadd.f32 v26, v17  }
0x37e: {  	v12 =	vadd.f32 v25, v12;
	[tilespmem:s30+$0x5C0] =	vst v15;
	v15 =	vld [tilespmem:s30+$0x9B0]  }
0x37f: {  	v18 =	vld [tilespmem:s30+$0x9F0];
	[tilespmem:s30+$0x5E0] =	vst v17;
	v13 =	vadd.f32 v28, v13  }
0x380: {  	v16 =	vadd.f32 v29, v16;
	[tilespmem:s30+$0x5D0] =	vst v12;
	v12 =	vld [tilespmem:s30+$0x9C0]  }
0x381: {  	v17 =	vld [tilespmem:s30+$0x9D0];
	[tilespmem:s30+$0x980] =	vst v13  }
0x382: {  	[tilespmem:s30+$0x990] =	vst v16;
	v16 =	vld [tilespmem:s30+$0x9E0];
	v13 =	vadd.f32 v30, v14  }
0x383: {  	v14 =	vld [tilespmem:s30+$0xD80];
	v15 =	vadd.f32 v31, v15  }
0x384: {  	[tilespmem:s30+$0x9A0] =	vst v13;
	v13 =	vld [tilespmem:s30+$0xD90]  }
0x385: {  	v12 =	vadd.f32 v32, v12;
	[tilespmem:s30+$0x9B0] =	vst v15;
	v15 =	vld [tilespmem:s30+$0xDA0]  }
0x386: {  	v3 =	vld [tilespmem:s30+$0xD5F0];
	v17 =	vadd.f32 v33, v17  }
0x387: {  	v16 =	vadd.f32 v34, v16;
	[tilespmem:s30+$0x9C0] =	vst v12;
	v12 =	vld [tilespmem:s30+$0xDB0]  }
0x388: {  	[tilespmem:s30+$0x9D0] =	vst v17;
	v17 =	vld [tilespmem:s30+$0xDC0];
	v14 =	vadd.f32 v36, v14  }
0x389: {  	v18 =	vadd.f32 v35, v18;
	[tilespmem:s30+$0x9E0] =	vst v16;
	v16 =	vld [tilespmem:s30+$0xDD0]  }
0x38a: {  	v13 =	vadd.f32 v37, v13;
	[tilespmem:s30+$0xD80] =	vst v14;
	v14 =	vadd.f32 v38, v15;
	v15 =	vld [tilespmem:s30+$0xDE0]  }
0x38b: {  	[tilespmem:s30+$0x9F0] =	vst v18;
	v18 =	vld [tilespmem:s30+$0xDF0]  }
0x38c: {  	[tilespmem:s30+$0xD90] =	vst v13;
	v13 =	vld [tilespmem:s30+$0x1180];
	v12 =	vadd.f32 v39, v12  }
0x38d: {  	v17 =	vadd.f32 v40, v17;
	[tilespmem:s30+$0xDA0] =	vst v14;
	v14 =	vld [tilespmem:s30+$0x1190]  }
0x38e: {  	v16 =	vadd.f32 v41, v16;
	[tilespmem:s30+$0xDB0] =	vst v12;
	v12 =	vld [tilespmem:s30+$0x11A0]  }
0x38f: {  	[tilespmem:s30+$0xDC0] =	vst v17;
	v17 =	vld [tilespmem:s30+$0x11B0];
	v15 =	vadd.f32 v42, v15  }
0x390: {  	v19 =	vld [tilespmem:s30+$0x11C0];
	[tilespmem:s30+$0xDD0] =	vst v16;
	v16 =	vadd.f32 v43, v18  }
0x391: {  	v18 =	vld [tilespmem:s30+$0x11D0];
	v13 =	vadd.f32 v44, v13;
	[tilespmem:s30+$0xDE0] =	vst v15  }
0x392: {  	v20 =	vld [tilespmem:s30+$0x11E0];
	[tilespmem:s30+$0xDF0] =	vst v16;
	v14 =	vadd.f32 v45, v14  }
0x393: {  	v16 =	vld [tilespmem:s30+$0x11F0];
	[tilespmem:s30+$0x1180] =	vst v13;
	v12 =	vadd.f32 v46, v12  }
0x394: {  	v15 =	vld [tilespmem:s30+$0x1580];
	v13 =	vadd.f32 v47, v17;
	[tilespmem:s30+$0x1190] =	vst v14  }
0x395: {  	v14 =	vld [tilespmem:s30+$0x1590];
	[tilespmem:s30+$0x11A0] =	vst v12;
	v12 =	vadd.f32 v48, v19  }
0x396: {  	[tilespmem:s30+$0x11B0] =	vst v13;
	v13 =	vld [tilespmem:s30+$0x15A0];
	v18 =	vadd.f32 v49, v18  }
0x397: {  	s0 =	simm.s32 $0x1;
	v17 =	vadd.f32 v50, v20;
	[tilespmem:s30+$0x11C0] =	vst v12;
	v12 =	vld [tilespmem:s30+$0x15B0]  }
.LBB2_8:
0x398: {  	s2 =	sshrl.u32 s0, $0x3;
	p0 =	sne.s32 s0, $0x1F;
	[tilespmem:s30+$0x11D0] =	vst v18;
	v11 =	vadd.f32 v11, v16;
	v16 =	vld [tilespmem:s30+$0x15C0]  }
0x399: {  	s31 =	sadd.s32 $0x80, s31;
	s2 =	smul.u32 $0x1800, s2;
	[tilespmem:s30+$0x11E0] =	vst v17;
	v10 =	vadd.f32 v10, v15;
	v15 =	vld [tilespmem:s30+$0x15D0]  }
0x39a: {  	s17 =	sand.u32 $0x380, s31;
	[tilespmem:s30+$0x11F0] =	vst v11;
	v9 =	vadd.f32 v9, v14;
	v11 =	vld [tilespmem:s30+$0x15E0]  }
0x39b: {  	s2 =	sor.u32 s17, s2;
	[tilespmem:s30+$0x1580] =	vst v10;
	v8 =	vadd.f32 v8, v13;
	v10 =	vld [tilespmem:s30+$0x15F0]  }
0x39c: {  	v39 =	vld [tilespmem:s2+$0xC180];
	[tilespmem:s30+$0x1590] =	vst v9;
	v7 =	vadd.f32 v7, v12  }
0x39d: {  	v40 =	vld [tilespmem:s2+$0xC190];
	[tilespmem:s30+$0x15A0] =	vst v8;
	v6 =	vadd.f32 v6, v16  }
0x39e: {  	v41 =	vld [tilespmem:s2+$0xC1A0];
	[tilespmem:s30+$0x15B0] =	vst v7;
	v5 =	vadd.f32 v5, v15  }
0x39f: {  	v42 =	vld [tilespmem:s2+$0xC1B0];
	[tilespmem:s30+$0x15C0] =	vst v6;
	v4 =	vadd.f32 v4, v11  }
0x3a0: {  	v43 =	vld [tilespmem:s2+$0xC1C0];
	[tilespmem:s30+$0x15D0] =	vst v5;
	v3 =	vadd.f32 v3, v10  }
0x3a1: {  	v44 =	vld [tilespmem:s2+$0xC1D0];
	[tilespmem:s30+$0x15E0] =	vst v4  }
0x3a2: {  	v45 =	vld [tilespmem:s2+$0xC1E0];
	[tilespmem:s30+$0x15F0] =	vst v3;
	s30 =	smov.u32 s2  }
0x3a3: {  	v46 =	vld [tilespmem:s30+$0xC1F0]  }
0x3a4: {  	v47 =	vld [tilespmem:s30+$0xC580]  }
0x3a5: {  	v48 =	vld [tilespmem:s30+$0xC590]  }
0x3a6: {  	v49 =	vld [tilespmem:s30+$0xC5A0]  }
0x3a7: {  	v50 =	vld [tilespmem:s30+$0xC5B0]  }
0x3a8: {  	v38 =	vld [tilespmem:s30+$0xC5C0]  }
0x3a9: {  	v37 =	vld [tilespmem:s30+$0xC5D0]  }
0x3aa: {  	v36 =	vld [tilespmem:s30+$0xC5E0]  }
0x3ab: {  	v35 =	vld [tilespmem:s30+$0xC5F0]  }
0x3ac: {  	v34 =	vld [tilespmem:s30+$0xC980]  }
0x3ad: {  	v33 =	vld [tilespmem:s30+$0xC990]  }
0x3ae: {  	v32 =	vld [tilespmem:s30+$0xC9A0]  }
0x3af: {  	v31 =	vld [tilespmem:s30+$0xC9B0]  }
0x3b0: {  	v30 =	vld [tilespmem:s30+$0xC9C0]  }
0x3b1: {  	v29 =	vld [tilespmem:s30+$0xC9D0]  }
0x3b2: {  	v28 =	vld [tilespmem:s30+$0xC9E0]  }
0x3b3: {  	v27 =	vld [tilespmem:s30+$0xC9F0]  }
0x3b4: {  	v26 =	vld [tilespmem:s30+$0xCD80]  }
0x3b5: {  	v25 =	vld [tilespmem:s30+$0xCD90]  }
0x3b6: {  	v24 =	vld [tilespmem:s30+$0xCDA0]  }
0x3b7: {  	v23 =	vld [tilespmem:s30+$0xCDB0]  }
0x3b8: {  	v22 =	vld [tilespmem:s30+$0xCDC0]  }
0x3b9: {  	v21 =	vld [tilespmem:s30+$0xCDD0]  }
0x3ba: {  	v20 =	vld [tilespmem:s30+$0xCDE0]  }
0x3bb: {  	v19 =	vld [tilespmem:s30+$0xCDF0]  }
0x3bc: {  	v18 =	vld [tilespmem:s30+$0xD180]  }
0x3bd: {  	v17 =	vld [tilespmem:s30+$0xD190]  }
0x3be: {  	v16 =	vld [tilespmem:s30+$0xD1A0]  }
0x3bf: {  	v15 =	vld [tilespmem:s30+$0xD1B0]  }
0x3c0: {  	v14 =	vld [tilespmem:s30+$0xD1C0]  }
0x3c1: {  	v13 =	vld [tilespmem:s30+$0xD1D0]  }
0x3c2: {  	v12 =	vld [tilespmem:s30+$0xD1E0]  }
0x3c3: {  	v11 =	vld [tilespmem:s30+$0xD1F0]  }
0x3c4: {  	v10 =	vld [tilespmem:s30+$0xD580]  }
0x3c5: {  	v9 =	vld [tilespmem:s30+$0xD590]  }
0x3c6: {  	v8 =	vld [tilespmem:s30+$0xD5A0]  }
0x3c7: {  	v7 =	vld [tilespmem:s30+$0xD5B0]  }
0x3c8: {  	v6 =	vld [tilespmem:s30+$0xD5C0]  }
0x3c9: {  	v5 =	vld [tilespmem:s30+$0xD5D0]  }
0x3ca: {  	v4 =	vld [tilespmem:s30+$0xD5E0]  }
0x3cb: {  	v3 =	vld [tilespmem:s30+$0xD5F0]  }
0x3cc: {  	v51 =	vld [tilespmem:s30+$0x180]  }
0x3cd: {  	v52 =	vld [tilespmem:s30+$0x190]  }
0x3ce: {  	v53 =	vld [tilespmem:s30+$0x1A0]  }
0x3cf: {  	v54 =	vld [tilespmem:s30+$0x1B0]  }
0x3d0: {  	v55 =	vld [tilespmem:s30+$0x1C0]  }
0x3d1: {  	v39 =	vadd.f32 v39, v51;
	v51 =	vld [tilespmem:s30+$0x1D0]  }
0x3d2: {  	v40 =	vadd.f32 v40, v52;
	v52 =	vld [tilespmem:s30+$0x1E0]  }
0x3d3: {  	[tilespmem:s30+$0x180] =	vst v39;
	v39 =	vadd.f32 v41, v53;
	v41 =	vld [tilespmem:s30+$0x1F0]  }
0x3d4: {  	[tilespmem:s30+$0x190] =	vst v40;
	v40 =	vadd.f32 v42, v54;
	v42 =	vld [tilespmem:s30+$0x580]  }
0x3d5: {  	[tilespmem:s30+$0x1A0] =	vst v39;
	v39 =	vadd.f32 v43, v55;
	v43 =	vld [tilespmem:s30+$0x590]  }
0x3d6: {  	[tilespmem:s30+$0x1B0] =	vst v40;
	v40 =	vadd.f32 v44, v51;
	v44 =	vld [tilespmem:s30+$0x5A0]  }
0x3d7: {  	[tilespmem:s30+$0x1C0] =	vst v39;
	v39 =	vadd.f32 v45, v52;
	v45 =	vld [tilespmem:s30+$0x5B0]  }
0x3d8: {  	[tilespmem:s30+$0x1D0] =	vst v40;
	v40 =	vadd.f32 v46, v41;
	v41 =	vld [tilespmem:s30+$0x5C0]  }
0x3d9: {  	[tilespmem:s30+$0x1E0] =	vst v39;
	v39 =	vadd.f32 v47, v42;
	v42 =	vld [tilespmem:s30+$0x5D0]  }
0x3da: {  	[tilespmem:s30+$0x1F0] =	vst v40;
	v40 =	vadd.f32 v48, v43;
	v43 =	vld [tilespmem:s30+$0x5E0]  }
0x3db: {  	[tilespmem:s30+$0x580] =	vst v39;
	v39 =	vadd.f32 v49, v44;
	v44 =	vld [tilespmem:s30+$0x5F0]  }
0x3dc: {  	[tilespmem:s30+$0x590] =	vst v40;
	v40 =	vadd.f32 v50, v45;
	v45 =	vld [tilespmem:s30+$0x980]  }
0x3dd: {  	[tilespmem:s30+$0x5A0] =	vst v39;
	v38 =	vadd.f32 v38, v41;
	v39 =	vld [tilespmem:s30+$0x990]  }
0x3de: {  	[tilespmem:s30+$0x5B0] =	vst v40;
	v37 =	vadd.f32 v37, v42;
	v40 =	vld [tilespmem:s30+$0x9A0]  }
0x3df: {  	[tilespmem:s30+$0x5C0] =	vst v38;
	v36 =	vadd.f32 v36, v43;
	v38 =	vld [tilespmem:s30+$0x9B0]  }
0x3e0: {  	[tilespmem:s30+$0x5D0] =	vst v37;
	v35 =	vadd.f32 v35, v44;
	v37 =	vld [tilespmem:s30+$0x9C0]  }
0x3e1: {  	[tilespmem:s30+$0x5E0] =	vst v36;
	v34 =	vadd.f32 v34, v45;
	v36 =	vld [tilespmem:s30+$0x9D0]  }
0x3e2: {  	[tilespmem:s30+$0x5F0] =	vst v35;
	v33 =	vadd.f32 v33, v39;
	v35 =	vld [tilespmem:s30+$0x9E0]  }
0x3e3: {  	[tilespmem:s30+$0x980] =	vst v34;
	v32 =	vadd.f32 v32, v40;
	v34 =	vld [tilespmem:s30+$0x9F0]  }
0x3e4: {  	[tilespmem:s30+$0x990] =	vst v33;
	v31 =	vadd.f32 v31, v38;
	v33 =	vld [tilespmem:s30+$0xD80]  }
0x3e5: {  	[tilespmem:s30+$0x9A0] =	vst v32;
	v30 =	vadd.f32 v30, v37;
	v32 =	vld [tilespmem:s30+$0xD90]  }
0x3e6: {  	[tilespmem:s30+$0x9B0] =	vst v31;
	v29 =	vadd.f32 v29, v36;
	v31 =	vld [tilespmem:s30+$0xDA0]  }
0x3e7: {  	[tilespmem:s30+$0x9C0] =	vst v30;
	v28 =	vadd.f32 v28, v35;
	v30 =	vld [tilespmem:s30+$0xDB0]  }
0x3e8: {  	[tilespmem:s30+$0x9D0] =	vst v29;
	v27 =	vadd.f32 v27, v34;
	v29 =	vld [tilespmem:s30+$0xDC0]  }
0x3e9: {  	[tilespmem:s30+$0x9E0] =	vst v28;
	v26 =	vadd.f32 v26, v33;
	v28 =	vld [tilespmem:s30+$0xDD0]  }
0x3ea: {  	[tilespmem:s30+$0x9F0] =	vst v27;
	v25 =	vadd.f32 v25, v32;
	v27 =	vld [tilespmem:s30+$0xDE0]  }
0x3eb: {  	[tilespmem:s30+$0xD80] =	vst v26;
	v24 =	vadd.f32 v24, v31;
	v26 =	vld [tilespmem:s30+$0xDF0]  }
0x3ec: {  	[tilespmem:s30+$0xD90] =	vst v25;
	v23 =	vadd.f32 v23, v30;
	v25 =	vld [tilespmem:s30+$0x1180]  }
0x3ed: {  	[tilespmem:s30+$0xDA0] =	vst v24;
	v22 =	vadd.f32 v22, v29;
	v24 =	vld [tilespmem:s30+$0x1190]  }
0x3ee: {  	[tilespmem:s30+$0xDB0] =	vst v23;
	v21 =	vadd.f32 v21, v28;
	v23 =	vld [tilespmem:s30+$0x11A0]  }
0x3ef: {  	[tilespmem:s30+$0xDC0] =	vst v22;
	v20 =	vadd.f32 v20, v27;
	v22 =	vld [tilespmem:s30+$0x11B0]  }
0x3f0: {  	[tilespmem:s30+$0xDD0] =	vst v21;
	v19 =	vadd.f32 v19, v26;
	v21 =	vld [tilespmem:s30+$0x11C0]  }
0x3f1: {  	[tilespmem:s30+$0xDE0] =	vst v20;
	v18 =	vadd.f32 v18, v25;
	v20 =	vld [tilespmem:s30+$0x11D0]  }
0x3f2: {  	[tilespmem:s30+$0xDF0] =	vst v19;
	v17 =	vadd.f32 v17, v24;
	v19 =	vld [tilespmem:s30+$0x11E0]  }
.Ltmp3:
0x3f3: {  	[tilespmem:s30+$0x1180] =	vst v18;
	v18 =	vadd.f32 v16, v23;
	v16 =	vld [tilespmem:s30+$0x11F0];
	(pc) =	sbr.rel @p0 .LBB2_8-.Ltmp3, $4  }
0x3f4: {  	[tilespmem:s30+$0x1190] =	vst v17;
	v17 =	vadd.f32 v15, v22;
	v15 =	vld [tilespmem:s30+$0x1580]  }
0x3f5: {  	[tilespmem:s30+$0x11A0] =	vst v18;
	v21 =	vadd.f32 v14, v21;
	v14 =	vld [tilespmem:s30+$0x1590]  }
0x3f6: {  	[tilespmem:s30+$0x11B0] =	vst v17;
	v18 =	vadd.f32 v13, v20;
	v13 =	vld [tilespmem:s30+$0x15A0]  }
0x3f7: {  	s0 =	sadd.s32 $0x1, s0;
	[tilespmem:s30+$0x11C0] =	vst v21;
	v17 =	vadd.f32 v12, v19;
	v12 =	vld [tilespmem:s30+$0x15B0]  }
0x3f8: {  	[tilespmem:s30+$0x11D0] =	vst v18;
	v60 =	vld [tilespmem:s30+$0x15C0];
	v11 =	vadd.f32 v11, v16  }
0x3f9: {  	v61 =	vld [tilespmem:s30+$0x15D0];
	[tilespmem:s30+$0x11E0] =	vst v17;
	v10 =	vadd.f32 v10, v15  }
0x3fa: {  	v62 =	vld [tilespmem:s30+$0x15E0];
	[tilespmem:s30+$0x11F0] =	vst v11;
	v9 =	vadd.f32 v9, v14  }
0x3fb: {  	v63 =	vld [tilespmem:s30+$0x15F0];
	[tilespmem:s30+$0x1580] =	vst v10;
	v8 =	vadd.f32 v8, v13  }
0x3fc: {  	[tilespmem:s30+$0x1590] =	vst v9;
	v7 =	vadd.f32 v7, v12  }
0x3fd: {  	[tilespmem:s30+$0x15A0] =	vst v8;
	v6 =	vadd.f32 v6, v60  }
0x3fe: {  	v5 =	vadd.f32 v5, v61;
	[tilespmem:s30+$0x15B0] =	vst v7  }
0x3ff: {  	v4 =	vadd.f32 v4, v62;
	[tilespmem:s30+$0x15C0] =	vst v6  }
0x400: {  	s29 =	sadd.s32 $0x1, s29;
	v3 =	vadd.f32 v3, v63;
	[tilespmem:s30+$0x15D0] =	vst v5  }
0x401: {  	p0 =	sne.s32 s29, s14;
	[tilespmem:s30+$0x15E0] =	vst v4  }
.Ltmp4:
0x402: {  	[tilespmem:s30+$0x15F0] =	vst v3;
	(pc) =	sbr.rel @p0 .LBB2_1-.Ltmp4, $4  }
0x403: {  	[hbm4b:s13+s1] =	stream.linear.scatter [tilespmem:s16], [sflag:$0x4], $0x6000, $0x38;
	[tilespmem:$0x12180] =	vst v63  }
0x404: {  	_ =	swait.ge [sflag:s15], $0x6000  }
0x405: {  	[sflag:s15] =	ssyncset.done $0x0  }
0x406: {  	[sflag:s15] =	ssyncadd.s32 $0xFFFFA000  }
0x407: {  	_ =	sfence.sel $0x180000  }
0x408: {  	[bflag:$0x0] =	sbarrier.arrive $0xFFFF  }
0x409: {  	_ =	strace $0x9000004A  }
0x40a: {  	s0 =	stileid.u32;
	[bflag:$0x2] =	sbarrier.arrive $0xFFFF  }
0x40b: {  	p0 =	sne.s32 s0, $0x0;
	s0 =	rddreg [dreg:$0x2]  }
0x40c: {  	s0 =	sadd.s32 @!p0 $0x100000, s0  }
0x40d: {  	[sflag:s0] =	ssyncadd.tile.s32 @!p0 $0x1;
	_ =	shalt  }
.Lfunc_end2:
_tile_overlayer_lowered:
.L_overlay_start_2:
0x40e: {  	(tag) =	ssettag $0x2  }
0x40f: {  	s0 =	rddreg [dreg:$0x0];
	s2 =	stileid.u32  }
0x410: {  	s1 =	rddreg [dreg:$0x1];
	p0 =	sne.s32 s2, $0x0  }
0x411: {  	s3 =	rddreg [dreg:$0x2];
	[bflag:$0x3] =	sbarrier.arrive $0xFFFF;
	s2 =	simm.s32 @!p0 $0x1C04  }
0x412: {  	[timem:s3], [sflag:s2] =	dma.local @!p0 [hbm:s0], s1  }
0x413: {  	s0 =	simm.s32 @!p0 $0x4  }
0x414: {  	_ =	swait.ge @!p0 [sflag:s0], s1  }
0x415: {  	s1 =	ssub.s32 @!p0 $0x0, s1;
	[sflag:s0] =	ssyncset.done @!p0 $0x0  }
0x416: {  	[sflag:s0] =	ssyncadd.s32 @!p0 s1  }
0x417: {  	[bflag:$0x3] =	sbarrier.arrive $0xFFFF  }
0x418: {  	_ =	shalt  }

// kernel: kernel.7.cloned.1.call-start
scs
__scs_entry_jumppad:
0x0: {  	(pc) =	sbr.rel $0x88, $3  }
0x1: {  	(tag) =	ssettag $0x0;
	lr =	simm.s32 $0x1  }
0x2: {  	[smem:$0x3F9A] =	sst lr;
	_ =	strace $0xD0000000  }
0x3: {  	_ = 	snop  }
0x4: {  	_ = 	snop  }
0x5: {  	_ = 	snop  }
0x6: {  	_ = 	snop  }
0x7: {  	_ = 	snop  }
__scs_overlays_trampoline_lowered:
0x8: {  	[smem:$0x3FA9] =	sst s0  }
0x9: {  	[smem:$0x3FAA] =	sst s1  }
0xa: {  	[smem:$0x3FAB] =	sst s2  }
0xb: {  	[smem:$0x3FAC] =	sst s3  }
0xc: {  	[smem:$0x3FAD] =	sst s4  }
0xd: {  	[smem:$0x3FAE] =	sst s5  }
0xe: {  	[smem:$0x3FAF] =	sst s6  }
0xf: {  	[smem:$0x3FB0] =	sst s7  }
0x10: {  	[smem:$0x3FB1] =	sst s8  }
0x11: {  	[smem:$0x3FB2] =	sst s9;
	s0 =	simm.s32 @!p0 $0x0  }
0x12: {  	s1 =	sld [smem:$0x3F98];
	s0 =	simm.s32 @p0 $0x1  }
0x13: {  	[smem:$0x3FB3] =	sst s0;
	s0 =	simm.s32 @!p1 $0x0  }
0x14: {  	s2 =	sld [smem:$0x3F97];
	s0 =	simm.s32 @p1 $0x1  }
0x15: {  	[smem:$0x3FB4] =	sst s0;
	s0 =	simm.s32 @!p2 $0x0  }
0x16: {  	s3 =	sld [smem:$0x3FDB];
	s0 =	simm.s32 @p2 $0x1  }
0x17: {  	s4 =	simm.s32 $0x1BF5;
	[smem:$0x3FB6] =	sst s0  }
0x18: {  	s0 =	sld [smem:$0x3F99];
	_ =	swait.ge [sflag:s4], $0x0  }
0x19: {  	s7 =	sld [smem:$0x3F9A]  }
0x1a: {  	s8 =	sadd.s32 $0xFFFFE003, lr  }
0x1b: {  	s9 =	sadd.s32 $0xFFFFFEF7, lr;
	s5 =	simm.s32 $0xFFFFFFFF;
	p2 =	slt.u32 s8, $0xFFFFF086  }
0x1c: {  	p1 =	slt.u32 s9, $0xF7A;
	s5 =	simm.s32 @!p2 $0x0  }
0x1d: {  	s5 =	simm.s32 @p1 $0x1;
	p0 =	seq.s32 s7, s2  }
0x1e: {  	s7 =	smul.u32 @!p0 $0xF7A, s2;
	p2 =	seq.s32 @!p0 s5, $0x0  }
0x1f: {  	s9 =	smul.u32 $0xF7A, s1;
	s8 =	simm.s32 @!p0 $0x1BF5;
	p2 =	por !p2, p0  }
0x20: {  	[sflag:s8] =	ssyncset.s32 @!p0 $0xFFFFF086;
	s6 =	sadd.s32 @!p0 s3, s7;
	s7 =	simm.s32 @!p0 $0x108  }
0x21: {  	s3 =	sadd.s32 s3, s9;
	s6 =	sadd.s32 @!p0 $0x88, s6;
	s7 =	simm.s32 @p2 $0x1082  }
0x22: {  	[simem:s7], [sflag:s8] =	dma.local @!p0 [hbm:s6], $0xF7A  }
0x23: {  	s9 =	sor.u32 $0xD0000000, s2;
	s6 =	simm.s32 $0x108;
	_ =	swait.ge @!p0 [sflag:s8], $0x0  }
0x24: {  	s3 =	sadd.s32 $0x88, s3;
	s6 =	simm.s32 @!p1 $0x1082;
	[sflag:s4] =	ssyncset.s32 $0xFFFFF086  }
0x25: {  	[simem:s6], [sflag:s4] =	dma.local [hbm:s3], $0xF7A  }
0x26: {  	[smem:$0x3F9A] =	sst s1;
	(tag) =	ssettag s2;
	_ =	strace s9  }
0x27: {  	s1 =	sld [smem:$0x3FAA]  }
0x28: {  	s2 =	sld [smem:$0x3FAB]  }
0x29: {  	s4 =	sld [smem:$0x3FAD]  }
0x2a: {  	p0 =	seq.s32 s5, $0x0;
	s5 =	sld [smem:$0x3FAE]  }
0x2b: {  	s6 =	sld [smem:$0x3FAF]  }
0x2c: {  	s7 =	sld [smem:$0x3FB0]  }
0x2d: {  	s3 =	simm.s32 $0x108;
	s8 =	sld [smem:$0x3FB1]  }
0x2e: {  	s3 =	simm.s32 @!p0 $0x1082;
	s9 =	sld [smem:$0x3FB2]  }
0x2f: {  	lr =	sadd.s32 s0, s3;
	s0 =	sld [smem:$0x3FA9]  }
0x30: {  	s3 =	sld [smem:$0x3FAC]  }
0x31: {  	[smem:$0x3FB5] =	sst s10  }
0x32: {  	s10 =	sld [smem:$0x3FB3];
	_ =	sdelay $0x3  }
0x33: {  	p0 =	seq.s32 s10, $0x1;
	s10 =	sld [smem:$0x3FB5];
	_ =	sdelay $0x3  }
0x34: {  	[smem:$0x3FB5] =	sst s10  }
0x35: {  	s10 =	sld [smem:$0x3FB4];
	_ =	sdelay $0x3  }
0x36: {  	p1 =	seq.s32 s10, $0x1;
	s10 =	sld [smem:$0x3FB5];
	_ =	sdelay $0x3  }
0x37: {  	[smem:$0x3FB5] =	sst s10  }
0x38: {  	s10 =	sld [smem:$0x3FB6]  }
0x39: {  	_ = 	snop;
	(pc) =	sbr.ind lr, $3  }
0x3a: {  	_ = 	snop  }
0x3b: {  	_ = 	snop  }
0x3c: {  	p2 =	seq.s32 s10, $0x1;
	s10 =	sld [smem:$0x3FB5]  }
0x3d: {  	_ =	shalt  }
0x3e: {  	_ =	shalt  }
0x3f: {  	_ =	shalt  }
0x40: {  	_ =	shalt  }
0x41: {  	_ =	shalt  }
0x42: {  	_ =	shalt  }
0x43: {  	_ =	shalt  }
0x44: {  	_ =	shalt  }
0x45: {  	_ =	shalt  }
0x46: {  	_ =	shalt  }
0x47: {  	_ =	shalt  }
0x48: {  	_ =	shalt  }
0x49: {  	_ =	shalt  }
0x4a: {  	_ =	shalt  }
0x4b: {  	_ =	shalt  }
0x4c: {  	_ =	shalt  }
0x4d: {  	_ =	shalt  }
0x4e: {  	_ =	shalt  }
0x4f: {  	_ =	shalt  }
0x50: {  	_ =	shalt  }
0x51: {  	_ =	shalt  }
0x52: {  	_ =	shalt  }
0x53: {  	_ =	shalt  }
0x54: {  	_ =	shalt  }
0x55: {  	_ =	shalt  }
0x56: {  	_ =	shalt  }
0x57: {  	_ =	shalt  }
0x58: {  	_ =	shalt  }
0x59: {  	_ =	shalt  }
0x5a: {  	_ =	shalt  }
0x5b: {  	_ =	shalt  }
0x5c: {  	_ =	shalt  }
0x5d: {  	_ =	shalt  }
0x5e: {  	_ =	shalt  }
0x5f: {  	_ =	shalt  }
0x60: {  	_ =	shalt  }
0x61: {  	_ =	shalt  }
0x62: {  	_ =	shalt  }
0x63: {  	_ =	shalt  }
0x64: {  	_ =	shalt  }
0x65: {  	_ =	shalt  }
0x66: {  	_ =	shalt  }
0x67: {  	_ =	shalt  }
0x68: {  	_ =	shalt  }
0x69: {  	_ =	shalt  }
0x6a: {  	_ =	shalt  }
0x6b: {  	_ =	shalt  }
0x6c: {  	_ =	shalt  }
0x6d: {  	_ =	shalt  }
0x6e: {  	_ =	shalt  }
0x6f: {  	_ =	shalt  }
0x70: {  	_ =	shalt  }
0x71: {  	_ =	shalt  }
0x72: {  	_ =	shalt  }
0x73: {  	_ =	shalt  }
0x74: {  	_ =	shalt  }
0x75: {  	_ =	shalt  }
0x76: {  	_ =	shalt  }
0x77: {  	_ =	shalt  }
0x78: {  	_ =	shalt  }
0x79: {  	_ =	shalt  }
0x7a: {  	_ =	shalt  }
0x7b: {  	_ =	shalt  }
0x7c: {  	_ =	shalt  }
0x7d: {  	_ =	shalt  }
0x7e: {  	_ =	shalt  }
0x7f: {  	_ =	shalt  }
0x80: {  	_ =	shalt  }
0x81: {  	_ =	shalt  }
0x82: {  	_ =	shalt  }
0x83: {  	_ =	shalt  }
0x84: {  	_ =	shalt  }
0x85: {  	_ =	shalt  }
0x86: {  	_ =	shalt  }
0x87: {  	_ =	shalt  }
.Lfunc_end0:
.L_simem_size_0:
called_computation_lowered:
.L_overlay_start_0:
0x88: {  	s2 =	sld [smem:$0x3FD9]  }
0x89: {  	s3 =	sld [smem:$0x3FFE];
	_ =	sdelay $0x1  }
0x8a: {  	s1 =	srdreg.scid  }
0x8b: {  	s0 =	sand.u32 $0x1, s1  }
0x8c: {  	s17 =	sshll.u32 s0, $0xA;
	s2 =	sadd.s32 s3, s2  }
0x8d: {  	s2 =	sadd.s32 s2, s17  }
0x8e: {  	[smem:$0x3FC1] =	sst s2  }
0x8f: {  	_ = 	snop  }
0x90: {  	s2 =	sld [smem:$0x3FC9]  }
0x91: {  	s18 =	sld [smem:$0x3FD0];
	(tm) =	ssettm $0x1  }
0x92: {  	s4 =	sld [smem:$0x3FFB];
	_ =	sdelay $0x3  }
0x93: {  	_ =	strace s4  }
0x94: {  	s4 =	sld [smem:$0x3FFC];
	_ =	sdelay $0x3  }
0x95: {  	_ =	strace s4  }
0x96: {  	s4 =	sld [smem:$0x3FFD];
	_ =	sdelay $0x3  }
0x97: {  	_ =	strace s4  }
0x98: {  	_ =	strace $0x8FFFFFFF  }
0x99: {  	s19 =	sld [smem:$0x3FDB];
	_ =	sdelay $0x1  }
0x9a: {  	s5 =	simm.s32 $_scs_section_size  }
0x9b: {  	s6 =	simm.s32 $_size__tile_overlayer_lowered;
	s7 =	simm.s32 $_tile_overlayer_lowered  }
0x9c: {  	s22 =	simm.s32 $0x1BFF;
	s21 =	sshll.u32 s7, $0x1;
	s4 =	sadd.s32 s5, s19  }
0x9d: {  	s8 =	simm.s32 $0x0;
	s20 =	sshll.u32 s6, $0x1;
	s6 =	sadd.s32 s21, s4  }
0x9e: {  	[timem:s8], [sflag:s22] =	dma.local [hbm:s6], s20  }
0x9f: {  	_ =	swait.ge [sflag:s22], s20  }
0xa0: {  	s5 =	ssub.s32 $0x0, s20;
	[sflag:s22] =	ssyncset.done $0x0  }
0xa1: {  	[sflag:s22] =	ssyncadd.s32 s5;
	_ =	sdelay $0x1  }
0xa2: {  	s23 =	simm.s32 $0x1B8B  }
0xa3: {  	_ =	swait.ge [sflag:s23], $0x1  }
0xa4: {  	[sflag:s23] =	ssyncset.done $0x0  }
0xa5: {  	s25 =	simm.s32 $0x1B8E;
	s24 =	sld [smem:$0x3FFE];
	[sflag:s23] =	ssyncadd.s32 $0xFFFFFFFF  }
0xa6: {  	s26 =	simm.s32 $execute0_lowered;
	[smem:$0x3FD2] =	sst s25  }
0xa7: {  	s6 =	sshll.u32 s26, $0x1;
	_ =	strace $0x80000046;
	[dreg:$0x1] =	wrdreg $0xFFFFFFFF  }
0xa8: {  	s28 =	simm.s32 $_size_execute0_lowered;
	s4 =	sadd.s32 s4, s6;
	[dreg:$0x0] =	wrdreg $0x0  }
0xa9: {  	s6 =	sshll.u32 s28, $0x1;
	[dreg:$0x2] =	wrdreg s4  }
0xaa: {  	[dreg:$0x3] =	wrdreg s6  }
0xab: {  	[dreg:$0x4] =	wrdreg $0xC0  }
0xac: {  	_ =	task [dreg:s8], $0x5FFFF  }
0xad: {  	[dreg:$0x1] =	wrdreg $0xFFFFFFFF  }
0xae: {  	[dreg:$0x0] =	wrdreg $0x60  }
0xaf: {  	[dreg:$0x2] =	wrdreg s2  }
0xb0: {  	[dreg:$0x3] =	wrdreg s24  }
0xb1: {  	[dreg:$0x4] =	wrdreg s18  }
0xb2: {  	[dreg:$0x5] =	wrdreg $0x9  }
0xb3: {  	_ =	task.clear_ibuf [dreg:s8], $0x6FFFF;
	_ =	strace $0x90000046  }
0xb4: {  	s29 =	simm.s32 $0x9;
	_ =	strace $0x80000048  }
0xb5: {  	_ =	swait.ge [sflag:s29], $0x1  }
0xb6: {  	[sflag:s29] =	ssyncadd.s32 $0xFFFFFFFF  }
0xb7: {  	_ =	strace $0x90000048  }
0xb8: {  	_ =	sfence  }
0xb9: {  	s30 =	sld [smem:$0x0];
	_ =	sdelay $0x2  }
0xba: {  	s31 =	sshll.u32 s1, $0xD;
	s1 =	sshrl.u32 s1, $0x2  }
0xbb: {  	s3 =	sand.u32 $0x4000, s31;
	s1 =	sadd.s32 s1, s30  }
0xbc: {  	s0 =	sor.u32 s3, s0;
	s1 =	sshll.u32 s1, $0x11  }
0xbd: {  	s0 =	sor.u32 s1, s0  }
0xbe: {  	s0 =	sadd.s32 $0x8F2B, s0  }
0xbf: {  	[sflag:s0] =	ssyncadd.remote.s32 $0x1  }
0xc0: {  	_ =	sfence.sel $0xFFFF  }
0xc1: {  	[dreg:$0x0] =	wrdreg $0xFFFFFFFF;
	(pc) =	sbr.abs _section_cstart, $3  }
0xc2: {  	[dreg:$0x1] =	wrdreg $0xFFFFFFFF  }
0xc3: {  	_ =	task.clear_ibuf [dreg:s8], $0x2FFFF;
	_ =	strace $0x9FFFFFFF  }
0xc4: {  	(tm) =	ssettm $0x7FFFFFFF  }
0xc5: {  	_ =	shalt  }
tec
execute0_lowered:
.L_overlay_start_1:
0x0: {  	(tag) =	ssettag $0x1  }
0x1: {  	s0 =	rddreg [dreg:$0x0];
	s1 =	srdreg.scid  }
0x2: {  	s2 =	rddreg [dreg:$0x1];
	s3 =	stileid.u32;
	s9 =	simm.s32 $0x3  }
0x3: {  	s16 =	simm.s32 $0xA80;
	s17 =	simm.s32 $0x1280;
	s18 =	simm.s32 $0x1A80  }
0x4: {  	s19 =	simm.s32 $0x2280;
	s20 =	simm.s32 $0x2A80;
	s21 =	simm.s32 $0x3280  }
0x5: {  	s28 =	simm.s32 $0x6280;
	s29 =	simm.s32 $0x6A80;
	s30 =	simm.s32 $0x7280  }
0x6: {  	s31 =	simm.s32 $0x7A80;
	s11 =	simm.s32 $0x9A80;
	s12 =	simm.s32 $0xAA80  }
0x7: {  	s1 =	sand.u32 $0x1, s1;
	s4 =	sshll.u32 s3, $0x4;
	s3 =	simm.s32 $0x0  }
0x8: {  	s13 =	simm.s32 $0xB280;
	s5 =	sshll.u32 s1, $0x3;
	[smem:$0x7FF] =	sst s3  }
0x9: {  	s1 =	ssub.s32 $0x2, s1;
	s4 =	sor.u32 s5, s4;
	_ =	strace $0x80000047  }
0xa: {  	s23 =	sshrl.u32 s1, $0x1;
	s5 =	smul.u32 $0x300, s4;
	s6 =	sadd.s32 s4, s2  }
0xb: {  	s4 =	sadd.s32 $0x3800, s2;
	s1 =	ssub.s32 s1, s23;
	s22 =	sadd.s32 $0x3600, s6  }
0xc: {  	s23 =	simm.s32 $0x4280;
	s24 =	sadd.s32 $0x3200, s6;
	[dreg:$0x5] =	wrdreg s22  }
0xd: {  	s25 =	sadd.s32 $0x3400, s6;
	s26 =	sadd.s32 $0x3000, s6;
	[dreg:$0x6] =	wrdreg s24  }
0xe: {  	s6 =	sadd.s32 $0x3A00, s2;
	s8 =	smax.u32 s1, $0x1;
	[dreg:$0x7] =	wrdreg s25  }
0xf: {  	v2 =	vlaneseq.u32;
	s0 =	sadd.s32 s0, s5;
	s5 =	sadd.s32 $0x3900, s2;
	[dreg:$0x8] =	wrdreg s26  }
0x10: {  	vm0 =	vmmov $0xffff;
	v1 =	vshrl.u32 v2, $0x3;
	s22 =	simm.s32 $0x3A80;
	s24 =	simm.s32 $0x4A80;
	s25 =	simm.s32 $0x5280  }
0x11: {  	v0 =	vand.u32 $0x7, v2;
	v2 =	vor.u32 $0x8, v2;
	v1 =	vmul.u32 $0x8, v1;
	s26 =	simm.s32 $0x5A80;
	s2 =	simm.s32 $0x200;
	[dreg:$0x4] =	wrdreg s0  }
.LBB2_1:
0x12: {  	s14 =	rddreg [dreg:$0x4];
	s0 =	simm.s32 $0x280  }
0x13: {  	[tilespmem:s0], [sflag:$0x3] =	stream.linear.gather [hbm4b:s14+s3], $0xC000, $0x38;
	[tilespmem:$0xC280] =	vst v63  }
0x14: {  	_ =	swait.ge [sflag:s9], $0xC000  }
0x15: {  	[sflag:s9] =	ssyncset.done $0x0  }
0x16: {  	s10 =	rddreg [dreg:$0x5];
	[sflag:s9] =	ssyncadd.s32 $0xFFFF4000  }
0x17: {  	[tilespmem:s3], [sflag:$0x3] =	stream.linear.gather [hbm4b:s10+s3], $0x40, $0x38;
	[tilespmem:$0xC280] =	vst v63  }
0x18: {  	_ =	swait.ge [sflag:s9], $0x40  }
0x19: {  	[sflag:s9] =	ssyncset.done $0x0  }
0x1a: {  	[sflag:s9] =	ssyncadd.s32 $0xFFFFFFC0  }
0x1b: {  	v3 =	vld [tilespmem:$0x0];
	_ =	sdelay $0x3  }
0x1c: {  	v4 =	vld [tilespmem:$0x10]  }
0x1d: {  	v5 =	vld [tilespmem:$0x20];
	v3 =	vtrunc.f32 v3  }
0x1e: {  	v7 =	vld [tilespmem:$0x30];
	v3 =	vcvt.f32.s32 v3  }
0x1f: {  	v8 =	vld [tilespmem:$0x10]  }
0x20: {  	v9 =	vld [tilespmem:$0x20];
	[tilespmem:$0x80] =	vst v3  }
0x21: {  	v6 =	vld [tilespmem:$0x80]  }
0x22: {  	v10 =	vld [tilespmem:$0x30]  }
0x23: {  	v3 =	vld [tilespmem:$0x0];
	_ =	sdelay $0x1  }
0x24: {  	v4 =	vtrunc.f32 v4;
	v5 =	vtrunc.f32 v5  }
0x25: {  	v7 =	vtrunc.f32 v7;
	v8 =	vmul.f32 $1.600000000e+01, v8;
	v11 =	vshrl.u32 v6, $0x3  }
0x26: {  	v40 =	vmul.f32 $1.600000000e+01, v9;
	v43 =	vmul.f32 $1.600000000e+01, v10;
	v11 =	vmul.u32 $0x30, v11  }
0x27: {  	v4 =	vcvt.f32.s32 v4;
	v3 =	vmul.f32 $1.600000000e+01, v3;
	v6 =	vand.u32 $0x7, v6  }
0x28: {  	v5 =	vcvt.f32.s32 v5;
	v7 =	vcvt.f32.s32 v7;
	v6 =	vor.u32 v6, v11  }
0x29: {  	[tilespmem:$0x90] =	vst v4;
	v3 =	vtrunc.f32 v3;
	v41 =	vperm.xlane v6, v0  }
0x2a: {  	v42 =	vtrunc.f32 v8;
	[tilespmem:$0xA0] =	vst v5;
	v3 =	vcvt.f32.s32 v3  }
0x2b: {  	[tilespmem:$0xB0] =	vst v7;
	v5 =	vcvt.f32.s32 v42;
	v4 =	vtrunc.f32 v40;
	v44 =	vadd.s32 v1, v41  }
0x2c: {  	v45 =	vtrunc.f32 v43;
	[tilespmem:$0x180] =	vst v3;
	v3 =	vcvt.f32.s32 v4  }
0x2d: {  	[tilespmem:$0x190] =	vst v5;
	v4 =	vcvt.f32.s32 v45  }
0x2e: {  	[tilespmem:$0x1A0] =	vst v3  }
0x2f: {  	s7 =	simm.s32 $0x280;
	[tilespmem:$0x1B0] =	vst v4;
	v3 =	vperm.xlane v6, v2  }
0x30: {  	[hbm4b:s4+s3] =	stream.indirect_vreg.scatter [tilespmem:s7], [sflag:$0x1], $0x80, v44, vm0, $0xb8;
	[tilespmem:$0xC280] =	vst v63  }
0x31: {  	v3 =	vadd.s32 v1, v3  }
0x32: {  	[hbm4b:s5+s3] =	stream.indirect_vreg.scatter [tilespmem:s16], [sflag:$0x1], $0x80, v44, vm0, $0xb8;
	[tilespmem:$0xC280] =	vst v63  }
0x33: {  	_ = 	snop  }
0x34: {  	[hbm4b:s6+s3] =	stream.indirect_vreg.scatter [tilespmem:s17], [sflag:$0x1], $0x80, v44, vm0, $0xb8;
	[tilespmem:$0xC280] =	vst v63  }
0x35: {  	_ = 	snop  }
0x36: {  	[hbm4b:s4+s3] =	stream.indirect_vreg.scatter [tilespmem:s18], [sflag:$0x1], $0x80, v3, vm0, $0xb8;
	[tilespmem:$0xC280] =	vst v63  }
0x37: {  	_ = 	snop  }
0x38: {  	[hbm4b:s5+s3] =	stream.indirect_vreg.scatter [tilespmem:s19], [sflag:$0x1], $0x80, v3, vm0, $0xb8;
	[tilespmem:$0xC280] =	vst v63  }
0x39: {  	_ = 	snop  }
0x3a: {  	[hbm4b:s6+s3] =	stream.indirect_vreg.scatter [tilespmem:s20], [sflag:$0x1], $0x80, v3, vm0, $0xb8;
	[tilespmem:$0xC280] =	vst v63  }
0x3b: {  	v3 =	vld [tilespmem:$0x90];
	_ =	sdelay $0x4  }
0x3c: {  	v46 =	vshrl.u32 v3, $0x3  }
0x3d: {  	v4 =	vmul.u32 $0x30, v46  }
0x3e: {  	v3 =	vand.u32 $0x7, v3  }
0x3f: {  	v3 =	vor.u32 v3, v4  }
0x40: {  	v4 =	vperm.xlane v3, v0;
	_ =	sdelay $0x1  }
0x41: {  	v4 =	vadd.s32 v1, v4;
	_ =	sdelay $0x3  }
0x42: {  	v3 =	vperm.xlane v3, v2  }
0x43: {  	[hbm4b:s4+s3] =	stream.indirect_vreg.scatter [tilespmem:s21], [sflag:$0x1], $0x80, v4, vm0, $0xb8;
	[tilespmem:$0xC280] =	vst v63  }
0x44: {  	v3 =	vadd.s32 v1, v3  }
0x45: {  	[hbm4b:s5+s3] =	stream.indirect_vreg.scatter [tilespmem:s22], [sflag:$0x1], $0x80, v4, vm0, $0xb8;
	[tilespmem:$0xC280] =	vst v63  }
0x46: {  	_ = 	snop  }
0x47: {  	[hbm4b:s6+s3] =	stream.indirect_vreg.scatter [tilespmem:s23], [sflag:$0x1], $0x80, v4, vm0, $0xb8;
	[tilespmem:$0xC280] =	vst v63  }
0x48: {  	_ = 	snop  }
0x49: {  	[hbm4b:s4+s3] =	stream.indirect_vreg.scatter [tilespmem:s24], [sflag:$0x1], $0x80, v3, vm0, $0xb8;
	[tilespmem:$0xC280] =	vst v63  }
0x4a: {  	_ = 	snop  }
0x4b: {  	[hbm4b:s5+s3] =	stream.indirect_vreg.scatter [tilespmem:s25], [sflag:$0x1], $0x80, v3, vm0, $0xb8;
	[tilespmem:$0xC280] =	vst v63  }
0x4c: {  	_ = 	snop  }
0x4d: {  	[hbm4b:s6+s3] =	stream.indirect_vreg.scatter [tilespmem:s26], [sflag:$0x1], $0x80, v3, vm0, $0xb8;
	[tilespmem:$0xC280] =	vst v63  }
0x4e: {  	v3 =	vld [tilespmem:$0xA0];
	_ =	sdelay $0x4  }
0x4f: {  	v47 =	vshrl.u32 v3, $0x3  }
0x50: {  	v4 =	vmul.u32 $0x30, v47  }
0x51: {  	v3 =	vand.u32 $0x7, v3  }
0x52: {  	v3 =	vor.u32 v3, v4  }
0x53: {  	v4 =	vperm.xlane v3, v0;
	_ =	sdelay $0x1  }
0x54: {  	v4 =	vadd.s32 v1, v4;
	_ =	sdelay $0x3  }
0x55: {  	v3 =	vperm.xlane v3, v2  }
0x56: {  	[hbm4b:s4+s3] =	stream.indirect_vreg.scatter [tilespmem:s28], [sflag:$0x1], $0x80, v4, vm0, $0xb8;
	[tilespmem:$0xC280] =	vst v63  }
0x57: {  	v3 =	vadd.s32 v1, v3  }
0x58: {  	[hbm4b:s5+s3] =	stream.indirect_vreg.scatter [tilespmem:s29], [sflag:$0x1], $0x80, v4, vm0, $0xb8;
	[tilespmem:$0xC280] =	vst v63  }
0x59: {  	_ = 	snop  }
0x5a: {  	[hbm4b:s6+s3] =	stream.indirect_vreg.scatter [tilespmem:s30], [sflag:$0x1], $0x80, v4, vm0, $0xb8;
	[tilespmem:$0xC280] =	vst v63  }
0x5b: {  	_ = 	snop  }
0x5c: {  	[hbm4b:s4+s3] =	stream.indirect_vreg.scatter [tilespmem:s31], [sflag:$0x1], $0x80, v3, vm0, $0xb8;
	[tilespmem:$0xC280] =	vst v63  }
0x5d: {  	s14 =	simm.s32 $0x8280  }
0x5e: {  	[hbm4b:s5+s3] =	stream.indirect_vreg.scatter [tilespmem:s14], [sflag:$0x1], $0x80, v3, vm0, $0xb8;
	[tilespmem:$0xC280] =	vst v63  }
0x5f: {  	s15 =	simm.s32 $0x8A80  }
0x60: {  	[hbm4b:s6+s3] =	stream.indirect_vreg.scatter [tilespmem:s15], [sflag:$0x1], $0x80, v3, vm0, $0xb8;
	[tilespmem:$0xC280] =	vst v63  }
0x61: {  	v3 =	vld [tilespmem:$0xB0];
	_ =	sdelay $0x4  }
0x62: {  	v48 =	vshrl.u32 v3, $0x3  }
0x63: {  	v4 =	vmul.u32 $0x30, v48  }
0x64: {  	v3 =	vand.u32 $0x7, v3  }
0x65: {  	v3 =	vor.u32 v3, v4  }
0x66: {  	v4 =	vperm.xlane v3, v0;
	_ =	sdelay $0x1  }
0x67: {  	v4 =	vadd.s32 v1, v4;
	_ =	sdelay $0x3  }
0x68: {  	s10 =	simm.s32 $0x9280;
	v3 =	vperm.xlane v3, v2  }
0x69: {  	[hbm4b:s4+s3] =	stream.indirect_vreg.scatter [tilespmem:s10], [sflag:$0x1], $0x80, v4, vm0, $0xb8;
	[tilespmem:$0xC280] =	vst v63  }
0x6a: {  	v3 =	vadd.s32 v1, v3  }
0x6b: {  	[hbm4b:s5+s3] =	stream.indirect_vreg.scatter [tilespmem:s11], [sflag:$0x1], $0x80, v4, vm0, $0xb8;
	[tilespmem:$0xC280] =	vst v63  }
0x6c: {  	s1 =	simm.s32 $0xA280  }
0x6d: {  	[hbm4b:s6+s3] =	stream.indirect_vreg.scatter [tilespmem:s1], [sflag:$0x1], $0x80, v4, vm0, $0xb8;
	[tilespmem:$0xC280] =	vst v63  }
0x6e: {  	_ = 	snop  }
0x6f: {  	[hbm4b:s4+s3] =	stream.indirect_vreg.scatter [tilespmem:s12], [sflag:$0x1], $0x80, v3, vm0, $0xb8;
	[tilespmem:$0xC280] =	vst v63  }
0x70: {  	_ = 	snop  }
0x71: {  	[hbm4b:s5+s3] =	stream.indirect_vreg.scatter [tilespmem:s13], [sflag:$0x1], $0x80, v3, vm0, $0xb8;
	[tilespmem:$0xC280] =	vst v63  }
0x72: {  	s1 =	simm.s32 $0xBA80  }
0x73: {  	[hbm4b:s6+s3] =	stream.indirect_vreg.scatter [tilespmem:s1], [sflag:$0x1], $0x80, v3, vm0, $0xb8;
	[tilespmem:$0xC280] =	vst v63  }
0x74: {  	s7 =	rddreg [dreg:$0x6]  }
0x75: {  	[tilespmem:s2], [sflag:$0x3] =	stream.linear.gather [hbm4b:s7+s3], $0x40, $0x38;
	[tilespmem:$0xC280] =	vst v63  }
0x76: {  	_ =	swait.ge [sflag:s9], $0x40  }
0x77: {  	[sflag:s9] =	ssyncset.done $0x0  }
0x78: {  	[sflag:s9] =	ssyncadd.s32 $0xFFFFFFC0  }
0x79: {  	s0 =	simm.s32 $0x40;
	s15 =	simm.s32 $0x180;
	s7 =	rddreg [dreg:$0x2]  }
0x7a: {  	[hbm4b:s7+s0] =	stream.indirect.scatter [tilespmem:s2], [sflag:$0x2], $0x1, s15, s0, $0xb8;
	[tilespmem:$0xC280] =	vst v63  }
0x7b: {  	s14 =	rddreg [dreg:$0x7]  }
0x7c: {  	[tilespmem:s3], [sflag:$0x3] =	stream.linear.gather [hbm4b:s14+s3], $0x40, $0x38;
	[tilespmem:$0xC280] =	vst v63  }
0x7d: {  	_ =	swait.ge [sflag:s9], $0x40  }
0x7e: {  	[sflag:s9] =	ssyncset.done $0x0  }
0x7f: {  	[sflag:s9] =	ssyncadd.s32 $0xFFFFFFC0  }
0x80: {  	v3 =	vld [tilespmem:$0x0];
	_ =	sdelay $0x4  }
0x81: {  	v3 =	vtrunc.f32 v3  }
0x82: {  	v3 =	vcvt.f32.s32 v3;
	_ =	sdelay $0x1  }
0x83: {  	v49 =	vld [tilespmem:$0x10];
	v50 =	vshrl.u32 v3, $0x3  }
0x84: {  	v52 =	vld [tilespmem:$0x30];
	v5 =	vmul.u32 $0x30, v50  }
0x85: {  	v51 =	vld [tilespmem:$0x20];
	v53 =	vand.u32 $0x7, v3  }
0x86: {  	v5 =	vor.u32 v53, v5  }
0x87: {  	v8 =	vperm.xlane v5, v0  }
0x88: {  	v4 =	vtrunc.f32 v49  }
0x89: {  	v54 =	vtrunc.f32 v52;
	v4 =	vcvt.f32.s32 v4;
	v8 =	vadd.s32 v1, v8  }
0x8a: {  	v6 =	vtrunc.f32 v51;
	v55 =	vcvt.f32.s32 v54;
	[tilespmem:$0x100] =	vst v3  }
0x8b: {  	v3 =	vcvt.f32.s32 v6;
	[tilespmem:$0x110] =	vst v4  }
0x8c: {  	[tilespmem:$0x130] =	vst v55  }
0x8d: {  	s14 =	simm.s32 $0x280;
	[tilespmem:$0x120] =	vst v3;
	v3 =	vperm.xlane v5, v2  }
0x8e: {  	[hbm4b:s4+s3] =	stream.indirect_vreg.scatter [tilespmem:s14], [sflag:$0x1], $0x80, v8, vm0, $0xb8;
	[tilespmem:$0xC280] =	vst v63  }
0x8f: {  	v3 =	vadd.s32 v1, v3  }
0x90: {  	[hbm4b:s5+s3] =	stream.indirect_vreg.scatter [tilespmem:s16], [sflag:$0x1], $0x80, v8, vm0, $0xb8;
	[tilespmem:$0xC280] =	vst v63  }
0x91: {  	_ = 	snop  }
0x92: {  	[hbm4b:s6+s3] =	stream.indirect_vreg.scatter [tilespmem:s17], [sflag:$0x1], $0x80, v8, vm0, $0xb8;
	[tilespmem:$0xC280] =	vst v63  }
0x93: {  	_ = 	snop  }
0x94: {  	[hbm4b:s4+s3] =	stream.indirect_vreg.scatter [tilespmem:s18], [sflag:$0x1], $0x80, v3, vm0, $0xb8;
	[tilespmem:$0xC280] =	vst v63  }
0x95: {  	_ = 	snop  }
0x96: {  	[hbm4b:s5+s3] =	stream.indirect_vreg.scatter [tilespmem:s19], [sflag:$0x1], $0x80, v3, vm0, $0xb8;
	[tilespmem:$0xC280] =	vst v63  }
0x97: {  	_ = 	snop  }
0x98: {  	[hbm4b:s6+s3] =	stream.indirect_vreg.scatter [tilespmem:s20], [sflag:$0x1], $0x80, v3, vm0, $0xb8;
	[tilespmem:$0xC280] =	vst v63  }
0x99: {  	v3 =	vld [tilespmem:$0x110];
	_ =	sdelay $0x4  }
0x9a: {  	v56 =	vshrl.u32 v3, $0x3  }
0x9b: {  	v4 =	vmul.u32 $0x30, v56  }
0x9c: {  	v3 =	vand.u32 $0x7, v3  }
0x9d: {  	v3 =	vor.u32 v3, v4  }
0x9e: {  	v4 =	vperm.xlane v3, v0;
	_ =	sdelay $0x1  }
0x9f: {  	v4 =	vadd.s32 v1, v4;
	_ =	sdelay $0x3  }
0xa0: {  	v3 =	vperm.xlane v3, v2  }
0xa1: {  	[hbm4b:s4+s3] =	stream.indirect_vreg.scatter [tilespmem:s21], [sflag:$0x1], $0x80, v4, vm0, $0xb8;
	[tilespmem:$0xC280] =	vst v63  }
0xa2: {  	v3 =	vadd.s32 v1, v3  }
0xa3: {  	[hbm4b:s5+s3] =	stream.indirect_vreg.scatter [tilespmem:s22], [sflag:$0x1], $0x80, v4, vm0, $0xb8;
	[tilespmem:$0xC280] =	vst v63  }
0xa4: {  	_ = 	snop  }
0xa5: {  	[hbm4b:s6+s3] =	stream.indirect_vreg.scatter [tilespmem:s23], [sflag:$0x1], $0x80, v4, vm0, $0xb8;
	[tilespmem:$0xC280] =	vst v63  }
0xa6: {  	_ = 	snop  }
0xa7: {  	[hbm4b:s4+s3] =	stream.indirect_vreg.scatter [tilespmem:s24], [sflag:$0x1], $0x80, v3, vm0, $0xb8;
	[tilespmem:$0xC280] =	vst v63  }
0xa8: {  	_ = 	snop  }
0xa9: {  	[hbm4b:s5+s3] =	stream.indirect_vreg.scatter [tilespmem:s25], [sflag:$0x1], $0x80, v3, vm0, $0xb8;
	[tilespmem:$0xC280] =	vst v63  }
0xaa: {  	_ = 	snop  }
0xab: {  	[hbm4b:s6+s3] =	stream.indirect_vreg.scatter [tilespmem:s26], [sflag:$0x1], $0x80, v3, vm0, $0xb8;
	[tilespmem:$0xC280] =	vst v63  }
0xac: {  	v3 =	vld [tilespmem:$0x120];
	_ =	sdelay $0x4  }
0xad: {  	v57 =	vshrl.u32 v3, $0x3  }
0xae: {  	v4 =	vmul.u32 $0x30, v57  }
0xaf: {  	v3 =	vand.u32 $0x7, v3  }
0xb0: {  	v3 =	vor.u32 v3, v4  }
0xb1: {  	v4 =	vperm.xlane v3, v0;
	_ =	sdelay $0x1  }
0xb2: {  	v4 =	vadd.s32 v1, v4;
	_ =	sdelay $0x3  }
0xb3: {  	v3 =	vperm.xlane v3, v2  }
0xb4: {  	[hbm4b:s4+s3] =	stream.indirect_vreg.scatter [tilespmem:s28], [sflag:$0x1], $0x80, v4, vm0, $0xb8;
	[tilespmem:$0xC280] =	vst v63  }
0xb5: {  	v3 =	vadd.s32 v1, v3  }
0xb6: {  	[hbm4b:s5+s3] =	stream.indirect_vreg.scatter [tilespmem:s29], [sflag:$0x1], $0x80, v4, vm0, $0xb8;
	[tilespmem:$0xC280] =	vst v63  }
0xb7: {  	_ = 	snop  }
0xb8: {  	[hbm4b:s6+s3] =	stream.indirect_vreg.scatter [tilespmem:s30], [sflag:$0x1], $0x80, v4, vm0, $0xb8;
	[tilespmem:$0xC280] =	vst v63  }
0xb9: {  	_ = 	snop  }
0xba: {  	[hbm4b:s4+s3] =	stream.indirect_vreg.scatter [tilespmem:s31], [sflag:$0x1], $0x80, v3, vm0, $0xb8;
	[tilespmem:$0xC280] =	vst v63  }
0xbb: {  	s14 =	simm.s32 $0x8280  }
0xbc: {  	[hbm4b:s5+s3] =	stream.indirect_vreg.scatter [tilespmem:s14], [sflag:$0x1], $0x80, v3, vm0, $0xb8;
	[tilespmem:$0xC280] =	vst v63  }
0xbd: {  	s14 =	simm.s32 $0x8A80  }
0xbe: {  	[hbm4b:s6+s3] =	stream.indirect_vreg.scatter [tilespmem:s14], [sflag:$0x1], $0x80, v3, vm0, $0xb8;
	[tilespmem:$0xC280] =	vst v63  }
0xbf: {  	v3 =	vld [tilespmem:$0x130];
	_ =	sdelay $0x4  }
0xc0: {  	v58 =	vshrl.u32 v3, $0x3  }
0xc1: {  	v4 =	vmul.u32 $0x30, v58  }
0xc2: {  	v3 =	vand.u32 $0x7, v3  }
0xc3: {  	v3 =	vor.u32 v3, v4  }
0xc4: {  	v4 =	vperm.xlane v3, v0;
	_ =	sdelay $0x1  }
0xc5: {  	v4 =	vadd.s32 v1, v4;
	_ =	sdelay $0x3  }
0xc6: {  	v3 =	vperm.xlane v3, v2  }
0xc7: {  	[hbm4b:s4+s3] =	stream.indirect_vreg.scatter [tilespmem:s10], [sflag:$0x1], $0x80, v4, vm0, $0xb8;
	[tilespmem:$0xC280] =	vst v63  }
0xc8: {  	v3 =	vadd.s32 v1, v3  }
0xc9: {  	[hbm4b:s5+s3] =	stream.indirect_vreg.scatter [tilespmem:s11], [sflag:$0x1], $0x80, v4, vm0, $0xb8;
	[tilespmem:$0xC280] =	vst v63  }
0xca: {  	s14 =	simm.s32 $0xA280  }
0xcb: {  	[hbm4b:s6+s3] =	stream.indirect_vreg.scatter [tilespmem:s14], [sflag:$0x1], $0x80, v4, vm0, $0xb8;
	[tilespmem:$0xC280] =	vst v63  }
0xcc: {  	_ = 	snop  }
0xcd: {  	[hbm4b:s4+s3] =	stream.indirect_vreg.scatter [tilespmem:s12], [sflag:$0x1], $0x80, v3, vm0, $0xb8;
	[tilespmem:$0xC280] =	vst v63  }
0xce: {  	_ = 	snop  }
0xcf: {  	[hbm4b:s5+s3] =	stream.indirect_vreg.scatter [tilespmem:s13], [sflag:$0x1], $0x80, v3, vm0, $0xb8;
	[tilespmem:$0xC280] =	vst v63  }
0xd0: {  	_ = 	snop  }
0xd1: {  	[hbm4b:s6+s3] =	stream.indirect_vreg.scatter [tilespmem:s1], [sflag:$0x1], $0x80, v3, vm0, $0xb8;
	[tilespmem:$0xC280] =	vst v63  }
0xd2: {  	s1 =	simm.s32 $0x2  }
0xd3: {  	_ =	swait.ge [sflag:s1], $0x40  }
0xd4: {  	[sflag:s1] =	ssyncset.done $0x0  }
0xd5: {  	[sflag:s1] =	ssyncadd.s32 $0xFFFFFFC0  }
0xd6: {  	v3 =	vld [tilespmem:$0x0]  }
0xd7: {  	v59 =	vld [tilespmem:$0x10]  }
0xd8: {  	v60 =	vld [tilespmem:$0x20]  }
0xd9: {  	v61 =	vld [tilespmem:$0x30];
	_ =	sdelay $0x2  }
0xda: {  	v3 =	vmul.f32 $1.600000000e+01, v3  }
0xdb: {  	v4 =	vmul.f32 $1.600000000e+01, v59;
	v5 =	vmul.f32 $1.600000000e+01, v60  }
0xdc: {  	v6 =	vmul.f32 $1.600000000e+01, v61;
	v3 =	vtrunc.f32 v3  }
0xdd: {  	v4 =	vtrunc.f32 v4;
	v3 =	vcvt.f32.s32 v3  }
0xde: {  	v62 =	vtrunc.f32 v6;
	v4 =	vcvt.f32.s32 v4  }
0xdf: {  	v5 =	vtrunc.f32 v5;
	v63 =	vcvt.f32.s32 v62;
	[tilespmem:$0x180] =	vst v3  }
0xe0: {  	v3 =	vcvt.f32.s32 v5;
	[tilespmem:$0x190] =	vst v4  }
0xe1: {  	[tilespmem:$0x1B0] =	vst v63  }
0xe2: {  	s10 =	rddreg [dreg:$0x8];
	[tilespmem:$0x1A0] =	vst v3  }
0xe3: {  	[tilespmem:s2], [sflag:$0x3] =	stream.linear.gather [hbm4b:s10+s3], $0x40, $0x38;
	[tilespmem:$0xC280] =	vst v63  }
0xe4: {  	_ =	swait.ge [sflag:s9], $0x40  }
0xe5: {  	[sflag:s9] =	ssyncset.done $0x0  }
0xe6: {  	s0 =	simm.s32 $0x180;
	s15 =	simm.s32 $0x40;
	[sflag:s9] =	ssyncadd.s32 $0xFFFFFFC0  }
0xe7: {  	[hbm4b:s7+s15] =	stream.indirect.scatter [tilespmem:s2], [sflag:$0x2], $0x1, s0, s15, $0xb8;
	[tilespmem:$0xC280] =	vst v63  }
0xe8: {  	s15 =	simm.s32 $0x1  }
0xe9: {  	_ =	swait.ge [sflag:s15], $0xC000  }
0xea: {  	[sflag:s15] =	ssyncset.done $0x0  }
0xeb: {  	[sflag:s15] =	ssyncadd.s32 $0xFFFF4000  }
0xec: {  	p0 =	sne.s32 s8, $0x1;
	_ =	swait.ge [sflag:s15], $0xC000  }
.Ltmp0:
0xed: {  	[sflag:s15] =	ssyncset.done $0x0;
	(pc) =	sbr.rel @p0 .LBB2_1-.Ltmp0, $4  }
0xee: {  	[sflag:s15] =	ssyncadd.s32 $0xFFFF4000  }
0xef: {  	_ =	swait.ge [sflag:s1], $0x40  }
0xf0: {  	[sflag:s1] =	ssyncset.done $0x0  }
0xf1: {  	s8 =	sadd.s32 $0xFFFFFFFF, s8;
	[sflag:s1] =	ssyncadd.s32 $0xFFFFFFC0  }
0xf2: {  	_ =	sfence.sel $0x180000  }
0xf3: {  	[bflag:$0x0] =	sbarrier.arrive $0xFFFF  }
0xf4: {  	_ =	strace $0x90000047  }
0xf5: {  	s0 =	stileid.u32;
	[bflag:$0x2] =	sbarrier.arrive $0xFFFF  }
0xf6: {  	p0 =	sne.s32 s0, $0x0;
	s0 =	rddreg [dreg:$0x3]  }
0xf7: {  	s0 =	sadd.s32 @!p0 $0x100000, s0  }
0xf8: {  	[sflag:s0] =	ssyncadd.tile.s32 @!p0 $0x1;
	_ =	shalt  }
.Lfunc_end2:
_tile_overlayer_lowered:
.L_overlay_start_2:
0xf9: {  	(tag) =	ssettag $0x2  }
0xfa: {  	s0 =	rddreg [dreg:$0x0];
	s2 =	stileid.u32  }
0xfb: {  	s1 =	rddreg [dreg:$0x1];
	p0 =	sne.s32 s2, $0x0  }
0xfc: {  	s3 =	rddreg [dreg:$0x2];
	[bflag:$0x3] =	sbarrier.arrive $0xFFFF;
	s2 =	simm.s32 @!p0 $0x1C03  }
0xfd: {  	[timem:s3], [sflag:s2] =	dma.local @!p0 [hbm:s0], s1  }
0xfe: {  	s0 =	simm.s32 @!p0 $0x3  }
0xff: {  	_ =	swait.ge @!p0 [sflag:s0], s1  }
0x100: {  	s1 =	ssub.s32 @!p0 $0x0, s1;
	[sflag:s0] =	ssyncset.done @!p0 $0x0  }
0x101: {  	[sflag:s0] =	ssyncadd.s32 @!p0 s1  }
0x102: {  	[bflag:$0x3] =	sbarrier.arrive $0xFFFF  }
0x103: {  	_ =	shalt  }

</sc_bundles>
